<compile_context>
chip_gen: v7x
topology: tpu7x:2x2x1
jax: 0.10.2.dev20260603
libtpu: 0.0.44.dev20260713+nightly
codegen_flags: <defaults>
</compile_context>

<pallas_src>
import functools

import jax
import jax.numpy as jnp
from jax import lax
from jax.experimental import pallas as pl
from jax.experimental.pallas import tpu as pltpu
from jax.experimental.pallas import tpu_sc as plsc

N = 10000
NPAD = 10240
E = 160000
D = 256
C = 128
BN = 400
GRID = N // BN
NT = 32
EPT = E // NT
K = 125
NCHUNK = EPT // K
RPT = NPAD // 16



def _dense_tables(xb, wrT_ref, waT_ref, wnT_ref, avq_ref, avm_ref,
                  xr_ref, t0_ref, t1_ref, t2_ref, t3_ref, t4_ref):
    xr_ref[...] = jnp.dot(xb, wrT_ref[...], preferred_element_type=jnp.float32)
    xq = jnp.dot(xb, waT_ref[...], preferred_element_type=jnp.float32)
    xm = jnp.dot(xb, wnT_ref[...], preferred_element_type=jnp.float32)
    s = (jnp.where(xq >= 0, xq, 0.2 * xq) * avq_ref[...]
         + jnp.where(xm >= 0, xm, 0.2 * xm) * avm_ref[...])
    w0 = jnp.exp(jnp.sum(s[:, :D], axis=1, keepdims=True))
    w1 = jnp.exp(jnp.sum(s[:, D:], axis=1, keepdims=True))
    y0 = xm[:, :D] * w0
    y1 = xm[:, D:] * w1
    t0_ref[...] = y0[:, :128]
    t1_ref[...] = y0[:, 128:]
    t2_ref[...] = y1[:, :128]
    t3_ref[...] = y1[:, 128:]
    t4_ref[...] = jnp.concatenate(
        [w0, w1, jnp.zeros((BN, C - 2), jnp.float32)], axis=1)


def _att_body(x_ref, wrT_ref, waT_ref, wnT_ref, avq_ref, avm_ref,
              xr_ref, t0_ref, t1_ref, t2_ref, t3_ref, t4_ref):
    _dense_tables(x_ref[...], wrT_ref, waT_ref, wnT_ref, avq_ref, avm_ref,
                  xr_ref, t0_ref, t1_ref, t2_ref, t3_ref, t4_ref)


def _attn_dense(x, wrT, waT, wnT, avq, avm):
    return pl.pallas_call(
        _att_body,
        grid=(GRID,),
        in_specs=[
            pl.BlockSpec((BN, D), lambda i: (i, 0)),
            pl.BlockSpec((D, D), lambda i: (0, 0)),
            pl.BlockSpec((D, 2 * D), lambda i: (0, 0)),
            pl.BlockSpec((D, 2 * D), lambda i: (0, 0)),
            pl.BlockSpec((1, 2 * D), lambda i: (0, 0)),
            pl.BlockSpec((1, 2 * D), lambda i: (0, 0)),
        ],
        out_specs=[pl.BlockSpec((BN, D), lambda i: (i, 0))]
        + [pl.BlockSpec((BN, C), lambda i: (i, 0))] * 5,
        out_shape=[jax.ShapeDtypeStruct((N, D), jnp.float32)]
        + [jax.ShapeDtypeStruct((N, C), jnp.float32)] * 5,
    )(x, wrT, waT, wnT, avq, avm)



_SC_MESH = plsc.VectorSubcoreMesh(core_axis_name="c", subcore_axis_name="s")


@functools.partial(
    pl.kernel,
    out_type=[jax.ShapeDtypeStruct((2, NPAD, C), jnp.float32)] * 5,
    mesh=_SC_MESH,
    scratch_types=[
        pltpu.VMEM((NCHUNK, 1, K), jnp.int32),
        pltpu.VMEM((NCHUNK, 1, K), jnp.int32),
        pltpu.VMEM((K, C), jnp.float32),
        pltpu.VMEM((K, C), jnp.float32),
        pltpu.VMEM((40, C), jnp.float32),
        pltpu.VMEM_SHARED((NPAD, C), jnp.float32),
        pltpu.SemaphoreType.DMA,
        pltpu.SemaphoreType.DMA,
    ],
)
def _sc_push(t0, t1, t2, t3, t4, srcs, dsts, o0, o1, o2, o3, o4,
             sidx, didx, b0, b1, zbuf, acc, g0, g1):
    c = lax.axis_index("c")
    s = lax.axis_index("s")
    wid = c * 16 + s
    bufs = (b0, b1)
    sems = (g0, g1)

    pltpu.sync_copy(srcs.at[wid], sidx)
    pltpu.sync_copy(dsts.at[wid], didx)

    z16 = jnp.zeros((16,), jnp.float32)

    def _zrow(i, carry):
        for k in range(C // 16):
            zbuf[i, pl.ds(k * 16, 16)] = z16
        return carry

    lax.fori_loop(0, 40, _zrow, 0)

    for z in range(RPT // 40):
        pltpu.sync_copy(zbuf, acc.at[pl.ds(s * RPT + z * 40, 40)])
    plsc.subcore_barrier()

    tabs = ((t4, o4), (t0, o0), (t1, o1), (t2, o2), (t3, o3))
    pltpu.async_copy(t4.at[sidx.at[0, 0]], bufs[0], sems[0])

    for p, (tab, out) in enumerate(tabs):
        def _super(g, carry, tab=tab):
            for b in range(2):
                jj = 2 * g + b
                nxt = jj + 1

                @pl.when(nxt < NCHUNK)
                def _():
                    pltpu.async_copy(tab.at[sidx.at[nxt, 0]],
                                     bufs[1 - b], sems[1 - b])

                pltpu.make_async_copy(tab.at[sidx.at[jj, 0]],
                                      bufs[b], sems[b]).wait()
                pltpu.sync_copy(bufs[b], acc.at[didx.at[jj, 0]], add=True)
            return carry

        lax.fori_loop(0, NCHUNK // 2, _super, 0)
        plsc.subcore_barrier()

        if p + 1 < len(tabs):
            pltpu.async_copy(tabs[p + 1][0].at[sidx.at[0, 0]],
                             bufs[0], sems[0])
        pltpu.sync_copy(acc.at[pl.ds(s * RPT, RPT)],
                        out.at[c, pl.ds(s * RPT, RPT)])
        plsc.subcore_barrier()



def _combine(p_ref):
    a = p_ref[...]
    return a[0] + a[1]


def _aggr(xr_ref, p0_ref, p1_ref, p2_ref, p3_ref, p4_ref, sc_ref, bi_ref):
    d4 = _combine(p4_ref)
    d0 = _combine(p0_ref)
    d1 = _combine(p1_ref)
    d2 = _combine(p2_ref)
    d3 = _combine(p3_ref)
    s0 = d0 - d4
    s1 = d1 - d0
    s2 = d2 - d1
    s3 = d3 - d2
    den0 = d4[:, 0:1] + 1e-16
    den1 = d4[:, 1:2] + 1e-16
    a_lo = s0 / den0 + s2 / den1
    a_hi = s1 / den0 + s3 / den1
    h = xr_ref[...] + jnp.concatenate([a_lo, a_hi], axis=1)
    return jnp.maximum(h * sc_ref[...] + bi_ref[...], 0.0)


def _post_body(xr_ref, p0_ref, p1_ref, p2_ref, p3_ref, p4_ref,
               sc_ref, bi_ref, o_ref):
    o_ref[...] = _aggr(xr_ref, p0_ref, p1_ref, p2_ref, p3_ref, p4_ref,
                       sc_ref, bi_ref)


def _post_head_body(xr_ref, p0_ref, p1_ref, p2_ref, p3_ref, p4_ref,
                    sc_ref, bi_ref, hwt_ref, hb_ref, o_ref):
    h = _aggr(xr_ref, p0_ref, p1_ref, p2_ref, p3_ref, p4_ref, sc_ref, bi_ref)
    o_ref[...] = (jnp.dot(h, hwt_ref[...], preferred_element_type=jnp.float32)
                  + hb_ref[...])


_P_SPECS = [
    pl.BlockSpec((BN, D), lambda i: (i, 0)),
    pl.BlockSpec((2, BN, C), lambda i: (0, i, 0)),
    pl.BlockSpec((2, BN, C), lambda i: (0, i, 0)),
    pl.BlockSpec((2, BN, C), lambda i: (0, i, 0)),
    pl.BlockSpec((2, BN, C), lambda i: (0, i, 0)),
    pl.BlockSpec((2, BN, C), lambda i: (0, i, 0)),
    pl.BlockSpec((1, D), lambda i: (0, 0)),
    pl.BlockSpec((1, D), lambda i: (0, 0)),
]


def _mid_body(xr_ref, p0_ref, p1_ref, p2_ref, p3_ref, p4_ref, sc_ref, bi_ref,
              wrT_ref, waT_ref, wnT_ref, avq_ref, avm_ref,
              xr2_ref, t0_ref, t1_ref, t2_ref, t3_ref, t4_ref):
    h = _aggr(xr_ref, p0_ref, p1_ref, p2_ref, p3_ref, p4_ref, sc_ref, bi_ref)
    _dense_tables(h, wrT_ref, waT_ref, wnT_ref, avq_ref, avm_ref,
                  xr2_ref, t0_ref, t1_ref, t2_ref, t3_ref, t4_ref)


def _mid(xr, p0, p1, p2, p3, p4, sc, bi, wrT, waT, wnT, avq, avm):
    return pl.pallas_call(
        _mid_body,
        grid=(GRID,),
        in_specs=_P_SPECS + [
            pl.BlockSpec((D, D), lambda i: (0, 0)),
            pl.BlockSpec((D, 2 * D), lambda i: (0, 0)),
            pl.BlockSpec((D, 2 * D), lambda i: (0, 0)),
            pl.BlockSpec((1, 2 * D), lambda i: (0, 0)),
            pl.BlockSpec((1, 2 * D), lambda i: (0, 0)),
        ],
        out_specs=[pl.BlockSpec((BN, D), lambda i: (i, 0))]
        + [pl.BlockSpec((BN, C), lambda i: (i, 0))] * 5,
        out_shape=[jax.ShapeDtypeStruct((N, D), jnp.float32)]
        + [jax.ShapeDtypeStruct((N, C), jnp.float32)] * 5,
    )(xr, p0, p1, p2, p3, p4, sc, bi, wrT, waT, wnT, avq, avm)


def _post(xr, p0, p1, p2, p3, p4, sc, bi):
    return pl.pallas_call(
        _post_body,
        grid=(GRID,),
        in_specs=_P_SPECS,
        out_specs=pl.BlockSpec((BN, D), lambda i: (i, 0)),
        out_shape=jax.ShapeDtypeStruct((N, D), jnp.float32),
    )(xr, p0, p1, p2, p3, p4, sc, bi)


def _post_head(xr, p0, p1, p2, p3, p4, sc, bi, hwt, hb):
    return pl.pallas_call(
        _post_head_body,
        grid=(GRID,),
        in_specs=_P_SPECS + [
            pl.BlockSpec((D, 128), lambda i: (0, 0)),
            pl.BlockSpec((1, 128), lambda i: (0, 0)),
        ],
        out_specs=pl.BlockSpec((BN, 128), lambda i: (i, 0)),
        out_shape=jax.ShapeDtypeStruct((N, 128), jnp.float32),
    )(xr, p0, p1, p2, p3, p4, sc, bi, hwt, hb)



def kernel(x, edge_index, W_root0, W_neigh0, W_att0, att_vec0,
           bn_g0, bn_b0, bn_m0, bn_v0,
           W_root1, W_neigh1, W_att1, att_vec1,
           bn_g1, bn_b1, bn_m1, bn_v1, head_W, head_b):
    srcs = edge_index[0].reshape(NT, NCHUNK, 1, K)
    dsts = edge_index[1].reshape(NT, NCHUNK, 1, K)

    avq0 = att_vec0[:, :D].reshape(1, 2 * D)
    avm0 = att_vec0[:, D:].reshape(1, 2 * D)
    avq1 = att_vec1[:, :D].reshape(1, 2 * D)
    avm1 = att_vec1[:, D:].reshape(1, 2 * D)

    sc0 = (bn_g0 / jnp.sqrt(bn_v0 + 1e-5)).reshape(1, D)
    bi0 = bn_b0.reshape(1, D) - bn_m0.reshape(1, D) * sc0
    sc1 = (bn_g1 / jnp.sqrt(bn_v1 + 1e-5)).reshape(1, D)
    bi1 = bn_b1.reshape(1, D) - bn_m1.reshape(1, D) * sc1

    hwt = jnp.zeros((D, 128), jnp.float32).at[:, :3].set(head_W.T)
    hb = jnp.zeros((1, 128), jnp.float32).at[0, :3].set(head_b)

    xr1, t10, t11, t12, t13, t14 = _attn_dense(
        x, W_root0.T, W_att0.T, W_neigh0.T, avq0, avm0)
    q1 = _sc_push(t10, t11, t12, t13, t14, srcs, dsts)
    xr2, t20, t21, t22, t23, t24 = _mid(
        xr1, *q1, sc0, bi0, W_root1.T, W_att1.T, W_neigh1.T, avq1, avm1)
    q2 = _sc_push(t20, t21, t22, t23, t24, srcs, dsts)
    out = _post_head(xr2, *q2, sc1, bi1, hwt, hb)
    return out[:, :3]

# --- scband reference (transcript-rebuilt; emitter-appended) ---
"""Pipeline reference for scband-attn-graph-sage-9818295239065 (READ-ONLY COPY).

The authoritative reference and input builder live on the scoring server;
editing this copy changes nothing except your own understanding.
"""

import jax, jax.numpy as jnp
import numpy as np

N = 10000
E = 160000
D = 256
H = 2
EPS = 1e-5


def xavier(k, shape):
    fan_out, fan_in = shape[0], shape[1]
    lim = float(np.sqrt(6.0 / (fan_in + fan_out)))
    return jax.random.uniform(k, shape, jnp.float32, -lim, lim)


def segment_softmax(logits, segids, num_segments):
    maxs = jax.ops.segment_max(logits, segids, num_segments=num_segments)
    maxs = jnp.where(jnp.isfinite(maxs), maxs, 0.0)
    shifted = logits - maxs[segids]
    ex = jnp.exp(shifted)
    denom = jax.ops.segment_sum(ex, segids, num_segments=num_segments)
    return ex / (denom[segids] + 1e-16)


def attn_sage_conv(x, edge_index, W_root, W_neigh, W_att, att_vec, d_out):
    src = edge_index[0]
    dst = edge_index[1]
    n = x.shape[0]
    x_root = x @ W_root.T
    x_iq = (x @ W_att.T).reshape(n, H, d_out)
    x_jm = (x @ W_neigh.T).reshape(n, H, d_out)
    xi = x_iq[src]
    xj = x_jm[src]
    cat = jnp.concatenate([xi, xj], axis=-1)
    act = jnp.where(cat >= 0, cat, 0.2 * cat)
    att = jnp.einsum('ehf,hf->eh', act, att_vec)
    alpha = segment_softmax(att, dst, n)
    msg = (alpha[..., None] * xj).sum(axis=1)
    aggr = jax.ops.segment_sum(msg, dst, num_segments=n)
    return x_root + aggr


def bn_eval(x, g, b, m, v):
    return (x - m) / jnp.sqrt(v + EPS) * g + b


def setup_inputs(seed: int = 0):
    key = jax.random.key(seed)
    ks = jax.random.split(key, 12)
    inp = {
        'x': jax.random.normal(ks[0], (N, D), jnp.float32),
        'edge_index': jax.random.randint(ks[1], (2, E), 0, N, jnp.int32),
        'W_root0': xavier(ks[2], (D, D)),
        'W_neigh0': xavier(ks[3], (D * H, D)),
        'W_att0': xavier(ks[4], (D * H, D)),
        'att_vec0': xavier(ks[5], (H, 2 * D)),
        'bn_g0': jnp.ones((D,), jnp.float32),
        'bn_b0': jnp.zeros((D,), jnp.float32),
        'bn_m0': jnp.zeros((D,), jnp.float32),
        'bn_v0': jnp.ones((D,), jnp.float32),
        'W_root1': xavier(ks[6], (D, D)),
        'W_neigh1': xavier(ks[7], (D * H, D)),
        'W_att1': xavier(ks[8], (D * H, D)),
        'att_vec1': xavier(ks[9], (H, 2 * D)),
        'bn_g1': jnp.ones((D,), jnp.float32),
        'bn_b1': jnp.zeros((D,), jnp.float32),
        'bn_m1': jnp.zeros((D,), jnp.float32),
        'bn_v1': jnp.ones((D,), jnp.float32),
        'head_W': xavier(ks[10], (3, D)),
        'head_b': jnp.zeros((3,), jnp.float32),
    }
    return inp


def reference(x, edge_index, W_root0, W_neigh0, W_att0, att_vec0, bn_g0, bn_b0, bn_m0, bn_v0, W_root1, W_neigh1, W_att1, att_vec1, bn_g1, bn_b1, bn_m1, bn_v1, head_W, head_b):
    h = attn_sage_conv(x, edge_index, W_root0, W_neigh0, W_att0, att_vec0, D)
    h = jax.nn.relu(bn_eval(h, bn_g0, bn_b0, bn_m0, bn_v0))
    h = attn_sage_conv(h, edge_index, W_root1, W_neigh1, W_att1, att_vec1, D)
    h = jax.nn.relu(bn_eval(h, bn_g1, bn_b1, bn_m1, bn_v1))
    node_logits = h @ head_W.T + head_b
    return node_logits

if __name__ == "__main__":
    import jax
    _d = setup_inputs()
    print(jax.jit(kernel)(*tuple(_d.values())))

</pallas_src>

<mosaic_0001>
#map = affine_map<(d0, d1) -> (0, 0)>
#map1 = affine_map<(d0, d1) -> (0, 0, 0, 0)>
#map2 = affine_map<(d0, d1) -> (0, 0, 0)>
module attributes {stable_mosaic.version = 14 : i64} {
  func.func @_sc_push(%arg0: i32, %arg1: i32, %arg2: memref<10000x128xf32, #tpu.memory_space<hbm>>, %arg3: memref<10000x128xf32, #tpu.memory_space<hbm>>, %arg4: memref<10000x128xf32, #tpu.memory_space<hbm>>, %arg5: memref<10000x128xf32, #tpu.memory_space<hbm>>, %arg6: memref<10000x128xf32, #tpu.memory_space<hbm>>, %arg7: memref<32x40x1x125xi32, #tpu.memory_space<hbm>>, %arg8: memref<32x40x1x125xi32, #tpu.memory_space<hbm>>, %arg9: memref<2x10240x128xf32, #tpu.memory_space<hbm>>, %arg10: memref<2x10240x128xf32, #tpu.memory_space<hbm>>, %arg11: memref<2x10240x128xf32, #tpu.memory_space<hbm>>, %arg12: memref<2x10240x128xf32, #tpu.memory_space<hbm>>, %arg13: memref<2x10240x128xf32, #tpu.memory_space<hbm>>, %arg14: memref<40x1x125xi32, #tpu.memory_space<vmem>>, %arg15: memref<40x1x125xi32, #tpu.memory_space<vmem>>, %arg16: memref<125x128xf32, #tpu.memory_space<vmem>>, %arg17: memref<125x128xf32, #tpu.memory_space<vmem>>, %arg18: memref<40x128xf32, #tpu.memory_space<vmem>>, %arg19: memref<10240x128xf32, #tpu.memory_space<vmem_shared>>, %arg20: memref<!tpu.dma_semaphore, #tpu.memory_space<semaphore_mem>>, %arg21: memref<!tpu.dma_semaphore, #tpu.memory_space<semaphore_mem>>) attributes {dimension_semantics = [#tpu.dimension_semantics<core_parallel>, #tpu.dimension_semantics<subcore_parallel>], iteration_bounds = array<i64: 2, 16>, scalar_prefetch = 0 : i64, scratch_operands = 8 : i64, tpu.core_type = #tpu.core_type<sc_vector_subcore>, window_params = [{transform_indices = #map}, {transform_indices = #map}, {transform_indices = #map}, {transform_indices = #map}, {transform_indices = #map}, {transform_indices = #map1}, {transform_indices = #map1}, {transform_indices = #map2}, {transform_indices = #map2}, {transform_indices = #map2}, {transform_indices = #map2}, {transform_indices = #map2}]} {
    %mul3A = arith.constant 16 : i32
    %mul3A_0 = arith.muli %arg0, %mul3A : i32
    %add3A = arith.addi %mul3A_0, %arg1 : i32
    "tpu.region"() ({
      %run_scoped3A = tpu.sem_alloc : memref<!tpu.dma_semaphore, #tpu.memory_space<semaphore_mem>>
      %dma_start3A_170 = arith.constant 0 : i32
      %dma_start3A_171 = arith.constant 0 : i32
      %dma_start3A_172 = arith.constant 0 : i32
      %dma_start3A_173 = tpu.memref_slice %arg7[%add3A, %dma_start3A_170, %dma_start3A_171, %dma_start3A_172] : memref<32x40x1x125xi32, #tpu.memory_space<hbm>> -> memref<1x40x1x125xi32, #tpu.memory_space<hbm>>
      %dma_start3A_174 = tpu.memref_squeeze %dma_start3A_173 : memref<1x40x1x125xi32, #tpu.memory_space<hbm>> -> memref<40x1x125xi32, #tpu.memory_space<hbm>>
      %dma_start3A_175 = arith.constant 0 : i32
      %dma_start3A_176 = arith.constant 0 : i32
      %dma_start3A_177 = arith.constant 0 : i32
      %dma_start3A_178 = tpu.memref_slice %arg7[%add3A, %dma_start3A_175, %dma_start3A_176, %dma_start3A_177] : memref<32x40x1x125xi32, #tpu.memory_space<hbm>> -> memref<1x40x1x125xi32, #tpu.memory_space<hbm>>
      %dma_start3A_179 = tpu.memref_squeeze %dma_start3A_178 : memref<1x40x1x125xi32, #tpu.memory_space<hbm>> -> memref<40x1x125xi32, #tpu.memory_space<hbm>>
      tpu.enqueue_dma source(%dma_start3A_179 : memref<40x1x125xi32, #tpu.memory_space<hbm>>) target(%arg14 : memref<40x1x125xi32, #tpu.memory_space<vmem>>) target_semaphore(%run_scoped3A : memref<!tpu.dma_semaphore, #tpu.memory_space<semaphore_mem>>)
      %dma_wait3A = arith.constant 0 : i32
      %dma_wait3A_180 = arith.constant 0 : i32
      %dma_wait3A_181 = arith.constant 0 : i32
      %dma_wait3A_182 = tpu.memref_slice %arg7[%add3A, %dma_wait3A, %dma_wait3A_180, %dma_wait3A_181] : memref<32x40x1x125xi32, #tpu.memory_space<hbm>> -> memref<1x40x1x125xi32, #tpu.memory_space<hbm>>
      %dma_wait3A_183 = tpu.memref_squeeze %dma_wait3A_182 : memref<1x40x1x125xi32, #tpu.memory_space<hbm>> -> memref<40x1x125xi32, #tpu.memory_space<hbm>>
      %dma_wait3A_184 = arith.constant 0 : i32
      %dma_wait3A_185 = arith.constant 0 : i32
      %dma_wait3A_186 = arith.constant 0 : i32
      %dma_wait3A_187 = tpu.memref_slice %arg7[%add3A, %dma_wait3A_184, %dma_wait3A_185, %dma_wait3A_186] : memref<32x40x1x125xi32, #tpu.memory_space<hbm>> -> memref<1x40x1x125xi32, #tpu.memory_space<hbm>>
      %dma_wait3A_188 = tpu.memref_squeeze %dma_wait3A_187 : memref<1x40x1x125xi32, #tpu.memory_space<hbm>> -> memref<40x1x125xi32, #tpu.memory_space<hbm>>
      tpu.wait_dma2 semaphore(%run_scoped3A : memref<!tpu.dma_semaphore, #tpu.memory_space<semaphore_mem>>) src(%dma_wait3A_188 : memref<40x1x125xi32, #tpu.memory_space<hbm>>) dst(%arg14 : memref<40x1x125xi32, #tpu.memory_space<vmem>>)
      tpu.yield
    }) : () -> ()
    "tpu.region"() ({
      %run_scoped3A = tpu.sem_alloc : memref<!tpu.dma_semaphore, #tpu.memory_space<semaphore_mem>>
      %dma_start3A_170 = arith.constant 0 : i32
      %dma_start3A_171 = arith.constant 0 : i32
      %dma_start3A_172 = arith.constant 0 : i32
      %dma_start3A_173 = tpu.memref_slice %arg8[%add3A, %dma_start3A_170, %dma_start3A_171, %dma_start3A_172] : memref<32x40x1x125xi32, #tpu.memory_space<hbm>> -> memref<1x40x1x125xi32, #tpu.memory_space<hbm>>
      %dma_start3A_174 = tpu.memref_squeeze %dma_start3A_173 : memref<1x40x1x125xi32, #tpu.memory_space<hbm>> -> memref<40x1x125xi32, #tpu.memory_space<hbm>>
      %dma_start3A_175 = arith.constant 0 : i32
      %dma_start3A_176 = arith.constant 0 : i32
      %dma_start3A_177 = arith.constant 0 : i32
      %dma_start3A_178 = tpu.memref_slice %arg8[%add3A, %dma_start3A_175, %dma_start3A_176, %dma_start3A_177] : memref<32x40x1x125xi32, #tpu.memory_space<hbm>> -> memref<1x40x1x125xi32, #tpu.memory_space<hbm>>
      %dma_start3A_179 = tpu.memref_squeeze %dma_start3A_178 : memref<1x40x1x125xi32, #tpu.memory_space<hbm>> -> memref<40x1x125xi32, #tpu.memory_space<hbm>>
      tpu.enqueue_dma source(%dma_start3A_179 : memref<40x1x125xi32, #tpu.memory_space<hbm>>) target(%arg15 : memref<40x1x125xi32, #tpu.memory_space<vmem>>) target_semaphore(%run_scoped3A : memref<!tpu.dma_semaphore, #tpu.memory_space<semaphore_mem>>)
      %dma_wait3A = arith.constant 0 : i32
      %dma_wait3A_180 = arith.constant 0 : i32
      %dma_wait3A_181 = arith.constant 0 : i32
      %dma_wait3A_182 = tpu.memref_slice %arg8[%add3A, %dma_wait3A, %dma_wait3A_180, %dma_wait3A_181] : memref<32x40x1x125xi32, #tpu.memory_space<hbm>> -> memref<1x40x1x125xi32, #tpu.memory_space<hbm>>
      %dma_wait3A_183 = tpu.memref_squeeze %dma_wait3A_182 : memref<1x40x1x125xi32, #tpu.memory_space<hbm>> -> memref<40x1x125xi32, #tpu.memory_space<hbm>>
      %dma_wait3A_184 = arith.constant 0 : i32
      %dma_wait3A_185 = arith.constant 0 : i32
      %dma_wait3A_186 = arith.constant 0 : i32
      %dma_wait3A_187 = tpu.memref_slice %arg8[%add3A, %dma_wait3A_184, %dma_wait3A_185, %dma_wait3A_186] : memref<32x40x1x125xi32, #tpu.memory_space<hbm>> -> memref<1x40x1x125xi32, #tpu.memory_space<hbm>>
      %dma_wait3A_188 = tpu.memref_squeeze %dma_wait3A_187 : memref<1x40x1x125xi32, #tpu.memory_space<hbm>> -> memref<40x1x125xi32, #tpu.memory_space<hbm>>
      tpu.wait_dma2 semaphore(%run_scoped3A : memref<!tpu.dma_semaphore, #tpu.memory_space<semaphore_mem>>) src(%dma_wait3A_188 : memref<40x1x125xi32, #tpu.memory_space<hbm>>) dst(%arg15 : memref<40x1x125xi32, #tpu.memory_space<vmem>>)
      tpu.yield
    }) : () -> ()
    %broadcast_in_dim3A = arith.constant 0.000000e+00 : f32
    %broadcast_in_dim3A_1 = vector.broadcast %broadcast_in_dim3A : f32 to vector<16xf32>
    %scan3A = arith.constant 0 : i32
    %scan3A_2 = arith.constant 0 : i32
    %scan3A_3 = arith.constant 40 : i32
    %scan3A_4 = arith.addi %scan3A_2, %scan3A_3 : i32
    %scan3A_5 = arith.constant 1 : i32
    scf.for %scan3A_170 = %scan3A_2 to %scan3A_4 step %scan3A_5  : i32 {
      %swap3A = arith.index_cast %scan3A_170 : i32 to index
      %swap3A_171 = arith.constant 0 : index
      %swap3A_172 = tpu.vector_load %arg18[%swap3A, %swap3A_171] {strides = array<i32>} : memref<40x128xf32, #tpu.memory_space<vmem>>, vector<1x16xf32>,
      %swap3A_173 = vector.shape_cast %swap3A_172 : vector<1x16xf32> to vector<16xf32>
      %swap3A_174 = vector.shape_cast %broadcast_in_dim3A_1 : vector<16xf32> to vector<1x16xf32>
      tpu.vector_store %arg18[%swap3A, %swap3A_171], %swap3A_174 {strides = array<i32>} : memref<40x128xf32, #tpu.memory_space<vmem>>, vector<1x16xf32>,
      %swap3A_175 = arith.index_cast %scan3A_170 : i32 to index
      %swap3A_176 = arith.constant 16 : index
      %swap3A_177 = tpu.vector_load %arg18[%swap3A_175, %swap3A_176] {strides = array<i32>} : memref<40x128xf32, #tpu.memory_space<vmem>>, vector<1x16xf32>,
      %swap3A_178 = vector.shape_cast %swap3A_177 : vector<1x16xf32> to vector<16xf32>
      %swap3A_179 = vector.shape_cast %broadcast_in_dim3A_1 : vector<16xf32> to vector<1x16xf32>
      tpu.vector_store %arg18[%swap3A_175, %swap3A_176], %swap3A_179 {strides = array<i32>} : memref<40x128xf32, #tpu.memory_space<vmem>>, vector<1x16xf32>,
      %swap3A_180 = arith.index_cast %scan3A_170 : i32 to index
      %swap3A_181 = arith.constant 32 : index
      %swap3A_182 = tpu.vector_load %arg18[%swap3A_180, %swap3A_181] {strides = array<i32>} : memref<40x128xf32, #tpu.memory_space<vmem>>, vector<1x16xf32>,
      %swap3A_183 = vector.shape_cast %swap3A_182 : vector<1x16xf32> to vector<16xf32>
      %swap3A_184 = vector.shape_cast %broadcast_in_dim3A_1 : vector<16xf32> to vector<1x16xf32>
      tpu.vector_store %arg18[%swap3A_180, %swap3A_181], %swap3A_184 {strides = array<i32>} : memref<40x128xf32, #tpu.memory_space<vmem>>, vector<1x16xf32>,
      %swap3A_185 = arith.index_cast %scan3A_170 : i32 to index
      %swap3A_186 = arith.constant 48 : index
      %swap3A_187 = tpu.vector_load %arg18[%swap3A_185, %swap3A_186] {strides = array<i32>} : memref<40x128xf32, #tpu.memory_space<vmem>>, vector<1x16xf32>,
      %swap3A_188 = vector.shape_cast %swap3A_187 : vector<1x16xf32> to vector<16xf32>
      %swap3A_189 = vector.shape_cast %broadcast_in_dim3A_1 : vector<16xf32> to vector<1x16xf32>
      tpu.vector_store %arg18[%swap3A_185, %swap3A_186], %swap3A_189 {strides = array<i32>} : memref<40x128xf32, #tpu.memory_space<vmem>>, vector<1x16xf32>,
      %swap3A_190 = arith.index_cast %scan3A_170 : i32 to index
      %swap3A_191 = arith.constant 64 : index
      %swap3A_192 = tpu.vector_load %arg18[%swap3A_190, %swap3A_191] {strides = array<i32>} : memref<40x128xf32, #tpu.memory_space<vmem>>, vector<1x16xf32>,
      %swap3A_193 = vector.shape_cast %swap3A_192 : vector<1x16xf32> to vector<16xf32>
      %swap3A_194 = vector.shape_cast %broadcast_in_dim3A_1 : vector<16xf32> to vector<1x16xf32>
      tpu.vector_store %arg18[%swap3A_190, %swap3A_191], %swap3A_194 {strides = array<i32>} : memref<40x128xf32, #tpu.memory_space<vmem>>, vector<1x16xf32>,
      %swap3A_195 = arith.index_cast %scan3A_170 : i32 to index
      %swap3A_196 = arith.constant 80 : index
      %swap3A_197 = tpu.vector_load %arg18[%swap3A_195, %swap3A_196] {strides = array<i32>} : memref<40x128xf32, #tpu.memory_space<vmem>>, vector<1x16xf32>,
      %swap3A_198 = vector.shape_cast %swap3A_197 : vector<1x16xf32> to vector<16xf32>
      %swap3A_199 = vector.shape_cast %broadcast_in_dim3A_1 : vector<16xf32> to vector<1x16xf32>
      tpu.vector_store %arg18[%swap3A_195, %swap3A_196], %swap3A_199 {strides = array<i32>} : memref<40x128xf32, #tpu.memory_space<vmem>>, vector<1x16xf32>,
      %swap3A_200 = arith.index_cast %scan3A_170 : i32 to index
      %swap3A_201 = arith.constant 96 : index
      %swap3A_202 = tpu.vector_load %arg18[%swap3A_200, %swap3A_201] {strides = array<i32>} : memref<40x128xf32, #tpu.memory_space<vmem>>, vector<1x16xf32>,
      %swap3A_203 = vector.shape_cast %swap3A_202 : vector<1x16xf32> to vector<16xf32>
      %swap3A_204 = vector.shape_cast %broadcast_in_dim3A_1 : vector<16xf32> to vector<1x16xf32>
      tpu.vector_store %arg18[%swap3A_200, %swap3A_201], %swap3A_204 {strides = array<i32>} : memref<40x128xf32, #tpu.memory_space<vmem>>, vector<1x16xf32>,
      %swap3A_205 = arith.index_cast %scan3A_170 : i32 to index
      %swap3A_206 = arith.constant 112 : index
      %swap3A_207 = tpu.vector_load %arg18[%swap3A_205, %swap3A_206] {strides = array<i32>} : memref<40x128xf32, #tpu.memory_space<vmem>>, vector<1x16xf32>,
      %swap3A_208 = vector.shape_cast %swap3A_207 : vector<1x16xf32> to vector<16xf32>
      %swap3A_209 = vector.shape_cast %broadcast_in_dim3A_1 : vector<16xf32> to vector<1x16xf32>
      tpu.vector_store %arg18[%swap3A_205, %swap3A_206], %swap3A_209 {strides = array<i32>} : memref<40x128xf32, #tpu.memory_space<vmem>>, vector<1x16xf32>,
    }
    %scan3A_6 = arith.constant 40 : i32
    %mul3A_7 = arith.constant 640 : i32
    %mul3A_8 = arith.muli %arg1, %mul3A_7 : i32
    %add3A_9 = arith.constant 0 : i32
    %add3A_10 = arith.addi %mul3A_8, %add3A_9 : i32
    "tpu.region"() ({
      %run_scoped3A = tpu.sem_alloc : memref<!tpu.dma_semaphore, #tpu.memory_space<semaphore_mem>>
      %dma_start3A_170 = arith.constant 0 : i32
      %dma_start3A_171 = tpu.memref_slice %arg19[%add3A_10, %dma_start3A_170] : memref<10240x128xf32, #tpu.memory_space<vmem_shared>> -> memref<40x128xf32, #tpu.memory_space<vmem_shared>>
      %dma_start3A_172 = arith.constant 0 : i32
      %dma_start3A_173 = tpu.memref_slice %arg19[%add3A_10, %dma_start3A_172] : memref<10240x128xf32, #tpu.memory_space<vmem_shared>> -> memref<40x128xf32, #tpu.memory_space<vmem_shared>>
      tpu.enqueue_dma source(%arg18 : memref<40x128xf32, #tpu.memory_space<vmem>>) target(%dma_start3A_173 : memref<40x128xf32, #tpu.memory_space<vmem_shared>>) target_semaphore(%run_scoped3A : memref<!tpu.dma_semaphore, #tpu.memory_space<semaphore_mem>>)
      %dma_wait3A = arith.constant 0 : i32
      %dma_wait3A_174 = tpu.memref_slice %arg19[%add3A_10, %dma_wait3A] : memref<10240x128xf32, #tpu.memory_space<vmem_shared>> -> memref<40x128xf32, #tpu.memory_space<vmem_shared>>
      %dma_wait3A_175 = arith.constant 0 : i32
      %dma_wait3A_176 = tpu.memref_slice %arg19[%add3A_10, %dma_wait3A_175] : memref<10240x128xf32, #tpu.memory_space<vmem_shared>> -> memref<40x128xf32, #tpu.memory_space<vmem_shared>>
      tpu.wait_dma2 semaphore(%run_scoped3A : memref<!tpu.dma_semaphore, #tpu.memory_space<semaphore_mem>>) src(%arg18 : memref<40x128xf32, #tpu.memory_space<vmem>>) dst(%dma_wait3A_176 : memref<40x128xf32, #tpu.memory_space<vmem_shared>>)
      tpu.yield
    }) : () -> ()
    %mul3A_11 = arith.constant 640 : i32
    %mul3A_12 = arith.muli %arg1, %mul3A_11 : i32
    %add3A_13 = arith.constant 40 : i32
    %add3A_14 = arith.addi %mul3A_12, %add3A_13 : i32
    "tpu.region"() ({
      %run_scoped3A = tpu.sem_alloc : memref<!tpu.dma_semaphore, #tpu.memory_space<semaphore_mem>>
      %dma_start3A_170 = arith.constant 0 : i32
      %dma_start3A_171 = tpu.memref_slice %arg19[%add3A_14, %dma_start3A_170] : memref<10240x128xf32, #tpu.memory_space<vmem_shared>> -> memref<40x128xf32, #tpu.memory_space<vmem_shared>>
      %dma_start3A_172 = arith.constant 0 : i32
      %dma_start3A_173 = tpu.memref_slice %arg19[%add3A_14, %dma_start3A_172] : memref<10240x128xf32, #tpu.memory_space<vmem_shared>> -> memref<40x128xf32, #tpu.memory_space<vmem_shared>>
      tpu.enqueue_dma source(%arg18 : memref<40x128xf32, #tpu.memory_space<vmem>>) target(%dma_start3A_173 : memref<40x128xf32, #tpu.memory_space<vmem_shared>>) target_semaphore(%run_scoped3A : memref<!tpu.dma_semaphore, #tpu.memory_space<semaphore_mem>>)
      %dma_wait3A = arith.constant 0 : i32
      %dma_wait3A_174 = tpu.memref_slice %arg19[%add3A_14, %dma_wait3A] : memref<10240x128xf32, #tpu.memory_space<vmem_shared>> -> memref<40x128xf32, #tpu.memory_space<vmem_shared>>
      %dma_wait3A_175 = arith.constant 0 : i32
      %dma_wait3A_176 = tpu.memref_slice %arg19[%add3A_14, %dma_wait3A_175] : memref<10240x128xf32, #tpu.memory_space<vmem_shared>> -> memref<40x128xf32, #tpu.memory_space<vmem_shared>>
      tpu.wait_dma2 semaphore(%run_scoped3A : memref<!tpu.dma_semaphore, #tpu.memory_space<semaphore_mem>>) src(%arg18 : memref<40x128xf32, #tpu.memory_space<vmem>>) dst(%dma_wait3A_176 : memref<40x128xf32, #tpu.memory_space<vmem_shared>>)
      tpu.yield
    }) : () -> ()
    %mul3A_15 = arith.constant 640 : i32
    %mul3A_16 = arith.muli %arg1, %mul3A_15 : i32
    %add3A_17 = arith.constant 80 : i32
    %add3A_18 = arith.addi %mul3A_16, %add3A_17 : i32
    "tpu.region"() ({
      %run_scoped3A = tpu.sem_alloc : memref<!tpu.dma_semaphore, #tpu.memory_space<semaphore_mem>>
      %dma_start3A_170 = arith.constant 0 : i32
      %dma_start3A_171 = tpu.memref_slice %arg19[%add3A_18, %dma_start3A_170] : memref<10240x128xf32, #tpu.memory_space<vmem_shared>> -> memref<40x128xf32, #tpu.memory_space<vmem_shared>>
      %dma_start3A_172 = arith.constant 0 : i32
      %dma_start3A_173 = tpu.memref_slice %arg19[%add3A_18, %dma_start3A_172] : memref<10240x128xf32, #tpu.memory_space<vmem_shared>> -> memref<40x128xf32, #tpu.memory_space<vmem_shared>>
      tpu.enqueue_dma source(%arg18 : memref<40x128xf32, #tpu.memory_space<vmem>>) target(%dma_start3A_173 : memref<40x128xf32, #tpu.memory_space<vmem_shared>>) target_semaphore(%run_scoped3A : memref<!tpu.dma_semaphore, #tpu.memory_space<semaphore_mem>>)
      %dma_wait3A = arith.constant 0 : i32
      %dma_wait3A_174 = tpu.memref_slice %arg19[%add3A_18, %dma_wait3A] : memref<10240x128xf32, #tpu.memory_space<vmem_shared>> -> memref<40x128xf32, #tpu.memory_space<vmem_shared>>
      %dma_wait3A_175 = arith.constant 0 : i32
      %dma_wait3A_176 = tpu.memref_slice %arg19[%add3A_18, %dma_wait3A_175] : memref<10240x128xf32, #tpu.memory_space<vmem_shared>> -> memref<40x128xf32, #tpu.memory_space<vmem_shared>>
      tpu.wait_dma2 semaphore(%run_scoped3A : memref<!tpu.dma_semaphore, #tpu.memory_space<semaphore_mem>>) src(%arg18 : memref<40x128xf32, #tpu.memory_space<vmem>>) dst(%dma_wait3A_176 : memref<40x128xf32, #tpu.memory_space<vmem_shared>>)
      tpu.yield
    }) : () -> ()
    %mul3A_19 = arith.constant 640 : i32
    %mul3A_20 = arith.muli %arg1, %mul3A_19 : i32
    %add3A_21 = arith.constant 120 : i32
    %add3A_22 = arith.addi %mul3A_20, %add3A_21 : i32
    "tpu.region"() ({
      %run_scoped3A = tpu.sem_alloc : memref<!tpu.dma_semaphore, #tpu.memory_space<semaphore_mem>>
      %dma_start3A_170 = arith.constant 0 : i32
      %dma_start3A_171 = tpu.memref_slice %arg19[%add3A_22, %dma_start3A_170] : memref<10240x128xf32, #tpu.memory_space<vmem_shared>> -> memref<40x128xf32, #tpu.memory_space<vmem_shared>>
      %dma_start3A_172 = arith.constant 0 : i32
      %dma_start3A_173 = tpu.memref_slice %arg19[%add3A_22, %dma_start3A_172] : memref<10240x128xf32, #tpu.memory_space<vmem_shared>> -> memref<40x128xf32, #tpu.memory_space<vmem_shared>>
      tpu.enqueue_dma source(%arg18 : memref<40x128xf32, #tpu.memory_space<vmem>>) target(%dma_start3A_173 : memref<40x128xf32, #tpu.memory_space<vmem_shared>>) target_semaphore(%run_scoped3A : memref<!tpu.dma_semaphore, #tpu.memory_space<semaphore_mem>>)
      %dma_wait3A = arith.constant 0 : i32
      %dma_wait3A_174 = tpu.memref_slice %arg19[%add3A_22, %dma_wait3A] : memref<10240x128xf32, #tpu.memory_space<vmem_shared>> -> memref<40x128xf32, #tpu.memory_space<vmem_shared>>
      %dma_wait3A_175 = arith.constant 0 : i32
      %dma_wait3A_176 = tpu.memref_slice %arg19[%add3A_22, %dma_wait3A_175] : memref<10240x128xf32, #tpu.memory_space<vmem_shared>> -> memref<40x128xf32, #tpu.memory_space<vmem_shared>>
      tpu.wait_dma2 semaphore(%run_scoped3A : memref<!tpu.dma_semaphore, #tpu.memory_space<semaphore_mem>>) src(%arg18 : memref<40x128xf32, #tpu.memory_space<vmem>>) dst(%dma_wait3A_176 : memref<40x128xf32, #tpu.memory_space<vmem_shared>>)
      tpu.yield
    }) : () -> ()
    %mul3A_23 = arith.constant 640 : i32
    %mul3A_24 = arith.muli %arg1, %mul3A_23 : i32
    %add3A_25 = arith.constant 160 : i32
    %add3A_26 = arith.addi %mul3A_24, %add3A_25 : i32
    "tpu.region"() ({
      %run_scoped3A = tpu.sem_alloc : memref<!tpu.dma_semaphore, #tpu.memory_space<semaphore_mem>>
      %dma_start3A_170 = arith.constant 0 : i32
      %dma_start3A_171 = tpu.memref_slice %arg19[%add3A_26, %dma_start3A_170] : memref<10240x128xf32, #tpu.memory_space<vmem_shared>> -> memref<40x128xf32, #tpu.memory_space<vmem_shared>>
      %dma_start3A_172 = arith.constant 0 : i32
      %dma_start3A_173 = tpu.memref_slice %arg19[%add3A_26, %dma_start3A_172] : memref<10240x128xf32, #tpu.memory_space<vmem_shared>> -> memref<40x128xf32, #tpu.memory_space<vmem_shared>>
      tpu.enqueue_dma source(%arg18 : memref<40x128xf32, #tpu.memory_space<vmem>>) target(%dma_start3A_173 : memref<40x128xf32, #tpu.memory_space<vmem_shared>>) target_semaphore(%run_scoped3A : memref<!tpu.dma_semaphore, #tpu.memory_space<semaphore_mem>>)
      %dma_wait3A = arith.constant 0 : i32
      %dma_wait3A_174 = tpu.memref_slice %arg19[%add3A_26, %dma_wait3A] : memref<10240x128xf32, #tpu.memory_space<vmem_shared>> -> memref<40x128xf32, #tpu.memory_space<vmem_shared>>
      %dma_wait3A_175 = arith.constant 0 : i32
      %dma_wait3A_176 = tpu.memref_slice %arg19[%add3A_26, %dma_wait3A_175] : memref<10240x128xf32, #tpu.memory_space<vmem_shared>> -> memref<40x128xf32, #tpu.memory_space<vmem_shared>>
      tpu.wait_dma2 semaphore(%run_scoped3A : memref<!tpu.dma_semaphore, #tpu.memory_space<semaphore_mem>>) src(%arg18 : memref<40x128xf32, #tpu.memory_space<vmem>>) dst(%dma_wait3A_176 : memref<40x128xf32, #tpu.memory_space<vmem_shared>>)
      tpu.yield
    }) : () -> ()
    %mul3A_27 = arith.constant 640 : i32
    %mul3A_28 = arith.muli %arg1, %mul3A_27 : i32
    %add3A_29 = arith.constant 200 : i32
    %add3A_30 = arith.addi %mul3A_28, %add3A_29 : i32
    "tpu.region"() ({
      %run_scoped3A = tpu.sem_alloc : memref<!tpu.dma_semaphore, #tpu.memory_space<semaphore_mem>>
      %dma_start3A_170 = arith.constant 0 : i32
      %dma_start3A_171 = tpu.memref_slice %arg19[%add3A_30, %dma_start3A_170] : memref<10240x128xf32, #tpu.memory_space<vmem_shared>> -> memref<40x128xf32, #tpu.memory_space<vmem_shared>>
      %dma_start3A_172 = arith.constant 0 : i32
      %dma_start3A_173 = tpu.memref_slice %arg19[%add3A_30, %dma_start3A_172] : memref<10240x128xf32, #tpu.memory_space<vmem_shared>> -> memref<40x128xf32, #tpu.memory_space<vmem_shared>>
      tpu.enqueue_dma source(%arg18 : memref<40x128xf32, #tpu.memory_space<vmem>>) target(%dma_start3A_173 : memref<40x128xf32, #tpu.memory_space<vmem_shared>>) target_semaphore(%run_scoped3A : memref<!tpu.dma_semaphore, #tpu.memory_space<semaphore_mem>>)
      %dma_wait3A = arith.constant 0 : i32
      %dma_wait3A_174 = tpu.memref_slice %arg19[%add3A_30, %dma_wait3A] : memref<10240x128xf32, #tpu.memory_space<vmem_shared>> -> memref<40x128xf32, #tpu.memory_space<vmem_shared>>
      %dma_wait3A_175 = arith.constant 0 : i32
      %dma_wait3A_176 = tpu.memref_slice %arg19[%add3A_30, %dma_wait3A_175] : memref<10240x128xf32, #tpu.memory_space<vmem_shared>> -> memref<40x128xf32, #tpu.memory_space<vmem_shared>>
      tpu.wait_dma2 semaphore(%run_scoped3A : memref<!tpu.dma_semaphore, #tpu.memory_space<semaphore_mem>>) src(%arg18 : memref<40x128xf32, #tpu.memory_space<vmem>>) dst(%dma_wait3A_176 : memref<40x128xf32, #tpu.memory_space<vmem_shared>>)
      tpu.yield
    }) : () -> ()
    %mul3A_31 = arith.constant 640 : i32
    %mul3A_32 = arith.muli %arg1, %mul3A_31 : i32
    %add3A_33 = arith.constant 240 : i32
    %add3A_34 = arith.addi %mul3A_32, %add3A_33 : i32
    "tpu.region"() ({
      %run_scoped3A = tpu.sem_alloc : memref<!tpu.dma_semaphore, #tpu.memory_space<semaphore_mem>>
      %dma_start3A_170 = arith.constant 0 : i32
      %dma_start3A_171 = tpu.memref_slice %arg19[%add3A_34, %dma_start3A_170] : memref<10240x128xf32, #tpu.memory_space<vmem_shared>> -> memref<40x128xf32, #tpu.memory_space<vmem_shared>>
      %dma_start3A_172 = arith.constant 0 : i32
      %dma_start3A_173 = tpu.memref_slice %arg19[%add3A_34, %dma_start3A_172] : memref<10240x128xf32, #tpu.memory_space<vmem_shared>> -> memref<40x128xf32, #tpu.memory_space<vmem_shared>>
      tpu.enqueue_dma source(%arg18 : memref<40x128xf32, #tpu.memory_space<vmem>>) target(%dma_start3A_173 : memref<40x128xf32, #tpu.memory_space<vmem_shared>>) target_semaphore(%run_scoped3A : memref<!tpu.dma_semaphore, #tpu.memory_space<semaphore_mem>>)
      %dma_wait3A = arith.constant 0 : i32
      %dma_wait3A_174 = tpu.memref_slice %arg19[%add3A_34, %dma_wait3A] : memref<10240x128xf32, #tpu.memory_space<vmem_shared>> -> memref<40x128xf32, #tpu.memory_space<vmem_shared>>
      %dma_wait3A_175 = arith.constant 0 : i32
      %dma_wait3A_176 = tpu.memref_slice %arg19[%add3A_34, %dma_wait3A_175] : memref<10240x128xf32, #tpu.memory_space<vmem_shared>> -> memref<40x128xf32, #tpu.memory_space<vmem_shared>>
      tpu.wait_dma2 semaphore(%run_scoped3A : memref<!tpu.dma_semaphore, #tpu.memory_space<semaphore_mem>>) src(%arg18 : memref<40x128xf32, #tpu.memory_space<vmem>>) dst(%dma_wait3A_176 : memref<40x128xf32, #tpu.memory_space<vmem_shared>>)
      tpu.yield
    }) : () -> ()
    %mul3A_35 = arith.constant 640 : i32
    %mul3A_36 = arith.muli %arg1, %mul3A_35 : i32
    %add3A_37 = arith.constant 280 : i32
    %add3A_38 = arith.addi %mul3A_36, %add3A_37 : i32
    "tpu.region"() ({
      %run_scoped3A = tpu.sem_alloc : memref<!tpu.dma_semaphore, #tpu.memory_space<semaphore_mem>>
      %dma_start3A_170 = arith.constant 0 : i32
      %dma_start3A_171 = tpu.memref_slice %arg19[%add3A_38, %dma_start3A_170] : memref<10240x128xf32, #tpu.memory_space<vmem_shared>> -> memref<40x128xf32, #tpu.memory_space<vmem_shared>>
      %dma_start3A_172 = arith.constant 0 : i32
      %dma_start3A_173 = tpu.memref_slice %arg19[%add3A_38, %dma_start3A_172] : memref<10240x128xf32, #tpu.memory_space<vmem_shared>> -> memref<40x128xf32, #tpu.memory_space<vmem_shared>>
      tpu.enqueue_dma source(%arg18 : memref<40x128xf32, #tpu.memory_space<vmem>>) target(%dma_start3A_173 : memref<40x128xf32, #tpu.memory_space<vmem_shared>>) target_semaphore(%run_scoped3A : memref<!tpu.dma_semaphore, #tpu.memory_space<semaphore_mem>>)
      %dma_wait3A = arith.constant 0 : i32
      %dma_wait3A_174 = tpu.memref_slice %arg19[%add3A_38, %dma_wait3A] : memref<10240x128xf32, #tpu.memory_space<vmem_shared>> -> memref<40x128xf32, #tpu.memory_space<vmem_shared>>
      %dma_wait3A_175 = arith.constant 0 : i32
      %dma_wait3A_176 = tpu.memref_slice %arg19[%add3A_38, %dma_wait3A_175] : memref<10240x128xf32, #tpu.memory_space<vmem_shared>> -> memref<40x128xf32, #tpu.memory_space<vmem_shared>>
      tpu.wait_dma2 semaphore(%run_scoped3A : memref<!tpu.dma_semaphore, #tpu.memory_space<semaphore_mem>>) src(%arg18 : memref<40x128xf32, #tpu.memory_space<vmem>>) dst(%dma_wait3A_176 : memref<40x128xf32, #tpu.memory_space<vmem_shared>>)
      tpu.yield
    }) : () -> ()
    %mul3A_39 = arith.constant 640 : i32
    %mul3A_40 = arith.muli %arg1, %mul3A_39 : i32
    %add3A_41 = arith.constant 320 : i32
    %add3A_42 = arith.addi %mul3A_40, %add3A_41 : i32
    "tpu.region"() ({
      %run_scoped3A = tpu.sem_alloc : memref<!tpu.dma_semaphore, #tpu.memory_space<semaphore_mem>>
      %dma_start3A_170 = arith.constant 0 : i32
      %dma_start3A_171 = tpu.memref_slice %arg19[%add3A_42, %dma_start3A_170] : memref<10240x128xf32, #tpu.memory_space<vmem_shared>> -> memref<40x128xf32, #tpu.memory_space<vmem_shared>>
      %dma_start3A_172 = arith.constant 0 : i32
      %dma_start3A_173 = tpu.memref_slice %arg19[%add3A_42, %dma_start3A_172] : memref<10240x128xf32, #tpu.memory_space<vmem_shared>> -> memref<40x128xf32, #tpu.memory_space<vmem_shared>>
      tpu.enqueue_dma source(%arg18 : memref<40x128xf32, #tpu.memory_space<vmem>>) target(%dma_start3A_173 : memref<40x128xf32, #tpu.memory_space<vmem_shared>>) target_semaphore(%run_scoped3A : memref<!tpu.dma_semaphore, #tpu.memory_space<semaphore_mem>>)
      %dma_wait3A = arith.constant 0 : i32
      %dma_wait3A_174 = tpu.memref_slice %arg19[%add3A_42, %dma_wait3A] : memref<10240x128xf32, #tpu.memory_space<vmem_shared>> -> memref<40x128xf32, #tpu.memory_space<vmem_shared>>
      %dma_wait3A_175 = arith.constant 0 : i32
      %dma_wait3A_176 = tpu.memref_slice %arg19[%add3A_42, %dma_wait3A_175] : memref<10240x128xf32, #tpu.memory_space<vmem_shared>> -> memref<40x128xf32, #tpu.memory_space<vmem_shared>>
      tpu.wait_dma2 semaphore(%run_scoped3A : memref<!tpu.dma_semaphore, #tpu.memory_space<semaphore_mem>>) src(%arg18 : memref<40x128xf32, #tpu.memory_space<vmem>>) dst(%dma_wait3A_176 : memref<40x128xf32, #tpu.memory_space<vmem_shared>>)
      tpu.yield
    }) : () -> ()
    %mul3A_43 = arith.constant 640 : i32
    %mul3A_44 = arith.muli %arg1, %mul3A_43 : i32
    %add3A_45 = arith.constant 360 : i32
    %add3A_46 = arith.addi %mul3A_44, %add3A_45 : i32
    "tpu.region"() ({
      %run_scoped3A = tpu.sem_alloc : memref<!tpu.dma_semaphore, #tpu.memory_space<semaphore_mem>>
      %dma_start3A_170 = arith.constant 0 : i32
      %dma_start3A_171 = tpu.memref_slice %arg19[%add3A_46, %dma_start3A_170] : memref<10240x128xf32, #tpu.memory_space<vmem_shared>> -> memref<40x128xf32, #tpu.memory_space<vmem_shared>>
      %dma_start3A_172 = arith.constant 0 : i32
      %dma_start3A_173 = tpu.memref_slice %arg19[%add3A_46, %dma_start3A_172] : memref<10240x128xf32, #tpu.memory_space<vmem_shared>> -> memref<40x128xf32, #tpu.memory_space<vmem_shared>>
      tpu.enqueue_dma source(%arg18 : memref<40x128xf32, #tpu.memory_space<vmem>>) target(%dma_start3A_173 : memref<40x128xf32, #tpu.memory_space<vmem_shared>>) target_semaphore(%run_scoped3A : memref<!tpu.dma_semaphore, #tpu.memory_space<semaphore_mem>>)
      %dma_wait3A = arith.constant 0 : i32
      %dma_wait3A_174 = tpu.memref_slice %arg19[%add3A_46, %dma_wait3A] : memref<10240x128xf32, #tpu.memory_space<vmem_shared>> -> memref<40x128xf32, #tpu.memory_space<vmem_shared>>
      %dma_wait3A_175 = arith.constant 0 : i32
      %dma_wait3A_176 = tpu.memref_slice %arg19[%add3A_46, %dma_wait3A_175] : memref<10240x128xf32, #tpu.memory_space<vmem_shared>> -> memref<40x128xf32, #tpu.memory_space<vmem_shared>>
      tpu.wait_dma2 semaphore(%run_scoped3A : memref<!tpu.dma_semaphore, #tpu.memory_space<semaphore_mem>>) src(%arg18 : memref<40x128xf32, #tpu.memory_space<vmem>>) dst(%dma_wait3A_176 : memref<40x128xf32, #tpu.memory_space<vmem_shared>>)
      tpu.yield
    }) : () -> ()
    %mul3A_47 = arith.constant 640 : i32
    %mul3A_48 = arith.muli %arg1, %mul3A_47 : i32
    %add3A_49 = arith.constant 400 : i32
    %add3A_50 = arith.addi %mul3A_48, %add3A_49 : i32
    "tpu.region"() ({
      %run_scoped3A = tpu.sem_alloc : memref<!tpu.dma_semaphore, #tpu.memory_space<semaphore_mem>>
      %dma_start3A_170 = arith.constant 0 : i32
      %dma_start3A_171 = tpu.memref_slice %arg19[%add3A_50, %dma_start3A_170] : memref<10240x128xf32, #tpu.memory_space<vmem_shared>> -> memref<40x128xf32, #tpu.memory_space<vmem_shared>>
      %dma_start3A_172 = arith.constant 0 : i32
      %dma_start3A_173 = tpu.memref_slice %arg19[%add3A_50, %dma_start3A_172] : memref<10240x128xf32, #tpu.memory_space<vmem_shared>> -> memref<40x128xf32, #tpu.memory_space<vmem_shared>>
      tpu.enqueue_dma source(%arg18 : memref<40x128xf32, #tpu.memory_space<vmem>>) target(%dma_start3A_173 : memref<40x128xf32, #tpu.memory_space<vmem_shared>>) target_semaphore(%run_scoped3A : memref<!tpu.dma_semaphore, #tpu.memory_space<semaphore_mem>>)
      %dma_wait3A = arith.constant 0 : i32
      %dma_wait3A_174 = tpu.memref_slice %arg19[%add3A_50, %dma_wait3A] : memref<10240x128xf32, #tpu.memory_space<vmem_shared>> -> memref<40x128xf32, #tpu.memory_space<vmem_shared>>
      %dma_wait3A_175 = arith.constant 0 : i32
      %dma_wait3A_176 = tpu.memref_slice %arg19[%add3A_50, %dma_wait3A_175] : memref<10240x128xf32, #tpu.memory_space<vmem_shared>> -> memref<40x128xf32, #tpu.memory_space<vmem_shared>>
      tpu.wait_dma2 semaphore(%run_scoped3A : memref<!tpu.dma_semaphore, #tpu.memory_space<semaphore_mem>>) src(%arg18 : memref<40x128xf32, #tpu.memory_space<vmem>>) dst(%dma_wait3A_176 : memref<40x128xf32, #tpu.memory_space<vmem_shared>>)
      tpu.yield
    }) : () -> ()
    %mul3A_51 = arith.constant 640 : i32
    %mul3A_52 = arith.muli %arg1, %mul3A_51 : i32
    %add3A_53 = arith.constant 440 : i32
    %add3A_54 = arith.addi %mul3A_52, %add3A_53 : i32
    "tpu.region"() ({
      %run_scoped3A = tpu.sem_alloc : memref<!tpu.dma_semaphore, #tpu.memory_space<semaphore_mem>>
      %dma_start3A_170 = arith.constant 0 : i32
      %dma_start3A_171 = tpu.memref_slice %arg19[%add3A_54, %dma_start3A_170] : memref<10240x128xf32, #tpu.memory_space<vmem_shared>> -> memref<40x128xf32, #tpu.memory_space<vmem_shared>>
      %dma_start3A_172 = arith.constant 0 : i32
      %dma_start3A_173 = tpu.memref_slice %arg19[%add3A_54, %dma_start3A_172] : memref<10240x128xf32, #tpu.memory_space<vmem_shared>> -> memref<40x128xf32, #tpu.memory_space<vmem_shared>>
      tpu.enqueue_dma source(%arg18 : memref<40x128xf32, #tpu.memory_space<vmem>>) target(%dma_start3A_173 : memref<40x128xf32, #tpu.memory_space<vmem_shared>>) target_semaphore(%run_scoped3A : memref<!tpu.dma_semaphore, #tpu.memory_space<semaphore_mem>>)
      %dma_wait3A = arith.constant 0 : i32
      %dma_wait3A_174 = tpu.memref_slice %arg19[%add3A_54, %dma_wait3A] : memref<10240x128xf32, #tpu.memory_space<vmem_shared>> -> memref<40x128xf32, #tpu.memory_space<vmem_shared>>
      %dma_wait3A_175 = arith.constant 0 : i32
      %dma_wait3A_176 = tpu.memref_slice %arg19[%add3A_54, %dma_wait3A_175] : memref<10240x128xf32, #tpu.memory_space<vmem_shared>> -> memref<40x128xf32, #tpu.memory_space<vmem_shared>>
      tpu.wait_dma2 semaphore(%run_scoped3A : memref<!tpu.dma_semaphore, #tpu.memory_space<semaphore_mem>>) src(%arg18 : memref<40x128xf32, #tpu.memory_space<vmem>>) dst(%dma_wait3A_176 : memref<40x128xf32, #tpu.memory_space<vmem_shared>>)
      tpu.yield
    }) : () -> ()
    %mul3A_55 = arith.constant 640 : i32
    %mul3A_56 = arith.muli %arg1, %mul3A_55 : i32
    %add3A_57 = arith.constant 480 : i32
    %add3A_58 = arith.addi %mul3A_56, %add3A_57 : i32
    "tpu.region"() ({
      %run_scoped3A = tpu.sem_alloc : memref<!tpu.dma_semaphore, #tpu.memory_space<semaphore_mem>>
      %dma_start3A_170 = arith.constant 0 : i32
      %dma_start3A_171 = tpu.memref_slice %arg19[%add3A_58, %dma_start3A_170] : memref<10240x128xf32, #tpu.memory_space<vmem_shared>> -> memref<40x128xf32, #tpu.memory_space<vmem_shared>>
      %dma_start3A_172 = arith.constant 0 : i32
      %dma_start3A_173 = tpu.memref_slice %arg19[%add3A_58, %dma_start3A_172] : memref<10240x128xf32, #tpu.memory_space<vmem_shared>> -> memref<40x128xf32, #tpu.memory_space<vmem_shared>>
      tpu.enqueue_dma source(%arg18 : memref<40x128xf32, #tpu.memory_space<vmem>>) target(%dma_start3A_173 : memref<40x128xf32, #tpu.memory_space<vmem_shared>>) target_semaphore(%run_scoped3A : memref<!tpu.dma_semaphore, #tpu.memory_space<semaphore_mem>>)
      %dma_wait3A = arith.constant 0 : i32
      %dma_wait3A_174 = tpu.memref_slice %arg19[%add3A_58, %dma_wait3A] : memref<10240x128xf32, #tpu.memory_space<vmem_shared>> -> memref<40x128xf32, #tpu.memory_space<vmem_shared>>
      %dma_wait3A_175 = arith.constant 0 : i32
      %dma_wait3A_176 = tpu.memref_slice %arg19[%add3A_58, %dma_wait3A_175] : memref<10240x128xf32, #tpu.memory_space<vmem_shared>> -> memref<40x128xf32, #tpu.memory_space<vmem_shared>>
      tpu.wait_dma2 semaphore(%run_scoped3A : memref<!tpu.dma_semaphore, #tpu.memory_space<semaphore_mem>>) src(%arg18 : memref<40x128xf32, #tpu.memory_space<vmem>>) dst(%dma_wait3A_176 : memref<40x128xf32, #tpu.memory_space<vmem_shared>>)
      tpu.yield
    }) : () -> ()
    %mul3A_59 = arith.constant 640 : i32
    %mul3A_60 = arith.muli %arg1, %mul3A_59 : i32
    %add3A_61 = arith.constant 520 : i32
    %add3A_62 = arith.addi %mul3A_60, %add3A_61 : i32
    "tpu.region"() ({
      %run_scoped3A = tpu.sem_alloc : memref<!tpu.dma_semaphore, #tpu.memory_space<semaphore_mem>>
      %dma_start3A_170 = arith.constant 0 : i32
      %dma_start3A_171 = tpu.memref_slice %arg19[%add3A_62, %dma_start3A_170] : memref<10240x128xf32, #tpu.memory_space<vmem_shared>> -> memref<40x128xf32, #tpu.memory_space<vmem_shared>>
      %dma_start3A_172 = arith.constant 0 : i32
      %dma_start3A_173 = tpu.memref_slice %arg19[%add3A_62, %dma_start3A_172] : memref<10240x128xf32, #tpu.memory_space<vmem_shared>> -> memref<40x128xf32, #tpu.memory_space<vmem_shared>>
      tpu.enqueue_dma source(%arg18 : memref<40x128xf32, #tpu.memory_space<vmem>>) target(%dma_start3A_173 : memref<40x128xf32, #tpu.memory_space<vmem_shared>>) target_semaphore(%run_scoped3A : memref<!tpu.dma_semaphore, #tpu.memory_space<semaphore_mem>>)
      %dma_wait3A = arith.constant 0 : i32
      %dma_wait3A_174 = tpu.memref_slice %arg19[%add3A_62, %dma_wait3A] : memref<10240x128xf32, #tpu.memory_space<vmem_shared>> -> memref<40x128xf32, #tpu.memory_space<vmem_shared>>
      %dma_wait3A_175 = arith.constant 0 : i32
      %dma_wait3A_176 = tpu.memref_slice %arg19[%add3A_62, %dma_wait3A_175] : memref<10240x128xf32, #tpu.memory_space<vmem_shared>> -> memref<40x128xf32, #tpu.memory_space<vmem_shared>>
      tpu.wait_dma2 semaphore(%run_scoped3A : memref<!tpu.dma_semaphore, #tpu.memory_space<semaphore_mem>>) src(%arg18 : memref<40x128xf32, #tpu.memory_space<vmem>>) dst(%dma_wait3A_176 : memref<40x128xf32, #tpu.memory_space<vmem_shared>>)
      tpu.yield
    }) : () -> ()
    %mul3A_63 = arith.constant 640 : i32
    %mul3A_64 = arith.muli %arg1, %mul3A_63 : i32
    %add3A_65 = arith.constant 560 : i32
    %add3A_66 = arith.addi %mul3A_64, %add3A_65 : i32
    "tpu.region"() ({
      %run_scoped3A = tpu.sem_alloc : memref<!tpu.dma_semaphore, #tpu.memory_space<semaphore_mem>>
      %dma_start3A_170 = arith.constant 0 : i32
      %dma_start3A_171 = tpu.memref_slice %arg19[%add3A_66, %dma_start3A_170] : memref<10240x128xf32, #tpu.memory_space<vmem_shared>> -> memref<40x128xf32, #tpu.memory_space<vmem_shared>>
      %dma_start3A_172 = arith.constant 0 : i32
      %dma_start3A_173 = tpu.memref_slice %arg19[%add3A_66, %dma_start3A_172] : memref<10240x128xf32, #tpu.memory_space<vmem_shared>> -> memref<40x128xf32, #tpu.memory_space<vmem_shared>>
      tpu.enqueue_dma source(%arg18 : memref<40x128xf32, #tpu.memory_space<vmem>>) target(%dma_start3A_173 : memref<40x128xf32, #tpu.memory_space<vmem_shared>>) target_semaphore(%run_scoped3A : memref<!tpu.dma_semaphore, #tpu.memory_space<semaphore_mem>>)
      %dma_wait3A = arith.constant 0 : i32
      %dma_wait3A_174 = tpu.memref_slice %arg19[%add3A_66, %dma_wait3A] : memref<10240x128xf32, #tpu.memory_space<vmem_shared>> -> memref<40x128xf32, #tpu.memory_space<vmem_shared>>
      %dma_wait3A_175 = arith.constant 0 : i32
      %dma_wait3A_176 = tpu.memref_slice %arg19[%add3A_66, %dma_wait3A_175] : memref<10240x128xf32, #tpu.memory_space<vmem_shared>> -> memref<40x128xf32, #tpu.memory_space<vmem_shared>>
      tpu.wait_dma2 semaphore(%run_scoped3A : memref<!tpu.dma_semaphore, #tpu.memory_space<semaphore_mem>>) src(%arg18 : memref<40x128xf32, #tpu.memory_space<vmem>>) dst(%dma_wait3A_176 : memref<40x128xf32, #tpu.memory_space<vmem_shared>>)
      tpu.yield
    }) : () -> ()
    %mul3A_67 = arith.constant 640 : i32
    %mul3A_68 = arith.muli %arg1, %mul3A_67 : i32
    %add3A_69 = arith.constant 600 : i32
    %add3A_70 = arith.addi %mul3A_68, %add3A_69 : i32
    "tpu.region"() ({
      %run_scoped3A = tpu.sem_alloc : memref<!tpu.dma_semaphore, #tpu.memory_space<semaphore_mem>>
      %dma_start3A_170 = arith.constant 0 : i32
      %dma_start3A_171 = tpu.memref_slice %arg19[%add3A_70, %dma_start3A_170] : memref<10240x128xf32, #tpu.memory_space<vmem_shared>> -> memref<40x128xf32, #tpu.memory_space<vmem_shared>>
      %dma_start3A_172 = arith.constant 0 : i32
      %dma_start3A_173 = tpu.memref_slice %arg19[%add3A_70, %dma_start3A_172] : memref<10240x128xf32, #tpu.memory_space<vmem_shared>> -> memref<40x128xf32, #tpu.memory_space<vmem_shared>>
      tpu.enqueue_dma source(%arg18 : memref<40x128xf32, #tpu.memory_space<vmem>>) target(%dma_start3A_173 : memref<40x128xf32, #tpu.memory_space<vmem_shared>>) target_semaphore(%run_scoped3A : memref<!tpu.dma_semaphore, #tpu.memory_space<semaphore_mem>>)
      %dma_wait3A = arith.constant 0 : i32
      %dma_wait3A_174 = tpu.memref_slice %arg19[%add3A_70, %dma_wait3A] : memref<10240x128xf32, #tpu.memory_space<vmem_shared>> -> memref<40x128xf32, #tpu.memory_space<vmem_shared>>
      %dma_wait3A_175 = arith.constant 0 : i32
      %dma_wait3A_176 = tpu.memref_slice %arg19[%add3A_70, %dma_wait3A_175] : memref<10240x128xf32, #tpu.memory_space<vmem_shared>> -> memref<40x128xf32, #tpu.memory_space<vmem_shared>>
      tpu.wait_dma2 semaphore(%run_scoped3A : memref<!tpu.dma_semaphore, #tpu.memory_space<semaphore_mem>>) src(%arg18 : memref<40x128xf32, #tpu.memory_space<vmem>>) dst(%dma_wait3A_176 : memref<40x128xf32, #tpu.memory_space<vmem_shared>>)
      tpu.yield
    }) : () -> ()
    %barrier3A = arith.constant 0 : index
    tpu.barrier barrier_id(%barrier3A)
    %dma_start3A = arith.constant 0 : i32
    %dma_start3A_71 = arith.constant 0 : i32
    %dma_start3A_72 = arith.constant 0 : i32
    %dma_start3A_73 = tpu.memref_slice %arg14[%dma_start3A, %dma_start3A_71, %dma_start3A_72] : memref<40x1x125xi32, #tpu.memory_space<vmem>> -> memref<1x1x125xi32, #tpu.memory_space<vmem>>
    %dma_start3A_74 = tpu.memref_squeeze %dma_start3A_73 : memref<1x1x125xi32, #tpu.memory_space<vmem>> -> memref<125xi32, #tpu.memory_space<vmem>>
    %dma_start3A_75 = arith.constant 0 : i32
    %dma_start3A_76 = arith.constant 0 : i32
    %dma_start3A_77 = tpu.memref_slice %arg6[%dma_start3A_75, %dma_start3A_76] : memref<10000x128xf32, #tpu.memory_space<hbm>> -> memref<10000x128xf32, #tpu.memory_space<hbm>>
    tpu.enqueue_indirect_dma source(%dma_start3A_77 : memref<10000x128xf32, #tpu.memory_space<hbm>>) target(%arg16 : memref<125x128xf32, #tpu.memory_space<vmem>>) offsets(%dma_start3A_74 : memref<125xi32, #tpu.memory_space<vmem>>) semaphore(%arg20 : memref<!tpu.dma_semaphore, #tpu.memory_space<semaphore_mem>>)
    %scan3A_78 = arith.constant 0 : i32
    %scan3A_79 = arith.constant 0 : i32
    %scan3A_80 = arith.constant 20 : i32
    %scan3A_81 = arith.addi %scan3A_79, %scan3A_80 : i32
    %scan3A_82 = arith.constant 1 : i32
    scf.for %scan3A_170 = %scan3A_79 to %scan3A_81 step %scan3A_82  : i32 {
      %mul3A_171 = arith.constant 2 : i32
      %mul3A_172 = arith.muli %mul3A_171, %scan3A_170 : i32
      %add3A_173 = arith.constant 0 : i32
      %add3A_174 = arith.addi %mul3A_172, %add3A_173 : i32
      %add3A_175 = arith.constant 1 : i32
      %add3A_176 = arith.addi %add3A_174, %add3A_175 : i32
      %lt3A = arith.constant 40 : i32
      %lt3A_177 = arith.cmpi slt, %add3A_176, %lt3A : i32
      %convert_element_type3A = arith.extui %lt3A_177 : i1 to i32
      %cond3A = arith.constant 0 : i32
      %cond3A_178 = arith.cmpi ne, %convert_element_type3A, %cond3A : i32
      scf.if %cond3A_178 {
        %dma_start3A_204 = arith.constant 0 : i32
        %dma_start3A_205 = arith.constant 0 : i32
        %dma_start3A_206 = tpu.memref_slice %arg14[%add3A_176, %dma_start3A_204, %dma_start3A_205] : memref<40x1x125xi32, #tpu.memory_space<vmem>> -> memref<1x1x125xi32, #tpu.memory_space<vmem>>
        %dma_start3A_207 = tpu.memref_squeeze %dma_start3A_206 : memref<1x1x125xi32, #tpu.memory_space<vmem>> -> memref<125xi32, #tpu.memory_space<vmem>>
        %dma_start3A_208 = arith.constant 0 : i32
        %dma_start3A_209 = arith.constant 0 : i32
        %dma_start3A_210 = tpu.memref_slice %arg6[%dma_start3A_208, %dma_start3A_209] : memref<10000x128xf32, #tpu.memory_space<hbm>> -> memref<10000x128xf32, #tpu.memory_space<hbm>>
        tpu.enqueue_indirect_dma source(%dma_start3A_210 : memref<10000x128xf32, #tpu.memory_space<hbm>>) target(%arg17 : memref<125x128xf32, #tpu.memory_space<vmem>>) offsets(%dma_start3A_207 : memref<125xi32, #tpu.memory_space<vmem>>) semaphore(%arg21 : memref<!tpu.dma_semaphore, #tpu.memory_space<semaphore_mem>>)
      } else {
      }
      %dma_wait3A = arith.constant 0 : i32
      %dma_wait3A_179 = arith.constant 0 : i32
      %dma_wait3A_180 = tpu.memref_slice %arg14[%add3A_174, %dma_wait3A, %dma_wait3A_179] : memref<40x1x125xi32, #tpu.memory_space<vmem>> -> memref<1x1x125xi32, #tpu.memory_space<vmem>>
      %dma_wait3A_181 = tpu.memref_squeeze %dma_wait3A_180 : memref<1x1x125xi32, #tpu.memory_space<vmem>> -> memref<125xi32, #tpu.memory_space<vmem>>
      %dma_wait3A_182 = arith.constant 0 : i32
      %dma_wait3A_183 = arith.constant 0 : i32
      %dma_wait3A_184 = tpu.memref_slice %arg6[%dma_wait3A_182, %dma_wait3A_183] : memref<10000x128xf32, #tpu.memory_space<hbm>> -> memref<10000x128xf32, #tpu.memory_space<hbm>>
      tpu.wait_indirect_dma semaphore(%arg20 : memref<!tpu.dma_semaphore, #tpu.memory_space<semaphore_mem>>) src(%dma_wait3A_184 : memref<10000x128xf32, #tpu.memory_space<hbm>>) dst(%arg16 : memref<125x128xf32, #tpu.memory_space<vmem>>)
      %run_scoped3A = arith.constant 0 : i32
      "tpu.region"() ({
        %run_scoped3A_204 = tpu.sem_alloc : memref<!tpu.dma_semaphore, #tpu.memory_space<semaphore_mem>>
        %dma_start3A_205 = arith.constant 0 : i32
        %dma_start3A_206 = tpu.memref_slice %arg15[%add3A_174, %run_scoped3A, %dma_start3A_205] : memref<40x1x125xi32, #tpu.memory_space<vmem>> -> memref<1x1x125xi32, #tpu.memory_space<vmem>>
        %dma_start3A_207 = tpu.memref_squeeze %dma_start3A_206 : memref<1x1x125xi32, #tpu.memory_space<vmem>> -> memref<125xi32, #tpu.memory_space<vmem>>
        %dma_start3A_208 = arith.constant 0 : i32
        %dma_start3A_209 = arith.constant 0 : i32
        %dma_start3A_210 = tpu.memref_slice %arg19[%dma_start3A_208, %dma_start3A_209] : memref<10240x128xf32, #tpu.memory_space<vmem_shared>> -> memref<10240x128xf32, #tpu.memory_space<vmem_shared>>
        tpu.enqueue_indirect_dma source(%arg16 : memref<125x128xf32, #tpu.memory_space<vmem>>) target(%dma_start3A_210 : memref<10240x128xf32, #tpu.memory_space<vmem_shared>>) offsets(%dma_start3A_207 : memref<125xi32, #tpu.memory_space<vmem>>) semaphore(%run_scoped3A_204 : memref<!tpu.dma_semaphore, #tpu.memory_space<semaphore_mem>>) {add = true}
        %dma_wait3A_211 = arith.constant 0 : i32
        %dma_wait3A_212 = tpu.memref_slice %arg15[%add3A_174, %run_scoped3A, %dma_wait3A_211] : memref<40x1x125xi32, #tpu.memory_space<vmem>> -> memref<1x1x125xi32, #tpu.memory_space<vmem>>
        %dma_wait3A_213 = tpu.memref_squeeze %dma_wait3A_212 : memref<1x1x125xi32, #tpu.memory_space<vmem>> -> memref<125xi32, #tpu.memory_space<vmem>>
        %dma_wait3A_214 = arith.constant 0 : i32
        %dma_wait3A_215 = arith.constant 0 : i32
        %dma_wait3A_216 = tpu.memref_slice %arg19[%dma_wait3A_214, %dma_wait3A_215] : memref<10240x128xf32, #tpu.memory_space<vmem_shared>> -> memref<10240x128xf32, #tpu.memory_space<vmem_shared>>
        tpu.wait_indirect_dma semaphore(%run_scoped3A_204 : memref<!tpu.dma_semaphore, #tpu.memory_space<semaphore_mem>>) src(%arg16 : memref<125x128xf32, #tpu.memory_space<vmem>>) dst(%dma_wait3A_216 : memref<10240x128xf32, #tpu.memory_space<vmem_shared>>)
        tpu.yield
      }) : () -> ()
      %mul3A_185 = arith.constant 2 : i32
      %mul3A_186 = arith.muli %mul3A_185, %scan3A_170 : i32
      %add3A_187 = arith.constant 1 : i32
      %add3A_188 = arith.addi %mul3A_186, %add3A_187 : i32
      %add3A_189 = arith.constant 1 : i32
      %add3A_190 = arith.addi %add3A_188, %add3A_189 : i32
      %lt3A_191 = arith.constant 40 : i32
      %lt3A_192 = arith.cmpi slt, %add3A_190, %lt3A_191 : i32
      %convert_element_type3A_193 = arith.extui %lt3A_192 : i1 to i32
      %cond3A_194 = arith.constant 0 : i32
      %cond3A_195 = arith.cmpi ne, %convert_element_type3A_193, %cond3A_194 : i32
      scf.if %cond3A_195 {
        %dma_start3A_204 = arith.constant 0 : i32
        %dma_start3A_205 = arith.constant 0 : i32
        %dma_start3A_206 = tpu.memref_slice %arg14[%add3A_190, %dma_start3A_204, %dma_start3A_205] : memref<40x1x125xi32, #tpu.memory_space<vmem>> -> memref<1x1x125xi32, #tpu.memory_space<vmem>>
        %dma_start3A_207 = tpu.memref_squeeze %dma_start3A_206 : memref<1x1x125xi32, #tpu.memory_space<vmem>> -> memref<125xi32, #tpu.memory_space<vmem>>
        %dma_start3A_208 = arith.constant 0 : i32
        %dma_start3A_209 = arith.constant 0 : i32
        %dma_start3A_210 = tpu.memref_slice %arg6[%dma_start3A_208, %dma_start3A_209] : memref<10000x128xf32, #tpu.memory_space<hbm>> -> memref<10000x128xf32, #tpu.memory_space<hbm>>
        tpu.enqueue_indirect_dma source(%dma_start3A_210 : memref<10000x128xf32, #tpu.memory_space<hbm>>) target(%arg16 : memref<125x128xf32, #tpu.memory_space<vmem>>) offsets(%dma_start3A_207 : memref<125xi32, #tpu.memory_space<vmem>>) semaphore(%arg20 : memref<!tpu.dma_semaphore, #tpu.memory_space<semaphore_mem>>)
      } else {
      }
      %dma_wait3A_196 = arith.constant 0 : i32
      %dma_wait3A_197 = arith.constant 0 : i32
      %dma_wait3A_198 = tpu.memref_slice %arg14[%add3A_188, %dma_wait3A_196, %dma_wait3A_197] : memref<40x1x125xi32, #tpu.memory_space<vmem>> -> memref<1x1x125xi32, #tpu.memory_space<vmem>>
      %dma_wait3A_199 = tpu.memref_squeeze %dma_wait3A_198 : memref<1x1x125xi32, #tpu.memory_space<vmem>> -> memref<125xi32, #tpu.memory_space<vmem>>
      %dma_wait3A_200 = arith.constant 0 : i32
      %dma_wait3A_201 = arith.constant 0 : i32
      %dma_wait3A_202 = tpu.memref_slice %arg6[%dma_wait3A_200, %dma_wait3A_201] : memref<10000x128xf32, #tpu.memory_space<hbm>> -> memref<10000x128xf32, #tpu.memory_space<hbm>>
      tpu.wait_indirect_dma semaphore(%arg21 : memref<!tpu.dma_semaphore, #tpu.memory_space<semaphore_mem>>) src(%dma_wait3A_202 : memref<10000x128xf32, #tpu.memory_space<hbm>>) dst(%arg17 : memref<125x128xf32, #tpu.memory_space<vmem>>)
      %run_scoped3A_203 = arith.constant 0 : i32
      "tpu.region"() ({
        %run_scoped3A_204 = tpu.sem_alloc : memref<!tpu.dma_semaphore, #tpu.memory_space<semaphore_mem>>
        %dma_start3A_205 = arith.constant 0 : i32
        %dma_start3A_206 = tpu.memref_slice %arg15[%add3A_188, %run_scoped3A_203, %dma_start3A_205] : memref<40x1x125xi32, #tpu.memory_space<vmem>> -> memref<1x1x125xi32, #tpu.memory_space<vmem>>
        %dma_start3A_207 = tpu.memref_squeeze %dma_start3A_206 : memref<1x1x125xi32, #tpu.memory_space<vmem>> -> memref<125xi32, #tpu.memory_space<vmem>>
        %dma_start3A_208 = arith.constant 0 : i32
        %dma_start3A_209 = arith.constant 0 : i32
        %dma_start3A_210 = tpu.memref_slice %arg19[%dma_start3A_208, %dma_start3A_209] : memref<10240x128xf32, #tpu.memory_space<vmem_shared>> -> memref<10240x128xf32, #tpu.memory_space<vmem_shared>>
        tpu.enqueue_indirect_dma source(%arg17 : memref<125x128xf32, #tpu.memory_space<vmem>>) target(%dma_start3A_210 : memref<10240x128xf32, #tpu.memory_space<vmem_shared>>) offsets(%dma_start3A_207 : memref<125xi32, #tpu.memory_space<vmem>>) semaphore(%run_scoped3A_204 : memref<!tpu.dma_semaphore, #tpu.memory_space<semaphore_mem>>) {add = true}
        %dma_wait3A_211 = arith.constant 0 : i32
        %dma_wait3A_212 = tpu.memref_slice %arg15[%add3A_188, %run_scoped3A_203, %dma_wait3A_211] : memref<40x1x125xi32, #tpu.memory_space<vmem>> -> memref<1x1x125xi32, #tpu.memory_space<vmem>>
        %dma_wait3A_213 = tpu.memref_squeeze %dma_wait3A_212 : memref<1x1x125xi32, #tpu.memory_space<vmem>> -> memref<125xi32, #tpu.memory_space<vmem>>
        %dma_wait3A_214 = arith.constant 0 : i32
        %dma_wait3A_215 = arith.constant 0 : i32
        %dma_wait3A_216 = tpu.memref_slice %arg19[%dma_wait3A_214, %dma_wait3A_215] : memref<10240x128xf32, #tpu.memory_space<vmem_shared>> -> memref<10240x128xf32, #tpu.memory_space<vmem_shared>>
        tpu.wait_indirect_dma semaphore(%run_scoped3A_204 : memref<!tpu.dma_semaphore, #tpu.memory_space<semaphore_mem>>) src(%arg17 : memref<125x128xf32, #tpu.memory_space<vmem>>) dst(%dma_wait3A_216 : memref<10240x128xf32, #tpu.memory_space<vmem_shared>>)
        tpu.yield
      }) : () -> ()
    }
    %scan3A_83 = arith.constant 20 : i32
    %barrier3A_84 = arith.constant 0 : index
    tpu.barrier barrier_id(%barrier3A_84)
    %dma_start3A_85 = arith.constant 0 : i32
    %dma_start3A_86 = arith.constant 0 : i32
    %dma_start3A_87 = arith.constant 0 : i32
    %dma_start3A_88 = tpu.memref_slice %arg14[%dma_start3A_85, %dma_start3A_86, %dma_start3A_87] : memref<40x1x125xi32, #tpu.memory_space<vmem>> -> memref<1x1x125xi32, #tpu.memory_space<vmem>>
    %dma_start3A_89 = tpu.memref_squeeze %dma_start3A_88 : memref<1x1x125xi32, #tpu.memory_space<vmem>> -> memref<125xi32, #tpu.memory_space<vmem>>
    %dma_start3A_90 = arith.constant 0 : i32
    %dma_start3A_91 = arith.constant 0 : i32
    %dma_start3A_92 = tpu.memref_slice %arg2[%dma_start3A_90, %dma_start3A_91] : memref<10000x128xf32, #tpu.memory_space<hbm>> -> memref<10000x128xf32, #tpu.memory_space<hbm>>
    tpu.enqueue_indirect_dma source(%dma_start3A_92 : memref<10000x128xf32, #tpu.memory_space<hbm>>) target(%arg16 : memref<125x128xf32, #tpu.memory_space<vmem>>) offsets(%dma_start3A_89 : memref<125xi32, #tpu.memory_space<vmem>>) semaphore(%arg20 : memref<!tpu.dma_semaphore, #tpu.memory_space<semaphore_mem>>)
    %mul3A_93 = arith.constant 640 : i32
    %mul3A_94 = arith.muli %arg1, %mul3A_93 : i32
    %mul3A_95 = arith.constant 640 : i32
    %mul3A_96 = arith.muli %arg1, %mul3A_95 : i32
    "tpu.region"() ({
      %run_scoped3A = tpu.sem_alloc : memref<!tpu.dma_semaphore, #tpu.memory_space<semaphore_mem>>
      %dma_start3A_170 = arith.constant 0 : i32
      %dma_start3A_171 = tpu.memref_slice %arg13[%arg0, %mul3A_96, %dma_start3A_170] : memref<2x10240x128xf32, #tpu.memory_space<hbm>> -> memref<1x640x128xf32, #tpu.memory_space<hbm>>
      %dma_start3A_172 = tpu.memref_squeeze %dma_start3A_171 : memref<1x640x128xf32, #tpu.memory_space<hbm>> -> memref<640x128xf32, #tpu.memory_space<hbm>>
      %dma_start3A_173 = arith.constant 0 : i32
      %dma_start3A_174 = tpu.memref_slice %arg19[%mul3A_94, %dma_start3A_173] : memref<10240x128xf32, #tpu.memory_space<vmem_shared>> -> memref<640x128xf32, #tpu.memory_space<vmem_shared>>
      tpu.enqueue_dma source(%dma_start3A_174 : memref<640x128xf32, #tpu.memory_space<vmem_shared>>) target(%dma_start3A_172 : memref<640x128xf32, #tpu.memory_space<hbm>>) target_semaphore(%run_scoped3A : memref<!tpu.dma_semaphore, #tpu.memory_space<semaphore_mem>>)
      %dma_wait3A = arith.constant 0 : i32
      %dma_wait3A_175 = tpu.memref_slice %arg13[%arg0, %mul3A_96, %dma_wait3A] : memref<2x10240x128xf32, #tpu.memory_space<hbm>> -> memref<1x640x128xf32, #tpu.memory_space<hbm>>
      %dma_wait3A_176 = tpu.memref_squeeze %dma_wait3A_175 : memref<1x640x128xf32, #tpu.memory_space<hbm>> -> memref<640x128xf32, #tpu.memory_space<hbm>>
      %dma_wait3A_177 = arith.constant 0 : i32
      %dma_wait3A_178 = tpu.memref_slice %arg19[%mul3A_94, %dma_wait3A_177] : memref<10240x128xf32, #tpu.memory_space<vmem_shared>> -> memref<640x128xf32, #tpu.memory_space<vmem_shared>>
      tpu.wait_dma2 semaphore(%run_scoped3A : memref<!tpu.dma_semaphore, #tpu.memory_space<semaphore_mem>>) src(%dma_wait3A_178 : memref<640x128xf32, #tpu.memory_space<vmem_shared>>) dst(%dma_wait3A_176 : memref<640x128xf32, #tpu.memory_space<hbm>>)
      tpu.yield
    }) : () -> ()
    %barrier3A_97 = arith.constant 0 : index
    tpu.barrier barrier_id(%barrier3A_97)
    %scan3A_98 = arith.constant 0 : i32
    %scan3A_99 = arith.constant 0 : i32
    %scan3A_100 = arith.constant 20 : i32
    %scan3A_101 = arith.addi %scan3A_99, %scan3A_100 : i32
    %scan3A_102 = arith.constant 1 : i32
    scf.for %scan3A_170 = %scan3A_99 to %scan3A_101 step %scan3A_102  : i32 {
      %mul3A_171 = arith.constant 2 : i32
      %mul3A_172 = arith.muli %mul3A_171, %scan3A_170 : i32
      %add3A_173 = arith.constant 0 : i32
      %add3A_174 = arith.addi %mul3A_172, %add3A_173 : i32
      %add3A_175 = arith.constant 1 : i32
      %add3A_176 = arith.addi %add3A_174, %add3A_175 : i32
      %lt3A = arith.constant 40 : i32
      %lt3A_177 = arith.cmpi slt, %add3A_176, %lt3A : i32
      %convert_element_type3A = arith.extui %lt3A_177 : i1 to i32
      %cond3A = arith.constant 0 : i32
      %cond3A_178 = arith.cmpi ne, %convert_element_type3A, %cond3A : i32
      scf.if %cond3A_178 {
        %dma_start3A_204 = arith.constant 0 : i32
        %dma_start3A_205 = arith.constant 0 : i32
        %dma_start3A_206 = tpu.memref_slice %arg14[%add3A_176, %dma_start3A_204, %dma_start3A_205] : memref<40x1x125xi32, #tpu.memory_space<vmem>> -> memref<1x1x125xi32, #tpu.memory_space<vmem>>
        %dma_start3A_207 = tpu.memref_squeeze %dma_start3A_206 : memref<1x1x125xi32, #tpu.memory_space<vmem>> -> memref<125xi32, #tpu.memory_space<vmem>>
        %dma_start3A_208 = arith.constant 0 : i32
        %dma_start3A_209 = arith.constant 0 : i32
        %dma_start3A_210 = tpu.memref_slice %arg2[%dma_start3A_208, %dma_start3A_209] : memref<10000x128xf32, #tpu.memory_space<hbm>> -> memref<10000x128xf32, #tpu.memory_space<hbm>>
        tpu.enqueue_indirect_dma source(%dma_start3A_210 : memref<10000x128xf32, #tpu.memory_space<hbm>>) target(%arg17 : memref<125x128xf32, #tpu.memory_space<vmem>>) offsets(%dma_start3A_207 : memref<125xi32, #tpu.memory_space<vmem>>) semaphore(%arg21 : memref<!tpu.dma_semaphore, #tpu.memory_space<semaphore_mem>>)
      } else {
      }
      %dma_wait3A = arith.constant 0 : i32
      %dma_wait3A_179 = arith.constant 0 : i32
      %dma_wait3A_180 = tpu.memref_slice %arg14[%add3A_174, %dma_wait3A, %dma_wait3A_179] : memref<40x1x125xi32, #tpu.memory_space<vmem>> -> memref<1x1x125xi32, #tpu.memory_space<vmem>>
      %dma_wait3A_181 = tpu.memref_squeeze %dma_wait3A_180 : memref<1x1x125xi32, #tpu.memory_space<vmem>> -> memref<125xi32, #tpu.memory_space<vmem>>
      %dma_wait3A_182 = arith.constant 0 : i32
      %dma_wait3A_183 = arith.constant 0 : i32
      %dma_wait3A_184 = tpu.memref_slice %arg2[%dma_wait3A_182, %dma_wait3A_183] : memref<10000x128xf32, #tpu.memory_space<hbm>> -> memref<10000x128xf32, #tpu.memory_space<hbm>>
      tpu.wait_indirect_dma semaphore(%arg20 : memref<!tpu.dma_semaphore, #tpu.memory_space<semaphore_mem>>) src(%dma_wait3A_184 : memref<10000x128xf32, #tpu.memory_space<hbm>>) dst(%arg16 : memref<125x128xf32, #tpu.memory_space<vmem>>)
      %run_scoped3A = arith.constant 0 : i32
      "tpu.region"() ({
        %run_scoped3A_204 = tpu.sem_alloc : memref<!tpu.dma_semaphore, #tpu.memory_space<semaphore_mem>>
        %dma_start3A_205 = arith.constant 0 : i32
        %dma_start3A_206 = tpu.memref_slice %arg15[%add3A_174, %run_scoped3A, %dma_start3A_205] : memref<40x1x125xi32, #tpu.memory_space<vmem>> -> memref<1x1x125xi32, #tpu.memory_space<vmem>>
        %dma_start3A_207 = tpu.memref_squeeze %dma_start3A_206 : memref<1x1x125xi32, #tpu.memory_space<vmem>> -> memref<125xi32, #tpu.memory_space<vmem>>
        %dma_start3A_208 = arith.constant 0 : i32
        %dma_start3A_209 = arith.constant 0 : i32
        %dma_start3A_210 = tpu.memref_slice %arg19[%dma_start3A_208, %dma_start3A_209] : memref<10240x128xf32, #tpu.memory_space<vmem_shared>> -> memref<10240x128xf32, #tpu.memory_space<vmem_shared>>
        tpu.enqueue_indirect_dma source(%arg16 : memref<125x128xf32, #tpu.memory_space<vmem>>) target(%dma_start3A_210 : memref<10240x128xf32, #tpu.memory_space<vmem_shared>>) offsets(%dma_start3A_207 : memref<125xi32, #tpu.memory_space<vmem>>) semaphore(%run_scoped3A_204 : memref<!tpu.dma_semaphore, #tpu.memory_space<semaphore_mem>>) {add = true}
        %dma_wait3A_211 = arith.constant 0 : i32
        %dma_wait3A_212 = tpu.memref_slice %arg15[%add3A_174, %run_scoped3A, %dma_wait3A_211] : memref<40x1x125xi32, #tpu.memory_space<vmem>> -> memref<1x1x125xi32, #tpu.memory_space<vmem>>
        %dma_wait3A_213 = tpu.memref_squeeze %dma_wait3A_212 : memref<1x1x125xi32, #tpu.memory_space<vmem>> -> memref<125xi32, #tpu.memory_space<vmem>>
        %dma_wait3A_214 = arith.constant 0 : i32
        %dma_wait3A_215 = arith.constant 0 : i32
        %dma_wait3A_216 = tpu.memref_slice %arg19[%dma_wait3A_214, %dma_wait3A_215] : memref<10240x128xf32, #tpu.memory_space<vmem_shared>> -> memref<10240x128xf32, #tpu.memory_space<vmem_shared>>
        tpu.wait_indirect_dma semaphore(%run_scoped3A_204 : memref<!tpu.dma_semaphore, #tpu.memory_space<semaphore_mem>>) src(%arg16 : memref<125x128xf32, #tpu.memory_space<vmem>>) dst(%dma_wait3A_216 : memref<10240x128xf32, #tpu.memory_space<vmem_shared>>)
        tpu.yield
      }) : () -> ()
      %mul3A_185 = arith.constant 2 : i32
      %mul3A_186 = arith.muli %mul3A_185, %scan3A_170 : i32
      %add3A_187 = arith.constant 1 : i32
      %add3A_188 = arith.addi %mul3A_186, %add3A_187 : i32
      %add3A_189 = arith.constant 1 : i32
      %add3A_190 = arith.addi %add3A_188, %add3A_189 : i32
      %lt3A_191 = arith.constant 40 : i32
      %lt3A_192 = arith.cmpi slt, %add3A_190, %lt3A_191 : i32
      %convert_element_type3A_193 = arith.extui %lt3A_192 : i1 to i32
      %cond3A_194 = arith.constant 0 : i32
      %cond3A_195 = arith.cmpi ne, %convert_element_type3A_193, %cond3A_194 : i32
      scf.if %cond3A_195 {
        %dma_start3A_204 = arith.constant 0 : i32
        %dma_start3A_205 = arith.constant 0 : i32
        %dma_start3A_206 = tpu.memref_slice %arg14[%add3A_190, %dma_start3A_204, %dma_start3A_205] : memref<40x1x125xi32, #tpu.memory_space<vmem>> -> memref<1x1x125xi32, #tpu.memory_space<vmem>>
        %dma_start3A_207 = tpu.memref_squeeze %dma_start3A_206 : memref<1x1x125xi32, #tpu.memory_space<vmem>> -> memref<125xi32, #tpu.memory_space<vmem>>
        %dma_start3A_208 = arith.constant 0 : i32
        %dma_start3A_209 = arith.constant 0 : i32
        %dma_start3A_210 = tpu.memref_slice %arg2[%dma_start3A_208, %dma_start3A_209] : memref<10000x128xf32, #tpu.memory_space<hbm>> -> memref<10000x128xf32, #tpu.memory_space<hbm>>
        tpu.enqueue_indirect_dma source(%dma_start3A_210 : memref<10000x128xf32, #tpu.memory_space<hbm>>) target(%arg16 : memref<125x128xf32, #tpu.memory_space<vmem>>) offsets(%dma_start3A_207 : memref<125xi32, #tpu.memory_space<vmem>>) semaphore(%arg20 : memref<!tpu.dma_semaphore, #tpu.memory_space<semaphore_mem>>)
      } else {
      }
      %dma_wait3A_196 = arith.constant 0 : i32
      %dma_wait3A_197 = arith.constant 0 : i32
      %dma_wait3A_198 = tpu.memref_slice %arg14[%add3A_188, %dma_wait3A_196, %dma_wait3A_197] : memref<40x1x125xi32, #tpu.memory_space<vmem>> -> memref<1x1x125xi32, #tpu.memory_space<vmem>>
      %dma_wait3A_199 = tpu.memref_squeeze %dma_wait3A_198 : memref<1x1x125xi32, #tpu.memory_space<vmem>> -> memref<125xi32, #tpu.memory_space<vmem>>
      %dma_wait3A_200 = arith.constant 0 : i32
      %dma_wait3A_201 = arith.constant 0 : i32
      %dma_wait3A_202 = tpu.memref_slice %arg2[%dma_wait3A_200, %dma_wait3A_201] : memref<10000x128xf32, #tpu.memory_space<hbm>> -> memref<10000x128xf32, #tpu.memory_space<hbm>>
      tpu.wait_indirect_dma semaphore(%arg21 : memref<!tpu.dma_semaphore, #tpu.memory_space<semaphore_mem>>) src(%dma_wait3A_202 : memref<10000x128xf32, #tpu.memory_space<hbm>>) dst(%arg17 : memref<125x128xf32, #tpu.memory_space<vmem>>)
      %run_scoped3A_203 = arith.constant 0 : i32
      "tpu.region"() ({
        %run_scoped3A_204 = tpu.sem_alloc : memref<!tpu.dma_semaphore, #tpu.memory_space<semaphore_mem>>
        %dma_start3A_205 = arith.constant 0 : i32
        %dma_start3A_206 = tpu.memref_slice %arg15[%add3A_188, %run_scoped3A_203, %dma_start3A_205] : memref<40x1x125xi32, #tpu.memory_space<vmem>> -> memref<1x1x125xi32, #tpu.memory_space<vmem>>
        %dma_start3A_207 = tpu.memref_squeeze %dma_start3A_206 : memref<1x1x125xi32, #tpu.memory_space<vmem>> -> memref<125xi32, #tpu.memory_space<vmem>>
        %dma_start3A_208 = arith.constant 0 : i32
        %dma_start3A_209 = arith.constant 0 : i32
        %dma_start3A_210 = tpu.memref_slice %arg19[%dma_start3A_208, %dma_start3A_209] : memref<10240x128xf32, #tpu.memory_space<vmem_shared>> -> memref<10240x128xf32, #tpu.memory_space<vmem_shared>>
        tpu.enqueue_indirect_dma source(%arg17 : memref<125x128xf32, #tpu.memory_space<vmem>>) target(%dma_start3A_210 : memref<10240x128xf32, #tpu.memory_space<vmem_shared>>) offsets(%dma_start3A_207 : memref<125xi32, #tpu.memory_space<vmem>>) semaphore(%run_scoped3A_204 : memref<!tpu.dma_semaphore, #tpu.memory_space<semaphore_mem>>) {add = true}
        %dma_wait3A_211 = arith.constant 0 : i32
        %dma_wait3A_212 = tpu.memref_slice %arg15[%add3A_188, %run_scoped3A_203, %dma_wait3A_211] : memref<40x1x125xi32, #tpu.memory_space<vmem>> -> memref<1x1x125xi32, #tpu.memory_space<vmem>>
        %dma_wait3A_213 = tpu.memref_squeeze %dma_wait3A_212 : memref<1x1x125xi32, #tpu.memory_space<vmem>> -> memref<125xi32, #tpu.memory_space<vmem>>
        %dma_wait3A_214 = arith.constant 0 : i32
        %dma_wait3A_215 = arith.constant 0 : i32
        %dma_wait3A_216 = tpu.memref_slice %arg19[%dma_wait3A_214, %dma_wait3A_215] : memref<10240x128xf32, #tpu.memory_space<vmem_shared>> -> memref<10240x128xf32, #tpu.memory_space<vmem_shared>>
        tpu.wait_indirect_dma semaphore(%run_scoped3A_204 : memref<!tpu.dma_semaphore, #tpu.memory_space<semaphore_mem>>) src(%arg17 : memref<125x128xf32, #tpu.memory_space<vmem>>) dst(%dma_wait3A_216 : memref<10240x128xf32, #tpu.memory_space<vmem_shared>>)
        tpu.yield
      }) : () -> ()
    }
    %scan3A_103 = arith.constant 20 : i32
    %barrier3A_104 = arith.constant 0 : index
    tpu.barrier barrier_id(%barrier3A_104)
    %dma_start3A_105 = arith.constant 0 : i32
    %dma_start3A_106 = arith.constant 0 : i32
    %dma_start3A_107 = arith.constant 0 : i32
    %dma_start3A_108 = tpu.memref_slice %arg14[%dma_start3A_105, %dma_start3A_106, %dma_start3A_107] : memref<40x1x125xi32, #tpu.memory_space<vmem>> -> memref<1x1x125xi32, #tpu.memory_space<vmem>>
    %dma_start3A_109 = tpu.memref_squeeze %dma_start3A_108 : memref<1x1x125xi32, #tpu.memory_space<vmem>> -> memref<125xi32, #tpu.memory_space<vmem>>
    %dma_start3A_110 = arith.constant 0 : i32
    %dma_start3A_111 = arith.constant 0 : i32
    %dma_start3A_112 = tpu.memref_slice %arg3[%dma_start3A_110, %dma_start3A_111] : memref<10000x128xf32, #tpu.memory_space<hbm>> -> memref<10000x128xf32, #tpu.memory_space<hbm>>
    tpu.enqueue_indirect_dma source(%dma_start3A_112 : memref<10000x128xf32, #tpu.memory_space<hbm>>) target(%arg16 : memref<125x128xf32, #tpu.memory_space<vmem>>) offsets(%dma_start3A_109 : memref<125xi32, #tpu.memory_space<vmem>>) semaphore(%arg20 : memref<!tpu.dma_semaphore, #tpu.memory_space<semaphore_mem>>)
    %mul3A_113 = arith.constant 640 : i32
    %mul3A_114 = arith.muli %arg1, %mul3A_113 : i32
    %mul3A_115 = arith.constant 640 : i32
    %mul3A_116 = arith.muli %arg1, %mul3A_115 : i32
    "tpu.region"() ({
      %run_scoped3A = tpu.sem_alloc : memref<!tpu.dma_semaphore, #tpu.memory_space<semaphore_mem>>
      %dma_start3A_170 = arith.constant 0 : i32
      %dma_start3A_171 = tpu.memref_slice %arg9[%arg0, %mul3A_116, %dma_start3A_170] : memref<2x10240x128xf32, #tpu.memory_space<hbm>> -> memref<1x640x128xf32, #tpu.memory_space<hbm>>
      %dma_start3A_172 = tpu.memref_squeeze %dma_start3A_171 : memref<1x640x128xf32, #tpu.memory_space<hbm>> -> memref<640x128xf32, #tpu.memory_space<hbm>>
      %dma_start3A_173 = arith.constant 0 : i32
      %dma_start3A_174 = tpu.memref_slice %arg19[%mul3A_114, %dma_start3A_173] : memref<10240x128xf32, #tpu.memory_space<vmem_shared>> -> memref<640x128xf32, #tpu.memory_space<vmem_shared>>
      tpu.enqueue_dma source(%dma_start3A_174 : memref<640x128xf32, #tpu.memory_space<vmem_shared>>) target(%dma_start3A_172 : memref<640x128xf32, #tpu.memory_space<hbm>>) target_semaphore(%run_scoped3A : memref<!tpu.dma_semaphore, #tpu.memory_space<semaphore_mem>>)
      %dma_wait3A = arith.constant 0 : i32
      %dma_wait3A_175 = tpu.memref_slice %arg9[%arg0, %mul3A_116, %dma_wait3A] : memref<2x10240x128xf32, #tpu.memory_space<hbm>> -> memref<1x640x128xf32, #tpu.memory_space<hbm>>
      %dma_wait3A_176 = tpu.memref_squeeze %dma_wait3A_175 : memref<1x640x128xf32, #tpu.memory_space<hbm>> -> memref<640x128xf32, #tpu.memory_space<hbm>>
      %dma_wait3A_177 = arith.constant 0 : i32
      %dma_wait3A_178 = tpu.memref_slice %arg19[%mul3A_114, %dma_wait3A_177] : memref<10240x128xf32, #tpu.memory_space<vmem_shared>> -> memref<640x128xf32, #tpu.memory_space<vmem_shared>>
      tpu.wait_dma2 semaphore(%run_scoped3A : memref<!tpu.dma_semaphore, #tpu.memory_space<semaphore_mem>>) src(%dma_wait3A_178 : memref<640x128xf32, #tpu.memory_space<vmem_shared>>) dst(%dma_wait3A_176 : memref<640x128xf32, #tpu.memory_space<hbm>>)
      tpu.yield
    }) : () -> ()
    %barrier3A_117 = arith.constant 0 : index
    tpu.barrier barrier_id(%barrier3A_117)
    %scan3A_118 = arith.constant 0 : i32
    %scan3A_119 = arith.constant 0 : i32
    %scan3A_120 = arith.constant 20 : i32
    %scan3A_121 = arith.addi %scan3A_119, %scan3A_120 : i32
    %scan3A_122 = arith.constant 1 : i32
    scf.for %scan3A_170 = %scan3A_119 to %scan3A_121 step %scan3A_122  : i32 {
      %mul3A_171 = arith.constant 2 : i32
      %mul3A_172 = arith.muli %mul3A_171, %scan3A_170 : i32
      %add3A_173 = arith.constant 0 : i32
      %add3A_174 = arith.addi %mul3A_172, %add3A_173 : i32
      %add3A_175 = arith.constant 1 : i32
      %add3A_176 = arith.addi %add3A_174, %add3A_175 : i32
      %lt3A = arith.constant 40 : i32
      %lt3A_177 = arith.cmpi slt, %add3A_176, %lt3A : i32
      %convert_element_type3A = arith.extui %lt3A_177 : i1 to i32
      %cond3A = arith.constant 0 : i32
      %cond3A_178 = arith.cmpi ne, %convert_element_type3A, %cond3A : i32
      scf.if %cond3A_178 {
        %dma_start3A_204 = arith.constant 0 : i32
        %dma_start3A_205 = arith.constant 0 : i32
        %dma_start3A_206 = tpu.memref_slice %arg14[%add3A_176, %dma_start3A_204, %dma_start3A_205] : memref<40x1x125xi32, #tpu.memory_space<vmem>> -> memref<1x1x125xi32, #tpu.memory_space<vmem>>
        %dma_start3A_207 = tpu.memref_squeeze %dma_start3A_206 : memref<1x1x125xi32, #tpu.memory_space<vmem>> -> memref<125xi32, #tpu.memory_space<vmem>>
        %dma_start3A_208 = arith.constant 0 : i32
        %dma_start3A_209 = arith.constant 0 : i32
        %dma_start3A_210 = tpu.memref_slice %arg3[%dma_start3A_208, %dma_start3A_209] : memref<10000x128xf32, #tpu.memory_space<hbm>> -> memref<10000x128xf32, #tpu.memory_space<hbm>>
        tpu.enqueue_indirect_dma source(%dma_start3A_210 : memref<10000x128xf32, #tpu.memory_space<hbm>>) target(%arg17 : memref<125x128xf32, #tpu.memory_space<vmem>>) offsets(%dma_start3A_207 : memref<125xi32, #tpu.memory_space<vmem>>) semaphore(%arg21 : memref<!tpu.dma_semaphore, #tpu.memory_space<semaphore_mem>>)
      } else {
      }
      %dma_wait3A = arith.constant 0 : i32
      %dma_wait3A_179 = arith.constant 0 : i32
      %dma_wait3A_180 = tpu.memref_slice %arg14[%add3A_174, %dma_wait3A, %dma_wait3A_179] : memref<40x1x125xi32, #tpu.memory_space<vmem>> -> memref<1x1x125xi32, #tpu.memory_space<vmem>>
      %dma_wait3A_181 = tpu.memref_squeeze %dma_wait3A_180 : memref<1x1x125xi32, #tpu.memory_space<vmem>> -> memref<125xi32, #tpu.memory_space<vmem>>
      %dma_wait3A_182 = arith.constant 0 : i32
      %dma_wait3A_183 = arith.constant 0 : i32
      %dma_wait3A_184 = tpu.memref_slice %arg3[%dma_wait3A_182, %dma_wait3A_183] : memref<10000x128xf32, #tpu.memory_space<hbm>> -> memref<10000x128xf32, #tpu.memory_space<hbm>>
      tpu.wait_indirect_dma semaphore(%arg20 : memref<!tpu.dma_semaphore, #tpu.memory_space<semaphore_mem>>) src(%dma_wait3A_184 : memref<10000x128xf32, #tpu.memory_space<hbm>>) dst(%arg16 : memref<125x128xf32, #tpu.memory_space<vmem>>)
      %run_scoped3A = arith.constant 0 : i32
      "tpu.region"() ({
        %run_scoped3A_204 = tpu.sem_alloc : memref<!tpu.dma_semaphore, #tpu.memory_space<semaphore_mem>>
        %dma_start3A_205 = arith.constant 0 : i32
        %dma_start3A_206 = tpu.memref_slice %arg15[%add3A_174, %run_scoped3A, %dma_start3A_205] : memref<40x1x125xi32, #tpu.memory_space<vmem>> -> memref<1x1x125xi32, #tpu.memory_space<vmem>>
        %dma_start3A_207 = tpu.memref_squeeze %dma_start3A_206 : memref<1x1x125xi32, #tpu.memory_space<vmem>> -> memref<125xi32, #tpu.memory_space<vmem>>
        %dma_start3A_208 = arith.constant 0 : i32
        %dma_start3A_209 = arith.constant 0 : i32
        %dma_start3A_210 = tpu.memref_slice %arg19[%dma_start3A_208, %dma_start3A_209] : memref<10240x128xf32, #tpu.memory_space<vmem_shared>> -> memref<10240x128xf32, #tpu.memory_space<vmem_shared>>
        tpu.enqueue_indirect_dma source(%arg16 : memref<125x128xf32, #tpu.memory_space<vmem>>) target(%dma_start3A_210 : memref<10240x128xf32, #tpu.memory_space<vmem_shared>>) offsets(%dma_start3A_207 : memref<125xi32, #tpu.memory_space<vmem>>) semaphore(%run_scoped3A_204 : memref<!tpu.dma_semaphore, #tpu.memory_space<semaphore_mem>>) {add = true}
        %dma_wait3A_211 = arith.constant 0 : i32
        %dma_wait3A_212 = tpu.memref_slice %arg15[%add3A_174, %run_scoped3A, %dma_wait3A_211] : memref<40x1x125xi32, #tpu.memory_space<vmem>> -> memref<1x1x125xi32, #tpu.memory_space<vmem>>
        %dma_wait3A_213 = tpu.memref_squeeze %dma_wait3A_212 : memref<1x1x125xi32, #tpu.memory_space<vmem>> -> memref<125xi32, #tpu.memory_space<vmem>>
        %dma_wait3A_214 = arith.constant 0 : i32
        %dma_wait3A_215 = arith.constant 0 : i32
        %dma_wait3A_216 = tpu.memref_slice %arg19[%dma_wait3A_214, %dma_wait3A_215] : memref<10240x128xf32, #tpu.memory_space<vmem_shared>> -> memref<10240x128xf32, #tpu.memory_space<vmem_shared>>
        tpu.wait_indirect_dma semaphore(%run_scoped3A_204 : memref<!tpu.dma_semaphore, #tpu.memory_space<semaphore_mem>>) src(%arg16 : memref<125x128xf32, #tpu.memory_space<vmem>>) dst(%dma_wait3A_216 : memref<10240x128xf32, #tpu.memory_space<vmem_shared>>)
        tpu.yield
      }) : () -> ()
      %mul3A_185 = arith.constant 2 : i32
      %mul3A_186 = arith.muli %mul3A_185, %scan3A_170 : i32
      %add3A_187 = arith.constant 1 : i32
      %add3A_188 = arith.addi %mul3A_186, %add3A_187 : i32
      %add3A_189 = arith.constant 1 : i32
      %add3A_190 = arith.addi %add3A_188, %add3A_189 : i32
      %lt3A_191 = arith.constant 40 : i32
      %lt3A_192 = arith.cmpi slt, %add3A_190, %lt3A_191 : i32
      %convert_element_type3A_193 = arith.extui %lt3A_192 : i1 to i32
      %cond3A_194 = arith.constant 0 : i32
      %cond3A_195 = arith.cmpi ne, %convert_element_type3A_193, %cond3A_194 : i32
      scf.if %cond3A_195 {
        %dma_start3A_204 = arith.constant 0 : i32
        %dma_start3A_205 = arith.constant 0 : i32
        %dma_start3A_206 = tpu.memref_slice %arg14[%add3A_190, %dma_start3A_204, %dma_start3A_205] : memref<40x1x125xi32, #tpu.memory_space<vmem>> -> memref<1x1x125xi32, #tpu.memory_space<vmem>>
        %dma_start3A_207 = tpu.memref_squeeze %dma_start3A_206 : memref<1x1x125xi32, #tpu.memory_space<vmem>> -> memref<125xi32, #tpu.memory_space<vmem>>
        %dma_start3A_208 = arith.constant 0 : i32
        %dma_start3A_209 = arith.constant 0 : i32
        %dma_start3A_210 = tpu.memref_slice %arg3[%dma_start3A_208, %dma_start3A_209] : memref<10000x128xf32, #tpu.memory_space<hbm>> -> memref<10000x128xf32, #tpu.memory_space<hbm>>
        tpu.enqueue_indirect_dma source(%dma_start3A_210 : memref<10000x128xf32, #tpu.memory_space<hbm>>) target(%arg16 : memref<125x128xf32, #tpu.memory_space<vmem>>) offsets(%dma_start3A_207 : memref<125xi32, #tpu.memory_space<vmem>>) semaphore(%arg20 : memref<!tpu.dma_semaphore, #tpu.memory_space<semaphore_mem>>)
      } else {
      }
      %dma_wait3A_196 = arith.constant 0 : i32
      %dma_wait3A_197 = arith.constant 0 : i32
      %dma_wait3A_198 = tpu.memref_slice %arg14[%add3A_188, %dma_wait3A_196, %dma_wait3A_197] : memref<40x1x125xi32, #tpu.memory_space<vmem>> -> memref<1x1x125xi32, #tpu.memory_space<vmem>>
      %dma_wait3A_199 = tpu.memref_squeeze %dma_wait3A_198 : memref<1x1x125xi32, #tpu.memory_space<vmem>> -> memref<125xi32, #tpu.memory_space<vmem>>
      %dma_wait3A_200 = arith.constant 0 : i32
      %dma_wait3A_201 = arith.constant 0 : i32
      %dma_wait3A_202 = tpu.memref_slice %arg3[%dma_wait3A_200, %dma_wait3A_201] : memref<10000x128xf32, #tpu.memory_space<hbm>> -> memref<10000x128xf32, #tpu.memory_space<hbm>>
      tpu.wait_indirect_dma semaphore(%arg21 : memref<!tpu.dma_semaphore, #tpu.memory_space<semaphore_mem>>) src(%dma_wait3A_202 : memref<10000x128xf32, #tpu.memory_space<hbm>>) dst(%arg17 : memref<125x128xf32, #tpu.memory_space<vmem>>)
      %run_scoped3A_203 = arith.constant 0 : i32
      "tpu.region"() ({
        %run_scoped3A_204 = tpu.sem_alloc : memref<!tpu.dma_semaphore, #tpu.memory_space<semaphore_mem>>
        %dma_start3A_205 = arith.constant 0 : i32
        %dma_start3A_206 = tpu.memref_slice %arg15[%add3A_188, %run_scoped3A_203, %dma_start3A_205] : memref<40x1x125xi32, #tpu.memory_space<vmem>> -> memref<1x1x125xi32, #tpu.memory_space<vmem>>
        %dma_start3A_207 = tpu.memref_squeeze %dma_start3A_206 : memref<1x1x125xi32, #tpu.memory_space<vmem>> -> memref<125xi32, #tpu.memory_space<vmem>>
        %dma_start3A_208 = arith.constant 0 : i32
        %dma_start3A_209 = arith.constant 0 : i32
        %dma_start3A_210 = tpu.memref_slice %arg19[%dma_start3A_208, %dma_start3A_209] : memref<10240x128xf32, #tpu.memory_space<vmem_shared>> -> memref<10240x128xf32, #tpu.memory_space<vmem_shared>>
        tpu.enqueue_indirect_dma source(%arg17 : memref<125x128xf32, #tpu.memory_space<vmem>>) target(%dma_start3A_210 : memref<10240x128xf32, #tpu.memory_space<vmem_shared>>) offsets(%dma_start3A_207 : memref<125xi32, #tpu.memory_space<vmem>>) semaphore(%run_scoped3A_204 : memref<!tpu.dma_semaphore, #tpu.memory_space<semaphore_mem>>) {add = true}
        %dma_wait3A_211 = arith.constant 0 : i32
        %dma_wait3A_212 = tpu.memref_slice %arg15[%add3A_188, %run_scoped3A_203, %dma_wait3A_211] : memref<40x1x125xi32, #tpu.memory_space<vmem>> -> memref<1x1x125xi32, #tpu.memory_space<vmem>>
        %dma_wait3A_213 = tpu.memref_squeeze %dma_wait3A_212 : memref<1x1x125xi32, #tpu.memory_space<vmem>> -> memref<125xi32, #tpu.memory_space<vmem>>
        %dma_wait3A_214 = arith.constant 0 : i32
        %dma_wait3A_215 = arith.constant 0 : i32
        %dma_wait3A_216 = tpu.memref_slice %arg19[%dma_wait3A_214, %dma_wait3A_215] : memref<10240x128xf32, #tpu.memory_space<vmem_shared>> -> memref<10240x128xf32, #tpu.memory_space<vmem_shared>>
        tpu.wait_indirect_dma semaphore(%run_scoped3A_204 : memref<!tpu.dma_semaphore, #tpu.memory_space<semaphore_mem>>) src(%arg17 : memref<125x128xf32, #tpu.memory_space<vmem>>) dst(%dma_wait3A_216 : memref<10240x128xf32, #tpu.memory_space<vmem_shared>>)
        tpu.yield
      }) : () -> ()
    }
    %scan3A_123 = arith.constant 20 : i32
    %barrier3A_124 = arith.constant 0 : index
    tpu.barrier barrier_id(%barrier3A_124)
    %dma_start3A_125 = arith.constant 0 : i32
    %dma_start3A_126 = arith.constant 0 : i32
    %dma_start3A_127 = arith.constant 0 : i32
    %dma_start3A_128 = tpu.memref_slice %arg14[%dma_start3A_125, %dma_start3A_126, %dma_start3A_127] : memref<40x1x125xi32, #tpu.memory_space<vmem>> -> memref<1x1x125xi32, #tpu.memory_space<vmem>>
    %dma_start3A_129 = tpu.memref_squeeze %dma_start3A_128 : memref<1x1x125xi32, #tpu.memory_space<vmem>> -> memref<125xi32, #tpu.memory_space<vmem>>
    %dma_start3A_130 = arith.constant 0 : i32
    %dma_start3A_131 = arith.constant 0 : i32
    %dma_start3A_132 = tpu.memref_slice %arg4[%dma_start3A_130, %dma_start3A_131] : memref<10000x128xf32, #tpu.memory_space<hbm>> -> memref<10000x128xf32, #tpu.memory_space<hbm>>
    tpu.enqueue_indirect_dma source(%dma_start3A_132 : memref<10000x128xf32, #tpu.memory_space<hbm>>) target(%arg16 : memref<125x128xf32, #tpu.memory_space<vmem>>) offsets(%dma_start3A_129 : memref<125xi32, #tpu.memory_space<vmem>>) semaphore(%arg20 : memref<!tpu.dma_semaphore, #tpu.memory_space<semaphore_mem>>)
    %mul3A_133 = arith.constant 640 : i32
    %mul3A_134 = arith.muli %arg1, %mul3A_133 : i32
    %mul3A_135 = arith.constant 640 : i32
    %mul3A_136 = arith.muli %arg1, %mul3A_135 : i32
    "tpu.region"() ({
      %run_scoped3A = tpu.sem_alloc : memref<!tpu.dma_semaphore, #tpu.memory_space<semaphore_mem>>
      %dma_start3A_170 = arith.constant 0 : i32
      %dma_start3A_171 = tpu.memref_slice %arg10[%arg0, %mul3A_136, %dma_start3A_170] : memref<2x10240x128xf32, #tpu.memory_space<hbm>> -> memref<1x640x128xf32, #tpu.memory_space<hbm>>
      %dma_start3A_172 = tpu.memref_squeeze %dma_start3A_171 : memref<1x640x128xf32, #tpu.memory_space<hbm>> -> memref<640x128xf32, #tpu.memory_space<hbm>>
      %dma_start3A_173 = arith.constant 0 : i32
      %dma_start3A_174 = tpu.memref_slice %arg19[%mul3A_134, %dma_start3A_173] : memref<10240x128xf32, #tpu.memory_space<vmem_shared>> -> memref<640x128xf32, #tpu.memory_space<vmem_shared>>
      tpu.enqueue_dma source(%dma_start3A_174 : memref<640x128xf32, #tpu.memory_space<vmem_shared>>) target(%dma_start3A_172 : memref<640x128xf32, #tpu.memory_space<hbm>>) target_semaphore(%run_scoped3A : memref<!tpu.dma_semaphore, #tpu.memory_space<semaphore_mem>>)
      %dma_wait3A = arith.constant 0 : i32
      %dma_wait3A_175 = tpu.memref_slice %arg10[%arg0, %mul3A_136, %dma_wait3A] : memref<2x10240x128xf32, #tpu.memory_space<hbm>> -> memref<1x640x128xf32, #tpu.memory_space<hbm>>
      %dma_wait3A_176 = tpu.memref_squeeze %dma_wait3A_175 : memref<1x640x128xf32, #tpu.memory_space<hbm>> -> memref<640x128xf32, #tpu.memory_space<hbm>>
      %dma_wait3A_177 = arith.constant 0 : i32
      %dma_wait3A_178 = tpu.memref_slice %arg19[%mul3A_134, %dma_wait3A_177] : memref<10240x128xf32, #tpu.memory_space<vmem_shared>> -> memref<640x128xf32, #tpu.memory_space<vmem_shared>>
      tpu.wait_dma2 semaphore(%run_scoped3A : memref<!tpu.dma_semaphore, #tpu.memory_space<semaphore_mem>>) src(%dma_wait3A_178 : memref<640x128xf32, #tpu.memory_space<vmem_shared>>) dst(%dma_wait3A_176 : memref<640x128xf32, #tpu.memory_space<hbm>>)
      tpu.yield
    }) : () -> ()
    %barrier3A_137 = arith.constant 0 : index
    tpu.barrier barrier_id(%barrier3A_137)
    %scan3A_138 = arith.constant 0 : i32
    %scan3A_139 = arith.constant 0 : i32
    %scan3A_140 = arith.constant 20 : i32
    %scan3A_141 = arith.addi %scan3A_139, %scan3A_140 : i32
    %scan3A_142 = arith.constant 1 : i32
    scf.for %scan3A_170 = %scan3A_139 to %scan3A_141 step %scan3A_142  : i32 {
      %mul3A_171 = arith.constant 2 : i32
      %mul3A_172 = arith.muli %mul3A_171, %scan3A_170 : i32
      %add3A_173 = arith.constant 0 : i32
      %add3A_174 = arith.addi %mul3A_172, %add3A_173 : i32
      %add3A_175 = arith.constant 1 : i32
      %add3A_176 = arith.addi %add3A_174, %add3A_175 : i32
      %lt3A = arith.constant 40 : i32
      %lt3A_177 = arith.cmpi slt, %add3A_176, %lt3A : i32
      %convert_element_type3A = arith.extui %lt3A_177 : i1 to i32
      %cond3A = arith.constant 0 : i32
      %cond3A_178 = arith.cmpi ne, %convert_element_type3A, %cond3A : i32
      scf.if %cond3A_178 {
        %dma_start3A_204 = arith.constant 0 : i32
        %dma_start3A_205 = arith.constant 0 : i32
        %dma_start3A_206 = tpu.memref_slice %arg14[%add3A_176, %dma_start3A_204, %dma_start3A_205] : memref<40x1x125xi32, #tpu.memory_space<vmem>> -> memref<1x1x125xi32, #tpu.memory_space<vmem>>
        %dma_start3A_207 = tpu.memref_squeeze %dma_start3A_206 : memref<1x1x125xi32, #tpu.memory_space<vmem>> -> memref<125xi32, #tpu.memory_space<vmem>>
        %dma_start3A_208 = arith.constant 0 : i32
        %dma_start3A_209 = arith.constant 0 : i32
        %dma_start3A_210 = tpu.memref_slice %arg4[%dma_start3A_208, %dma_start3A_209] : memref<10000x128xf32, #tpu.memory_space<hbm>> -> memref<10000x128xf32, #tpu.memory_space<hbm>>
        tpu.enqueue_indirect_dma source(%dma_start3A_210 : memref<10000x128xf32, #tpu.memory_space<hbm>>) target(%arg17 : memref<125x128xf32, #tpu.memory_space<vmem>>) offsets(%dma_start3A_207 : memref<125xi32, #tpu.memory_space<vmem>>) semaphore(%arg21 : memref<!tpu.dma_semaphore, #tpu.memory_space<semaphore_mem>>)
      } else {
      }
      %dma_wait3A = arith.constant 0 : i32
      %dma_wait3A_179 = arith.constant 0 : i32
      %dma_wait3A_180 = tpu.memref_slice %arg14[%add3A_174, %dma_wait3A, %dma_wait3A_179] : memref<40x1x125xi32, #tpu.memory_space<vmem>> -> memref<1x1x125xi32, #tpu.memory_space<vmem>>
      %dma_wait3A_181 = tpu.memref_squeeze %dma_wait3A_180 : memref<1x1x125xi32, #tpu.memory_space<vmem>> -> memref<125xi32, #tpu.memory_space<vmem>>
      %dma_wait3A_182 = arith.constant 0 : i32
      %dma_wait3A_183 = arith.constant 0 : i32
      %dma_wait3A_184 = tpu.memref_slice %arg4[%dma_wait3A_182, %dma_wait3A_183] : memref<10000x128xf32, #tpu.memory_space<hbm>> -> memref<10000x128xf32, #tpu.memory_space<hbm>>
      tpu.wait_indirect_dma semaphore(%arg20 : memref<!tpu.dma_semaphore, #tpu.memory_space<semaphore_mem>>) src(%dma_wait3A_184 : memref<10000x128xf32, #tpu.memory_space<hbm>>) dst(%arg16 : memref<125x128xf32, #tpu.memory_space<vmem>>)
      %run_scoped3A = arith.constant 0 : i32
      "tpu.region"() ({
        %run_scoped3A_204 = tpu.sem_alloc : memref<!tpu.dma_semaphore, #tpu.memory_space<semaphore_mem>>
        %dma_start3A_205 = arith.constant 0 : i32
        %dma_start3A_206 = tpu.memref_slice %arg15[%add3A_174, %run_scoped3A, %dma_start3A_205] : memref<40x1x125xi32, #tpu.memory_space<vmem>> -> memref<1x1x125xi32, #tpu.memory_space<vmem>>
        %dma_start3A_207 = tpu.memref_squeeze %dma_start3A_206 : memref<1x1x125xi32, #tpu.memory_space<vmem>> -> memref<125xi32, #tpu.memory_space<vmem>>
        %dma_start3A_208 = arith.constant 0 : i32
        %dma_start3A_209 = arith.constant 0 : i32
        %dma_start3A_210 = tpu.memref_slice %arg19[%dma_start3A_208, %dma_start3A_209] : memref<10240x128xf32, #tpu.memory_space<vmem_shared>> -> memref<10240x128xf32, #tpu.memory_space<vmem_shared>>
        tpu.enqueue_indirect_dma source(%arg16 : memref<125x128xf32, #tpu.memory_space<vmem>>) target(%dma_start3A_210 : memref<10240x128xf32, #tpu.memory_space<vmem_shared>>) offsets(%dma_start3A_207 : memref<125xi32, #tpu.memory_space<vmem>>) semaphore(%run_scoped3A_204 : memref<!tpu.dma_semaphore, #tpu.memory_space<semaphore_mem>>) {add = true}
        %dma_wait3A_211 = arith.constant 0 : i32
        %dma_wait3A_212 = tpu.memref_slice %arg15[%add3A_174, %run_scoped3A, %dma_wait3A_211] : memref<40x1x125xi32, #tpu.memory_space<vmem>> -> memref<1x1x125xi32, #tpu.memory_space<vmem>>
        %dma_wait3A_213 = tpu.memref_squeeze %dma_wait3A_212 : memref<1x1x125xi32, #tpu.memory_space<vmem>> -> memref<125xi32, #tpu.memory_space<vmem>>
        %dma_wait3A_214 = arith.constant 0 : i32
        %dma_wait3A_215 = arith.constant 0 : i32
        %dma_wait3A_216 = tpu.memref_slice %arg19[%dma_wait3A_214, %dma_wait3A_215] : memref<10240x128xf32, #tpu.memory_space<vmem_shared>> -> memref<10240x128xf32, #tpu.memory_space<vmem_shared>>
        tpu.wait_indirect_dma semaphore(%run_scoped3A_204 : memref<!tpu.dma_semaphore, #tpu.memory_space<semaphore_mem>>) src(%arg16 : memref<125x128xf32, #tpu.memory_space<vmem>>) dst(%dma_wait3A_216 : memref<10240x128xf32, #tpu.memory_space<vmem_shared>>)
        tpu.yield
      }) : () -> ()
      %mul3A_185 = arith.constant 2 : i32
      %mul3A_186 = arith.muli %mul3A_185, %scan3A_170 : i32
      %add3A_187 = arith.constant 1 : i32
      %add3A_188 = arith.addi %mul3A_186, %add3A_187 : i32
      %add3A_189 = arith.constant 1 : i32
      %add3A_190 = arith.addi %add3A_188, %add3A_189 : i32
      %lt3A_191 = arith.constant 40 : i32
      %lt3A_192 = arith.cmpi slt, %add3A_190, %lt3A_191 : i32
      %convert_element_type3A_193 = arith.extui %lt3A_192 : i1 to i32
      %cond3A_194 = arith.constant 0 : i32
      %cond3A_195 = arith.cmpi ne, %convert_element_type3A_193, %cond3A_194 : i32
      scf.if %cond3A_195 {
        %dma_start3A_204 = arith.constant 0 : i32
        %dma_start3A_205 = arith.constant 0 : i32
        %dma_start3A_206 = tpu.memref_slice %arg14[%add3A_190, %dma_start3A_204, %dma_start3A_205] : memref<40x1x125xi32, #tpu.memory_space<vmem>> -> memref<1x1x125xi32, #tpu.memory_space<vmem>>
        %dma_start3A_207 = tpu.memref_squeeze %dma_start3A_206 : memref<1x1x125xi32, #tpu.memory_space<vmem>> -> memref<125xi32, #tpu.memory_space<vmem>>
        %dma_start3A_208 = arith.constant 0 : i32
        %dma_start3A_209 = arith.constant 0 : i32
        %dma_start3A_210 = tpu.memref_slice %arg4[%dma_start3A_208, %dma_start3A_209] : memref<10000x128xf32, #tpu.memory_space<hbm>> -> memref<10000x128xf32, #tpu.memory_space<hbm>>
        tpu.enqueue_indirect_dma source(%dma_start3A_210 : memref<10000x128xf32, #tpu.memory_space<hbm>>) target(%arg16 : memref<125x128xf32, #tpu.memory_space<vmem>>) offsets(%dma_start3A_207 : memref<125xi32, #tpu.memory_space<vmem>>) semaphore(%arg20 : memref<!tpu.dma_semaphore, #tpu.memory_space<semaphore_mem>>)
      } else {
      }
      %dma_wait3A_196 = arith.constant 0 : i32
      %dma_wait3A_197 = arith.constant 0 : i32
      %dma_wait3A_198 = tpu.memref_slice %arg14[%add3A_188, %dma_wait3A_196, %dma_wait3A_197] : memref<40x1x125xi32, #tpu.memory_space<vmem>> -> memref<1x1x125xi32, #tpu.memory_space<vmem>>
      %dma_wait3A_199 = tpu.memref_squeeze %dma_wait3A_198 : memref<1x1x125xi32, #tpu.memory_space<vmem>> -> memref<125xi32, #tpu.memory_space<vmem>>
      %dma_wait3A_200 = arith.constant 0 : i32
      %dma_wait3A_201 = arith.constant 0 : i32
      %dma_wait3A_202 = tpu.memref_slice %arg4[%dma_wait3A_200, %dma_wait3A_201] : memref<10000x128xf32, #tpu.memory_space<hbm>> -> memref<10000x128xf32, #tpu.memory_space<hbm>>
      tpu.wait_indirect_dma semaphore(%arg21 : memref<!tpu.dma_semaphore, #tpu.memory_space<semaphore_mem>>) src(%dma_wait3A_202 : memref<10000x128xf32, #tpu.memory_space<hbm>>) dst(%arg17 : memref<125x128xf32, #tpu.memory_space<vmem>>)
      %run_scoped3A_203 = arith.constant 0 : i32
      "tpu.region"() ({
        %run_scoped3A_204 = tpu.sem_alloc : memref<!tpu.dma_semaphore, #tpu.memory_space<semaphore_mem>>
        %dma_start3A_205 = arith.constant 0 : i32
        %dma_start3A_206 = tpu.memref_slice %arg15[%add3A_188, %run_scoped3A_203, %dma_start3A_205] : memref<40x1x125xi32, #tpu.memory_space<vmem>> -> memref<1x1x125xi32, #tpu.memory_space<vmem>>
        %dma_start3A_207 = tpu.memref_squeeze %dma_start3A_206 : memref<1x1x125xi32, #tpu.memory_space<vmem>> -> memref<125xi32, #tpu.memory_space<vmem>>
        %dma_start3A_208 = arith.constant 0 : i32
        %dma_start3A_209 = arith.constant 0 : i32
        %dma_start3A_210 = tpu.memref_slice %arg19[%dma_start3A_208, %dma_start3A_209] : memref<10240x128xf32, #tpu.memory_space<vmem_shared>> -> memref<10240x128xf32, #tpu.memory_space<vmem_shared>>
        tpu.enqueue_indirect_dma source(%arg17 : memref<125x128xf32, #tpu.memory_space<vmem>>) target(%dma_start3A_210 : memref<10240x128xf32, #tpu.memory_space<vmem_shared>>) offsets(%dma_start3A_207 : memref<125xi32, #tpu.memory_space<vmem>>) semaphore(%run_scoped3A_204 : memref<!tpu.dma_semaphore, #tpu.memory_space<semaphore_mem>>) {add = true}
        %dma_wait3A_211 = arith.constant 0 : i32
        %dma_wait3A_212 = tpu.memref_slice %arg15[%add3A_188, %run_scoped3A_203, %dma_wait3A_211] : memref<40x1x125xi32, #tpu.memory_space<vmem>> -> memref<1x1x125xi32, #tpu.memory_space<vmem>>
        %dma_wait3A_213 = tpu.memref_squeeze %dma_wait3A_212 : memref<1x1x125xi32, #tpu.memory_space<vmem>> -> memref<125xi32, #tpu.memory_space<vmem>>
        %dma_wait3A_214 = arith.constant 0 : i32
        %dma_wait3A_215 = arith.constant 0 : i32
        %dma_wait3A_216 = tpu.memref_slice %arg19[%dma_wait3A_214, %dma_wait3A_215] : memref<10240x128xf32, #tpu.memory_space<vmem_shared>> -> memref<10240x128xf32, #tpu.memory_space<vmem_shared>>
        tpu.wait_indirect_dma semaphore(%run_scoped3A_204 : memref<!tpu.dma_semaphore, #tpu.memory_space<semaphore_mem>>) src(%arg17 : memref<125x128xf32, #tpu.memory_space<vmem>>) dst(%dma_wait3A_216 : memref<10240x128xf32, #tpu.memory_space<vmem_shared>>)
        tpu.yield
      }) : () -> ()
    }
    %scan3A_143 = arith.constant 20 : i32
    %barrier3A_144 = arith.constant 0 : index
    tpu.barrier barrier_id(%barrier3A_144)
    %dma_start3A_145 = arith.constant 0 : i32
    %dma_start3A_146 = arith.constant 0 : i32
    %dma_start3A_147 = arith.constant 0 : i32
    %dma_start3A_148 = tpu.memref_slice %arg14[%dma_start3A_145, %dma_start3A_146, %dma_start3A_147] : memref<40x1x125xi32, #tpu.memory_space<vmem>> -> memref<1x1x125xi32, #tpu.memory_space<vmem>>
    %dma_start3A_149 = tpu.memref_squeeze %dma_start3A_148 : memref<1x1x125xi32, #tpu.memory_space<vmem>> -> memref<125xi32, #tpu.memory_space<vmem>>
    %dma_start3A_150 = arith.constant 0 : i32
    %dma_start3A_151 = arith.constant 0 : i32
    %dma_start3A_152 = tpu.memref_slice %arg5[%dma_start3A_150, %dma_start3A_151] : memref<10000x128xf32, #tpu.memory_space<hbm>> -> memref<10000x128xf32, #tpu.memory_space<hbm>>
    tpu.enqueue_indirect_dma source(%dma_start3A_152 : memref<10000x128xf32, #tpu.memory_space<hbm>>) target(%arg16 : memref<125x128xf32, #tpu.memory_space<vmem>>) offsets(%dma_start3A_149 : memref<125xi32, #tpu.memory_space<vmem>>) semaphore(%arg20 : memref<!tpu.dma_semaphore, #tpu.memory_space<semaphore_mem>>)
    %mul3A_153 = arith.constant 640 : i32
    %mul3A_154 = arith.muli %arg1, %mul3A_153 : i32
    %mul3A_155 = arith.constant 640 : i32
    %mul3A_156 = arith.muli %arg1, %mul3A_155 : i32
    "tpu.region"() ({
      %run_scoped3A = tpu.sem_alloc : memref<!tpu.dma_semaphore, #tpu.memory_space<semaphore_mem>>
      %dma_start3A_170 = arith.constant 0 : i32
      %dma_start3A_171 = tpu.memref_slice %arg11[%arg0, %mul3A_156, %dma_start3A_170] : memref<2x10240x128xf32, #tpu.memory_space<hbm>> -> memref<1x640x128xf32, #tpu.memory_space<hbm>>
      %dma_start3A_172 = tpu.memref_squeeze %dma_start3A_171 : memref<1x640x128xf32, #tpu.memory_space<hbm>> -> memref<640x128xf32, #tpu.memory_space<hbm>>
      %dma_start3A_173 = arith.constant 0 : i32
      %dma_start3A_174 = tpu.memref_slice %arg19[%mul3A_154, %dma_start3A_173] : memref<10240x128xf32, #tpu.memory_space<vmem_shared>> -> memref<640x128xf32, #tpu.memory_space<vmem_shared>>
      tpu.enqueue_dma source(%dma_start3A_174 : memref<640x128xf32, #tpu.memory_space<vmem_shared>>) target(%dma_start3A_172 : memref<640x128xf32, #tpu.memory_space<hbm>>) target_semaphore(%run_scoped3A : memref<!tpu.dma_semaphore, #tpu.memory_space<semaphore_mem>>)
      %dma_wait3A = arith.constant 0 : i32
      %dma_wait3A_175 = tpu.memref_slice %arg11[%arg0, %mul3A_156, %dma_wait3A] : memref<2x10240x128xf32, #tpu.memory_space<hbm>> -> memref<1x640x128xf32, #tpu.memory_space<hbm>>
      %dma_wait3A_176 = tpu.memref_squeeze %dma_wait3A_175 : memref<1x640x128xf32, #tpu.memory_space<hbm>> -> memref<640x128xf32, #tpu.memory_space<hbm>>
      %dma_wait3A_177 = arith.constant 0 : i32
      %dma_wait3A_178 = tpu.memref_slice %arg19[%mul3A_154, %dma_wait3A_177] : memref<10240x128xf32, #tpu.memory_space<vmem_shared>> -> memref<640x128xf32, #tpu.memory_space<vmem_shared>>
      tpu.wait_dma2 semaphore(%run_scoped3A : memref<!tpu.dma_semaphore, #tpu.memory_space<semaphore_mem>>) src(%dma_wait3A_178 : memref<640x128xf32, #tpu.memory_space<vmem_shared>>) dst(%dma_wait3A_176 : memref<640x128xf32, #tpu.memory_space<hbm>>)
      tpu.yield
    }) : () -> ()
    %barrier3A_157 = arith.constant 0 : index
    tpu.barrier barrier_id(%barrier3A_157)
    %scan3A_158 = arith.constant 0 : i32
    %scan3A_159 = arith.constant 0 : i32
    %scan3A_160 = arith.constant 20 : i32
    %scan3A_161 = arith.addi %scan3A_159, %scan3A_160 : i32
    %scan3A_162 = arith.constant 1 : i32
    scf.for %scan3A_170 = %scan3A_159 to %scan3A_161 step %scan3A_162  : i32 {
      %mul3A_171 = arith.constant 2 : i32
      %mul3A_172 = arith.muli %mul3A_171, %scan3A_170 : i32
      %add3A_173 = arith.constant 0 : i32
      %add3A_174 = arith.addi %mul3A_172, %add3A_173 : i32
      %add3A_175 = arith.constant 1 : i32
      %add3A_176 = arith.addi %add3A_174, %add3A_175 : i32
      %lt3A = arith.constant 40 : i32
      %lt3A_177 = arith.cmpi slt, %add3A_176, %lt3A : i32
      %convert_element_type3A = arith.extui %lt3A_177 : i1 to i32
      %cond3A = arith.constant 0 : i32
      %cond3A_178 = arith.cmpi ne, %convert_element_type3A, %cond3A : i32
      scf.if %cond3A_178 {
        %dma_start3A_204 = arith.constant 0 : i32
        %dma_start3A_205 = arith.constant 0 : i32
        %dma_start3A_206 = tpu.memref_slice %arg14[%add3A_176, %dma_start3A_204, %dma_start3A_205] : memref<40x1x125xi32, #tpu.memory_space<vmem>> -> memref<1x1x125xi32, #tpu.memory_space<vmem>>
        %dma_start3A_207 = tpu.memref_squeeze %dma_start3A_206 : memref<1x1x125xi32, #tpu.memory_space<vmem>> -> memref<125xi32, #tpu.memory_space<vmem>>
        %dma_start3A_208 = arith.constant 0 : i32
        %dma_start3A_209 = arith.constant 0 : i32
        %dma_start3A_210 = tpu.memref_slice %arg5[%dma_start3A_208, %dma_start3A_209] : memref<10000x128xf32, #tpu.memory_space<hbm>> -> memref<10000x128xf32, #tpu.memory_space<hbm>>
        tpu.enqueue_indirect_dma source(%dma_start3A_210 : memref<10000x128xf32, #tpu.memory_space<hbm>>) target(%arg17 : memref<125x128xf32, #tpu.memory_space<vmem>>) offsets(%dma_start3A_207 : memref<125xi32, #tpu.memory_space<vmem>>) semaphore(%arg21 : memref<!tpu.dma_semaphore, #tpu.memory_space<semaphore_mem>>)
      } else {
      }
      %dma_wait3A = arith.constant 0 : i32
      %dma_wait3A_179 = arith.constant 0 : i32
      %dma_wait3A_180 = tpu.memref_slice %arg14[%add3A_174, %dma_wait3A, %dma_wait3A_179] : memref<40x1x125xi32, #tpu.memory_space<vmem>> -> memref<1x1x125xi32, #tpu.memory_space<vmem>>
      %dma_wait3A_181 = tpu.memref_squeeze %dma_wait3A_180 : memref<1x1x125xi32, #tpu.memory_space<vmem>> -> memref<125xi32, #tpu.memory_space<vmem>>
      %dma_wait3A_182 = arith.constant 0 : i32
      %dma_wait3A_183 = arith.constant 0 : i32
      %dma_wait3A_184 = tpu.memref_slice %arg5[%dma_wait3A_182, %dma_wait3A_183] : memref<10000x128xf32, #tpu.memory_space<hbm>> -> memref<10000x128xf32, #tpu.memory_space<hbm>>
      tpu.wait_indirect_dma semaphore(%arg20 : memref<!tpu.dma_semaphore, #tpu.memory_space<semaphore_mem>>) src(%dma_wait3A_184 : memref<10000x128xf32, #tpu.memory_space<hbm>>) dst(%arg16 : memref<125x128xf32, #tpu.memory_space<vmem>>)
      %run_scoped3A = arith.constant 0 : i32
      "tpu.region"() ({
        %run_scoped3A_204 = tpu.sem_alloc : memref<!tpu.dma_semaphore, #tpu.memory_space<semaphore_mem>>
        %dma_start3A_205 = arith.constant 0 : i32
        %dma_start3A_206 = tpu.memref_slice %arg15[%add3A_174, %run_scoped3A, %dma_start3A_205] : memref<40x1x125xi32, #tpu.memory_space<vmem>> -> memref<1x1x125xi32, #tpu.memory_space<vmem>>
        %dma_start3A_207 = tpu.memref_squeeze %dma_start3A_206 : memref<1x1x125xi32, #tpu.memory_space<vmem>> -> memref<125xi32, #tpu.memory_space<vmem>>
        %dma_start3A_208 = arith.constant 0 : i32
        %dma_start3A_209 = arith.constant 0 : i32
        %dma_start3A_210 = tpu.memref_slice %arg19[%dma_start3A_208, %dma_start3A_209] : memref<10240x128xf32, #tpu.memory_space<vmem_shared>> -> memref<10240x128xf32, #tpu.memory_space<vmem_shared>>
        tpu.enqueue_indirect_dma source(%arg16 : memref<125x128xf32, #tpu.memory_space<vmem>>) target(%dma_start3A_210 : memref<10240x128xf32, #tpu.memory_space<vmem_shared>>) offsets(%dma_start3A_207 : memref<125xi32, #tpu.memory_space<vmem>>) semaphore(%run_scoped3A_204 : memref<!tpu.dma_semaphore, #tpu.memory_space<semaphore_mem>>) {add = true}
        %dma_wait3A_211 = arith.constant 0 : i32
        %dma_wait3A_212 = tpu.memref_slice %arg15[%add3A_174, %run_scoped3A, %dma_wait3A_211] : memref<40x1x125xi32, #tpu.memory_space<vmem>> -> memref<1x1x125xi32, #tpu.memory_space<vmem>>
        %dma_wait3A_213 = tpu.memref_squeeze %dma_wait3A_212 : memref<1x1x125xi32, #tpu.memory_space<vmem>> -> memref<125xi32, #tpu.memory_space<vmem>>
        %dma_wait3A_214 = arith.constant 0 : i32
        %dma_wait3A_215 = arith.constant 0 : i32
        %dma_wait3A_216 = tpu.memref_slice %arg19[%dma_wait3A_214, %dma_wait3A_215] : memref<10240x128xf32, #tpu.memory_space<vmem_shared>> -> memref<10240x128xf32, #tpu.memory_space<vmem_shared>>
        tpu.wait_indirect_dma semaphore(%run_scoped3A_204 : memref<!tpu.dma_semaphore, #tpu.memory_space<semaphore_mem>>) src(%arg16 : memref<125x128xf32, #tpu.memory_space<vmem>>) dst(%dma_wait3A_216 : memref<10240x128xf32, #tpu.memory_space<vmem_shared>>)
        tpu.yield
      }) : () -> ()
      %mul3A_185 = arith.constant 2 : i32
      %mul3A_186 = arith.muli %mul3A_185, %scan3A_170 : i32
      %add3A_187 = arith.constant 1 : i32
      %add3A_188 = arith.addi %mul3A_186, %add3A_187 : i32
      %add3A_189 = arith.constant 1 : i32
      %add3A_190 = arith.addi %add3A_188, %add3A_189 : i32
      %lt3A_191 = arith.constant 40 : i32
      %lt3A_192 = arith.cmpi slt, %add3A_190, %lt3A_191 : i32
      %convert_element_type3A_193 = arith.extui %lt3A_192 : i1 to i32
      %cond3A_194 = arith.constant 0 : i32
      %cond3A_195 = arith.cmpi ne, %convert_element_type3A_193, %cond3A_194 : i32
      scf.if %cond3A_195 {
        %dma_start3A_204 = arith.constant 0 : i32
        %dma_start3A_205 = arith.constant 0 : i32
        %dma_start3A_206 = tpu.memref_slice %arg14[%add3A_190, %dma_start3A_204, %dma_start3A_205] : memref<40x1x125xi32, #tpu.memory_space<vmem>> -> memref<1x1x125xi32, #tpu.memory_space<vmem>>
        %dma_start3A_207 = tpu.memref_squeeze %dma_start3A_206 : memref<1x1x125xi32, #tpu.memory_space<vmem>> -> memref<125xi32, #tpu.memory_space<vmem>>
        %dma_start3A_208 = arith.constant 0 : i32
        %dma_start3A_209 = arith.constant 0 : i32
        %dma_start3A_210 = tpu.memref_slice %arg5[%dma_start3A_208, %dma_start3A_209] : memref<10000x128xf32, #tpu.memory_space<hbm>> -> memref<10000x128xf32, #tpu.memory_space<hbm>>
        tpu.enqueue_indirect_dma source(%dma_start3A_210 : memref<10000x128xf32, #tpu.memory_space<hbm>>) target(%arg16 : memref<125x128xf32, #tpu.memory_space<vmem>>) offsets(%dma_start3A_207 : memref<125xi32, #tpu.memory_space<vmem>>) semaphore(%arg20 : memref<!tpu.dma_semaphore, #tpu.memory_space<semaphore_mem>>)
      } else {
      }
      %dma_wait3A_196 = arith.constant 0 : i32
      %dma_wait3A_197 = arith.constant 0 : i32
      %dma_wait3A_198 = tpu.memref_slice %arg14[%add3A_188, %dma_wait3A_196, %dma_wait3A_197] : memref<40x1x125xi32, #tpu.memory_space<vmem>> -> memref<1x1x125xi32, #tpu.memory_space<vmem>>
      %dma_wait3A_199 = tpu.memref_squeeze %dma_wait3A_198 : memref<1x1x125xi32, #tpu.memory_space<vmem>> -> memref<125xi32, #tpu.memory_space<vmem>>
      %dma_wait3A_200 = arith.constant 0 : i32
      %dma_wait3A_201 = arith.constant 0 : i32
      %dma_wait3A_202 = tpu.memref_slice %arg5[%dma_wait3A_200, %dma_wait3A_201] : memref<10000x128xf32, #tpu.memory_space<hbm>> -> memref<10000x128xf32, #tpu.memory_space<hbm>>
      tpu.wait_indirect_dma semaphore(%arg21 : memref<!tpu.dma_semaphore, #tpu.memory_space<semaphore_mem>>) src(%dma_wait3A_202 : memref<10000x128xf32, #tpu.memory_space<hbm>>) dst(%arg17 : memref<125x128xf32, #tpu.memory_space<vmem>>)
      %run_scoped3A_203 = arith.constant 0 : i32
      "tpu.region"() ({
        %run_scoped3A_204 = tpu.sem_alloc : memref<!tpu.dma_semaphore, #tpu.memory_space<semaphore_mem>>
        %dma_start3A_205 = arith.constant 0 : i32
        %dma_start3A_206 = tpu.memref_slice %arg15[%add3A_188, %run_scoped3A_203, %dma_start3A_205] : memref<40x1x125xi32, #tpu.memory_space<vmem>> -> memref<1x1x125xi32, #tpu.memory_space<vmem>>
        %dma_start3A_207 = tpu.memref_squeeze %dma_start3A_206 : memref<1x1x125xi32, #tpu.memory_space<vmem>> -> memref<125xi32, #tpu.memory_space<vmem>>
        %dma_start3A_208 = arith.constant 0 : i32
        %dma_start3A_209 = arith.constant 0 : i32
        %dma_start3A_210 = tpu.memref_slice %arg19[%dma_start3A_208, %dma_start3A_209] : memref<10240x128xf32, #tpu.memory_space<vmem_shared>> -> memref<10240x128xf32, #tpu.memory_space<vmem_shared>>
        tpu.enqueue_indirect_dma source(%arg17 : memref<125x128xf32, #tpu.memory_space<vmem>>) target(%dma_start3A_210 : memref<10240x128xf32, #tpu.memory_space<vmem_shared>>) offsets(%dma_start3A_207 : memref<125xi32, #tpu.memory_space<vmem>>) semaphore(%run_scoped3A_204 : memref<!tpu.dma_semaphore, #tpu.memory_space<semaphore_mem>>) {add = true}
        %dma_wait3A_211 = arith.constant 0 : i32
        %dma_wait3A_212 = tpu.memref_slice %arg15[%add3A_188, %run_scoped3A_203, %dma_wait3A_211] : memref<40x1x125xi32, #tpu.memory_space<vmem>> -> memref<1x1x125xi32, #tpu.memory_space<vmem>>
        %dma_wait3A_213 = tpu.memref_squeeze %dma_wait3A_212 : memref<1x1x125xi32, #tpu.memory_space<vmem>> -> memref<125xi32, #tpu.memory_space<vmem>>
        %dma_wait3A_214 = arith.constant 0 : i32
        %dma_wait3A_215 = arith.constant 0 : i32
        %dma_wait3A_216 = tpu.memref_slice %arg19[%dma_wait3A_214, %dma_wait3A_215] : memref<10240x128xf32, #tpu.memory_space<vmem_shared>> -> memref<10240x128xf32, #tpu.memory_space<vmem_shared>>
        tpu.wait_indirect_dma semaphore(%run_scoped3A_204 : memref<!tpu.dma_semaphore, #tpu.memory_space<semaphore_mem>>) src(%arg17 : memref<125x128xf32, #tpu.memory_space<vmem>>) dst(%dma_wait3A_216 : memref<10240x128xf32, #tpu.memory_space<vmem_shared>>)
        tpu.yield
      }) : () -> ()
    }
    %scan3A_163 = arith.constant 20 : i32
    %barrier3A_164 = arith.constant 0 : index
    tpu.barrier barrier_id(%barrier3A_164)
    %mul3A_165 = arith.constant 640 : i32
    %mul3A_166 = arith.muli %arg1, %mul3A_165 : i32
    %mul3A_167 = arith.constant 640 : i32
    %mul3A_168 = arith.muli %arg1, %mul3A_167 : i32
    "tpu.region"() ({
      %run_scoped3A = tpu.sem_alloc : memref<!tpu.dma_semaphore, #tpu.memory_space<semaphore_mem>>
      %dma_start3A_170 = arith.constant 0 : i32
      %dma_start3A_171 = tpu.memref_slice %arg12[%arg0, %mul3A_168, %dma_start3A_170] : memref<2x10240x128xf32, #tpu.memory_space<hbm>> -> memref<1x640x128xf32, #tpu.memory_space<hbm>>
      %dma_start3A_172 = tpu.memref_squeeze %dma_start3A_171 : memref<1x640x128xf32, #tpu.memory_space<hbm>> -> memref<640x128xf32, #tpu.memory_space<hbm>>
      %dma_start3A_173 = arith.constant 0 : i32
      %dma_start3A_174 = tpu.memref_slice %arg19[%mul3A_166, %dma_start3A_173] : memref<10240x128xf32, #tpu.memory_space<vmem_shared>> -> memref<640x128xf32, #tpu.memory_space<vmem_shared>>
      tpu.enqueue_dma source(%dma_start3A_174 : memref<640x128xf32, #tpu.memory_space<vmem_shared>>) target(%dma_start3A_172 : memref<640x128xf32, #tpu.memory_space<hbm>>) target_semaphore(%run_scoped3A : memref<!tpu.dma_semaphore, #tpu.memory_space<semaphore_mem>>)
      %dma_wait3A = arith.constant 0 : i32
      %dma_wait3A_175 = tpu.memref_slice %arg12[%arg0, %mul3A_168, %dma_wait3A] : memref<2x10240x128xf32, #tpu.memory_space<hbm>> -> memref<1x640x128xf32, #tpu.memory_space<hbm>>
      %dma_wait3A_176 = tpu.memref_squeeze %dma_wait3A_175 : memref<1x640x128xf32, #tpu.memory_space<hbm>> -> memref<640x128xf32, #tpu.memory_space<hbm>>
      %dma_wait3A_177 = arith.constant 0 : i32
      %dma_wait3A_178 = tpu.memref_slice %arg19[%mul3A_166, %dma_wait3A_177] : memref<10240x128xf32, #tpu.memory_space<vmem_shared>> -> memref<640x128xf32, #tpu.memory_space<vmem_shared>>
      tpu.wait_dma2 semaphore(%run_scoped3A : memref<!tpu.dma_semaphore, #tpu.memory_space<semaphore_mem>>) src(%dma_wait3A_178 : memref<640x128xf32, #tpu.memory_space<vmem_shared>>) dst(%dma_wait3A_176 : memref<640x128xf32, #tpu.memory_space<hbm>>)
      tpu.yield
    }) : () -> ()
    %barrier3A_169 = arith.constant 0 : index
    tpu.barrier barrier_id(%barrier3A_169)
    return
  }
}

#map = affine_map<(d0, d1) -> (0, 0)>
#map1 = affine_map<(d0, d1) -> (0, 0, 0, 0)>
#map2 = affine_map<(d0, d1) -> (0, 0, 0)>
module attributes {stable_mosaic.version = 14 : i64} {
  func.func @_sc_push(%arg0: i32, %arg1: i32, %arg2: memref<10000x128xf32, #tpu.memory_space<hbm>>, %arg3: memref<10000x128xf32, #tpu.memory_space<hbm>>, %arg4: memref<10000x128xf32, #tpu.memory_space<hbm>>, %arg5: memref<10000x128xf32, #tpu.memory_space<hbm>>, %arg6: memref<10000x128xf32, #tpu.memory_space<hbm>>, %arg7: memref<32x40x1x125xi32, #tpu.memory_space<hbm>>, %arg8: memref<32x40x1x125xi32, #tpu.memory_space<hbm>>, %arg9: memref<2x10240x128xf32, #tpu.memory_space<hbm>>, %arg10: memref<2x10240x128xf32, #tpu.memory_space<hbm>>, %arg11: memref<2x10240x128xf32, #tpu.memory_space<hbm>>, %arg12: memref<2x10240x128xf32, #tpu.memory_space<hbm>>, %arg13: memref<2x10240x128xf32, #tpu.memory_space<hbm>>, %arg14: memref<40x1x125xi32, #tpu.memory_space<vmem>>, %arg15: memref<40x1x125xi32, #tpu.memory_space<vmem>>, %arg16: memref<125x128xf32, #tpu.memory_space<vmem>>, %arg17: memref<125x128xf32, #tpu.memory_space<vmem>>, %arg18: memref<40x128xf32, #tpu.memory_space<vmem>>, %arg19: memref<10240x128xf32, #tpu.memory_space<vmem_shared>>, %arg20: memref<!tpu.dma_semaphore, #tpu.memory_space<semaphore_mem>>, %arg21: memref<!tpu.dma_semaphore, #tpu.memory_space<semaphore_mem>>) attributes {dimension_semantics = [#tpu.dimension_semantics<core_parallel>, #tpu.dimension_semantics<subcore_parallel>], iteration_bounds = array<i64: 2, 16>, scalar_prefetch = 0 : i64, scratch_operands = 8 : i64, tpu.core_type = #tpu.core_type<sc_vector_subcore>, window_params = [{transform_indices = #map}, {transform_indices = #map}, {transform_indices = #map}, {transform_indices = #map}, {transform_indices = #map}, {transform_indices = #map1}, {transform_indices = #map1}, {transform_indices = #map2}, {transform_indices = #map2}, {transform_indices = #map2}, {transform_indices = #map2}, {transform_indices = #map2}]} {
    %mul3A = arith.constant 16 : i32
    %mul3A_0 = arith.muli %arg0, %mul3A : i32
    %add3A = arith.addi %mul3A_0, %arg1 : i32
    "tpu.region"() ({
      %run_scoped3A = tpu.sem_alloc : memref<!tpu.dma_semaphore, #tpu.memory_space<semaphore_mem>>
      %dma_start3A_170 = arith.constant 0 : i32
      %dma_start3A_171 = arith.constant 0 : i32
      %dma_start3A_172 = arith.constant 0 : i32
      %dma_start3A_173 = tpu.memref_slice %arg7[%add3A, %dma_start3A_170, %dma_start3A_171, %dma_start3A_172] : memref<32x40x1x125xi32, #tpu.memory_space<hbm>> -> memref<1x40x1x125xi32, #tpu.memory_space<hbm>>
      %dma_start3A_174 = tpu.memref_squeeze %dma_start3A_173 : memref<1x40x1x125xi32, #tpu.memory_space<hbm>> -> memref<40x1x125xi32, #tpu.memory_space<hbm>>
      %dma_start3A_175 = arith.constant 0 : i32
      %dma_start3A_176 = arith.constant 0 : i32
      %dma_start3A_177 = arith.constant 0 : i32
      %dma_start3A_178 = tpu.memref_slice %arg7[%add3A, %dma_start3A_175, %dma_start3A_176, %dma_start3A_177] : memref<32x40x1x125xi32, #tpu.memory_space<hbm>> -> memref<1x40x1x125xi32, #tpu.memory_space<hbm>>
      %dma_start3A_179 = tpu.memref_squeeze %dma_start3A_178 : memref<1x40x1x125xi32, #tpu.memory_space<hbm>> -> memref<40x1x125xi32, #tpu.memory_space<hbm>>
      tpu.enqueue_dma source(%dma_start3A_179 : memref<40x1x125xi32, #tpu.memory_space<hbm>>) target(%arg14 : memref<40x1x125xi32, #tpu.memory_space<vmem>>) target_semaphore(%run_scoped3A : memref<!tpu.dma_semaphore, #tpu.memory_space<semaphore_mem>>)
      %dma_wait3A = arith.constant 0 : i32
      %dma_wait3A_180 = arith.constant 0 : i32
      %dma_wait3A_181 = arith.constant 0 : i32
      %dma_wait3A_182 = tpu.memref_slice %arg7[%add3A, %dma_wait3A, %dma_wait3A_180, %dma_wait3A_181] : memref<32x40x1x125xi32, #tpu.memory_space<hbm>> -> memref<1x40x1x125xi32, #tpu.memory_space<hbm>>
      %dma_wait3A_183 = tpu.memref_squeeze %dma_wait3A_182 : memref<1x40x1x125xi32, #tpu.memory_space<hbm>> -> memref<40x1x125xi32, #tpu.memory_space<hbm>>
      %dma_wait3A_184 = arith.constant 0 : i32
      %dma_wait3A_185 = arith.constant 0 : i32
      %dma_wait3A_186 = arith.constant 0 : i32
      %dma_wait3A_187 = tpu.memref_slice %arg7[%add3A, %dma_wait3A_184, %dma_wait3A_185, %dma_wait3A_186] : memref<32x40x1x125xi32, #tpu.memory_space<hbm>> -> memref<1x40x1x125xi32, #tpu.memory_space<hbm>>
      %dma_wait3A_188 = tpu.memref_squeeze %dma_wait3A_187 : memref<1x40x1x125xi32, #tpu.memory_space<hbm>> -> memref<40x1x125xi32, #tpu.memory_space<hbm>>
      tpu.wait_dma2 semaphore(%run_scoped3A : memref<!tpu.dma_semaphore, #tpu.memory_space<semaphore_mem>>) src(%dma_wait3A_188 : memref<40x1x125xi32, #tpu.memory_space<hbm>>) dst(%arg14 : memref<40x1x125xi32, #tpu.memory_space<vmem>>)
      tpu.yield
    }) : () -> ()
    "tpu.region"() ({
      %run_scoped3A = tpu.sem_alloc : memref<!tpu.dma_semaphore, #tpu.memory_space<semaphore_mem>>
      %dma_start3A_170 = arith.constant 0 : i32
      %dma_start3A_171 = arith.constant 0 : i32
      %dma_start3A_172 = arith.constant 0 : i32
      %dma_start3A_173 = tpu.memref_slice %arg8[%add3A, %dma_start3A_170, %dma_start3A_171, %dma_start3A_172] : memref<32x40x1x125xi32, #tpu.memory_space<hbm>> -> memref<1x40x1x125xi32, #tpu.memory_space<hbm>>
      %dma_start3A_174 = tpu.memref_squeeze %dma_start3A_173 : memref<1x40x1x125xi32, #tpu.memory_space<hbm>> -> memref<40x1x125xi32, #tpu.memory_space<hbm>>
      %dma_start3A_175 = arith.constant 0 : i32
      %dma_start3A_176 = arith.constant 0 : i32
      %dma_start3A_177 = arith.constant 0 : i32
      %dma_start3A_178 = tpu.memref_slice %arg8[%add3A, %dma_start3A_175, %dma_start3A_176, %dma_start3A_177] : memref<32x40x1x125xi32, #tpu.memory_space<hbm>> -> memref<1x40x1x125xi32, #tpu.memory_space<hbm>>
      %dma_start3A_179 = tpu.memref_squeeze %dma_start3A_178 : memref<1x40x1x125xi32, #tpu.memory_space<hbm>> -> memref<40x1x125xi32, #tpu.memory_space<hbm>>
      tpu.enqueue_dma source(%dma_start3A_179 : memref<40x1x125xi32, #tpu.memory_space<hbm>>) target(%arg15 : memref<40x1x125xi32, #tpu.memory_space<vmem>>) target_semaphore(%run_scoped3A : memref<!tpu.dma_semaphore, #tpu.memory_space<semaphore_mem>>)
      %dma_wait3A = arith.constant 0 : i32
      %dma_wait3A_180 = arith.constant 0 : i32
      %dma_wait3A_181 = arith.constant 0 : i32
      %dma_wait3A_182 = tpu.memref_slice %arg8[%add3A, %dma_wait3A, %dma_wait3A_180, %dma_wait3A_181] : memref<32x40x1x125xi32, #tpu.memory_space<hbm>> -> memref<1x40x1x125xi32, #tpu.memory_space<hbm>>
      %dma_wait3A_183 = tpu.memref_squeeze %dma_wait3A_182 : memref<1x40x1x125xi32, #tpu.memory_space<hbm>> -> memref<40x1x125xi32, #tpu.memory_space<hbm>>
      %dma_wait3A_184 = arith.constant 0 : i32
      %dma_wait3A_185 = arith.constant 0 : i32
      %dma_wait3A_186 = arith.constant 0 : i32
      %dma_wait3A_187 = tpu.memref_slice %arg8[%add3A, %dma_wait3A_184, %dma_wait3A_185, %dma_wait3A_186] : memref<32x40x1x125xi32, #tpu.memory_space<hbm>> -> memref<1x40x1x125xi32, #tpu.memory_space<hbm>>
      %dma_wait3A_188 = tpu.memref_squeeze %dma_wait3A_187 : memref<1x40x1x125xi32, #tpu.memory_space<hbm>> -> memref<40x1x125xi32, #tpu.memory_space<hbm>>
      tpu.wait_dma2 semaphore(%run_scoped3A : memref<!tpu.dma_semaphore, #tpu.memory_space<semaphore_mem>>) src(%dma_wait3A_188 : memref<40x1x125xi32, #tpu.memory_space<hbm>>) dst(%arg15 : memref<40x1x125xi32, #tpu.memory_space<vmem>>)
      tpu.yield
    }) : () -> ()
    %broadcast_in_dim3A = arith.constant 0.000000e+00 : f32
    %broadcast_in_dim3A_1 = vector.broadcast %broadcast_in_dim3A : f32 to vector<16xf32>
    %scan3A = arith.constant 0 : i32
    %scan3A_2 = arith.constant 0 : i32
    %scan3A_3 = arith.constant 40 : i32
    %scan3A_4 = arith.addi %scan3A_2, %scan3A_3 : i32
    %scan3A_5 = arith.constant 1 : i32
    scf.for %scan3A_170 = %scan3A_2 to %scan3A_4 step %scan3A_5  : i32 {
      %swap3A = arith.index_cast %scan3A_170 : i32 to index
      %swap3A_171 = arith.constant 0 : index
      %swap3A_172 = tpu.vector_load %arg18[%swap3A, %swap3A_171] {strides = array<i32>} : memref<40x128xf32, #tpu.memory_space<vmem>>, vector<1x16xf32>,
      %swap3A_173 = vector.shape_cast %swap3A_172 : vector<1x16xf32> to vector<16xf32>
      %swap3A_174 = vector.shape_cast %broadcast_in_dim3A_1 : vector<16xf32> to vector<1x16xf32>
      tpu.vector_store %arg18[%swap3A, %swap3A_171], %swap3A_174 {strides = array<i32>} : memref<40x128xf32, #tpu.memory_space<vmem>>, vector<1x16xf32>,
      %swap3A_175 = arith.index_cast %scan3A_170 : i32 to index
      %swap3A_176 = arith.constant 16 : index
      %swap3A_177 = tpu.vector_load %arg18[%swap3A_175, %swap3A_176] {strides = array<i32>} : memref<40x128xf32, #tpu.memory_space<vmem>>, vector<1x16xf32>,
      %swap3A_178 = vector.shape_cast %swap3A_177 : vector<1x16xf32> to vector<16xf32>
      %swap3A_179 = vector.shape_cast %broadcast_in_dim3A_1 : vector<16xf32> to vector<1x16xf32>
      tpu.vector_store %arg18[%swap3A_175, %swap3A_176], %swap3A_179 {strides = array<i32>} : memref<40x128xf32, #tpu.memory_space<vmem>>, vector<1x16xf32>,
      %swap3A_180 = arith.index_cast %scan3A_170 : i32 to index
      %swap3A_181 = arith.constant 32 : index
      %swap3A_182 = tpu.vector_load %arg18[%swap3A_180, %swap3A_181] {strides = array<i32>} : memref<40x128xf32, #tpu.memory_space<vmem>>, vector<1x16xf32>,
      %swap3A_183 = vector.shape_cast %swap3A_182 : vector<1x16xf32> to vector<16xf32>
      %swap3A_184 = vector.shape_cast %broadcast_in_dim3A_1 : vector<16xf32> to vector<1x16xf32>
      tpu.vector_store %arg18[%swap3A_180, %swap3A_181], %swap3A_184 {strides = array<i32>} : memref<40x128xf32, #tpu.memory_space<vmem>>, vector<1x16xf32>,
      %swap3A_185 = arith.index_cast %scan3A_170 : i32 to index
      %swap3A_186 = arith.constant 48 : index
      %swap3A_187 = tpu.vector_load %arg18[%swap3A_185, %swap3A_186] {strides = array<i32>} : memref<40x128xf32, #tpu.memory_space<vmem>>, vector<1x16xf32>,
      %swap3A_188 = vector.shape_cast %swap3A_187 : vector<1x16xf32> to vector<16xf32>
      %swap3A_189 = vector.shape_cast %broadcast_in_dim3A_1 : vector<16xf32> to vector<1x16xf32>
      tpu.vector_store %arg18[%swap3A_185, %swap3A_186], %swap3A_189 {strides = array<i32>} : memref<40x128xf32, #tpu.memory_space<vmem>>, vector<1x16xf32>,
      %swap3A_190 = arith.index_cast %scan3A_170 : i32 to index
      %swap3A_191 = arith.constant 64 : index
      %swap3A_192 = tpu.vector_load %arg18[%swap3A_190, %swap3A_191] {strides = array<i32>} : memref<40x128xf32, #tpu.memory_space<vmem>>, vector<1x16xf32>,
      %swap3A_193 = vector.shape_cast %swap3A_192 : vector<1x16xf32> to vector<16xf32>
      %swap3A_194 = vector.shape_cast %broadcast_in_dim3A_1 : vector<16xf32> to vector<1x16xf32>
      tpu.vector_store %arg18[%swap3A_190, %swap3A_191], %swap3A_194 {strides = array<i32>} : memref<40x128xf32, #tpu.memory_space<vmem>>, vector<1x16xf32>,
      %swap3A_195 = arith.index_cast %scan3A_170 : i32 to index
      %swap3A_196 = arith.constant 80 : index
      %swap3A_197 = tpu.vector_load %arg18[%swap3A_195, %swap3A_196] {strides = array<i32>} : memref<40x128xf32, #tpu.memory_space<vmem>>, vector<1x16xf32>,
      %swap3A_198 = vector.shape_cast %swap3A_197 : vector<1x16xf32> to vector<16xf32>
      %swap3A_199 = vector.shape_cast %broadcast_in_dim3A_1 : vector<16xf32> to vector<1x16xf32>
      tpu.vector_store %arg18[%swap3A_195, %swap3A_196], %swap3A_199 {strides = array<i32>} : memref<40x128xf32, #tpu.memory_space<vmem>>, vector<1x16xf32>,
      %swap3A_200 = arith.index_cast %scan3A_170 : i32 to index
      %swap3A_201 = arith.constant 96 : index
      %swap3A_202 = tpu.vector_load %arg18[%swap3A_200, %swap3A_201] {strides = array<i32>} : memref<40x128xf32, #tpu.memory_space<vmem>>, vector<1x16xf32>,
      %swap3A_203 = vector.shape_cast %swap3A_202 : vector<1x16xf32> to vector<16xf32>
      %swap3A_204 = vector.shape_cast %broadcast_in_dim3A_1 : vector<16xf32> to vector<1x16xf32>
      tpu.vector_store %arg18[%swap3A_200, %swap3A_201], %swap3A_204 {strides = array<i32>} : memref<40x128xf32, #tpu.memory_space<vmem>>, vector<1x16xf32>,
      %swap3A_205 = arith.index_cast %scan3A_170 : i32 to index
      %swap3A_206 = arith.constant 112 : index
      %swap3A_207 = tpu.vector_load %arg18[%swap3A_205, %swap3A_206] {strides = array<i32>} : memref<40x128xf32, #tpu.memory_space<vmem>>, vector<1x16xf32>,
      %swap3A_208 = vector.shape_cast %swap3A_207 : vector<1x16xf32> to vector<16xf32>
      %swap3A_209 = vector.shape_cast %broadcast_in_dim3A_1 : vector<16xf32> to vector<1x16xf32>
      tpu.vector_store %arg18[%swap3A_205, %swap3A_206], %swap3A_209 {strides = array<i32>} : memref<40x128xf32, #tpu.memory_space<vmem>>, vector<1x16xf32>,
    }
    %scan3A_6 = arith.constant 40 : i32
    %mul3A_7 = arith.constant 640 : i32
    %mul3A_8 = arith.muli %arg1, %mul3A_7 : i32
    %add3A_9 = arith.constant 0 : i32
    %add3A_10 = arith.addi %mul3A_8, %add3A_9 : i32
    "tpu.region"() ({
      %run_scoped3A = tpu.sem_alloc : memref<!tpu.dma_semaphore, #tpu.memory_space<semaphore_mem>>
      %dma_start3A_170 = arith.constant 0 : i32
      %dma_start3A_171 = tpu.memref_slice %arg19[%add3A_10, %dma_start3A_170] : memref<10240x128xf32, #tpu.memory_space<vmem_shared>> -> memref<40x128xf32, #tpu.memory_space<vmem_shared>>
      %dma_start3A_172 = arith.constant 0 : i32
      %dma_start3A_173 = tpu.memref_slice %arg19[%add3A_10, %dma_start3A_172] : memref<10240x128xf32, #tpu.memory_space<vmem_shared>> -> memref<40x128xf32, #tpu.memory_space<vmem_shared>>
      tpu.enqueue_dma source(%arg18 : memref<40x128xf32, #tpu.memory_space<vmem>>) target(%dma_start3A_173 : memref<40x128xf32, #tpu.memory_space<vmem_shared>>) target_semaphore(%run_scoped3A : memref<!tpu.dma_semaphore, #tpu.memory_space<semaphore_mem>>)
      %dma_wait3A = arith.constant 0 : i32
      %dma_wait3A_174 = tpu.memref_slice %arg19[%add3A_10, %dma_wait3A] : memref<10240x128xf32, #tpu.memory_space<vmem_shared>> -> memref<40x128xf32, #tpu.memory_space<vmem_shared>>
      %dma_wait3A_175 = arith.constant 0 : i32
      %dma_wait3A_176 = tpu.memref_slice %arg19[%add3A_10, %dma_wait3A_175] : memref<10240x128xf32, #tpu.memory_space<vmem_shared>> -> memref<40x128xf32, #tpu.memory_space<vmem_shared>>
      tpu.wait_dma2 semaphore(%run_scoped3A : memref<!tpu.dma_semaphore, #tpu.memory_space<semaphore_mem>>) src(%arg18 : memref<40x128xf32, #tpu.memory_space<vmem>>) dst(%dma_wait3A_176 : memref<40x128xf32, #tpu.memory_space<vmem_shared>>)
      tpu.yield
    }) : () -> ()
    %mul3A_11 = arith.constant 640 : i32
    %mul3A_12 = arith.muli %arg1, %mul3A_11 : i32
    %add3A_13 = arith.constant 40 : i32
    %add3A_14 = arith.addi %mul3A_12, %add3A_13 : i32
    "tpu.region"() ({
      %run_scoped3A = tpu.sem_alloc : memref<!tpu.dma_semaphore, #tpu.memory_space<semaphore_mem>>
      %dma_start3A_170 = arith.constant 0 : i32
      %dma_start3A_171 = tpu.memref_slice %arg19[%add3A_14, %dma_start3A_170] : memref<10240x128xf32, #tpu.memory_space<vmem_shared>> -> memref<40x128xf32, #tpu.memory_space<vmem_shared>>
      %dma_start3A_172 = arith.constant 0 : i32
      %dma_start3A_173 = tpu.memref_slice %arg19[%add3A_14, %dma_start3A_172] : memref<10240x128xf32, #tpu.memory_space<vmem_shared>> -> memref<40x128xf32, #tpu.memory_space<vmem_shared>>
      tpu.enqueue_dma source(%arg18 : memref<40x128xf32, #tpu.memory_space<vmem>>) target(%dma_start3A_173 : memref<40x128xf32, #tpu.memory_space<vmem_shared>>) target_semaphore(%run_scoped3A : memref<!tpu.dma_semaphore, #tpu.memory_space<semaphore_mem>>)
      %dma_wait3A = arith.constant 0 : i32
      %dma_wait3A_174 = tpu.memref_slice %arg19[%add3A_14, %dma_wait3A] : memref<10240x128xf32, #tpu.memory_space<vmem_shared>> -> memref<40x128xf32, #tpu.memory_space<vmem_shared>>
      %dma_wait3A_175 = arith.constant 0 : i32
      %dma_wait3A_176 = tpu.memref_slice %arg19[%add3A_14, %dma_wait3A_175] : memref<10240x128xf32, #tpu.memory_space<vmem_shared>> -> memref<40x128xf32, #tpu.memory_space<vmem_shared>>
      tpu.wait_dma2 semaphore(%run_scoped3A : memref<!tpu.dma_semaphore, #tpu.memory_space<semaphore_mem>>) src(%arg18 : memref<40x128xf32, #tpu.memory_space<vmem>>) dst(%dma_wait3A_176 : memref<40x128xf32, #tpu.memory_space<vmem_shared>>)
      tpu.yield
    }) : () -> ()
    %mul3A_15 = arith.constant 640 : i32
    %mul3A_16 = arith.muli %arg1, %mul3A_15 : i32
    %add3A_17 = arith.constant 80 : i32
    %add3A_18 = arith.addi %mul3A_16, %add3A_17 : i32
    "tpu.region"() ({
      %run_scoped3A = tpu.sem_alloc : memref<!tpu.dma_semaphore, #tpu.memory_space<semaphore_mem>>
      %dma_start3A_170 = arith.constant 0 : i32
      %dma_start3A_171 = tpu.memref_slice %arg19[%add3A_18, %dma_start3A_170] : memref<10240x128xf32, #tpu.memory_space<vmem_shared>> -> memref<40x128xf32, #tpu.memory_space<vmem_shared>>
      %dma_start3A_172 = arith.constant 0 : i32
      %dma_start3A_173 = tpu.memref_slice %arg19[%add3A_18, %dma_start3A_172] : memref<10240x128xf32, #tpu.memory_space<vmem_shared>> -> memref<40x128xf32, #tpu.memory_space<vmem_shared>>
      tpu.enqueue_dma source(%arg18 : memref<40x128xf32, #tpu.memory_space<vmem>>) target(%dma_start3A_173 : memref<40x128xf32, #tpu.memory_space<vmem_shared>>) target_semaphore(%run_scoped3A : memref<!tpu.dma_semaphore, #tpu.memory_space<semaphore_mem>>)
      %dma_wait3A = arith.constant 0 : i32
      %dma_wait3A_174 = tpu.memref_slice %arg19[%add3A_18, %dma_wait3A] : memref<10240x128xf32, #tpu.memory_space<vmem_shared>> -> memref<40x128xf32, #tpu.memory_space<vmem_shared>>
      %dma_wait3A_175 = arith.constant 0 : i32
      %dma_wait3A_176 = tpu.memref_slice %arg19[%add3A_18, %dma_wait3A_175] : memref<10240x128xf32, #tpu.memory_space<vmem_shared>> -> memref<40x128xf32, #tpu.memory_space<vmem_shared>>
      tpu.wait_dma2 semaphore(%run_scoped3A : memref<!tpu.dma_semaphore, #tpu.memory_space<semaphore_mem>>) src(%arg18 : memref<40x128xf32, #tpu.memory_space<vmem>>) dst(%dma_wait3A_176 : memref<40x128xf32, #tpu.memory_space<vmem_shared>>)
      tpu.yield
    }) : () -> ()
    %mul3A_19 = arith.constant 640 : i32
    %mul3A_20 = arith.muli %arg1, %mul3A_19 : i32
    %add3A_21 = arith.constant 120 : i32
    %add3A_22 = arith.addi %mul3A_20, %add3A_21 : i32
    "tpu.region"() ({
      %run_scoped3A = tpu.sem_alloc : memref<!tpu.dma_semaphore, #tpu.memory_space<semaphore_mem>>
      %dma_start3A_170 = arith.constant 0 : i32
      %dma_start3A_171 = tpu.memref_slice %arg19[%add3A_22, %dma_start3A_170] : memref<10240x128xf32, #tpu.memory_space<vmem_shared>> -> memref<40x128xf32, #tpu.memory_space<vmem_shared>>
      %dma_start3A_172 = arith.constant 0 : i32
      %dma_start3A_173 = tpu.memref_slice %arg19[%add3A_22, %dma_start3A_172] : memref<10240x128xf32, #tpu.memory_space<vmem_shared>> -> memref<40x128xf32, #tpu.memory_space<vmem_shared>>
      tpu.enqueue_dma source(%arg18 : memref<40x128xf32, #tpu.memory_space<vmem>>) target(%dma_start3A_173 : memref<40x128xf32, #tpu.memory_space<vmem_shared>>) target_semaphore(%run_scoped3A : memref<!tpu.dma_semaphore, #tpu.memory_space<semaphore_mem>>)
      %dma_wait3A = arith.constant 0 : i32
      %dma_wait3A_174 = tpu.memref_slice %arg19[%add3A_22, %dma_wait3A] : memref<10240x128xf32, #tpu.memory_space<vmem_shared>> -> memref<40x128xf32, #tpu.memory_space<vmem_shared>>
      %dma_wait3A_175 = arith.constant 0 : i32
      %dma_wait3A_176 = tpu.memref_slice %arg19[%add3A_22, %dma_wait3A_175] : memref<10240x128xf32, #tpu.memory_space<vmem_shared>> -> memref<40x128xf32, #tpu.memory_space<vmem_shared>>
      tpu.wait_dma2 semaphore(%run_scoped3A : memref<!tpu.dma_semaphore, #tpu.memory_space<semaphore_mem>>) src(%arg18 : memref<40x128xf32, #tpu.memory_space<vmem>>) dst(%dma_wait3A_176 : memref<40x128xf32, #tpu.memory_space<vmem_shared>>)
      tpu.yield
    }) : () -> ()
    %mul3A_23 = arith.constant 640 : i32
    %mul3A_24 = arith.muli %arg1, %mul3A_23 : i32
    %add3A_25 = arith.constant 160 : i32
    %add3A_26 = arith.addi %mul3A_24, %add3A_25 : i32
    "tpu.region"() ({
      %run_scoped3A = tpu.sem_alloc : memref<!tpu.dma_semaphore, #tpu.memory_space<semaphore_mem>>
      %dma_start3A_170 = arith.constant 0 : i32
      %dma_start3A_171 = tpu.memref_slice %arg19[%add3A_26, %dma_start3A_170] : memref<10240x128xf32, #tpu.memory_space<vmem_shared>> -> memref<40x128xf32, #tpu.memory_space<vmem_shared>>
      %dma_start3A_172 = arith.constant 0 : i32
      %dma_start3A_173 = tpu.memref_slice %arg19[%add3A_26, %dma_start3A_172] : memref<10240x128xf32, #tpu.memory_space<vmem_shared>> -> memref<40x128xf32, #tpu.memory_space<vmem_shared>>
      tpu.enqueue_dma source(%arg18 : memref<40x128xf32, #tpu.memory_space<vmem>>) target(%dma_start3A_173 : memref<40x128xf32, #tpu.memory_space<vmem_shared>>) target_semaphore(%run_scoped3A : memref<!tpu.dma_semaphore, #tpu.memory_space<semaphore_mem>>)
      %dma_wait3A = arith.constant 0 : i32
      %dma_wait3A_174 = tpu.memref_slice %arg19[%add3A_26, %dma_wait3A] : memref<10240x128xf32, #tpu.memory_space<vmem_shared>> -> memref<40x128xf32, #tpu.memory_space<vmem_shared>>
      %dma_wait3A_175 = arith.constant 0 : i32
      %dma_wait3A_176 = tpu.memref_slice %arg19[%add3A_26, %dma_wait3A_175] : memref<10240x128xf32, #tpu.memory_space<vmem_shared>> -> memref<40x128xf32, #tpu.memory_space<vmem_shared>>
      tpu.wait_dma2 semaphore(%run_scoped3A : memref<!tpu.dma_semaphore, #tpu.memory_space<semaphore_mem>>) src(%arg18 : memref<40x128xf32, #tpu.memory_space<vmem>>) dst(%dma_wait3A_176 : memref<40x128xf32, #tpu.memory_space<vmem_shared>>)
      tpu.yield
    }) : () -> ()
    %mul3A_27 = arith.constant 640 : i32
    %mul3A_28 = arith.muli %arg1, %mul3A_27 : i32
    %add3A_29 = arith.constant 200 : i32
    %add3A_30 = arith.addi %mul3A_28, %add3A_29 : i32
    "tpu.region"() ({
      %run_scoped3A = tpu.sem_alloc : memref<!tpu.dma_semaphore, #tpu.memory_space<semaphore_mem>>
      %dma_start3A_170 = arith.constant 0 : i32
      %dma_start3A_171 = tpu.memref_slice %arg19[%add3A_30, %dma_start3A_170] : memref<10240x128xf32, #tpu.memory_space<vmem_shared>> -> memref<40x128xf32, #tpu.memory_space<vmem_shared>>
      %dma_start3A_172 = arith.constant 0 : i32
      %dma_start3A_173 = tpu.memref_slice %arg19[%add3A_30, %dma_start3A_172] : memref<10240x128xf32, #tpu.memory_space<vmem_shared>> -> memref<40x128xf32, #tpu.memory_space<vmem_shared>>
      tpu.enqueue_dma source(%arg18 : memref<40x128xf32, #tpu.memory_space<vmem>>) target(%dma_start3A_173 : memref<40x128xf32, #tpu.memory_space<vmem_shared>>) target_semaphore(%run_scoped3A : memref<!tpu.dma_semaphore, #tpu.memory_space<semaphore_mem>>)
      %dma_wait3A = arith.constant 0 : i32
      %dma_wait3A_174 = tpu.memref_slice %arg19[%add3A_30, %dma_wait3A] : memref<10240x128xf32, #tpu.memory_space<vmem_shared>> -> memref<40x128xf32, #tpu.memory_space<vmem_shared>>
      %dma_wait3A_175 = arith.constant 0 : i32
      %dma_wait3A_176 = tpu.memref_slice %arg19[%add3A_30, %dma_wait3A_175] : memref<10240x128xf32, #tpu.memory_space<vmem_shared>> -> memref<40x128xf32, #tpu.memory_space<vmem_shared>>
      tpu.wait_dma2 semaphore(%run_scoped3A : memref<!tpu.dma_semaphore, #tpu.memory_space<semaphore_mem>>) src(%arg18 : memref<40x128xf32, #tpu.memory_space<vmem>>) dst(%dma_wait3A_176 : memref<40x128xf32, #tpu.memory_space<vmem_shared>>)
      tpu.yield
    }) : () -> ()
    %mul3A_31 = arith.constant 640 : i32
    %mul3A_32 = arith.muli %arg1, %mul3A_31 : i32
    %add3A_33 = arith.constant 240 : i32
    %add3A_34 = arith.addi %mul3A_32, %add3A_33 : i32
    "tpu.region"() ({
      %run_scoped3A = tpu.sem_alloc : memref<!tpu.dma_semaphore, #tpu.memory_space<semaphore_mem>>
      %dma_start3A_170 = arith.constant 0 : i32
      %dma_start3A_171 = tpu.memref_slice %arg19[%add3A_34, %dma_start3A_170] : memref<10240x128xf32, #tpu.memory_space<vmem_shared>> -> memref<40x128xf32, #tpu.memory_space<vmem_shared>>
      %dma_start3A_172 = arith.constant 0 : i32
      %dma_start3A_173 = tpu.memref_slice %arg19[%add3A_34, %dma_start3A_172] : memref<10240x128xf32, #tpu.memory_space<vmem_shared>> -> memref<40x128xf32, #tpu.memory_space<vmem_shared>>
      tpu.enqueue_dma source(%arg18 : memref<40x128xf32, #tpu.memory_space<vmem>>) target(%dma_start3A_173 : memref<40x128xf32, #tpu.memory_space<vmem_shared>>) target_semaphore(%run_scoped3A : memref<!tpu.dma_semaphore, #tpu.memory_space<semaphore_mem>>)
      %dma_wait3A = arith.constant 0 : i32
      %dma_wait3A_174 = tpu.memref_slice %arg19[%add3A_34, %dma_wait3A] : memref<10240x128xf32, #tpu.memory_space<vmem_shared>> -> memref<40x128xf32, #tpu.memory_space<vmem_shared>>
      %dma_wait3A_175 = arith.constant 0 : i32
      %dma_wait3A_176 = tpu.memref_slice %arg19[%add3A_34, %dma_wait3A_175] : memref<10240x128xf32, #tpu.memory_space<vmem_shared>> -> memref<40x128xf32, #tpu.memory_space<vmem_shared>>
      tpu.wait_dma2 semaphore(%run_scoped3A : memref<!tpu.dma_semaphore, #tpu.memory_space<semaphore_mem>>) src(%arg18 : memref<40x128xf32, #tpu.memory_space<vmem>>) dst(%dma_wait3A_176 : memref<40x128xf32, #tpu.memory_space<vmem_shared>>)
      tpu.yield
    }) : () -> ()
    %mul3A_35 = arith.constant 640 : i32
    %mul3A_36 = arith.muli %arg1, %mul3A_35 : i32
    %add3A_37 = arith.constant 280 : i32
    %add3A_38 = arith.addi %mul3A_36, %add3A_37 : i32
    "tpu.region"() ({
      %run_scoped3A = tpu.sem_alloc : memref<!tpu.dma_semaphore, #tpu.memory_space<semaphore_mem>>
      %dma_start3A_170 = arith.constant 0 : i32
      %dma_start3A_171 = tpu.memref_slice %arg19[%add3A_38, %dma_start3A_170] : memref<10240x128xf32, #tpu.memory_space<vmem_shared>> -> memref<40x128xf32, #tpu.memory_space<vmem_shared>>
      %dma_start3A_172 = arith.constant 0 : i32
      %dma_start3A_173 = tpu.memref_slice %arg19[%add3A_38, %dma_start3A_172] : memref<10240x128xf32, #tpu.memory_space<vmem_shared>> -> memref<40x128xf32, #tpu.memory_space<vmem_shared>>
      tpu.enqueue_dma source(%arg18 : memref<40x128xf32, #tpu.memory_space<vmem>>) target(%dma_start3A_173 : memref<40x128xf32, #tpu.memory_space<vmem_shared>>) target_semaphore(%run_scoped3A : memref<!tpu.dma_semaphore, #tpu.memory_space<semaphore_mem>>)
      %dma_wait3A = arith.constant 0 : i32
      %dma_wait3A_174 = tpu.memref_slice %arg19[%add3A_38, %dma_wait3A] : memref<10240x128xf32, #tpu.memory_space<vmem_shared>> -> memref<40x128xf32, #tpu.memory_space<vmem_shared>>
      %dma_wait3A_175 = arith.constant 0 : i32
      %dma_wait3A_176 = tpu.memref_slice %arg19[%add3A_38, %dma_wait3A_175] : memref<10240x128xf32, #tpu.memory_space<vmem_shared>> -> memref<40x128xf32, #tpu.memory_space<vmem_shared>>
      tpu.wait_dma2 semaphore(%run_scoped3A : memref<!tpu.dma_semaphore, #tpu.memory_space<semaphore_mem>>) src(%arg18 : memref<40x128xf32, #tpu.memory_space<vmem>>) dst(%dma_wait3A_176 : memref<40x128xf32, #tpu.memory_space<vmem_shared>>)
      tpu.yield
    }) : () -> ()
    %mul3A_39 = arith.constant 640 : i32
    %mul3A_40 = arith.muli %arg1, %mul3A_39 : i32
    %add3A_41 = arith.constant 320 : i32
    %add3A_42 = arith.addi %mul3A_40, %add3A_41 : i32
    "tpu.region"() ({
      %run_scoped3A = tpu.sem_alloc : memref<!tpu.dma_semaphore, #tpu.memory_space<semaphore_mem>>
      %dma_start3A_170 = arith.constant 0 : i32
      %dma_start3A_171 = tpu.memref_slice %arg19[%add3A_42, %dma_start3A_170] : memref<10240x128xf32, #tpu.memory_space<vmem_shared>> -> memref<40x128xf32, #tpu.memory_space<vmem_shared>>
      %dma_start3A_172 = arith.constant 0 : i32
      %dma_start3A_173 = tpu.memref_slice %arg19[%add3A_42, %dma_start3A_172] : memref<10240x128xf32, #tpu.memory_space<vmem_shared>> -> memref<40x128xf32, #tpu.memory_space<vmem_shared>>
      tpu.enqueue_dma source(%arg18 : memref<40x128xf32, #tpu.memory_space<vmem>>) target(%dma_start3A_173 : memref<40x128xf32, #tpu.memory_space<vmem_shared>>) target_semaphore(%run_scoped3A : memref<!tpu.dma_semaphore, #tpu.memory_space<semaphore_mem>>)
      %dma_wait3A = arith.constant 0 : i32
      %dma_wait3A_174 = tpu.memref_slice %arg19[%add3A_42, %dma_wait3A] : memref<10240x128xf32, #tpu.memory_space<vmem_shared>> -> memref<40x128xf32, #tpu.memory_space<vmem_shared>>
      %dma_wait3A_175 = arith.constant 0 : i32
      %dma_wait3A_176 = tpu.memref_slice %arg19[%add3A_42, %dma_wait3A_175] : memref<10240x128xf32, #tpu.memory_space<vmem_shared>> -> memref<40x128xf32, #tpu.memory_space<vmem_shared>>
      tpu.wait_dma2 semaphore(%run_scoped3A : memref<!tpu.dma_semaphore, #tpu.memory_space<semaphore_mem>>) src(%arg18 : memref<40x128xf32, #tpu.memory_space<vmem>>) dst(%dma_wait3A_176 : memref<40x128xf32, #tpu.memory_space<vmem_shared>>)
      tpu.yield
    }) : () -> ()
    %mul3A_43 = arith.constant 640 : i32
    %mul3A_44 = arith.muli %arg1, %mul3A_43 : i32
    %add3A_45 = arith.constant 360 : i32
    %add3A_46 = arith.addi %mul3A_44, %add3A_45 : i32
    "tpu.region"() ({
      %run_scoped3A = tpu.sem_alloc : memref<!tpu.dma_semaphore, #tpu.memory_space<semaphore_mem>>
      %dma_start3A_170 = arith.constant 0 : i32
      %dma_start3A_171 = tpu.memref_slice %arg19[%add3A_46, %dma_start3A_170] : memref<10240x128xf32, #tpu.memory_space<vmem_shared>> -> memref<40x128xf32, #tpu.memory_space<vmem_shared>>
      %dma_start3A_172 = arith.constant 0 : i32
      %dma_start3A_173 = tpu.memref_slice %arg19[%add3A_46, %dma_start3A_172] : memref<10240x128xf32, #tpu.memory_space<vmem_shared>> -> memref<40x128xf32, #tpu.memory_space<vmem_shared>>
      tpu.enqueue_dma source(%arg18 : memref<40x128xf32, #tpu.memory_space<vmem>>) target(%dma_start3A_173 : memref<40x128xf32, #tpu.memory_space<vmem_shared>>) target_semaphore(%run_scoped3A : memref<!tpu.dma_semaphore, #tpu.memory_space<semaphore_mem>>)
      %dma_wait3A = arith.constant 0 : i32
      %dma_wait3A_174 = tpu.memref_slice %arg19[%add3A_46, %dma_wait3A] : memref<10240x128xf32, #tpu.memory_space<vmem_shared>> -> memref<40x128xf32, #tpu.memory_space<vmem_shared>>
      %dma_wait3A_175 = arith.constant 0 : i32
      %dma_wait3A_176 = tpu.memref_slice %arg19[%add3A_46, %dma_wait3A_175] : memref<10240x128xf32, #tpu.memory_space<vmem_shared>> -> memref<40x128xf32, #tpu.memory_space<vmem_shared>>
      tpu.wait_dma2 semaphore(%run_scoped3A : memref<!tpu.dma_semaphore, #tpu.memory_space<semaphore_mem>>) src(%arg18 : memref<40x128xf32, #tpu.memory_space<vmem>>) dst(%dma_wait3A_176 : memref<40x128xf32, #tpu.memory_space<vmem_shared>>)
      tpu.yield
    }) : () -> ()
    %mul3A_47 = arith.constant 640 : i32
    %mul3A_48 = arith.muli %arg1, %mul3A_47 : i32
    %add3A_49 = arith.constant 400 : i32
    %add3A_50 = arith.addi %mul3A_48, %add3A_49 : i32
    "tpu.region"() ({
      %run_scoped3A = tpu.sem_alloc : memref<!tpu.dma_semaphore, #tpu.memory_space<semaphore_mem>>
      %dma_start3A_170 = arith.constant 0 : i32
      %dma_start3A_171 = tpu.memref_slice %arg19[%add3A_50, %dma_start3A_170] : memref<10240x128xf32, #tpu.memory_space<vmem_shared>> -> memref<40x128xf32, #tpu.memory_space<vmem_shared>>
      %dma_start3A_172 = arith.constant 0 : i32
      %dma_start3A_173 = tpu.memref_slice %arg19[%add3A_50, %dma_start3A_172] : memref<10240x128xf32, #tpu.memory_space<vmem_shared>> -> memref<40x128xf32, #tpu.memory_space<vmem_shared>>
      tpu.enqueue_dma source(%arg18 : memref<40x128xf32, #tpu.memory_space<vmem>>) target(%dma_start3A_173 : memref<40x128xf32, #tpu.memory_space<vmem_shared>>) target_semaphore(%run_scoped3A : memref<!tpu.dma_semaphore, #tpu.memory_space<semaphore_mem>>)
      %dma_wait3A = arith.constant 0 : i32
      %dma_wait3A_174 = tpu.memref_slice %arg19[%add3A_50, %dma_wait3A] : memref<10240x128xf32, #tpu.memory_space<vmem_shared>> -> memref<40x128xf32, #tpu.memory_space<vmem_shared>>
      %dma_wait3A_175 = arith.constant 0 : i32
      %dma_wait3A_176 = tpu.memref_slice %arg19[%add3A_50, %dma_wait3A_175] : memref<10240x128xf32, #tpu.memory_space<vmem_shared>> -> memref<40x128xf32, #tpu.memory_space<vmem_shared>>
      tpu.wait_dma2 semaphore(%run_scoped3A : memref<!tpu.dma_semaphore, #tpu.memory_space<semaphore_mem>>) src(%arg18 : memref<40x128xf32, #tpu.memory_space<vmem>>) dst(%dma_wait3A_176 : memref<40x128xf32, #tpu.memory_space<vmem_shared>>)
      tpu.yield
    }) : () -> ()
    %mul3A_51 = arith.constant 640 : i32
    %mul3A_52 = arith.muli %arg1, %mul3A_51 : i32
    %add3A_53 = arith.constant 440 : i32
    %add3A_54 = arith.addi %mul3A_52, %add3A_53 : i32
    "tpu.region"() ({
      %run_scoped3A = tpu.sem_alloc : memref<!tpu.dma_semaphore, #tpu.memory_space<semaphore_mem>>
      %dma_start3A_170 = arith.constant 0 : i32
      %dma_start3A_171 = tpu.memref_slice %arg19[%add3A_54, %dma_start3A_170] : memref<10240x128xf32, #tpu.memory_space<vmem_shared>> -> memref<40x128xf32, #tpu.memory_space<vmem_shared>>
      %dma_start3A_172 = arith.constant 0 : i32
      %dma_start3A_173 = tpu.memref_slice %arg19[%add3A_54, %dma_start3A_172] : memref<10240x128xf32, #tpu.memory_space<vmem_shared>> -> memref<40x128xf32, #tpu.memory_space<vmem_shared>>
      tpu.enqueue_dma source(%arg18 : memref<40x128xf32, #tpu.memory_space<vmem>>) target(%dma_start3A_173 : memref<40x128xf32, #tpu.memory_space<vmem_shared>>) target_semaphore(%run_scoped3A : memref<!tpu.dma_semaphore, #tpu.memory_space<semaphore_mem>>)
      %dma_wait3A = arith.constant 0 : i32
      %dma_wait3A_174 = tpu.memref_slice %arg19[%add3A_54, %dma_wait3A] : memref<10240x128xf32, #tpu.memory_space<vmem_shared>> -> memref<40x128xf32, #tpu.memory_space<vmem_shared>>
      %dma_wait3A_175 = arith.constant 0 : i32
      %dma_wait3A_176 = tpu.memref_slice %arg19[%add3A_54, %dma_wait3A_175] : memref<10240x128xf32, #tpu.memory_space<vmem_shared>> -> memref<40x128xf32, #tpu.memory_space<vmem_shared>>
      tpu.wait_dma2 semaphore(%run_scoped3A : memref<!tpu.dma_semaphore, #tpu.memory_space<semaphore_mem>>) src(%arg18 : memref<40x128xf32, #tpu.memory_space<vmem>>) dst(%dma_wait3A_176 : memref<40x128xf32, #tpu.memory_space<vmem_shared>>)
      tpu.yield
    }) : () -> ()
    %mul3A_55 = arith.constant 640 : i32
    %mul3A_56 = arith.muli %arg1, %mul3A_55 : i32
    %add3A_57 = arith.constant 480 : i32
    %add3A_58 = arith.addi %mul3A_56, %add3A_57 : i32
    "tpu.region"() ({
      %run_scoped3A = tpu.sem_alloc : memref<!tpu.dma_semaphore, #tpu.memory_space<semaphore_mem>>
      %dma_start3A_170 = arith.constant 0 : i32
      %dma_start3A_171 = tpu.memref_slice %arg19[%add3A_58, %dma_start3A_170] : memref<10240x128xf32, #tpu.memory_space<vmem_shared>> -> memref<40x128xf32, #tpu.memory_space<vmem_shared>>
      %dma_start3A_172 = arith.constant 0 : i32
      %dma_start3A_173 = tpu.memref_slice %arg19[%add3A_58, %dma_start3A_172] : memref<10240x128xf32, #tpu.memory_space<vmem_shared>> -> memref<40x128xf32, #tpu.memory_space<vmem_shared>>
      tpu.enqueue_dma source(%arg18 : memref<40x128xf32, #tpu.memory_space<vmem>>) target(%dma_start3A_173 : memref<40x128xf32, #tpu.memory_space<vmem_shared>>) target_semaphore(%run_scoped3A : memref<!tpu.dma_semaphore, #tpu.memory_space<semaphore_mem>>)
      %dma_wait3A = arith.constant 0 : i32
      %dma_wait3A_174 = tpu.memref_slice %arg19[%add3A_58, %dma_wait3A] : memref<10240x128xf32, #tpu.memory_space<vmem_shared>> -> memref<40x128xf32, #tpu.memory_space<vmem_shared>>
      %dma_wait3A_175 = arith.constant 0 : i32
      %dma_wait3A_176 = tpu.memref_slice %arg19[%add3A_58, %dma_wait3A_175] : memref<10240x128xf32, #tpu.memory_space<vmem_shared>> -> memref<40x128xf32, #tpu.memory_space<vmem_shared>>
      tpu.wait_dma2 semaphore(%run_scoped3A : memref<!tpu.dma_semaphore, #tpu.memory_space<semaphore_mem>>) src(%arg18 : memref<40x128xf32, #tpu.memory_space<vmem>>) dst(%dma_wait3A_176 : memref<40x128xf32, #tpu.memory_space<vmem_shared>>)
      tpu.yield
    }) : () -> ()
    %mul3A_59 = arith.constant 640 : i32
    %mul3A_60 = arith.muli %arg1, %mul3A_59 : i32
    %add3A_61 = arith.constant 520 : i32
    %add3A_62 = arith.addi %mul3A_60, %add3A_61 : i32
    "tpu.region"() ({
      %run_scoped3A = tpu.sem_alloc : memref<!tpu.dma_semaphore, #tpu.memory_space<semaphore_mem>>
      %dma_start3A_170 = arith.constant 0 : i32
      %dma_start3A_171 = tpu.memref_slice %arg19[%add3A_62, %dma_start3A_170] : memref<10240x128xf32, #tpu.memory_space<vmem_shared>> -> memref<40x128xf32, #tpu.memory_space<vmem_shared>>
      %dma_start3A_172 = arith.constant 0 : i32
      %dma_start3A_173 = tpu.memref_slice %arg19[%add3A_62, %dma_start3A_172] : memref<10240x128xf32, #tpu.memory_space<vmem_shared>> -> memref<40x128xf32, #tpu.memory_space<vmem_shared>>
      tpu.enqueue_dma source(%arg18 : memref<40x128xf32, #tpu.memory_space<vmem>>) target(%dma_start3A_173 : memref<40x128xf32, #tpu.memory_space<vmem_shared>>) target_semaphore(%run_scoped3A : memref<!tpu.dma_semaphore, #tpu.memory_space<semaphore_mem>>)
      %dma_wait3A = arith.constant 0 : i32
      %dma_wait3A_174 = tpu.memref_slice %arg19[%add3A_62, %dma_wait3A] : memref<10240x128xf32, #tpu.memory_space<vmem_shared>> -> memref<40x128xf32, #tpu.memory_space<vmem_shared>>
      %dma_wait3A_175 = arith.constant 0 : i32
      %dma_wait3A_176 = tpu.memref_slice %arg19[%add3A_62, %dma_wait3A_175] : memref<10240x128xf32, #tpu.memory_space<vmem_shared>> -> memref<40x128xf32, #tpu.memory_space<vmem_shared>>
      tpu.wait_dma2 semaphore(%run_scoped3A : memref<!tpu.dma_semaphore, #tpu.memory_space<semaphore_mem>>) src(%arg18 : memref<40x128xf32, #tpu.memory_space<vmem>>) dst(%dma_wait3A_176 : memref<40x128xf32, #tpu.memory_space<vmem_shared>>)
      tpu.yield
    }) : () -> ()
    %mul3A_63 = arith.constant 640 : i32
    %mul3A_64 = arith.muli %arg1, %mul3A_63 : i32
    %add3A_65 = arith.constant 560 : i32
    %add3A_66 = arith.addi %mul3A_64, %add3A_65 : i32
    "tpu.region"() ({
      %run_scoped3A = tpu.sem_alloc : memref<!tpu.dma_semaphore, #tpu.memory_space<semaphore_mem>>
      %dma_start3A_170 = arith.constant 0 : i32
      %dma_start3A_171 = tpu.memref_slice %arg19[%add3A_66, %dma_start3A_170] : memref<10240x128xf32, #tpu.memory_space<vmem_shared>> -> memref<40x128xf32, #tpu.memory_space<vmem_shared>>
      %dma_start3A_172 = arith.constant 0 : i32
      %dma_start3A_173 = tpu.memref_slice %arg19[%add3A_66, %dma_start3A_172] : memref<10240x128xf32, #tpu.memory_space<vmem_shared>> -> memref<40x128xf32, #tpu.memory_space<vmem_shared>>
      tpu.enqueue_dma source(%arg18 : memref<40x128xf32, #tpu.memory_space<vmem>>) target(%dma_start3A_173 : memref<40x128xf32, #tpu.memory_space<vmem_shared>>) target_semaphore(%run_scoped3A : memref<!tpu.dma_semaphore, #tpu.memory_space<semaphore_mem>>)
      %dma_wait3A = arith.constant 0 : i32
      %dma_wait3A_174 = tpu.memref_slice %arg19[%add3A_66, %dma_wait3A] : memref<10240x128xf32, #tpu.memory_space<vmem_shared>> -> memref<40x128xf32, #tpu.memory_space<vmem_shared>>
      %dma_wait3A_175 = arith.constant 0 : i32
      %dma_wait3A_176 = tpu.memref_slice %arg19[%add3A_66, %dma_wait3A_175] : memref<10240x128xf32, #tpu.memory_space<vmem_shared>> -> memref<40x128xf32, #tpu.memory_space<vmem_shared>>
      tpu.wait_dma2 semaphore(%run_scoped3A : memref<!tpu.dma_semaphore, #tpu.memory_space<semaphore_mem>>) src(%arg18 : memref<40x128xf32, #tpu.memory_space<vmem>>) dst(%dma_wait3A_176 : memref<40x128xf32, #tpu.memory_space<vmem_shared>>)
      tpu.yield
    }) : () -> ()
    %mul3A_67 = arith.constant 640 : i32
    %mul3A_68 = arith.muli %arg1, %mul3A_67 : i32
    %add3A_69 = arith.constant 600 : i32
    %add3A_70 = arith.addi %mul3A_68, %add3A_69 : i32
    "tpu.region"() ({
      %run_scoped3A = tpu.sem_alloc : memref<!tpu.dma_semaphore, #tpu.memory_space<semaphore_mem>>
      %dma_start3A_170 = arith.constant 0 : i32
      %dma_start3A_171 = tpu.memref_slice %arg19[%add3A_70, %dma_start3A_170] : memref<10240x128xf32, #tpu.memory_space<vmem_shared>> -> memref<40x128xf32, #tpu.memory_space<vmem_shared>>
      %dma_start3A_172 = arith.constant 0 : i32
      %dma_start3A_173 = tpu.memref_slice %arg19[%add3A_70, %dma_start3A_172] : memref<10240x128xf32, #tpu.memory_space<vmem_shared>> -> memref<40x128xf32, #tpu.memory_space<vmem_shared>>
      tpu.enqueue_dma source(%arg18 : memref<40x128xf32, #tpu.memory_space<vmem>>) target(%dma_start3A_173 : memref<40x128xf32, #tpu.memory_space<vmem_shared>>) target_semaphore(%run_scoped3A : memref<!tpu.dma_semaphore, #tpu.memory_space<semaphore_mem>>)
      %dma_wait3A = arith.constant 0 : i32
      %dma_wait3A_174 = tpu.memref_slice %arg19[%add3A_70, %dma_wait3A] : memref<10240x128xf32, #tpu.memory_space<vmem_shared>> -> memref<40x128xf32, #tpu.memory_space<vmem_shared>>
      %dma_wait3A_175 = arith.constant 0 : i32
      %dma_wait3A_176 = tpu.memref_slice %arg19[%add3A_70, %dma_wait3A_175] : memref<10240x128xf32, #tpu.memory_space<vmem_shared>> -> memref<40x128xf32, #tpu.memory_space<vmem_shared>>
      tpu.wait_dma2 semaphore(%run_scoped3A : memref<!tpu.dma_semaphore, #tpu.memory_space<semaphore_mem>>) src(%arg18 : memref<40x128xf32, #tpu.memory_space<vmem>>) dst(%dma_wait3A_176 : memref<40x128xf32, #tpu.memory_space<vmem_shared>>)
      tpu.yield
    }) : () -> ()
    %barrier3A = arith.constant 0 : index
    tpu.barrier barrier_id(%barrier3A)
    %dma_start3A = arith.constant 0 : i32
    %dma_start3A_71 = arith.constant 0 : i32
    %dma_start3A_72 = arith.constant 0 : i32
    %dma_start3A_73 = tpu.memref_slice %arg14[%dma_start3A, %dma_start3A_71, %dma_start3A_72] : memref<40x1x125xi32, #tpu.memory_space<vmem>> -> memref<1x1x125xi32, #tpu.memory_space<vmem>>
    %dma_start3A_74 = tpu.memref_squeeze %dma_start3A_73 : memref<1x1x125xi32, #tpu.memory_space<vmem>> -> memref<125xi32, #tpu.memory_space<vmem>>
    %dma_start3A_75 = arith.constant 0 : i32
    %dma_start3A_76 = arith.constant 0 : i32
    %dma_start3A_77 = tpu.memref_slice %arg6[%dma_start3A_75, %dma_start3A_76] : memref<10000x128xf32, #tpu.memory_space<hbm>> -> memref<10000x128xf32, #tpu.memory_space<hbm>>
    tpu.enqueue_indirect_dma source(%dma_start3A_77 : memref<10000x128xf32, #tpu.memory_space<hbm>>) target(%arg16 : memref<125x128xf32, #tpu.memory_space<vmem>>) offsets(%dma_start3A_74 : memref<125xi32, #tpu.memory_space<vmem>>) semaphore(%arg20 : memref<!tpu.dma_semaphore, #tpu.memory_space<semaphore_mem>>)
    %scan3A_78 = arith.constant 0 : i32
    %scan3A_79 = arith.constant 0 : i32
    %scan3A_80 = arith.constant 20 : i32
    %scan3A_81 = arith.addi %scan3A_79, %scan3A_80 : i32
    %scan3A_82 = arith.constant 1 : i32
    scf.for %scan3A_170 = %scan3A_79 to %scan3A_81 step %scan3A_82  : i32 {
      %mul3A_171 = arith.constant 2 : i32
      %mul3A_172 = arith.muli %mul3A_171, %scan3A_170 : i32
      %add3A_173 = arith.constant 0 : i32
      %add3A_174 = arith.addi %mul3A_172, %add3A_173 : i32
      %add3A_175 = arith.constant 1 : i32
      %add3A_176 = arith.addi %add3A_174, %add3A_175 : i32
      %lt3A = arith.constant 40 : i32
      %lt3A_177 = arith.cmpi slt, %add3A_176, %lt3A : i32
      %convert_element_type3A = arith.extui %lt3A_177 : i1 to i32
      %cond3A = arith.constant 0 : i32
      %cond3A_178 = arith.cmpi ne, %convert_element_type3A, %cond3A : i32
      scf.if %cond3A_178 {
        %dma_start3A_204 = arith.constant 0 : i32
        %dma_start3A_205 = arith.constant 0 : i32
        %dma_start3A_206 = tpu.memref_slice %arg14[%add3A_176, %dma_start3A_204, %dma_start3A_205] : memref<40x1x125xi32, #tpu.memory_space<vmem>> -> memref<1x1x125xi32, #tpu.memory_space<vmem>>
        %dma_start3A_207 = tpu.memref_squeeze %dma_start3A_206 : memref<1x1x125xi32, #tpu.memory_space<vmem>> -> memref<125xi32, #tpu.memory_space<vmem>>
        %dma_start3A_208 = arith.constant 0 : i32
        %dma_start3A_209 = arith.constant 0 : i32
        %dma_start3A_210 = tpu.memref_slice %arg6[%dma_start3A_208, %dma_start3A_209] : memref<10000x128xf32, #tpu.memory_space<hbm>> -> memref<10000x128xf32, #tpu.memory_space<hbm>>
        tpu.enqueue_indirect_dma source(%dma_start3A_210 : memref<10000x128xf32, #tpu.memory_space<hbm>>) target(%arg17 : memref<125x128xf32, #tpu.memory_space<vmem>>) offsets(%dma_start3A_207 : memref<125xi32, #tpu.memory_space<vmem>>) semaphore(%arg21 : memref<!tpu.dma_semaphore, #tpu.memory_space<semaphore_mem>>)
      } else {
      }
      %dma_wait3A = arith.constant 0 : i32
      %dma_wait3A_179 = arith.constant 0 : i32
      %dma_wait3A_180 = tpu.memref_slice %arg14[%add3A_174, %dma_wait3A, %dma_wait3A_179] : memref<40x1x125xi32, #tpu.memory_space<vmem>> -> memref<1x1x125xi32, #tpu.memory_space<vmem>>
      %dma_wait3A_181 = tpu.memref_squeeze %dma_wait3A_180 : memref<1x1x125xi32, #tpu.memory_space<vmem>> -> memref<125xi32, #tpu.memory_space<vmem>>
      %dma_wait3A_182 = arith.constant 0 : i32
      %dma_wait3A_183 = arith.constant 0 : i32
      %dma_wait3A_184 = tpu.memref_slice %arg6[%dma_wait3A_182, %dma_wait3A_183] : memref<10000x128xf32, #tpu.memory_space<hbm>> -> memref<10000x128xf32, #tpu.memory_space<hbm>>
      tpu.wait_indirect_dma semaphore(%arg20 : memref<!tpu.dma_semaphore, #tpu.memory_space<semaphore_mem>>) src(%dma_wait3A_184 : memref<10000x128xf32, #tpu.memory_space<hbm>>) dst(%arg16 : memref<125x128xf32, #tpu.memory_space<vmem>>)
      %run_scoped3A = arith.constant 0 : i32
      "tpu.region"() ({
        %run_scoped3A_204 = tpu.sem_alloc : memref<!tpu.dma_semaphore, #tpu.memory_space<semaphore_mem>>
        %dma_start3A_205 = arith.constant 0 : i32
        %dma_start3A_206 = tpu.memref_slice %arg15[%add3A_174, %run_scoped3A, %dma_start3A_205] : memref<40x1x125xi32, #tpu.memory_space<vmem>> -> memref<1x1x125xi32, #tpu.memory_space<vmem>>
        %dma_start3A_207 = tpu.memref_squeeze %dma_start3A_206 : memref<1x1x125xi32, #tpu.memory_space<vmem>> -> memref<125xi32, #tpu.memory_space<vmem>>
        %dma_start3A_208 = arith.constant 0 : i32
        %dma_start3A_209 = arith.constant 0 : i32
        %dma_start3A_210 = tpu.memref_slice %arg19[%dma_start3A_208, %dma_start3A_209] : memref<10240x128xf32, #tpu.memory_space<vmem_shared>> -> memref<10240x128xf32, #tpu.memory_space<vmem_shared>>
        tpu.enqueue_indirect_dma source(%arg16 : memref<125x128xf32, #tpu.memory_space<vmem>>) target(%dma_start3A_210 : memref<10240x128xf32, #tpu.memory_space<vmem_shared>>) offsets(%dma_start3A_207 : memref<125xi32, #tpu.memory_space<vmem>>) semaphore(%run_scoped3A_204 : memref<!tpu.dma_semaphore, #tpu.memory_space<semaphore_mem>>) {add = true}
        %dma_wait3A_211 = arith.constant 0 : i32
        %dma_wait3A_212 = tpu.memref_slice %arg15[%add3A_174, %run_scoped3A, %dma_wait3A_211] : memref<40x1x125xi32, #tpu.memory_space<vmem>> -> memref<1x1x125xi32, #tpu.memory_space<vmem>>
        %dma_wait3A_213 = tpu.memref_squeeze %dma_wait3A_212 : memref<1x1x125xi32, #tpu.memory_space<vmem>> -> memref<125xi32, #tpu.memory_space<vmem>>
        %dma_wait3A_214 = arith.constant 0 : i32
        %dma_wait3A_215 = arith.constant 0 : i32
        %dma_wait3A_216 = tpu.memref_slice %arg19[%dma_wait3A_214, %dma_wait3A_215] : memref<10240x128xf32, #tpu.memory_space<vmem_shared>> -> memref<10240x128xf32, #tpu.memory_space<vmem_shared>>
        tpu.wait_indirect_dma semaphore(%run_scoped3A_204 : memref<!tpu.dma_semaphore, #tpu.memory_space<semaphore_mem>>) src(%arg16 : memref<125x128xf32, #tpu.memory_space<vmem>>) dst(%dma_wait3A_216 : memref<10240x128xf32, #tpu.memory_space<vmem_shared>>)
        tpu.yield
      }) : () -> ()
      %mul3A_185 = arith.constant 2 : i32
      %mul3A_186 = arith.muli %mul3A_185, %scan3A_170 : i32
      %add3A_187 = arith.constant 1 : i32
      %add3A_188 = arith.addi %mul3A_186, %add3A_187 : i32
      %add3A_189 = arith.constant 1 : i32
      %add3A_190 = arith.addi %add3A_188, %add3A_189 : i32
      %lt3A_191 = arith.constant 40 : i32
      %lt3A_192 = arith.cmpi slt, %add3A_190, %lt3A_191 : i32
      %convert_element_type3A_193 = arith.extui %lt3A_192 : i1 to i32
      %cond3A_194 = arith.constant 0 : i32
      %cond3A_195 = arith.cmpi ne, %convert_element_type3A_193, %cond3A_194 : i32
      scf.if %cond3A_195 {
        %dma_start3A_204 = arith.constant 0 : i32
        %dma_start3A_205 = arith.constant 0 : i32
        %dma_start3A_206 = tpu.memref_slice %arg14[%add3A_190, %dma_start3A_204, %dma_start3A_205] : memref<40x1x125xi32, #tpu.memory_space<vmem>> -> memref<1x1x125xi32, #tpu.memory_space<vmem>>
        %dma_start3A_207 = tpu.memref_squeeze %dma_start3A_206 : memref<1x1x125xi32, #tpu.memory_space<vmem>> -> memref<125xi32, #tpu.memory_space<vmem>>
        %dma_start3A_208 = arith.constant 0 : i32
        %dma_start3A_209 = arith.constant 0 : i32
        %dma_start3A_210 = tpu.memref_slice %arg6[%dma_start3A_208, %dma_start3A_209] : memref<10000x128xf32, #tpu.memory_space<hbm>> -> memref<10000x128xf32, #tpu.memory_space<hbm>>
        tpu.enqueue_indirect_dma source(%dma_start3A_210 : memref<10000x128xf32, #tpu.memory_space<hbm>>) target(%arg16 : memref<125x128xf32, #tpu.memory_space<vmem>>) offsets(%dma_start3A_207 : memref<125xi32, #tpu.memory_space<vmem>>) semaphore(%arg20 : memref<!tpu.dma_semaphore, #tpu.memory_space<semaphore_mem>>)
      } else {
      }
      %dma_wait3A_196 = arith.constant 0 : i32
      %dma_wait3A_197 = arith.constant 0 : i32
      %dma_wait3A_198 = tpu.memref_slice %arg14[%add3A_188, %dma_wait3A_196, %dma_wait3A_197] : memref<40x1x125xi32, #tpu.memory_space<vmem>> -> memref<1x1x125xi32, #tpu.memory_space<vmem>>
      %dma_wait3A_199 = tpu.memref_squeeze %dma_wait3A_198 : memref<1x1x125xi32, #tpu.memory_space<vmem>> -> memref<125xi32, #tpu.memory_space<vmem>>
      %dma_wait3A_200 = arith.constant 0 : i32
      %dma_wait3A_201 = arith.constant 0 : i32
      %dma_wait3A_202 = tpu.memref_slice %arg6[%dma_wait3A_200, %dma_wait3A_201] : memref<10000x128xf32, #tpu.memory_space<hbm>> -> memref<10000x128xf32, #tpu.memory_space<hbm>>
      tpu.wait_indirect_dma semaphore(%arg21 : memref<!tpu.dma_semaphore, #tpu.memory_space<semaphore_mem>>) src(%dma_wait3A_202 : memref<10000x128xf32, #tpu.memory_space<hbm>>) dst(%arg17 : memref<125x128xf32, #tpu.memory_space<vmem>>)
      %run_scoped3A_203 = arith.constant 0 : i32
      "tpu.region"() ({
        %run_scoped3A_204 = tpu.sem_alloc : memref<!tpu.dma_semaphore, #tpu.memory_space<semaphore_mem>>
        %dma_start3A_205 = arith.constant 0 : i32
        %dma_start3A_206 = tpu.memref_slice %arg15[%add3A_188, %run_scoped3A_203, %dma_start3A_205] : memref<40x1x125xi32, #tpu.memory_space<vmem>> -> memref<1x1x125xi32, #tpu.memory_space<vmem>>
        %dma_start3A_207 = tpu.memref_squeeze %dma_start3A_206 : memref<1x1x125xi32, #tpu.memory_space<vmem>> -> memref<125xi32, #tpu.memory_space<vmem>>
        %dma_start3A_208 = arith.constant 0 : i32
        %dma_start3A_209 = arith.constant 0 : i32
        %dma_start3A_210 = tpu.memref_slice %arg19[%dma_start3A_208, %dma_start3A_209] : memref<10240x128xf32, #tpu.memory_space<vmem_shared>> -> memref<10240x128xf32, #tpu.memory_space<vmem_shared>>
        tpu.enqueue_indirect_dma source(%arg17 : memref<125x128xf32, #tpu.memory_space<vmem>>) target(%dma_start3A_210 : memref<10240x128xf32, #tpu.memory_space<vmem_shared>>) offsets(%dma_start3A_207 : memref<125xi32, #tpu.memory_space<vmem>>) semaphore(%run_scoped3A_204 : memref<!tpu.dma_semaphore, #tpu.memory_space<semaphore_mem>>) {add = true}
        %dma_wait3A_211 = arith.constant 0 : i32
        %dma_wait3A_212 = tpu.memref_slice %arg15[%add3A_188, %run_scoped3A_203, %dma_wait3A_211] : memref<40x1x125xi32, #tpu.memory_space<vmem>> -> memref<1x1x125xi32, #tpu.memory_space<vmem>>
        %dma_wait3A_213 = tpu.memref_squeeze %dma_wait3A_212 : memref<1x1x125xi32, #tpu.memory_space<vmem>> -> memref<125xi32, #tpu.memory_space<vmem>>
        %dma_wait3A_214 = arith.constant 0 : i32
        %dma_wait3A_215 = arith.constant 0 : i32
        %dma_wait3A_216 = tpu.memref_slice %arg19[%dma_wait3A_214, %dma_wait3A_215] : memref<10240x128xf32, #tpu.memory_space<vmem_shared>> -> memref<10240x128xf32, #tpu.memory_space<vmem_shared>>
        tpu.wait_indirect_dma semaphore(%run_scoped3A_204 : memref<!tpu.dma_semaphore, #tpu.memory_space<semaphore_mem>>) src(%arg17 : memref<125x128xf32, #tpu.memory_space<vmem>>) dst(%dma_wait3A_216 : memref<10240x128xf32, #tpu.memory_space<vmem_shared>>)
        tpu.yield
      }) : () -> ()
    }
    %scan3A_83 = arith.constant 20 : i32
    %barrier3A_84 = arith.constant 0 : index
    tpu.barrier barrier_id(%barrier3A_84)
    %dma_start3A_85 = arith.constant 0 : i32
    %dma_start3A_86 = arith.constant 0 : i32
    %dma_start3A_87 = arith.constant 0 : i32
    %dma_start3A_88 = tpu.memref_slice %arg14[%dma_start3A_85, %dma_start3A_86, %dma_start3A_87] : memref<40x1x125xi32, #tpu.memory_space<vmem>> -> memref<1x1x125xi32, #tpu.memory_space<vmem>>
    %dma_start3A_89 = tpu.memref_squeeze %dma_start3A_88 : memref<1x1x125xi32, #tpu.memory_space<vmem>> -> memref<125xi32, #tpu.memory_space<vmem>>
    %dma_start3A_90 = arith.constant 0 : i32
    %dma_start3A_91 = arith.constant 0 : i32
    %dma_start3A_92 = tpu.memref_slice %arg2[%dma_start3A_90, %dma_start3A_91] : memref<10000x128xf32, #tpu.memory_space<hbm>> -> memref<10000x128xf32, #tpu.memory_space<hbm>>
    tpu.enqueue_indirect_dma source(%dma_start3A_92 : memref<10000x128xf32, #tpu.memory_space<hbm>>) target(%arg16 : memref<125x128xf32, #tpu.memory_space<vmem>>) offsets(%dma_start3A_89 : memref<125xi32, #tpu.memory_space<vmem>>) semaphore(%arg20 : memref<!tpu.dma_semaphore, #tpu.memory_space<semaphore_mem>>)
    %mul3A_93 = arith.constant 640 : i32
    %mul3A_94 = arith.muli %arg1, %mul3A_93 : i32
    %mul3A_95 = arith.constant 640 : i32
    %mul3A_96 = arith.muli %arg1, %mul3A_95 : i32
    "tpu.region"() ({
      %run_scoped3A = tpu.sem_alloc : memref<!tpu.dma_semaphore, #tpu.memory_space<semaphore_mem>>
      %dma_start3A_170 = arith.constant 0 : i32
      %dma_start3A_171 = tpu.memref_slice %arg13[%arg0, %mul3A_96, %dma_start3A_170] : memref<2x10240x128xf32, #tpu.memory_space<hbm>> -> memref<1x640x128xf32, #tpu.memory_space<hbm>>
      %dma_start3A_172 = tpu.memref_squeeze %dma_start3A_171 : memref<1x640x128xf32, #tpu.memory_space<hbm>> -> memref<640x128xf32, #tpu.memory_space<hbm>>
      %dma_start3A_173 = arith.constant 0 : i32
      %dma_start3A_174 = tpu.memref_slice %arg19[%mul3A_94, %dma_start3A_173] : memref<10240x128xf32, #tpu.memory_space<vmem_shared>> -> memref<640x128xf32, #tpu.memory_space<vmem_shared>>
      tpu.enqueue_dma source(%dma_start3A_174 : memref<640x128xf32, #tpu.memory_space<vmem_shared>>) target(%dma_start3A_172 : memref<640x128xf32, #tpu.memory_space<hbm>>) target_semaphore(%run_scoped3A : memref<!tpu.dma_semaphore, #tpu.memory_space<semaphore_mem>>)
      %dma_wait3A = arith.constant 0 : i32
      %dma_wait3A_175 = tpu.memref_slice %arg13[%arg0, %mul3A_96, %dma_wait3A] : memref<2x10240x128xf32, #tpu.memory_space<hbm>> -> memref<1x640x128xf32, #tpu.memory_space<hbm>>
      %dma_wait3A_176 = tpu.memref_squeeze %dma_wait3A_175 : memref<1x640x128xf32, #tpu.memory_space<hbm>> -> memref<640x128xf32, #tpu.memory_space<hbm>>
      %dma_wait3A_177 = arith.constant 0 : i32
      %dma_wait3A_178 = tpu.memref_slice %arg19[%mul3A_94, %dma_wait3A_177] : memref<10240x128xf32, #tpu.memory_space<vmem_shared>> -> memref<640x128xf32, #tpu.memory_space<vmem_shared>>
      tpu.wait_dma2 semaphore(%run_scoped3A : memref<!tpu.dma_semaphore, #tpu.memory_space<semaphore_mem>>) src(%dma_wait3A_178 : memref<640x128xf32, #tpu.memory_space<vmem_shared>>) dst(%dma_wait3A_176 : memref<640x128xf32, #tpu.memory_space<hbm>>)
      tpu.yield
    }) : () -> ()
    %barrier3A_97 = arith.constant 0 : index
    tpu.barrier barrier_id(%barrier3A_97)
    %scan3A_98 = arith.constant 0 : i32
    %scan3A_99 = arith.constant 0 : i32
    %scan3A_100 = arith.constant 20 : i32
    %scan3A_101 = arith.addi %scan3A_99, %scan3A_100 : i32
    %scan3A_102 = arith.constant 1 : i32
    scf.for %scan3A_170 = %scan3A_99 to %scan3A_101 step %scan3A_102  : i32 {
      %mul3A_171 = arith.constant 2 : i32
      %mul3A_172 = arith.muli %mul3A_171, %scan3A_170 : i32
      %add3A_173 = arith.constant 0 : i32
      %add3A_174 = arith.addi %mul3A_172, %add3A_173 : i32
      %add3A_175 = arith.constant 1 : i32
      %add3A_176 = arith.addi %add3A_174, %add3A_175 : i32
      %lt3A = arith.constant 40 : i32
      %lt3A_177 = arith.cmpi slt, %add3A_176, %lt3A : i32
      %convert_element_type3A = arith.extui %lt3A_177 : i1 to i32
      %cond3A = arith.constant 0 : i32
      %cond3A_178 = arith.cmpi ne, %convert_element_type3A, %cond3A : i32
      scf.if %cond3A_178 {
        %dma_start3A_204 = arith.constant 0 : i32
        %dma_start3A_205 = arith.constant 0 : i32
        %dma_start3A_206 = tpu.memref_slice %arg14[%add3A_176, %dma_start3A_204, %dma_start3A_205] : memref<40x1x125xi32, #tpu.memory_space<vmem>> -> memref<1x1x125xi32, #tpu.memory_space<vmem>>
        %dma_start3A_207 = tpu.memref_squeeze %dma_start3A_206 : memref<1x1x125xi32, #tpu.memory_space<vmem>> -> memref<125xi32, #tpu.memory_space<vmem>>
        %dma_start3A_208 = arith.constant 0 : i32
        %dma_start3A_209 = arith.constant 0 : i32
        %dma_start3A_210 = tpu.memref_slice %arg2[%dma_start3A_208, %dma_start3A_209] : memref<10000x128xf32, #tpu.memory_space<hbm>> -> memref<10000x128xf32, #tpu.memory_space<hbm>>
        tpu.enqueue_indirect_dma source(%dma_start3A_210 : memref<10000x128xf32, #tpu.memory_space<hbm>>) target(%arg17 : memref<125x128xf32, #tpu.memory_space<vmem>>) offsets(%dma_start3A_207 : memref<125xi32, #tpu.memory_space<vmem>>) semaphore(%arg21 : memref<!tpu.dma_semaphore, #tpu.memory_space<semaphore_mem>>)
      } else {
      }
      %dma_wait3A = arith.constant 0 : i32
      %dma_wait3A_179 = arith.constant 0 : i32
      %dma_wait3A_180 = tpu.memref_slice %arg14[%add3A_174, %dma_wait3A, %dma_wait3A_179] : memref<40x1x125xi32, #tpu.memory_space<vmem>> -> memref<1x1x125xi32, #tpu.memory_space<vmem>>
      %dma_wait3A_181 = tpu.memref_squeeze %dma_wait3A_180 : memref<1x1x125xi32, #tpu.memory_space<vmem>> -> memref<125xi32, #tpu.memory_space<vmem>>
      %dma_wait3A_182 = arith.constant 0 : i32
      %dma_wait3A_183 = arith.constant 0 : i32
      %dma_wait3A_184 = tpu.memref_slice %arg2[%dma_wait3A_182, %dma_wait3A_183] : memref<10000x128xf32, #tpu.memory_space<hbm>> -> memref<10000x128xf32, #tpu.memory_space<hbm>>
      tpu.wait_indirect_dma semaphore(%arg20 : memref<!tpu.dma_semaphore, #tpu.memory_space<semaphore_mem>>) src(%dma_wait3A_184 : memref<10000x128xf32, #tpu.memory_space<hbm>>) dst(%arg16 : memref<125x128xf32, #tpu.memory_space<vmem>>)
      %run_scoped3A = arith.constant 0 : i32
      "tpu.region"() ({
        %run_scoped3A_204 = tpu.sem_alloc : memref<!tpu.dma_semaphore, #tpu.memory_space<semaphore_mem>>
        %dma_start3A_205 = arith.constant 0 : i32
        %dma_start3A_206 = tpu.memref_slice %arg15[%add3A_174, %run_scoped3A, %dma_start3A_205] : memref<40x1x125xi32, #tpu.memory_space<vmem>> -> memref<1x1x125xi32, #tpu.memory_space<vmem>>
        %dma_start3A_207 = tpu.memref_squeeze %dma_start3A_206 : memref<1x1x125xi32, #tpu.memory_space<vmem>> -> memref<125xi32, #tpu.memory_space<vmem>>
        %dma_start3A_208 = arith.constant 0 : i32
        %dma_start3A_209 = arith.constant 0 : i32
        %dma_start3A_210 = tpu.memref_slice %arg19[%dma_start3A_208, %dma_start3A_209] : memref<10240x128xf32, #tpu.memory_space<vmem_shared>> -> memref<10240x128xf32, #tpu.memory_space<vmem_shared>>
        tpu.enqueue_indirect_dma source(%arg16 : memref<125x128xf32, #tpu.memory_space<vmem>>) target(%dma_start3A_210 : memref<10240x128xf32, #tpu.memory_space<vmem_shared>>) offsets(%dma_start3A_207 : memref<125xi32, #tpu.memory_space<vmem>>) semaphore(%run_scoped3A_204 : memref<!tpu.dma_semaphore, #tpu.memory_space<semaphore_mem>>) {add = true}
        %dma_wait3A_211 = arith.constant 0 : i32
        %dma_wait3A_212 = tpu.memref_slice %arg15[%add3A_174, %run_scoped3A, %dma_wait3A_211] : memref<40x1x125xi32, #tpu.memory_space<vmem>> -> memref<1x1x125xi32, #tpu.memory_space<vmem>>
        %dma_wait3A_213 = tpu.memref_squeeze %dma_wait3A_212 : memref<1x1x125xi32, #tpu.memory_space<vmem>> -> memref<125xi32, #tpu.memory_space<vmem>>
        %dma_wait3A_214 = arith.constant 0 : i32
        %dma_wait3A_215 = arith.constant 0 : i32
        %dma_wait3A_216 = tpu.memref_slice %arg19[%dma_wait3A_214, %dma_wait3A_215] : memref<10240x128xf32, #tpu.memory_space<vmem_shared>> -> memref<10240x128xf32, #tpu.memory_space<vmem_shared>>
        tpu.wait_indirect_dma semaphore(%run_scoped3A_204 : memref<!tpu.dma_semaphore, #tpu.memory_space<semaphore_mem>>) src(%arg16 : memref<125x128xf32, #tpu.memory_space<vmem>>) dst(%dma_wait3A_216 : memref<10240x128xf32, #tpu.memory_space<vmem_shared>>)
        tpu.yield
      }) : () -> ()
      %mul3A_185 = arith.constant 2 : i32
      %mul3A_186 = arith.muli %mul3A_185, %scan3A_170 : i32
      %add3A_187 = arith.constant 1 : i32
      %add3A_188 = arith.addi %mul3A_186, %add3A_187 : i32
      %add3A_189 = arith.constant 1 : i32
      %add3A_190 = arith.addi %add3A_188, %add3A_189 : i32
      %lt3A_191 = arith.constant 40 : i32
      %lt3A_192 = arith.cmpi slt, %add3A_190, %lt3A_191 : i32
      %convert_element_type3A_193 = arith.extui %lt3A_192 : i1 to i32
      %cond3A_194 = arith.constant 0 : i32
      %cond3A_195 = arith.cmpi ne, %convert_element_type3A_193, %cond3A_194 : i32
      scf.if %cond3A_195 {
        %dma_start3A_204 = arith.constant 0 : i32
        %dma_start3A_205 = arith.constant 0 : i32
        %dma_start3A_206 = tpu.memref_slice %arg14[%add3A_190, %dma_start3A_204, %dma_start3A_205] : memref<40x1x125xi32, #tpu.memory_space<vmem>> -> memref<1x1x125xi32, #tpu.memory_space<vmem>>
        %dma_start3A_207 = tpu.memref_squeeze %dma_start3A_206 : memref<1x1x125xi32, #tpu.memory_space<vmem>> -> memref<125xi32, #tpu.memory_space<vmem>>
        %dma_start3A_208 = arith.constant 0 : i32
        %dma_start3A_209 = arith.constant 0 : i32
        %dma_start3A_210 = tpu.memref_slice %arg2[%dma_start3A_208, %dma_start3A_209] : memref<10000x128xf32, #tpu.memory_space<hbm>> -> memref<10000x128xf32, #tpu.memory_space<hbm>>
        tpu.enqueue_indirect_dma source(%dma_start3A_210 : memref<10000x128xf32, #tpu.memory_space<hbm>>) target(%arg16 : memref<125x128xf32, #tpu.memory_space<vmem>>) offsets(%dma_start3A_207 : memref<125xi32, #tpu.memory_space<vmem>>) semaphore(%arg20 : memref<!tpu.dma_semaphore, #tpu.memory_space<semaphore_mem>>)
      } else {
      }
      %dma_wait3A_196 = arith.constant 0 : i32
      %dma_wait3A_197 = arith.constant 0 : i32
      %dma_wait3A_198 = tpu.memref_slice %arg14[%add3A_188, %dma_wait3A_196, %dma_wait3A_197] : memref<40x1x125xi32, #tpu.memory_space<vmem>> -> memref<1x1x125xi32, #tpu.memory_space<vmem>>
      %dma_wait3A_199 = tpu.memref_squeeze %dma_wait3A_198 : memref<1x1x125xi32, #tpu.memory_space<vmem>> -> memref<125xi32, #tpu.memory_space<vmem>>
      %dma_wait3A_200 = arith.constant 0 : i32
      %dma_wait3A_201 = arith.constant 0 : i32
      %dma_wait3A_202 = tpu.memref_slice %arg2[%dma_wait3A_200, %dma_wait3A_201] : memref<10000x128xf32, #tpu.memory_space<hbm>> -> memref<10000x128xf32, #tpu.memory_space<hbm>>
      tpu.wait_indirect_dma semaphore(%arg21 : memref<!tpu.dma_semaphore, #tpu.memory_space<semaphore_mem>>) src(%dma_wait3A_202 : memref<10000x128xf32, #tpu.memory_space<hbm>>) dst(%arg17 : memref<125x128xf32, #tpu.memory_space<vmem>>)
      %run_scoped3A_203 = arith.constant 0 : i32
      "tpu.region"() ({
        %run_scoped3A_204 = tpu.sem_alloc : memref<!tpu.dma_semaphore, #tpu.memory_space<semaphore_mem>>
        %dma_start3A_205 = arith.constant 0 : i32
        %dma_start3A_206 = tpu.memref_slice %arg15[%add3A_188, %run_scoped3A_203, %dma_start3A_205] : memref<40x1x125xi32, #tpu.memory_space<vmem>> -> memref<1x1x125xi32, #tpu.memory_space<vmem>>
        %dma_start3A_207 = tpu.memref_squeeze %dma_start3A_206 : memref<1x1x125xi32, #tpu.memory_space<vmem>> -> memref<125xi32, #tpu.memory_space<vmem>>
        %dma_start3A_208 = arith.constant 0 : i32
        %dma_start3A_209 = arith.constant 0 : i32
        %dma_start3A_210 = tpu.memref_slice %arg19[%dma_start3A_208, %dma_start3A_209] : memref<10240x128xf32, #tpu.memory_space<vmem_shared>> -> memref<10240x128xf32, #tpu.memory_space<vmem_shared>>
        tpu.enqueue_indirect_dma source(%arg17 : memref<125x128xf32, #tpu.memory_space<vmem>>) target(%dma_start3A_210 : memref<10240x128xf32, #tpu.memory_space<vmem_shared>>) offsets(%dma_start3A_207 : memref<125xi32, #tpu.memory_space<vmem>>) semaphore(%run_scoped3A_204 : memref<!tpu.dma_semaphore, #tpu.memory_space<semaphore_mem>>) {add = true}
        %dma_wait3A_211 = arith.constant 0 : i32
        %dma_wait3A_212 = tpu.memref_slice %arg15[%add3A_188, %run_scoped3A_203, %dma_wait3A_211] : memref<40x1x125xi32, #tpu.memory_space<vmem>> -> memref<1x1x125xi32, #tpu.memory_space<vmem>>
        %dma_wait3A_213 = tpu.memref_squeeze %dma_wait3A_212 : memref<1x1x125xi32, #tpu.memory_space<vmem>> -> memref<125xi32, #tpu.memory_space<vmem>>
        %dma_wait3A_214 = arith.constant 0 : i32
        %dma_wait3A_215 = arith.constant 0 : i32
        %dma_wait3A_216 = tpu.memref_slice %arg19[%dma_wait3A_214, %dma_wait3A_215] : memref<10240x128xf32, #tpu.memory_space<vmem_shared>> -> memref<10240x128xf32, #tpu.memory_space<vmem_shared>>
        tpu.wait_indirect_dma semaphore(%run_scoped3A_204 : memref<!tpu.dma_semaphore, #tpu.memory_space<semaphore_mem>>) src(%arg17 : memref<125x128xf32, #tpu.memory_space<vmem>>) dst(%dma_wait3A_216 : memref<10240x128xf32, #tpu.memory_space<vmem_shared>>)
        tpu.yield
      }) : () -> ()
    }
    %scan3A_103 = arith.constant 20 : i32
    %barrier3A_104 = arith.constant 0 : index
    tpu.barrier barrier_id(%barrier3A_104)
    %dma_start3A_105 = arith.constant 0 : i32
    %dma_start3A_106 = arith.constant 0 : i32
    %dma_start3A_107 = arith.constant 0 : i32
    %dma_start3A_108 = tpu.memref_slice %arg14[%dma_start3A_105, %dma_start3A_106, %dma_start3A_107] : memref<40x1x125xi32, #tpu.memory_space<vmem>> -> memref<1x1x125xi32, #tpu.memory_space<vmem>>
    %dma_start3A_109 = tpu.memref_squeeze %dma_start3A_108 : memref<1x1x125xi32, #tpu.memory_space<vmem>> -> memref<125xi32, #tpu.memory_space<vmem>>
    %dma_start3A_110 = arith.constant 0 : i32
    %dma_start3A_111 = arith.constant 0 : i32
    %dma_start3A_112 = tpu.memref_slice %arg3[%dma_start3A_110, %dma_start3A_111] : memref<10000x128xf32, #tpu.memory_space<hbm>> -> memref<10000x128xf32, #tpu.memory_space<hbm>>
    tpu.enqueue_indirect_dma source(%dma_start3A_112 : memref<10000x128xf32, #tpu.memory_space<hbm>>) target(%arg16 : memref<125x128xf32, #tpu.memory_space<vmem>>) offsets(%dma_start3A_109 : memref<125xi32, #tpu.memory_space<vmem>>) semaphore(%arg20 : memref<!tpu.dma_semaphore, #tpu.memory_space<semaphore_mem>>)
    %mul3A_113 = arith.constant 640 : i32
    %mul3A_114 = arith.muli %arg1, %mul3A_113 : i32
    %mul3A_115 = arith.constant 640 : i32
    %mul3A_116 = arith.muli %arg1, %mul3A_115 : i32
    "tpu.region"() ({
      %run_scoped3A = tpu.sem_alloc : memref<!tpu.dma_semaphore, #tpu.memory_space<semaphore_mem>>
      %dma_start3A_170 = arith.constant 0 : i32
      %dma_start3A_171 = tpu.memref_slice %arg9[%arg0, %mul3A_116, %dma_start3A_170] : memref<2x10240x128xf32, #tpu.memory_space<hbm>> -> memref<1x640x128xf32, #tpu.memory_space<hbm>>
      %dma_start3A_172 = tpu.memref_squeeze %dma_start3A_171 : memref<1x640x128xf32, #tpu.memory_space<hbm>> -> memref<640x128xf32, #tpu.memory_space<hbm>>
      %dma_start3A_173 = arith.constant 0 : i32
      %dma_start3A_174 = tpu.memref_slice %arg19[%mul3A_114, %dma_start3A_173] : memref<10240x128xf32, #tpu.memory_space<vmem_shared>> -> memref<640x128xf32, #tpu.memory_space<vmem_shared>>
      tpu.enqueue_dma source(%dma_start3A_174 : memref<640x128xf32, #tpu.memory_space<vmem_shared>>) target(%dma_start3A_172 : memref<640x128xf32, #tpu.memory_space<hbm>>) target_semaphore(%run_scoped3A : memref<!tpu.dma_semaphore, #tpu.memory_space<semaphore_mem>>)
      %dma_wait3A = arith.constant 0 : i32
      %dma_wait3A_175 = tpu.memref_slice %arg9[%arg0, %mul3A_116, %dma_wait3A] : memref<2x10240x128xf32, #tpu.memory_space<hbm>> -> memref<1x640x128xf32, #tpu.memory_space<hbm>>
      %dma_wait3A_176 = tpu.memref_squeeze %dma_wait3A_175 : memref<1x640x128xf32, #tpu.memory_space<hbm>> -> memref<640x128xf32, #tpu.memory_space<hbm>>
      %dma_wait3A_177 = arith.constant 0 : i32
      %dma_wait3A_178 = tpu.memref_slice %arg19[%mul3A_114, %dma_wait3A_177] : memref<10240x128xf32, #tpu.memory_space<vmem_shared>> -> memref<640x128xf32, #tpu.memory_space<vmem_shared>>
      tpu.wait_dma2 semaphore(%run_scoped3A : memref<!tpu.dma_semaphore, #tpu.memory_space<semaphore_mem>>) src(%dma_wait3A_178 : memref<640x128xf32, #tpu.memory_space<vmem_shared>>) dst(%dma_wait3A_176 : memref<640x128xf32, #tpu.memory_space<hbm>>)
      tpu.yield
    }) : () -> ()
    %barrier3A_117 = arith.constant 0 : index
    tpu.barrier barrier_id(%barrier3A_117)
    %scan3A_118 = arith.constant 0 : i32
    %scan3A_119 = arith.constant 0 : i32
    %scan3A_120 = arith.constant 20 : i32
    %scan3A_121 = arith.addi %scan3A_119, %scan3A_120 : i32
    %scan3A_122 = arith.constant 1 : i32
    scf.for %scan3A_170 = %scan3A_119 to %scan3A_121 step %scan3A_122  : i32 {
      %mul3A_171 = arith.constant 2 : i32
      %mul3A_172 = arith.muli %mul3A_171, %scan3A_170 : i32
      %add3A_173 = arith.constant 0 : i32
      %add3A_174 = arith.addi %mul3A_172, %add3A_173 : i32
      %add3A_175 = arith.constant 1 : i32
      %add3A_176 = arith.addi %add3A_174, %add3A_175 : i32
      %lt3A = arith.constant 40 : i32
      %lt3A_177 = arith.cmpi slt, %add3A_176, %lt3A : i32
      %convert_element_type3A = arith.extui %lt3A_177 : i1 to i32
      %cond3A = arith.constant 0 : i32
      %cond3A_178 = arith.cmpi ne, %convert_element_type3A, %cond3A : i32
      scf.if %cond3A_178 {
        %dma_start3A_204 = arith.constant 0 : i32
        %dma_start3A_205 = arith.constant 0 : i32
        %dma_start3A_206 = tpu.memref_slice %arg14[%add3A_176, %dma_start3A_204, %dma_start3A_205] : memref<40x1x125xi32, #tpu.memory_space<vmem>> -> memref<1x1x125xi32, #tpu.memory_space<vmem>>
        %dma_start3A_207 = tpu.memref_squeeze %dma_start3A_206 : memref<1x1x125xi32, #tpu.memory_space<vmem>> -> memref<125xi32, #tpu.memory_space<vmem>>
        %dma_start3A_208 = arith.constant 0 : i32
        %dma_start3A_209 = arith.constant 0 : i32
        %dma_start3A_210 = tpu.memref_slice %arg3[%dma_start3A_208, %dma_start3A_209] : memref<10000x128xf32, #tpu.memory_space<hbm>> -> memref<10000x128xf32, #tpu.memory_space<hbm>>
        tpu.enqueue_indirect_dma source(%dma_start3A_210 : memref<10000x128xf32, #tpu.memory_space<hbm>>) target(%arg17 : memref<125x128xf32, #tpu.memory_space<vmem>>) offsets(%dma_start3A_207 : memref<125xi32, #tpu.memory_space<vmem>>) semaphore(%arg21 : memref<!tpu.dma_semaphore, #tpu.memory_space<semaphore_mem>>)
      } else {
      }
      %dma_wait3A = arith.constant 0 : i32
      %dma_wait3A_179 = arith.constant 0 : i32
      %dma_wait3A_180 = tpu.memref_slice %arg14[%add3A_174, %dma_wait3A, %dma_wait3A_179] : memref<40x1x125xi32, #tpu.memory_space<vmem>> -> memref<1x1x125xi32, #tpu.memory_space<vmem>>
      %dma_wait3A_181 = tpu.memref_squeeze %dma_wait3A_180 : memref<1x1x125xi32, #tpu.memory_space<vmem>> -> memref<125xi32, #tpu.memory_space<vmem>>
      %dma_wait3A_182 = arith.constant 0 : i32
      %dma_wait3A_183 = arith.constant 0 : i32
      %dma_wait3A_184 = tpu.memref_slice %arg3[%dma_wait3A_182, %dma_wait3A_183] : memref<10000x128xf32, #tpu.memory_space<hbm>> -> memref<10000x128xf32, #tpu.memory_space<hbm>>
      tpu.wait_indirect_dma semaphore(%arg20 : memref<!tpu.dma_semaphore, #tpu.memory_space<semaphore_mem>>) src(%dma_wait3A_184 : memref<10000x128xf32, #tpu.memory_space<hbm>>) dst(%arg16 : memref<125x128xf32, #tpu.memory_space<vmem>>)
      %run_scoped3A = arith.constant 0 : i32
      "tpu.region"() ({
        %run_scoped3A_204 = tpu.sem_alloc : memref<!tpu.dma_semaphore, #tpu.memory_space<semaphore_mem>>
        %dma_start3A_205 = arith.constant 0 : i32
        %dma_start3A_206 = tpu.memref_slice %arg15[%add3A_174, %run_scoped3A, %dma_start3A_205] : memref<40x1x125xi32, #tpu.memory_space<vmem>> -> memref<1x1x125xi32, #tpu.memory_space<vmem>>
        %dma_start3A_207 = tpu.memref_squeeze %dma_start3A_206 : memref<1x1x125xi32, #tpu.memory_space<vmem>> -> memref<125xi32, #tpu.memory_space<vmem>>
        %dma_start3A_208 = arith.constant 0 : i32
        %dma_start3A_209 = arith.constant 0 : i32
        %dma_start3A_210 = tpu.memref_slice %arg19[%dma_start3A_208, %dma_start3A_209] : memref<10240x128xf32, #tpu.memory_space<vmem_shared>> -> memref<10240x128xf32, #tpu.memory_space<vmem_shared>>
        tpu.enqueue_indirect_dma source(%arg16 : memref<125x128xf32, #tpu.memory_space<vmem>>) target(%dma_start3A_210 : memref<10240x128xf32, #tpu.memory_space<vmem_shared>>) offsets(%dma_start3A_207 : memref<125xi32, #tpu.memory_space<vmem>>) semaphore(%run_scoped3A_204 : memref<!tpu.dma_semaphore, #tpu.memory_space<semaphore_mem>>) {add = true}
        %dma_wait3A_211 = arith.constant 0 : i32
        %dma_wait3A_212 = tpu.memref_slice %arg15[%add3A_174, %run_scoped3A, %dma_wait3A_211] : memref<40x1x125xi32, #tpu.memory_space<vmem>> -> memref<1x1x125xi32, #tpu.memory_space<vmem>>
        %dma_wait3A_213 = tpu.memref_squeeze %dma_wait3A_212 : memref<1x1x125xi32, #tpu.memory_space<vmem>> -> memref<125xi32, #tpu.memory_space<vmem>>
        %dma_wait3A_214 = arith.constant 0 : i32
        %dma_wait3A_215 = arith.constant 0 : i32
        %dma_wait3A_216 = tpu.memref_slice %arg19[%dma_wait3A_214, %dma_wait3A_215] : memref<10240x128xf32, #tpu.memory_space<vmem_shared>> -> memref<10240x128xf32, #tpu.memory_space<vmem_shared>>
        tpu.wait_indirect_dma semaphore(%run_scoped3A_204 : memref<!tpu.dma_semaphore, #tpu.memory_space<semaphore_mem>>) src(%arg16 : memref<125x128xf32, #tpu.memory_space<vmem>>) dst(%dma_wait3A_216 : memref<10240x128xf32, #tpu.memory_space<vmem_shared>>)
        tpu.yield
      }) : () -> ()
      %mul3A_185 = arith.constant 2 : i32
      %mul3A_186 = arith.muli %mul3A_185, %scan3A_170 : i32
      %add3A_187 = arith.constant 1 : i32
      %add3A_188 = arith.addi %mul3A_186, %add3A_187 : i32
      %add3A_189 = arith.constant 1 : i32
      %add3A_190 = arith.addi %add3A_188, %add3A_189 : i32
      %lt3A_191 = arith.constant 40 : i32
      %lt3A_192 = arith.cmpi slt, %add3A_190, %lt3A_191 : i32
      %convert_element_type3A_193 = arith.extui %lt3A_192 : i1 to i32
      %cond3A_194 = arith.constant 0 : i32
      %cond3A_195 = arith.cmpi ne, %convert_element_type3A_193, %cond3A_194 : i32
      scf.if %cond3A_195 {
        %dma_start3A_204 = arith.constant 0 : i32
        %dma_start3A_205 = arith.constant 0 : i32
        %dma_start3A_206 = tpu.memref_slice %arg14[%add3A_190, %dma_start3A_204, %dma_start3A_205] : memref<40x1x125xi32, #tpu.memory_space<vmem>> -> memref<1x1x125xi32, #tpu.memory_space<vmem>>
        %dma_start3A_207 = tpu.memref_squeeze %dma_start3A_206 : memref<1x1x125xi32, #tpu.memory_space<vmem>> -> memref<125xi32, #tpu.memory_space<vmem>>
        %dma_start3A_208 = arith.constant 0 : i32
        %dma_start3A_209 = arith.constant 0 : i32
        %dma_start3A_210 = tpu.memref_slice %arg3[%dma_start3A_208, %dma_start3A_209] : memref<10000x128xf32, #tpu.memory_space<hbm>> -> memref<10000x128xf32, #tpu.memory_space<hbm>>
        tpu.enqueue_indirect_dma source(%dma_start3A_210 : memref<10000x128xf32, #tpu.memory_space<hbm>>) target(%arg16 : memref<125x128xf32, #tpu.memory_space<vmem>>) offsets(%dma_start3A_207 : memref<125xi32, #tpu.memory_space<vmem>>) semaphore(%arg20 : memref<!tpu.dma_semaphore, #tpu.memory_space<semaphore_mem>>)
      } else {
      }
      %dma_wait3A_196 = arith.constant 0 : i32
      %dma_wait3A_197 = arith.constant 0 : i32
      %dma_wait3A_198 = tpu.memref_slice %arg14[%add3A_188, %dma_wait3A_196, %dma_wait3A_197] : memref<40x1x125xi32, #tpu.memory_space<vmem>> -> memref<1x1x125xi32, #tpu.memory_space<vmem>>
      %dma_wait3A_199 = tpu.memref_squeeze %dma_wait3A_198 : memref<1x1x125xi32, #tpu.memory_space<vmem>> -> memref<125xi32, #tpu.memory_space<vmem>>
      %dma_wait3A_200 = arith.constant 0 : i32
      %dma_wait3A_201 = arith.constant 0 : i32
      %dma_wait3A_202 = tpu.memref_slice %arg3[%dma_wait3A_200, %dma_wait3A_201] : memref<10000x128xf32, #tpu.memory_space<hbm>> -> memref<10000x128xf32, #tpu.memory_space<hbm>>
      tpu.wait_indirect_dma semaphore(%arg21 : memref<!tpu.dma_semaphore, #tpu.memory_space<semaphore_mem>>) src(%dma_wait3A_202 : memref<10000x128xf32, #tpu.memory_space<hbm>>) dst(%arg17 : memref<125x128xf32, #tpu.memory_space<vmem>>)
      %run_scoped3A_203 = arith.constant 0 : i32
      "tpu.region"() ({
        %run_scoped3A_204 = tpu.sem_alloc : memref<!tpu.dma_semaphore, #tpu.memory_space<semaphore_mem>>
        %dma_start3A_205 = arith.constant 0 : i32
        %dma_start3A_206 = tpu.memref_slice %arg15[%add3A_188, %run_scoped3A_203, %dma_start3A_205] : memref<40x1x125xi32, #tpu.memory_space<vmem>> -> memref<1x1x125xi32, #tpu.memory_space<vmem>>
        %dma_start3A_207 = tpu.memref_squeeze %dma_start3A_206 : memref<1x1x125xi32, #tpu.memory_space<vmem>> -> memref<125xi32, #tpu.memory_space<vmem>>
        %dma_start3A_208 = arith.constant 0 : i32
        %dma_start3A_209 = arith.constant 0 : i32
        %dma_start3A_210 = tpu.memref_slice %arg19[%dma_start3A_208, %dma_start3A_209] : memref<10240x128xf32, #tpu.memory_space<vmem_shared>> -> memref<10240x128xf32, #tpu.memory_space<vmem_shared>>
        tpu.enqueue_indirect_dma source(%arg17 : memref<125x128xf32, #tpu.memory_space<vmem>>) target(%dma_start3A_210 : memref<10240x128xf32, #tpu.memory_space<vmem_shared>>) offsets(%dma_start3A_207 : memref<125xi32, #tpu.memory_space<vmem>>) semaphore(%run_scoped3A_204 : memref<!tpu.dma_semaphore, #tpu.memory_space<semaphore_mem>>) {add = true}
        %dma_wait3A_211 = arith.constant 0 : i32
        %dma_wait3A_212 = tpu.memref_slice %arg15[%add3A_188, %run_scoped3A_203, %dma_wait3A_211] : memref<40x1x125xi32, #tpu.memory_space<vmem>> -> memref<1x1x125xi32, #tpu.memory_space<vmem>>
        %dma_wait3A_213 = tpu.memref_squeeze %dma_wait3A_212 : memref<1x1x125xi32, #tpu.memory_space<vmem>> -> memref<125xi32, #tpu.memory_space<vmem>>
        %dma_wait3A_214 = arith.constant 0 : i32
        %dma_wait3A_215 = arith.constant 0 : i32
        %dma_wait3A_216 = tpu.memref_slice %arg19[%dma_wait3A_214, %dma_wait3A_215] : memref<10240x128xf32, #tpu.memory_space<vmem_shared>> -> memref<10240x128xf32, #tpu.memory_space<vmem_shared>>
        tpu.wait_indirect_dma semaphore(%run_scoped3A_204 : memref<!tpu.dma_semaphore, #tpu.memory_space<semaphore_mem>>) src(%arg17 : memref<125x128xf32, #tpu.memory_space<vmem>>) dst(%dma_wait3A_216 : memref<10240x128xf32, #tpu.memory_space<vmem_shared>>)
        tpu.yield
      }) : () -> ()
    }
    %scan3A_123 = arith.constant 20 : i32
    %barrier3A_124 = arith.constant 0 : index
    tpu.barrier barrier_id(%barrier3A_124)
    %dma_start3A_125 = arith.constant 0 : i32
    %dma_start3A_126 = arith.constant 0 : i32
    %dma_start3A_127 = arith.constant 0 : i32
    %dma_start3A_128 = tpu.memref_slice %arg14[%dma_start3A_125, %dma_start3A_126, %dma_start3A_127] : memref<40x1x125xi32, #tpu.memory_space<vmem>> -> memref<1x1x125xi32, #tpu.memory_space<vmem>>
    %dma_start3A_129 = tpu.memref_squeeze %dma_start3A_128 : memref<1x1x125xi32, #tpu.memory_space<vmem>> -> memref<125xi32, #tpu.memory_space<vmem>>
    %dma_start3A_130 = arith.constant 0 : i32
    %dma_start3A_131 = arith.constant 0 : i32
    %dma_start3A_132 = tpu.memref_slice %arg4[%dma_start3A_130, %dma_start3A_131] : memref<10000x128xf32, #tpu.memory_space<hbm>> -> memref<10000x128xf32, #tpu.memory_space<hbm>>
    tpu.enqueue_indirect_dma source(%dma_start3A_132 : memref<10000x128xf32, #tpu.memory_space<hbm>>) target(%arg16 : memref<125x128xf32, #tpu.memory_space<vmem>>) offsets(%dma_start3A_129 : memref<125xi32, #tpu.memory_space<vmem>>) semaphore(%arg20 : memref<!tpu.dma_semaphore, #tpu.memory_space<semaphore_mem>>)
    %mul3A_133 = arith.constant 640 : i32
    %mul3A_134 = arith.muli %arg1, %mul3A_133 : i32
    %mul3A_135 = arith.constant 640 : i32
    %mul3A_136 = arith.muli %arg1, %mul3A_135 : i32
    "tpu.region"() ({
      %run_scoped3A = tpu.sem_alloc : memref<!tpu.dma_semaphore, #tpu.memory_space<semaphore_mem>>
      %dma_start3A_170 = arith.constant 0 : i32
      %dma_start3A_171 = tpu.memref_slice %arg10[%arg0, %mul3A_136, %dma_start3A_170] : memref<2x10240x128xf32, #tpu.memory_space<hbm>> -> memref<1x640x128xf32, #tpu.memory_space<hbm>>
      %dma_start3A_172 = tpu.memref_squeeze %dma_start3A_171 : memref<1x640x128xf32, #tpu.memory_space<hbm>> -> memref<640x128xf32, #tpu.memory_space<hbm>>
      %dma_start3A_173 = arith.constant 0 : i32
      %dma_start3A_174 = tpu.memref_slice %arg19[%mul3A_134, %dma_start3A_173] : memref<10240x128xf32, #tpu.memory_space<vmem_shared>> -> memref<640x128xf32, #tpu.memory_space<vmem_shared>>
      tpu.enqueue_dma source(%dma_start3A_174 : memref<640x128xf32, #tpu.memory_space<vmem_shared>>) target(%dma_start3A_172 : memref<640x128xf32, #tpu.memory_space<hbm>>) target_semaphore(%run_scoped3A : memref<!tpu.dma_semaphore, #tpu.memory_space<semaphore_mem>>)
      %dma_wait3A = arith.constant 0 : i32
      %dma_wait3A_175 = tpu.memref_slice %arg10[%arg0, %mul3A_136, %dma_wait3A] : memref<2x10240x128xf32, #tpu.memory_space<hbm>> -> memref<1x640x128xf32, #tpu.memory_space<hbm>>
      %dma_wait3A_176 = tpu.memref_squeeze %dma_wait3A_175 : memref<1x640x128xf32, #tpu.memory_space<hbm>> -> memref<640x128xf32, #tpu.memory_space<hbm>>
      %dma_wait3A_177 = arith.constant 0 : i32
      %dma_wait3A_178 = tpu.memref_slice %arg19[%mul3A_134, %dma_wait3A_177] : memref<10240x128xf32, #tpu.memory_space<vmem_shared>> -> memref<640x128xf32, #tpu.memory_space<vmem_shared>>
      tpu.wait_dma2 semaphore(%run_scoped3A : memref<!tpu.dma_semaphore, #tpu.memory_space<semaphore_mem>>) src(%dma_wait3A_178 : memref<640x128xf32, #tpu.memory_space<vmem_shared>>) dst(%dma_wait3A_176 : memref<640x128xf32, #tpu.memory_space<hbm>>)
      tpu.yield
    }) : () -> ()
    %barrier3A_137 = arith.constant 0 : index
    tpu.barrier barrier_id(%barrier3A_137)
    %scan3A_138 = arith.constant 0 : i32
    %scan3A_139 = arith.constant 0 : i32
    %scan3A_140 = arith.constant 20 : i32
    %scan3A_141 = arith.addi %scan3A_139, %scan3A_140 : i32
    %scan3A_142 = arith.constant 1 : i32
    scf.for %scan3A_170 = %scan3A_139 to %scan3A_141 step %scan3A_142  : i32 {
      %mul3A_171 = arith.constant 2 : i32
      %mul3A_172 = arith.muli %mul3A_171, %scan3A_170 : i32
      %add3A_173 = arith.constant 0 : i32
      %add3A_174 = arith.addi %mul3A_172, %add3A_173 : i32
      %add3A_175 = arith.constant 1 : i32
      %add3A_176 = arith.addi %add3A_174, %add3A_175 : i32
      %lt3A = arith.constant 40 : i32
      %lt3A_177 = arith.cmpi slt, %add3A_176, %lt3A : i32
      %convert_element_type3A = arith.extui %lt3A_177 : i1 to i32
      %cond3A = arith.constant 0 : i32
      %cond3A_178 = arith.cmpi ne, %convert_element_type3A, %cond3A : i32
      scf.if %cond3A_178 {
        %dma_start3A_204 = arith.constant 0 : i32
        %dma_start3A_205 = arith.constant 0 : i32
        %dma_start3A_206 = tpu.memref_slice %arg14[%add3A_176, %dma_start3A_204, %dma_start3A_205] : memref<40x1x125xi32, #tpu.memory_space<vmem>> -> memref<1x1x125xi32, #tpu.memory_space<vmem>>
        %dma_start3A_207 = tpu.memref_squeeze %dma_start3A_206 : memref<1x1x125xi32, #tpu.memory_space<vmem>> -> memref<125xi32, #tpu.memory_space<vmem>>
        %dma_start3A_208 = arith.constant 0 : i32
        %dma_start3A_209 = arith.constant 0 : i32
        %dma_start3A_210 = tpu.memref_slice %arg4[%dma_start3A_208, %dma_start3A_209] : memref<10000x128xf32, #tpu.memory_space<hbm>> -> memref<10000x128xf32, #tpu.memory_space<hbm>>
        tpu.enqueue_indirect_dma source(%dma_start3A_210 : memref<10000x128xf32, #tpu.memory_space<hbm>>) target(%arg17 : memref<125x128xf32, #tpu.memory_space<vmem>>) offsets(%dma_start3A_207 : memref<125xi32, #tpu.memory_space<vmem>>) semaphore(%arg21 : memref<!tpu.dma_semaphore, #tpu.memory_space<semaphore_mem>>)
      } else {
      }
      %dma_wait3A = arith.constant 0 : i32
      %dma_wait3A_179 = arith.constant 0 : i32
      %dma_wait3A_180 = tpu.memref_slice %arg14[%add3A_174, %dma_wait3A, %dma_wait3A_179] : memref<40x1x125xi32, #tpu.memory_space<vmem>> -> memref<1x1x125xi32, #tpu.memory_space<vmem>>
      %dma_wait3A_181 = tpu.memref_squeeze %dma_wait3A_180 : memref<1x1x125xi32, #tpu.memory_space<vmem>> -> memref<125xi32, #tpu.memory_space<vmem>>
      %dma_wait3A_182 = arith.constant 0 : i32
      %dma_wait3A_183 = arith.constant 0 : i32
      %dma_wait3A_184 = tpu.memref_slice %arg4[%dma_wait3A_182, %dma_wait3A_183] : memref<10000x128xf32, #tpu.memory_space<hbm>> -> memref<10000x128xf32, #tpu.memory_space<hbm>>
      tpu.wait_indirect_dma semaphore(%arg20 : memref<!tpu.dma_semaphore, #tpu.memory_space<semaphore_mem>>) src(%dma_wait3A_184 : memref<10000x128xf32, #tpu.memory_space<hbm>>) dst(%arg16 : memref<125x128xf32, #tpu.memory_space<vmem>>)
      %run_scoped3A = arith.constant 0 : i32
      "tpu.region"() ({
        %run_scoped3A_204 = tpu.sem_alloc : memref<!tpu.dma_semaphore, #tpu.memory_space<semaphore_mem>>
        %dma_start3A_205 = arith.constant 0 : i32
        %dma_start3A_206 = tpu.memref_slice %arg15[%add3A_174, %run_scoped3A, %dma_start3A_205] : memref<40x1x125xi32, #tpu.memory_space<vmem>> -> memref<1x1x125xi32, #tpu.memory_space<vmem>>
        %dma_start3A_207 = tpu.memref_squeeze %dma_start3A_206 : memref<1x1x125xi32, #tpu.memory_space<vmem>> -> memref<125xi32, #tpu.memory_space<vmem>>
        %dma_start3A_208 = arith.constant 0 : i32
        %dma_start3A_209 = arith.constant 0 : i32
        %dma_start3A_210 = tpu.memref_slice %arg19[%dma_start3A_208, %dma_start3A_209] : memref<10240x128xf32, #tpu.memory_space<vmem_shared>> -> memref<10240x128xf32, #tpu.memory_space<vmem_shared>>
        tpu.enqueue_indirect_dma source(%arg16 : memref<125x128xf32, #tpu.memory_space<vmem>>) target(%dma_start3A_210 : memref<10240x128xf32, #tpu.memory_space<vmem_shared>>) offsets(%dma_start3A_207 : memref<125xi32, #tpu.memory_space<vmem>>) semaphore(%run_scoped3A_204 : memref<!tpu.dma_semaphore, #tpu.memory_space<semaphore_mem>>) {add = true}
        %dma_wait3A_211 = arith.constant 0 : i32
        %dma_wait3A_212 = tpu.memref_slice %arg15[%add3A_174, %run_scoped3A, %dma_wait3A_211] : memref<40x1x125xi32, #tpu.memory_space<vmem>> -> memref<1x1x125xi32, #tpu.memory_space<vmem>>
        %dma_wait3A_213 = tpu.memref_squeeze %dma_wait3A_212 : memref<1x1x125xi32, #tpu.memory_space<vmem>> -> memref<125xi32, #tpu.memory_space<vmem>>
        %dma_wait3A_214 = arith.constant 0 : i32
        %dma_wait3A_215 = arith.constant 0 : i32
        %dma_wait3A_216 = tpu.memref_slice %arg19[%dma_wait3A_214, %dma_wait3A_215] : memref<10240x128xf32, #tpu.memory_space<vmem_shared>> -> memref<10240x128xf32, #tpu.memory_space<vmem_shared>>
        tpu.wait_indirect_dma semaphore(%run_scoped3A_204 : memref<!tpu.dma_semaphore, #tpu.memory_space<semaphore_mem>>) src(%arg16 : memref<125x128xf32, #tpu.memory_space<vmem>>) dst(%dma_wait3A_216 : memref<10240x128xf32, #tpu.memory_space<vmem_shared>>)
        tpu.yield
      }) : () -> ()
      %mul3A_185 = arith.constant 2 : i32
      %mul3A_186 = arith.muli %mul3A_185, %scan3A_170 : i32
      %add3A_187 = arith.constant 1 : i32
      %add3A_188 = arith.addi %mul3A_186, %add3A_187 : i32
      %add3A_189 = arith.constant 1 : i32
      %add3A_190 = arith.addi %add3A_188, %add3A_189 : i32
      %lt3A_191 = arith.constant 40 : i32
      %lt3A_192 = arith.cmpi slt, %add3A_190, %lt3A_191 : i32
      %convert_element_type3A_193 = arith.extui %lt3A_192 : i1 to i32
      %cond3A_194 = arith.constant 0 : i32
      %cond3A_195 = arith.cmpi ne, %convert_element_type3A_193, %cond3A_194 : i32
      scf.if %cond3A_195 {
        %dma_start3A_204 = arith.constant 0 : i32
        %dma_start3A_205 = arith.constant 0 : i32
        %dma_start3A_206 = tpu.memref_slice %arg14[%add3A_190, %dma_start3A_204, %dma_start3A_205] : memref<40x1x125xi32, #tpu.memory_space<vmem>> -> memref<1x1x125xi32, #tpu.memory_space<vmem>>
        %dma_start3A_207 = tpu.memref_squeeze %dma_start3A_206 : memref<1x1x125xi32, #tpu.memory_space<vmem>> -> memref<125xi32, #tpu.memory_space<vmem>>
        %dma_start3A_208 = arith.constant 0 : i32
        %dma_start3A_209 = arith.constant 0 : i32
        %dma_start3A_210 = tpu.memref_slice %arg4[%dma_start3A_208, %dma_start3A_209] : memref<10000x128xf32, #tpu.memory_space<hbm>> -> memref<10000x128xf32, #tpu.memory_space<hbm>>
        tpu.enqueue_indirect_dma source(%dma_start3A_210 : memref<10000x128xf32, #tpu.memory_space<hbm>>) target(%arg16 : memref<125x128xf32, #tpu.memory_space<vmem>>) offsets(%dma_start3A_207 : memref<125xi32, #tpu.memory_space<vmem>>) semaphore(%arg20 : memref<!tpu.dma_semaphore, #tpu.memory_space<semaphore_mem>>)
      } else {
      }
      %dma_wait3A_196 = arith.constant 0 : i32
      %dma_wait3A_197 = arith.constant 0 : i32
      %dma_wait3A_198 = tpu.memref_slice %arg14[%add3A_188, %dma_wait3A_196, %dma_wait3A_197] : memref<40x1x125xi32, #tpu.memory_space<vmem>> -> memref<1x1x125xi32, #tpu.memory_space<vmem>>
      %dma_wait3A_199 = tpu.memref_squeeze %dma_wait3A_198 : memref<1x1x125xi32, #tpu.memory_space<vmem>> -> memref<125xi32, #tpu.memory_space<vmem>>
      %dma_wait3A_200 = arith.constant 0 : i32
      %dma_wait3A_201 = arith.constant 0 : i32
      %dma_wait3A_202 = tpu.memref_slice %arg4[%dma_wait3A_200, %dma_wait3A_201] : memref<10000x128xf32, #tpu.memory_space<hbm>> -> memref<10000x128xf32, #tpu.memory_space<hbm>>
      tpu.wait_indirect_dma semaphore(%arg21 : memref<!tpu.dma_semaphore, #tpu.memory_space<semaphore_mem>>) src(%dma_wait3A_202 : memref<10000x128xf32, #tpu.memory_space<hbm>>) dst(%arg17 : memref<125x128xf32, #tpu.memory_space<vmem>>)
      %run_scoped3A_203 = arith.constant 0 : i32
      "tpu.region"() ({
        %run_scoped3A_204 = tpu.sem_alloc : memref<!tpu.dma_semaphore, #tpu.memory_space<semaphore_mem>>
        %dma_start3A_205 = arith.constant 0 : i32
        %dma_start3A_206 = tpu.memref_slice %arg15[%add3A_188, %run_scoped3A_203, %dma_start3A_205] : memref<40x1x125xi32, #tpu.memory_space<vmem>> -> memref<1x1x125xi32, #tpu.memory_space<vmem>>
        %dma_start3A_207 = tpu.memref_squeeze %dma_start3A_206 : memref<1x1x125xi32, #tpu.memory_space<vmem>> -> memref<125xi32, #tpu.memory_space<vmem>>
        %dma_start3A_208 = arith.constant 0 : i32
        %dma_start3A_209 = arith.constant 0 : i32
        %dma_start3A_210 = tpu.memref_slice %arg19[%dma_start3A_208, %dma_start3A_209] : memref<10240x128xf32, #tpu.memory_space<vmem_shared>> -> memref<10240x128xf32, #tpu.memory_space<vmem_shared>>
        tpu.enqueue_indirect_dma source(%arg17 : memref<125x128xf32, #tpu.memory_space<vmem>>) target(%dma_start3A_210 : memref<10240x128xf32, #tpu.memory_space<vmem_shared>>) offsets(%dma_start3A_207 : memref<125xi32, #tpu.memory_space<vmem>>) semaphore(%run_scoped3A_204 : memref<!tpu.dma_semaphore, #tpu.memory_space<semaphore_mem>>) {add = true}
        %dma_wait3A_211 = arith.constant 0 : i32
        %dma_wait3A_212 = tpu.memref_slice %arg15[%add3A_188, %run_scoped3A_203, %dma_wait3A_211] : memref<40x1x125xi32, #tpu.memory_space<vmem>> -> memref<1x1x125xi32, #tpu.memory_space<vmem>>
        %dma_wait3A_213 = tpu.memref_squeeze %dma_wait3A_212 : memref<1x1x125xi32, #tpu.memory_space<vmem>> -> memref<125xi32, #tpu.memory_space<vmem>>
        %dma_wait3A_214 = arith.constant 0 : i32
        %dma_wait3A_215 = arith.constant 0 : i32
        %dma_wait3A_216 = tpu.memref_slice %arg19[%dma_wait3A_214, %dma_wait3A_215] : memref<10240x128xf32, #tpu.memory_space<vmem_shared>> -> memref<10240x128xf32, #tpu.memory_space<vmem_shared>>
        tpu.wait_indirect_dma semaphore(%run_scoped3A_204 : memref<!tpu.dma_semaphore, #tpu.memory_space<semaphore_mem>>) src(%arg17 : memref<125x128xf32, #tpu.memory_space<vmem>>) dst(%dma_wait3A_216 : memref<10240x128xf32, #tpu.memory_space<vmem_shared>>)
        tpu.yield
      }) : () -> ()
    }
    %scan3A_143 = arith.constant 20 : i32
    %barrier3A_144 = arith.constant 0 : index
    tpu.barrier barrier_id(%barrier3A_144)
    %dma_start3A_145 = arith.constant 0 : i32
    %dma_start3A_146 = arith.constant 0 : i32
    %dma_start3A_147 = arith.constant 0 : i32
    %dma_start3A_148 = tpu.memref_slice %arg14[%dma_start3A_145, %dma_start3A_146, %dma_start3A_147] : memref<40x1x125xi32, #tpu.memory_space<vmem>> -> memref<1x1x125xi32, #tpu.memory_space<vmem>>
    %dma_start3A_149 = tpu.memref_squeeze %dma_start3A_148 : memref<1x1x125xi32, #tpu.memory_space<vmem>> -> memref<125xi32, #tpu.memory_space<vmem>>
    %dma_start3A_150 = arith.constant 0 : i32
    %dma_start3A_151 = arith.constant 0 : i32
    %dma_start3A_152 = tpu.memref_slice %arg5[%dma_start3A_150, %dma_start3A_151] : memref<10000x128xf32, #tpu.memory_space<hbm>> -> memref<10000x128xf32, #tpu.memory_space<hbm>>
    tpu.enqueue_indirect_dma source(%dma_start3A_152 : memref<10000x128xf32, #tpu.memory_space<hbm>>) target(%arg16 : memref<125x128xf32, #tpu.memory_space<vmem>>) offsets(%dma_start3A_149 : memref<125xi32, #tpu.memory_space<vmem>>) semaphore(%arg20 : memref<!tpu.dma_semaphore, #tpu.memory_space<semaphore_mem>>)
    %mul3A_153 = arith.constant 640 : i32
    %mul3A_154 = arith.muli %arg1, %mul3A_153 : i32
    %mul3A_155 = arith.constant 640 : i32
    %mul3A_156 = arith.muli %arg1, %mul3A_155 : i32
    "tpu.region"() ({
      %run_scoped3A = tpu.sem_alloc : memref<!tpu.dma_semaphore, #tpu.memory_space<semaphore_mem>>
      %dma_start3A_170 = arith.constant 0 : i32
      %dma_start3A_171 = tpu.memref_slice %arg11[%arg0, %mul3A_156, %dma_start3A_170] : memref<2x10240x128xf32, #tpu.memory_space<hbm>> -> memref<1x640x128xf32, #tpu.memory_space<hbm>>
      %dma_start3A_172 = tpu.memref_squeeze %dma_start3A_171 : memref<1x640x128xf32, #tpu.memory_space<hbm>> -> memref<640x128xf32, #tpu.memory_space<hbm>>
      %dma_start3A_173 = arith.constant 0 : i32
      %dma_start3A_174 = tpu.memref_slice %arg19[%mul3A_154, %dma_start3A_173] : memref<10240x128xf32, #tpu.memory_space<vmem_shared>> -> memref<640x128xf32, #tpu.memory_space<vmem_shared>>
      tpu.enqueue_dma source(%dma_start3A_174 : memref<640x128xf32, #tpu.memory_space<vmem_shared>>) target(%dma_start3A_172 : memref<640x128xf32, #tpu.memory_space<hbm>>) target_semaphore(%run_scoped3A : memref<!tpu.dma_semaphore, #tpu.memory_space<semaphore_mem>>)
      %dma_wait3A = arith.constant 0 : i32
      %dma_wait3A_175 = tpu.memref_slice %arg11[%arg0, %mul3A_156, %dma_wait3A] : memref<2x10240x128xf32, #tpu.memory_space<hbm>> -> memref<1x640x128xf32, #tpu.memory_space<hbm>>
      %dma_wait3A_176 = tpu.memref_squeeze %dma_wait3A_175 : memref<1x640x128xf32, #tpu.memory_space<hbm>> -> memref<640x128xf32, #tpu.memory_space<hbm>>
      %dma_wait3A_177 = arith.constant 0 : i32
      %dma_wait3A_178 = tpu.memref_slice %arg19[%mul3A_154, %dma_wait3A_177] : memref<10240x128xf32, #tpu.memory_space<vmem_shared>> -> memref<640x128xf32, #tpu.memory_space<vmem_shared>>
      tpu.wait_dma2 semaphore(%run_scoped3A : memref<!tpu.dma_semaphore, #tpu.memory_space<semaphore_mem>>) src(%dma_wait3A_178 : memref<640x128xf32, #tpu.memory_space<vmem_shared>>) dst(%dma_wait3A_176 : memref<640x128xf32, #tpu.memory_space<hbm>>)
      tpu.yield
    }) : () -> ()
    %barrier3A_157 = arith.constant 0 : index
    tpu.barrier barrier_id(%barrier3A_157)
    %scan3A_158 = arith.constant 0 : i32
    %scan3A_159 = arith.constant 0 : i32
    %scan3A_160 = arith.constant 20 : i32
    %scan3A_161 = arith.addi %scan3A_159, %scan3A_160 : i32
    %scan3A_162 = arith.constant 1 : i32
    scf.for %scan3A_170 = %scan3A_159 to %scan3A_161 step %scan3A_162  : i32 {
      %mul3A_171 = arith.constant 2 : i32
      %mul3A_172 = arith.muli %mul3A_171, %scan3A_170 : i32
      %add3A_173 = arith.constant 0 : i32
      %add3A_174 = arith.addi %mul3A_172, %add3A_173 : i32
      %add3A_175 = arith.constant 1 : i32
      %add3A_176 = arith.addi %add3A_174, %add3A_175 : i32
      %lt3A = arith.constant 40 : i32
      %lt3A_177 = arith.cmpi slt, %add3A_176, %lt3A : i32
      %convert_element_type3A = arith.extui %lt3A_177 : i1 to i32
      %cond3A = arith.constant 0 : i32
      %cond3A_178 = arith.cmpi ne, %convert_element_type3A, %cond3A : i32
      scf.if %cond3A_178 {
        %dma_start3A_204 = arith.constant 0 : i32
        %dma_start3A_205 = arith.constant 0 : i32
        %dma_start3A_206 = tpu.memref_slice %arg14[%add3A_176, %dma_start3A_204, %dma_start3A_205] : memref<40x1x125xi32, #tpu.memory_space<vmem>> -> memref<1x1x125xi32, #tpu.memory_space<vmem>>
        %dma_start3A_207 = tpu.memref_squeeze %dma_start3A_206 : memref<1x1x125xi32, #tpu.memory_space<vmem>> -> memref<125xi32, #tpu.memory_space<vmem>>
        %dma_start3A_208 = arith.constant 0 : i32
        %dma_start3A_209 = arith.constant 0 : i32
        %dma_start3A_210 = tpu.memref_slice %arg5[%dma_start3A_208, %dma_start3A_209] : memref<10000x128xf32, #tpu.memory_space<hbm>> -> memref<10000x128xf32, #tpu.memory_space<hbm>>
        tpu.enqueue_indirect_dma source(%dma_start3A_210 : memref<10000x128xf32, #tpu.memory_space<hbm>>) target(%arg17 : memref<125x128xf32, #tpu.memory_space<vmem>>) offsets(%dma_start3A_207 : memref<125xi32, #tpu.memory_space<vmem>>) semaphore(%arg21 : memref<!tpu.dma_semaphore, #tpu.memory_space<semaphore_mem>>)
      } else {
      }
      %dma_wait3A = arith.constant 0 : i32
      %dma_wait3A_179 = arith.constant 0 : i32
      %dma_wait3A_180 = tpu.memref_slice %arg14[%add3A_174, %dma_wait3A, %dma_wait3A_179] : memref<40x1x125xi32, #tpu.memory_space<vmem>> -> memref<1x1x125xi32, #tpu.memory_space<vmem>>
      %dma_wait3A_181 = tpu.memref_squeeze %dma_wait3A_180 : memref<1x1x125xi32, #tpu.memory_space<vmem>> -> memref<125xi32, #tpu.memory_space<vmem>>
      %dma_wait3A_182 = arith.constant 0 : i32
      %dma_wait3A_183 = arith.constant 0 : i32
      %dma_wait3A_184 = tpu.memref_slice %arg5[%dma_wait3A_182, %dma_wait3A_183] : memref<10000x128xf32, #tpu.memory_space<hbm>> -> memref<10000x128xf32, #tpu.memory_space<hbm>>
      tpu.wait_indirect_dma semaphore(%arg20 : memref<!tpu.dma_semaphore, #tpu.memory_space<semaphore_mem>>) src(%dma_wait3A_184 : memref<10000x128xf32, #tpu.memory_space<hbm>>) dst(%arg16 : memref<125x128xf32, #tpu.memory_space<vmem>>)
      %run_scoped3A = arith.constant 0 : i32
      "tpu.region"() ({
        %run_scoped3A_204 = tpu.sem_alloc : memref<!tpu.dma_semaphore, #tpu.memory_space<semaphore_mem>>
        %dma_start3A_205 = arith.constant 0 : i32
        %dma_start3A_206 = tpu.memref_slice %arg15[%add3A_174, %run_scoped3A, %dma_start3A_205] : memref<40x1x125xi32, #tpu.memory_space<vmem>> -> memref<1x1x125xi32, #tpu.memory_space<vmem>>
        %dma_start3A_207 = tpu.memref_squeeze %dma_start3A_206 : memref<1x1x125xi32, #tpu.memory_space<vmem>> -> memref<125xi32, #tpu.memory_space<vmem>>
        %dma_start3A_208 = arith.constant 0 : i32
        %dma_start3A_209 = arith.constant 0 : i32
        %dma_start3A_210 = tpu.memref_slice %arg19[%dma_start3A_208, %dma_start3A_209] : memref<10240x128xf32, #tpu.memory_space<vmem_shared>> -> memref<10240x128xf32, #tpu.memory_space<vmem_shared>>
        tpu.enqueue_indirect_dma source(%arg16 : memref<125x128xf32, #tpu.memory_space<vmem>>) target(%dma_start3A_210 : memref<10240x128xf32, #tpu.memory_space<vmem_shared>>) offsets(%dma_start3A_207 : memref<125xi32, #tpu.memory_space<vmem>>) semaphore(%run_scoped3A_204 : memref<!tpu.dma_semaphore, #tpu.memory_space<semaphore_mem>>) {add = true}
        %dma_wait3A_211 = arith.constant 0 : i32
        %dma_wait3A_212 = tpu.memref_slice %arg15[%add3A_174, %run_scoped3A, %dma_wait3A_211] : memref<40x1x125xi32, #tpu.memory_space<vmem>> -> memref<1x1x125xi32, #tpu.memory_space<vmem>>
        %dma_wait3A_213 = tpu.memref_squeeze %dma_wait3A_212 : memref<1x1x125xi32, #tpu.memory_space<vmem>> -> memref<125xi32, #tpu.memory_space<vmem>>
        %dma_wait3A_214 = arith.constant 0 : i32
        %dma_wait3A_215 = arith.constant 0 : i32
        %dma_wait3A_216 = tpu.memref_slice %arg19[%dma_wait3A_214, %dma_wait3A_215] : memref<10240x128xf32, #tpu.memory_space<vmem_shared>> -> memref<10240x128xf32, #tpu.memory_space<vmem_shared>>
        tpu.wait_indirect_dma semaphore(%run_scoped3A_204 : memref<!tpu.dma_semaphore, #tpu.memory_space<semaphore_mem>>) src(%arg16 : memref<125x128xf32, #tpu.memory_space<vmem>>) dst(%dma_wait3A_216 : memref<10240x128xf32, #tpu.memory_space<vmem_shared>>)
        tpu.yield
      }) : () -> ()
      %mul3A_185 = arith.constant 2 : i32
      %mul3A_186 = arith.muli %mul3A_185, %scan3A_170 : i32
      %add3A_187 = arith.constant 1 : i32
      %add3A_188 = arith.addi %mul3A_186, %add3A_187 : i32
      %add3A_189 = arith.constant 1 : i32
      %add3A_190 = arith.addi %add3A_188, %add3A_189 : i32
      %lt3A_191 = arith.constant 40 : i32
      %lt3A_192 = arith.cmpi slt, %add3A_190, %lt3A_191 : i32
      %convert_element_type3A_193 = arith.extui %lt3A_192 : i1 to i32
      %cond3A_194 = arith.constant 0 : i32
      %cond3A_195 = arith.cmpi ne, %convert_element_type3A_193, %cond3A_194 : i32
      scf.if %cond3A_195 {
        %dma_start3A_204 = arith.constant 0 : i32
        %dma_start3A_205 = arith.constant 0 : i32
        %dma_start3A_206 = tpu.memref_slice %arg14[%add3A_190, %dma_start3A_204, %dma_start3A_205] : memref<40x1x125xi32, #tpu.memory_space<vmem>> -> memref<1x1x125xi32, #tpu.memory_space<vmem>>
        %dma_start3A_207 = tpu.memref_squeeze %dma_start3A_206 : memref<1x1x125xi32, #tpu.memory_space<vmem>> -> memref<125xi32, #tpu.memory_space<vmem>>
        %dma_start3A_208 = arith.constant 0 : i32
        %dma_start3A_209 = arith.constant 0 : i32
        %dma_start3A_210 = tpu.memref_slice %arg5[%dma_start3A_208, %dma_start3A_209] : memref<10000x128xf32, #tpu.memory_space<hbm>> -> memref<10000x128xf32, #tpu.memory_space<hbm>>
        tpu.enqueue_indirect_dma source(%dma_start3A_210 : memref<10000x128xf32, #tpu.memory_space<hbm>>) target(%arg16 : memref<125x128xf32, #tpu.memory_space<vmem>>) offsets(%dma_start3A_207 : memref<125xi32, #tpu.memory_space<vmem>>) semaphore(%arg20 : memref<!tpu.dma_semaphore, #tpu.memory_space<semaphore_mem>>)
      } else {
      }
      %dma_wait3A_196 = arith.constant 0 : i32
      %dma_wait3A_197 = arith.constant 0 : i32
      %dma_wait3A_198 = tpu.memref_slice %arg14[%add3A_188, %dma_wait3A_196, %dma_wait3A_197] : memref<40x1x125xi32, #tpu.memory_space<vmem>> -> memref<1x1x125xi32, #tpu.memory_space<vmem>>
      %dma_wait3A_199 = tpu.memref_squeeze %dma_wait3A_198 : memref<1x1x125xi32, #tpu.memory_space<vmem>> -> memref<125xi32, #tpu.memory_space<vmem>>
      %dma_wait3A_200 = arith.constant 0 : i32
      %dma_wait3A_201 = arith.constant 0 : i32
      %dma_wait3A_202 = tpu.memref_slice %arg5[%dma_wait3A_200, %dma_wait3A_201] : memref<10000x128xf32, #tpu.memory_space<hbm>> -> memref<10000x128xf32, #tpu.memory_space<hbm>>
      tpu.wait_indirect_dma semaphore(%arg21 : memref<!tpu.dma_semaphore, #tpu.memory_space<semaphore_mem>>) src(%dma_wait3A_202 : memref<10000x128xf32, #tpu.memory_space<hbm>>) dst(%arg17 : memref<125x128xf32, #tpu.memory_space<vmem>>)
      %run_scoped3A_203 = arith.constant 0 : i32
      "tpu.region"() ({
        %run_scoped3A_204 = tpu.sem_alloc : memref<!tpu.dma_semaphore, #tpu.memory_space<semaphore_mem>>
        %dma_start3A_205 = arith.constant 0 : i32
        %dma_start3A_206 = tpu.memref_slice %arg15[%add3A_188, %run_scoped3A_203, %dma_start3A_205] : memref<40x1x125xi32, #tpu.memory_space<vmem>> -> memref<1x1x125xi32, #tpu.memory_space<vmem>>
        %dma_start3A_207 = tpu.memref_squeeze %dma_start3A_206 : memref<1x1x125xi32, #tpu.memory_space<vmem>> -> memref<125xi32, #tpu.memory_space<vmem>>
        %dma_start3A_208 = arith.constant 0 : i32
        %dma_start3A_209 = arith.constant 0 : i32
        %dma_start3A_210 = tpu.memref_slice %arg19[%dma_start3A_208, %dma_start3A_209] : memref<10240x128xf32, #tpu.memory_space<vmem_shared>> -> memref<10240x128xf32, #tpu.memory_space<vmem_shared>>
        tpu.enqueue_indirect_dma source(%arg17 : memref<125x128xf32, #tpu.memory_space<vmem>>) target(%dma_start3A_210 : memref<10240x128xf32, #tpu.memory_space<vmem_shared>>) offsets(%dma_start3A_207 : memref<125xi32, #tpu.memory_space<vmem>>) semaphore(%run_scoped3A_204 : memref<!tpu.dma_semaphore, #tpu.memory_space<semaphore_mem>>) {add = true}
        %dma_wait3A_211 = arith.constant 0 : i32
        %dma_wait3A_212 = tpu.memref_slice %arg15[%add3A_188, %run_scoped3A_203, %dma_wait3A_211] : memref<40x1x125xi32, #tpu.memory_space<vmem>> -> memref<1x1x125xi32, #tpu.memory_space<vmem>>
        %dma_wait3A_213 = tpu.memref_squeeze %dma_wait3A_212 : memref<1x1x125xi32, #tpu.memory_space<vmem>> -> memref<125xi32, #tpu.memory_space<vmem>>
        %dma_wait3A_214 = arith.constant 0 : i32
        %dma_wait3A_215 = arith.constant 0 : i32
        %dma_wait3A_216 = tpu.memref_slice %arg19[%dma_wait3A_214, %dma_wait3A_215] : memref<10240x128xf32, #tpu.memory_space<vmem_shared>> -> memref<10240x128xf32, #tpu.memory_space<vmem_shared>>
        tpu.wait_indirect_dma semaphore(%run_scoped3A_204 : memref<!tpu.dma_semaphore, #tpu.memory_space<semaphore_mem>>) src(%arg17 : memref<125x128xf32, #tpu.memory_space<vmem>>) dst(%dma_wait3A_216 : memref<10240x128xf32, #tpu.memory_space<vmem_shared>>)
        tpu.yield
      }) : () -> ()
    }
    %scan3A_163 = arith.constant 20 : i32
    %barrier3A_164 = arith.constant 0 : index
    tpu.barrier barrier_id(%barrier3A_164)
    %mul3A_165 = arith.constant 640 : i32
    %mul3A_166 = arith.muli %arg1, %mul3A_165 : i32
    %mul3A_167 = arith.constant 640 : i32
    %mul3A_168 = arith.muli %arg1, %mul3A_167 : i32
    "tpu.region"() ({
      %run_scoped3A = tpu.sem_alloc : memref<!tpu.dma_semaphore, #tpu.memory_space<semaphore_mem>>
      %dma_start3A_170 = arith.constant 0 : i32
      %dma_start3A_171 = tpu.memref_slice %arg12[%arg0, %mul3A_168, %dma_start3A_170] : memref<2x10240x128xf32, #tpu.memory_space<hbm>> -> memref<1x640x128xf32, #tpu.memory_space<hbm>>
      %dma_start3A_172 = tpu.memref_squeeze %dma_start3A_171 : memref<1x640x128xf32, #tpu.memory_space<hbm>> -> memref<640x128xf32, #tpu.memory_space<hbm>>
      %dma_start3A_173 = arith.constant 0 : i32
      %dma_start3A_174 = tpu.memref_slice %arg19[%mul3A_166, %dma_start3A_173] : memref<10240x128xf32, #tpu.memory_space<vmem_shared>> -> memref<640x128xf32, #tpu.memory_space<vmem_shared>>
      tpu.enqueue_dma source(%dma_start3A_174 : memref<640x128xf32, #tpu.memory_space<vmem_shared>>) target(%dma_start3A_172 : memref<640x128xf32, #tpu.memory_space<hbm>>) target_semaphore(%run_scoped3A : memref<!tpu.dma_semaphore, #tpu.memory_space<semaphore_mem>>)
      %dma_wait3A = arith.constant 0 : i32
      %dma_wait3A_175 = tpu.memref_slice %arg12[%arg0, %mul3A_168, %dma_wait3A] : memref<2x10240x128xf32, #tpu.memory_space<hbm>> -> memref<1x640x128xf32, #tpu.memory_space<hbm>>
      %dma_wait3A_176 = tpu.memref_squeeze %dma_wait3A_175 : memref<1x640x128xf32, #tpu.memory_space<hbm>> -> memref<640x128xf32, #tpu.memory_space<hbm>>
      %dma_wait3A_177 = arith.constant 0 : i32
      %dma_wait3A_178 = tpu.memref_slice %arg19[%mul3A_166, %dma_wait3A_177] : memref<10240x128xf32, #tpu.memory_space<vmem_shared>> -> memref<640x128xf32, #tpu.memory_space<vmem_shared>>
      tpu.wait_dma2 semaphore(%run_scoped3A : memref<!tpu.dma_semaphore, #tpu.memory_space<semaphore_mem>>) src(%dma_wait3A_178 : memref<640x128xf32, #tpu.memory_space<vmem_shared>>) dst(%dma_wait3A_176 : memref<640x128xf32, #tpu.memory_space<hbm>>)
      tpu.yield
    }) : () -> ()
    %barrier3A_169 = arith.constant 0 : index
    tpu.barrier barrier_id(%barrier3A_169)
    return
  }
}

module attributes {stable_mosaic.version = 14 : i64} {
  func.func @_att_body(%arg0: i32, %arg1: memref<400x256xf32, #tpu.memory_space<vmem>>, %arg2: memref<256x256xf32, #tpu.memory_space<vmem>>, %arg3: memref<256x512xf32, #tpu.memory_space<vmem>>, %arg4: memref<256x512xf32, #tpu.memory_space<vmem>>, %arg5: memref<1x512xf32, #tpu.memory_space<vmem>>, %arg6: memref<1x512xf32, #tpu.memory_space<vmem>>, %arg7: memref<400x256xf32, #tpu.memory_space<vmem>>, %arg8: memref<400x128xf32, #tpu.memory_space<vmem>>, %arg9: memref<400x128xf32, #tpu.memory_space<vmem>>, %arg10: memref<400x128xf32, #tpu.memory_space<vmem>>, %arg11: memref<400x128xf32, #tpu.memory_space<vmem>>, %arg12: memref<400x128xf32, #tpu.memory_space<vmem>>) attributes {dimension_semantics = [#tpu.dimension_semantics<arbitrary>], iteration_bounds = array<i64: 25>, scalar_prefetch = 0 : i64, scratch_operands = 0 : i64, tpu.core_type = #tpu.core_type<tc>, window_params = [{transform_indices = @transform_0, window_bounds = array<i64: 400, 256>}, {pipeline_mode = #tpu.pipeline_mode<synchronous>, transform_indices = @transform_1, window_bounds = array<i64: 256, 256>}, {pipeline_mode = #tpu.pipeline_mode<synchronous>, transform_indices = @transform_2, window_bounds = array<i64: 256, 512>}, {pipeline_mode = #tpu.pipeline_mode<synchronous>, transform_indices = @transform_3, window_bounds = array<i64: 256, 512>}, {pipeline_mode = #tpu.pipeline_mode<synchronous>, transform_indices = @transform_4, window_bounds = array<i64: 1, 512>}, {pipeline_mode = #tpu.pipeline_mode<synchronous>, transform_indices = @transform_5, window_bounds = array<i64: 1, 512>}, {transform_indices = @transform_6, window_bounds = array<i64: 400, 256>}, {transform_indices = @transform_7, window_bounds = array<i64: 400, 128>}, {transform_indices = @transform_8, window_bounds = array<i64: 400, 128>}, {transform_indices = @transform_9, window_bounds = array<i64: 400, 128>}, {transform_indices = @transform_10, window_bounds = array<i64: 400, 128>}, {transform_indices = @transform_11, window_bounds = array<i64: 400, 128>}]} {
    %get3A = arith.constant 0 : index
    %get3A_0 = arith.constant 0 : index
    %get3A_1 = vector.load %arg1[%get3A, %get3A_0] : memref<400x256xf32, #tpu.memory_space<vmem>>, vector<400x256xf32>
    %get3A_2 = arith.constant 0 : index
    %get3A_3 = arith.constant 0 : index
    %get3A_4 = vector.load %arg2[%get3A_2, %get3A_3] : memref<256x256xf32, #tpu.memory_space<vmem>>, vector<256x256xf32>
    %dot_general3A = arith.constant dense<0.000000e+00> : vector<400x256xf32>
    %dot_general3A_5 = tpu.matmul %get3A_1, %get3A_4, %dot_general3A {dimension_numbers = #tpu.dot_dimension_numbers<[1], [0], [0], [1], [0, 0, 1, 1], [], []>, transpose_lhs_hint = false} : vector<400x256xf32>, vector<256x256xf32>, vector<400x256xf32> -> vector<400x256xf32>
    %swap3A = arith.constant 0 : index
    %swap3A_6 = arith.constant 0 : index
    %swap3A_7 = vector.load %arg7[%swap3A, %swap3A_6] : memref<400x256xf32, #tpu.memory_space<vmem>>, vector<400x256xf32>
    tpu.vector_store %arg7[%swap3A, %swap3A_6], %dot_general3A_5 {strides = array<i32>} : memref<400x256xf32, #tpu.memory_space<vmem>>, vector<400x256xf32>,
    %get3A_8 = arith.constant 0 : index
    %get3A_9 = arith.constant 0 : index
    %get3A_10 = vector.load %arg3[%get3A_8, %get3A_9] : memref<256x512xf32, #tpu.memory_space<vmem>>, vector<256x512xf32>
    %dot_general3A_11 = arith.constant dense<0.000000e+00> : vector<400x512xf32>
    %dot_general3A_12 = tpu.matmul %get3A_1, %get3A_10, %dot_general3A_11 {dimension_numbers = #tpu.dot_dimension_numbers<[1], [0], [0], [1], [0, 0, 1, 1], [], []>, transpose_lhs_hint = false} : vector<400x256xf32>, vector<256x512xf32>, vector<400x512xf32> -> vector<400x512xf32>
    %get3A_13 = arith.constant 0 : index
    %get3A_14 = arith.constant 0 : index
    %get3A_15 = vector.load %arg4[%get3A_13, %get3A_14] : memref<256x512xf32, #tpu.memory_space<vmem>>, vector<256x512xf32>
    %dot_general3A_16 = arith.constant dense<0.000000e+00> : vector<400x512xf32>
    %dot_general3A_17 = tpu.matmul %get3A_1, %get3A_15, %dot_general3A_16 {dimension_numbers = #tpu.dot_dimension_numbers<[1], [0], [0], [1], [0, 0, 1, 1], [], []>, transpose_lhs_hint = false} : vector<400x256xf32>, vector<256x512xf32>, vector<400x512xf32> -> vector<400x512xf32>
    %ge3A = arith.constant 0.000000e+00 : f32
    %ge3A_18 = vector.broadcast %ge3A : f32 to vector<400x512xf32>
    %ge3A_19 = arith.cmpf oge, %dot_general3A_12, %ge3A_18 : vector<400x512xf32>
    %mul3A = arith.constant 2.000000e-01 : f32
    %mul3A_20 = vector.broadcast %mul3A : f32 to vector<400x512xf32>
    %mul3A_21 = arith.mulf %mul3A_20, %dot_general3A_12 : vector<400x512xf32>
    %select_n3A = arith.select %ge3A_19, %dot_general3A_12, %mul3A_21 : vector<400x512xi1>, vector<400x512xf32>
    %get3A_22 = arith.constant 0 : index
    %get3A_23 = arith.constant 0 : index
    %get3A_24 = vector.load %arg5[%get3A_22, %get3A_23] : memref<1x512xf32, #tpu.memory_space<vmem>>, vector<1x512xf32>
    %mul3A_25 = vector.broadcast %get3A_24 : vector<1x512xf32> to vector<400x512xf32>
    %mul3A_26 = arith.mulf %select_n3A, %mul3A_25 : vector<400x512xf32>
    %ge3A_27 = arith.constant 0.000000e+00 : f32
    %ge3A_28 = vector.broadcast %ge3A_27 : f32 to vector<400x512xf32>
    %ge3A_29 = arith.cmpf oge, %dot_general3A_17, %ge3A_28 : vector<400x512xf32>
    %mul3A_30 = arith.constant 2.000000e-01 : f32
    %mul3A_31 = vector.broadcast %mul3A_30 : f32 to vector<400x512xf32>
    %mul3A_32 = arith.mulf %mul3A_31, %dot_general3A_17 : vector<400x512xf32>
    %select_n3A_33 = arith.select %ge3A_29, %dot_general3A_17, %mul3A_32 : vector<400x512xi1>, vector<400x512xf32>
    %get3A_34 = arith.constant 0 : index
    %get3A_35 = arith.constant 0 : index
    %get3A_36 = vector.load %arg6[%get3A_34, %get3A_35] : memref<1x512xf32, #tpu.memory_space<vmem>>, vector<1x512xf32>
    %mul3A_37 = vector.broadcast %get3A_36 : vector<1x512xf32> to vector<400x512xf32>
    %mul3A_38 = arith.mulf %select_n3A_33, %mul3A_37 : vector<400x512xf32>
    %add3A = arith.addf %mul3A_26, %mul3A_38 : vector<400x512xf32>
    %slice3A = vector.extract_strided_slice %add3A {offsets = [0, 0], sizes = [400, 256], strides = [1, 1]} : vector<400x512xf32> to vector<400x256xf32>
    %reduce_sum3A = arith.constant dense<0.000000e+00> : vector<400xf32>
    %reduce_sum3A_39 = vector.multi_reduction <add>, %slice3A, %reduce_sum3A [1] : vector<400x256xf32> to vector<400xf32>
    %broadcast_in_dim3A = vector.shape_cast %reduce_sum3A_39 : vector<400xf32> to vector<400x1xf32>
    %exp3A = math.exp %broadcast_in_dim3A : vector<400x1xf32>
    %slice3A_40 = vector.extract_strided_slice %add3A {offsets = [0, 256], sizes = [400, 256], strides = [1, 1]} : vector<400x512xf32> to vector<400x256xf32>
    %reduce_sum3A_41 = arith.constant dense<0.000000e+00> : vector<400xf32>
    %reduce_sum3A_42 = vector.multi_reduction <add>, %slice3A_40, %reduce_sum3A_41 [1] : vector<400x256xf32> to vector<400xf32>
    %broadcast_in_dim3A_43 = vector.shape_cast %reduce_sum3A_42 : vector<400xf32> to vector<400x1xf32>
    %exp3A_44 = math.exp %broadcast_in_dim3A_43 : vector<400x1xf32>
    %slice3A_45 = vector.extract_strided_slice %dot_general3A_17 {offsets = [0, 0], sizes = [400, 256], strides = [1, 1]} : vector<400x512xf32> to vector<400x256xf32>
    %mul3A_46 = vector.broadcast %exp3A : vector<400x1xf32> to vector<400x256xf32>
    %mul3A_47 = arith.mulf %slice3A_45, %mul3A_46 : vector<400x256xf32>
    %slice3A_48 = vector.extract_strided_slice %dot_general3A_17 {offsets = [0, 256], sizes = [400, 256], strides = [1, 1]} : vector<400x512xf32> to vector<400x256xf32>
    %mul3A_49 = vector.broadcast %exp3A_44 : vector<400x1xf32> to vector<400x256xf32>
    %mul3A_50 = arith.mulf %slice3A_48, %mul3A_49 : vector<400x256xf32>
    %slice3A_51 = vector.extract_strided_slice %mul3A_47 {offsets = [0, 0], sizes = [400, 128], strides = [1, 1]} : vector<400x256xf32> to vector<400x128xf32>
    %swap3A_52 = arith.constant 0 : index
    %swap3A_53 = arith.constant 0 : index
    %swap3A_54 = vector.load %arg8[%swap3A_52, %swap3A_53] : memref<400x128xf32, #tpu.memory_space<vmem>>, vector<400x128xf32>
    tpu.vector_store %arg8[%swap3A_52, %swap3A_53], %slice3A_51 {strides = array<i32>} : memref<400x128xf32, #tpu.memory_space<vmem>>, vector<400x128xf32>,
    %slice3A_55 = vector.extract_strided_slice %mul3A_47 {offsets = [0, 128], sizes = [400, 128], strides = [1, 1]} : vector<400x256xf32> to vector<400x128xf32>
    %swap3A_56 = arith.constant 0 : index
    %swap3A_57 = arith.constant 0 : index
    %swap3A_58 = vector.load %arg9[%swap3A_56, %swap3A_57] : memref<400x128xf32, #tpu.memory_space<vmem>>, vector<400x128xf32>
    tpu.vector_store %arg9[%swap3A_56, %swap3A_57], %slice3A_55 {strides = array<i32>} : memref<400x128xf32, #tpu.memory_space<vmem>>, vector<400x128xf32>,
    %slice3A_59 = vector.extract_strided_slice %mul3A_50 {offsets = [0, 0], sizes = [400, 128], strides = [1, 1]} : vector<400x256xf32> to vector<400x128xf32>
    %swap3A_60 = arith.constant 0 : index
    %swap3A_61 = arith.constant 0 : index
    %swap3A_62 = vector.load %arg10[%swap3A_60, %swap3A_61] : memref<400x128xf32, #tpu.memory_space<vmem>>, vector<400x128xf32>
    tpu.vector_store %arg10[%swap3A_60, %swap3A_61], %slice3A_59 {strides = array<i32>} : memref<400x128xf32, #tpu.memory_space<vmem>>, vector<400x128xf32>,
    %slice3A_63 = vector.extract_strided_slice %mul3A_50 {offsets = [0, 128], sizes = [400, 128], strides = [1, 1]} : vector<400x256xf32> to vector<400x128xf32>
    %swap3A_64 = arith.constant 0 : index
    %swap3A_65 = arith.constant 0 : index
    %swap3A_66 = vector.load %arg11[%swap3A_64, %swap3A_65] : memref<400x128xf32, #tpu.memory_space<vmem>>, vector<400x128xf32>
    tpu.vector_store %arg11[%swap3A_64, %swap3A_65], %slice3A_63 {strides = array<i32>} : memref<400x128xf32, #tpu.memory_space<vmem>>, vector<400x128xf32>,
    %broadcast_in_dim3A_67 = arith.constant 0.000000e+00 : f32
    %broadcast_in_dim3A_68 = vector.broadcast %broadcast_in_dim3A_67 : f32 to vector<400x126xf32>
    %concatenate3A = tpu.concatenate %exp3A, %exp3A_44, %broadcast_in_dim3A_68 in 1 : vector<400x1xf32>, vector<400x1xf32>, vector<400x126xf32> -> vector<400x128xf32>
    %swap3A_69 = arith.constant 0 : index
    %swap3A_70 = arith.constant 0 : index
    %swap3A_71 = vector.load %arg12[%swap3A_69, %swap3A_70] : memref<400x128xf32, #tpu.memory_space<vmem>>, vector<400x128xf32>
    tpu.vector_store %arg12[%swap3A_69, %swap3A_70], %concatenate3A {strides = array<i32>} : memref<400x128xf32, #tpu.memory_space<vmem>>, vector<400x128xf32>,
    return
  }
  func.func @transform_0(%arg0: i32) -> (i32, i32) {
    %c0_i32 = arith.constant 0 : i32
    %c0_i32_0 = arith.constant 0 : i32
    return %arg0, %c0_i32 : i32, i32
  }
  func.func @transform_1(%arg0: i32) -> (i32, i32) {
    %c0_i32 = arith.constant 0 : i32
    %c0_i32_0 = arith.constant 0 : i32
    %c0_i32_1 = arith.constant 0 : i32
    return %c0_i32, %c0_i32_0 : i32, i32
  }
  func.func @transform_2(%arg0: i32) -> (i32, i32) {
    %c0_i32 = arith.constant 0 : i32
    %c0_i32_0 = arith.constant 0 : i32
    %c0_i32_1 = arith.constant 0 : i32
    return %c0_i32, %c0_i32_0 : i32, i32
  }
  func.func @transform_3(%arg0: i32) -> (i32, i32) {
    %c0_i32 = arith.constant 0 : i32
    %c0_i32_0 = arith.constant 0 : i32
    %c0_i32_1 = arith.constant 0 : i32
    return %c0_i32, %c0_i32_0 : i32, i32
  }
  func.func @transform_4(%arg0: i32) -> (i32, i32) {
    %c0_i32 = arith.constant 0 : i32
    %c0_i32_0 = arith.constant 0 : i32
    %c0_i32_1 = arith.constant 0 : i32
    return %c0_i32, %c0_i32_0 : i32, i32
  }
  func.func @transform_5(%arg0: i32) -> (i32, i32) {
    %c0_i32 = arith.constant 0 : i32
    %c0_i32_0 = arith.constant 0 : i32
    %c0_i32_1 = arith.constant 0 : i32
    return %c0_i32, %c0_i32_0 : i32, i32
  }
  func.func @transform_6(%arg0: i32) -> (i32, i32) {
    %c0_i32 = arith.constant 0 : i32
    %c0_i32_0 = arith.constant 0 : i32
    return %arg0, %c0_i32 : i32, i32
  }
  func.func @transform_7(%arg0: i32) -> (i32, i32) {
    %c0_i32 = arith.constant 0 : i32
    %c0_i32_0 = arith.constant 0 : i32
    return %arg0, %c0_i32 : i32, i32
  }
  func.func @transform_8(%arg0: i32) -> (i32, i32) {
    %c0_i32 = arith.constant 0 : i32
    %c0_i32_0 = arith.constant 0 : i32
    return %arg0, %c0_i32 : i32, i32
  }
  func.func @transform_9(%arg0: i32) -> (i32, i32) {
    %c0_i32 = arith.constant 0 : i32
    %c0_i32_0 = arith.constant 0 : i32
    return %arg0, %c0_i32 : i32, i32
  }
  func.func @transform_10(%arg0: i32) -> (i32, i32) {
    %c0_i32 = arith.constant 0 : i32
    %c0_i32_0 = arith.constant 0 : i32
    return %arg0, %c0_i32 : i32, i32
  }
  func.func @transform_11(%arg0: i32) -> (i32, i32) {
    %c0_i32 = arith.constant 0 : i32
    %c0_i32_0 = arith.constant 0 : i32
    return %arg0, %c0_i32 : i32, i32
  }
}

module attributes {stable_mosaic.version = 14 : i64} {
  func.func @_mid_body(%arg0: i32, %arg1: memref<400x256xf32, #tpu.memory_space<vmem>>, %arg2: memref<2x400x128xf32, #tpu.memory_space<vmem>>, %arg3: memref<2x400x128xf32, #tpu.memory_space<vmem>>, %arg4: memref<2x400x128xf32, #tpu.memory_space<vmem>>, %arg5: memref<2x400x128xf32, #tpu.memory_space<vmem>>, %arg6: memref<2x400x128xf32, #tpu.memory_space<vmem>>, %arg7: memref<1x256xf32, #tpu.memory_space<vmem>>, %arg8: memref<1x256xf32, #tpu.memory_space<vmem>>, %arg9: memref<256x256xf32, #tpu.memory_space<vmem>>, %arg10: memref<256x512xf32, #tpu.memory_space<vmem>>, %arg11: memref<256x512xf32, #tpu.memory_space<vmem>>, %arg12: memref<1x512xf32, #tpu.memory_space<vmem>>, %arg13: memref<1x512xf32, #tpu.memory_space<vmem>>, %arg14: memref<400x256xf32, #tpu.memory_space<vmem>>, %arg15: memref<400x128xf32, #tpu.memory_space<vmem>>, %arg16: memref<400x128xf32, #tpu.memory_space<vmem>>, %arg17: memref<400x128xf32, #tpu.memory_space<vmem>>, %arg18: memref<400x128xf32, #tpu.memory_space<vmem>>, %arg19: memref<400x128xf32, #tpu.memory_space<vmem>>) attributes {dimension_semantics = [#tpu.dimension_semantics<arbitrary>], iteration_bounds = array<i64: 25>, scalar_prefetch = 0 : i64, scratch_operands = 0 : i64, tpu.core_type = #tpu.core_type<tc>, window_params = [{transform_indices = @transform_0, window_bounds = array<i64: 400, 256>}, {transform_indices = @transform_1, window_bounds = array<i64: 2, 400, 128>}, {transform_indices = @transform_2, window_bounds = array<i64: 2, 400, 128>}, {transform_indices = @transform_3, window_bounds = array<i64: 2, 400, 128>}, {transform_indices = @transform_4, window_bounds = array<i64: 2, 400, 128>}, {transform_indices = @transform_5, window_bounds = array<i64: 2, 400, 128>}, {pipeline_mode = #tpu.pipeline_mode<synchronous>, transform_indices = @transform_6, window_bounds = array<i64: 1, 256>}, {pipeline_mode = #tpu.pipeline_mode<synchronous>, transform_indices = @transform_7, window_bounds = array<i64: 1, 256>}, {pipeline_mode = #tpu.pipeline_mode<synchronous>, transform_indices = @transform_8, window_bounds = array<i64: 256, 256>}, {pipeline_mode = #tpu.pipeline_mode<synchronous>, transform_indices = @transform_9, window_bounds = array<i64: 256, 512>}, {pipeline_mode = #tpu.pipeline_mode<synchronous>, transform_indices = @transform_10, window_bounds = array<i64: 256, 512>}, {pipeline_mode = #tpu.pipeline_mode<synchronous>, transform_indices = @transform_11, window_bounds = array<i64: 1, 512>}, {pipeline_mode = #tpu.pipeline_mode<synchronous>, transform_indices = @transform_12, window_bounds = array<i64: 1, 512>}, {transform_indices = @transform_13, window_bounds = array<i64: 400, 256>}, {transform_indices = @transform_14, window_bounds = array<i64: 400, 128>}, {transform_indices = @transform_15, window_bounds = array<i64: 400, 128>}, {transform_indices = @transform_16, window_bounds = array<i64: 400, 128>}, {transform_indices = @transform_17, window_bounds = array<i64: 400, 128>}, {transform_indices = @transform_18, window_bounds = array<i64: 400, 128>}]} {
    %get3A = arith.constant 0 : index
    %get3A_0 = arith.constant 0 : index
    %get3A_1 = arith.constant 0 : index
    %get3A_2 = vector.load %arg6[%get3A, %get3A_0, %get3A_1] : memref<2x400x128xf32, #tpu.memory_space<vmem>>, vector<2x400x128xf32>
    %slice3A = vector.extract_strided_slice %get3A_2 {offsets = [0, 0, 0], sizes = [1, 400, 128], strides = [1, 1, 1]} : vector<2x400x128xf32> to vector<1x400x128xf32>
    %squeeze3A = vector.shape_cast %slice3A : vector<1x400x128xf32> to vector<400x128xf32>
    %slice3A_3 = vector.extract_strided_slice %get3A_2 {offsets = [1, 0, 0], sizes = [1, 400, 128], strides = [1, 1, 1]} : vector<2x400x128xf32> to vector<1x400x128xf32>
    %squeeze3A_4 = vector.shape_cast %slice3A_3 : vector<1x400x128xf32> to vector<400x128xf32>
    %add3A = arith.addf %squeeze3A, %squeeze3A_4 : vector<400x128xf32>
    %get3A_5 = arith.constant 0 : index
    %get3A_6 = arith.constant 0 : index
    %get3A_7 = arith.constant 0 : index
    %get3A_8 = vector.load %arg2[%get3A_5, %get3A_6, %get3A_7] : memref<2x400x128xf32, #tpu.memory_space<vmem>>, vector<2x400x128xf32>
    %slice3A_9 = vector.extract_strided_slice %get3A_8 {offsets = [0, 0, 0], sizes = [1, 400, 128], strides = [1, 1, 1]} : vector<2x400x128xf32> to vector<1x400x128xf32>
    %squeeze3A_10 = vector.shape_cast %slice3A_9 : vector<1x400x128xf32> to vector<400x128xf32>
    %slice3A_11 = vector.extract_strided_slice %get3A_8 {offsets = [1, 0, 0], sizes = [1, 400, 128], strides = [1, 1, 1]} : vector<2x400x128xf32> to vector<1x400x128xf32>
    %squeeze3A_12 = vector.shape_cast %slice3A_11 : vector<1x400x128xf32> to vector<400x128xf32>
    %add3A_13 = arith.addf %squeeze3A_10, %squeeze3A_12 : vector<400x128xf32>
    %get3A_14 = arith.constant 0 : index
    %get3A_15 = arith.constant 0 : index
    %get3A_16 = arith.constant 0 : index
    %get3A_17 = vector.load %arg3[%get3A_14, %get3A_15, %get3A_16] : memref<2x400x128xf32, #tpu.memory_space<vmem>>, vector<2x400x128xf32>
    %slice3A_18 = vector.extract_strided_slice %get3A_17 {offsets = [0, 0, 0], sizes = [1, 400, 128], strides = [1, 1, 1]} : vector<2x400x128xf32> to vector<1x400x128xf32>
    %squeeze3A_19 = vector.shape_cast %slice3A_18 : vector<1x400x128xf32> to vector<400x128xf32>
    %slice3A_20 = vector.extract_strided_slice %get3A_17 {offsets = [1, 0, 0], sizes = [1, 400, 128], strides = [1, 1, 1]} : vector<2x400x128xf32> to vector<1x400x128xf32>
    %squeeze3A_21 = vector.shape_cast %slice3A_20 : vector<1x400x128xf32> to vector<400x128xf32>
    %add3A_22 = arith.addf %squeeze3A_19, %squeeze3A_21 : vector<400x128xf32>
    %get3A_23 = arith.constant 0 : index
    %get3A_24 = arith.constant 0 : index
    %get3A_25 = arith.constant 0 : index
    %get3A_26 = vector.load %arg4[%get3A_23, %get3A_24, %get3A_25] : memref<2x400x128xf32, #tpu.memory_space<vmem>>, vector<2x400x128xf32>
    %slice3A_27 = vector.extract_strided_slice %get3A_26 {offsets = [0, 0, 0], sizes = [1, 400, 128], strides = [1, 1, 1]} : vector<2x400x128xf32> to vector<1x400x128xf32>
    %squeeze3A_28 = vector.shape_cast %slice3A_27 : vector<1x400x128xf32> to vector<400x128xf32>
    %slice3A_29 = vector.extract_strided_slice %get3A_26 {offsets = [1, 0, 0], sizes = [1, 400, 128], strides = [1, 1, 1]} : vector<2x400x128xf32> to vector<1x400x128xf32>
    %squeeze3A_30 = vector.shape_cast %slice3A_29 : vector<1x400x128xf32> to vector<400x128xf32>
    %add3A_31 = arith.addf %squeeze3A_28, %squeeze3A_30 : vector<400x128xf32>
    %get3A_32 = arith.constant 0 : index
    %get3A_33 = arith.constant 0 : index
    %get3A_34 = arith.constant 0 : index
    %get3A_35 = vector.load %arg5[%get3A_32, %get3A_33, %get3A_34] : memref<2x400x128xf32, #tpu.memory_space<vmem>>, vector<2x400x128xf32>
    %slice3A_36 = vector.extract_strided_slice %get3A_35 {offsets = [0, 0, 0], sizes = [1, 400, 128], strides = [1, 1, 1]} : vector<2x400x128xf32> to vector<1x400x128xf32>
    %squeeze3A_37 = vector.shape_cast %slice3A_36 : vector<1x400x128xf32> to vector<400x128xf32>
    %slice3A_38 = vector.extract_strided_slice %get3A_35 {offsets = [1, 0, 0], sizes = [1, 400, 128], strides = [1, 1, 1]} : vector<2x400x128xf32> to vector<1x400x128xf32>
    %squeeze3A_39 = vector.shape_cast %slice3A_38 : vector<1x400x128xf32> to vector<400x128xf32>
    %add3A_40 = arith.addf %squeeze3A_37, %squeeze3A_39 : vector<400x128xf32>
    %sub3A = arith.subf %add3A_13, %add3A : vector<400x128xf32>
    %sub3A_41 = arith.subf %add3A_22, %add3A_13 : vector<400x128xf32>
    %sub3A_42 = arith.subf %add3A_31, %add3A_22 : vector<400x128xf32>
    %sub3A_43 = arith.subf %add3A_40, %add3A_31 : vector<400x128xf32>
    %slice3A_44 = vector.extract_strided_slice %add3A {offsets = [0, 0], sizes = [400, 1], strides = [1, 1]} : vector<400x128xf32> to vector<400x1xf32>
    %add3A_45 = arith.constant 1.000000e-16 : f32
    %add3A_46 = vector.broadcast %add3A_45 : f32 to vector<400x1xf32>
    %add3A_47 = arith.addf %slice3A_44, %add3A_46 : vector<400x1xf32>
    %slice3A_48 = vector.extract_strided_slice %add3A {offsets = [0, 1], sizes = [400, 1], strides = [1, 1]} : vector<400x128xf32> to vector<400x1xf32>
    %add3A_49 = arith.constant 1.000000e-16 : f32
    %add3A_50 = vector.broadcast %add3A_49 : f32 to vector<400x1xf32>
    %add3A_51 = arith.addf %slice3A_48, %add3A_50 : vector<400x1xf32>
    %div3A = vector.broadcast %add3A_47 : vector<400x1xf32> to vector<400x128xf32>
    %div3A_52 = arith.divf %sub3A, %div3A : vector<400x128xf32>
    %div3A_53 = vector.broadcast %add3A_51 : vector<400x1xf32> to vector<400x128xf32>
    %div3A_54 = arith.divf %sub3A_42, %div3A_53 : vector<400x128xf32>
    %add3A_55 = arith.addf %div3A_52, %div3A_54 : vector<400x128xf32>
    %div3A_56 = vector.broadcast %add3A_47 : vector<400x1xf32> to vector<400x128xf32>
    %div3A_57 = arith.divf %sub3A_41, %div3A_56 : vector<400x128xf32>
    %div3A_58 = vector.broadcast %add3A_51 : vector<400x1xf32> to vector<400x128xf32>
    %div3A_59 = arith.divf %sub3A_43, %div3A_58 : vector<400x128xf32>
    %add3A_60 = arith.addf %div3A_57, %div3A_59 : vector<400x128xf32>
    %get3A_61 = arith.constant 0 : index
    %get3A_62 = arith.constant 0 : index
    %get3A_63 = vector.load %arg1[%get3A_61, %get3A_62] : memref<400x256xf32, #tpu.memory_space<vmem>>, vector<400x256xf32>
    %concatenate3A = tpu.concatenate %add3A_55, %add3A_60 in 1 : vector<400x128xf32>, vector<400x128xf32> -> vector<400x256xf32>
    %add3A_64 = arith.addf %get3A_63, %concatenate3A : vector<400x256xf32>
    %get3A_65 = arith.constant 0 : index
    %get3A_66 = arith.constant 0 : index
    %get3A_67 = vector.load %arg7[%get3A_65, %get3A_66] : memref<1x256xf32, #tpu.memory_space<vmem>>, vector<1x256xf32>
    %mul3A = vector.broadcast %get3A_67 : vector<1x256xf32> to vector<400x256xf32>
    %mul3A_68 = arith.mulf %add3A_64, %mul3A : vector<400x256xf32>
    %get3A_69 = arith.constant 0 : index
    %get3A_70 = arith.constant 0 : index
    %get3A_71 = vector.load %arg8[%get3A_69, %get3A_70] : memref<1x256xf32, #tpu.memory_space<vmem>>, vector<1x256xf32>
    %add3A_72 = vector.broadcast %get3A_71 : vector<1x256xf32> to vector<400x256xf32>
    %add3A_73 = arith.addf %mul3A_68, %add3A_72 : vector<400x256xf32>
    %max3A = arith.constant 0.000000e+00 : f32
    %max3A_74 = vector.broadcast %max3A : f32 to vector<400x256xf32>
    %max3A_75 = arith.maximumf %add3A_73, %max3A_74 : vector<400x256xf32>
    %get3A_76 = arith.constant 0 : index
    %get3A_77 = arith.constant 0 : index
    %get3A_78 = vector.load %arg9[%get3A_76, %get3A_77] : memref<256x256xf32, #tpu.memory_space<vmem>>, vector<256x256xf32>
    %dot_general3A = arith.constant dense<0.000000e+00> : vector<400x256xf32>
    %dot_general3A_79 = tpu.matmul %max3A_75, %get3A_78, %dot_general3A {dimension_numbers = #tpu.dot_dimension_numbers<[1], [0], [0], [1], [0, 0, 1, 1], [], []>, transpose_lhs_hint = false} : vector<400x256xf32>, vector<256x256xf32>, vector<400x256xf32> -> vector<400x256xf32>
    %swap3A = arith.constant 0 : index
    %swap3A_80 = arith.constant 0 : index
    %swap3A_81 = vector.load %arg14[%swap3A, %swap3A_80] : memref<400x256xf32, #tpu.memory_space<vmem>>, vector<400x256xf32>
    tpu.vector_store %arg14[%swap3A, %swap3A_80], %dot_general3A_79 {strides = array<i32>} : memref<400x256xf32, #tpu.memory_space<vmem>>, vector<400x256xf32>,
    %get3A_82 = arith.constant 0 : index
    %get3A_83 = arith.constant 0 : index
    %get3A_84 = vector.load %arg10[%get3A_82, %get3A_83] : memref<256x512xf32, #tpu.memory_space<vmem>>, vector<256x512xf32>
    %dot_general3A_85 = arith.constant dense<0.000000e+00> : vector<400x512xf32>
    %dot_general3A_86 = tpu.matmul %max3A_75, %get3A_84, %dot_general3A_85 {dimension_numbers = #tpu.dot_dimension_numbers<[1], [0], [0], [1], [0, 0, 1, 1], [], []>, transpose_lhs_hint = false} : vector<400x256xf32>, vector<256x512xf32>, vector<400x512xf32> -> vector<400x512xf32>
    %get3A_87 = arith.constant 0 : index
    %get3A_88 = arith.constant 0 : index
    %get3A_89 = vector.load %arg11[%get3A_87, %get3A_88] : memref<256x512xf32, #tpu.memory_space<vmem>>, vector<256x512xf32>
    %dot_general3A_90 = arith.constant dense<0.000000e+00> : vector<400x512xf32>
    %dot_general3A_91 = tpu.matmul %max3A_75, %get3A_89, %dot_general3A_90 {dimension_numbers = #tpu.dot_dimension_numbers<[1], [0], [0], [1], [0, 0, 1, 1], [], []>, transpose_lhs_hint = false} : vector<400x256xf32>, vector<256x512xf32>, vector<400x512xf32> -> vector<400x512xf32>
    %ge3A = arith.constant 0.000000e+00 : f32
    %ge3A_92 = vector.broadcast %ge3A : f32 to vector<400x512xf32>
    %ge3A_93 = arith.cmpf oge, %dot_general3A_86, %ge3A_92 : vector<400x512xf32>
    %mul3A_94 = arith.constant 2.000000e-01 : f32
    %mul3A_95 = vector.broadcast %mul3A_94 : f32 to vector<400x512xf32>
    %mul3A_96 = arith.mulf %mul3A_95, %dot_general3A_86 : vector<400x512xf32>
    %select_n3A = arith.select %ge3A_93, %dot_general3A_86, %mul3A_96 : vector<400x512xi1>, vector<400x512xf32>
    %get3A_97 = arith.constant 0 : index
    %get3A_98 = arith.constant 0 : index
    %get3A_99 = vector.load %arg12[%get3A_97, %get3A_98] : memref<1x512xf32, #tpu.memory_space<vmem>>, vector<1x512xf32>
    %mul3A_100 = vector.broadcast %get3A_99 : vector<1x512xf32> to vector<400x512xf32>
    %mul3A_101 = arith.mulf %select_n3A, %mul3A_100 : vector<400x512xf32>
    %ge3A_102 = arith.constant 0.000000e+00 : f32
    %ge3A_103 = vector.broadcast %ge3A_102 : f32 to vector<400x512xf32>
    %ge3A_104 = arith.cmpf oge, %dot_general3A_91, %ge3A_103 : vector<400x512xf32>
    %mul3A_105 = arith.constant 2.000000e-01 : f32
    %mul3A_106 = vector.broadcast %mul3A_105 : f32 to vector<400x512xf32>
    %mul3A_107 = arith.mulf %mul3A_106, %dot_general3A_91 : vector<400x512xf32>
    %select_n3A_108 = arith.select %ge3A_104, %dot_general3A_91, %mul3A_107 : vector<400x512xi1>, vector<400x512xf32>
    %get3A_109 = arith.constant 0 : index
    %get3A_110 = arith.constant 0 : index
    %get3A_111 = vector.load %arg13[%get3A_109, %get3A_110] : memref<1x512xf32, #tpu.memory_space<vmem>>, vector<1x512xf32>
    %mul3A_112 = vector.broadcast %get3A_111 : vector<1x512xf32> to vector<400x512xf32>
    %mul3A_113 = arith.mulf %select_n3A_108, %mul3A_112 : vector<400x512xf32>
    %add3A_114 = arith.addf %mul3A_101, %mul3A_113 : vector<400x512xf32>
    %slice3A_115 = vector.extract_strided_slice %add3A_114 {offsets = [0, 0], sizes = [400, 256], strides = [1, 1]} : vector<400x512xf32> to vector<400x256xf32>
    %reduce_sum3A = arith.constant dense<0.000000e+00> : vector<400xf32>
    %reduce_sum3A_116 = vector.multi_reduction <add>, %slice3A_115, %reduce_sum3A [1] : vector<400x256xf32> to vector<400xf32>
    %broadcast_in_dim3A = vector.shape_cast %reduce_sum3A_116 : vector<400xf32> to vector<400x1xf32>
    %exp3A = math.exp %broadcast_in_dim3A : vector<400x1xf32>
    %slice3A_117 = vector.extract_strided_slice %add3A_114 {offsets = [0, 256], sizes = [400, 256], strides = [1, 1]} : vector<400x512xf32> to vector<400x256xf32>
    %reduce_sum3A_118 = arith.constant dense<0.000000e+00> : vector<400xf32>
    %reduce_sum3A_119 = vector.multi_reduction <add>, %slice3A_117, %reduce_sum3A_118 [1] : vector<400x256xf32> to vector<400xf32>
    %broadcast_in_dim3A_120 = vector.shape_cast %reduce_sum3A_119 : vector<400xf32> to vector<400x1xf32>
    %exp3A_121 = math.exp %broadcast_in_dim3A_120 : vector<400x1xf32>
    %slice3A_122 = vector.extract_strided_slice %dot_general3A_91 {offsets = [0, 0], sizes = [400, 256], strides = [1, 1]} : vector<400x512xf32> to vector<400x256xf32>
    %mul3A_123 = vector.broadcast %exp3A : vector<400x1xf32> to vector<400x256xf32>
    %mul3A_124 = arith.mulf %slice3A_122, %mul3A_123 : vector<400x256xf32>
    %slice3A_125 = vector.extract_strided_slice %dot_general3A_91 {offsets = [0, 256], sizes = [400, 256], strides = [1, 1]} : vector<400x512xf32> to vector<400x256xf32>
    %mul3A_126 = vector.broadcast %exp3A_121 : vector<400x1xf32> to vector<400x256xf32>
    %mul3A_127 = arith.mulf %slice3A_125, %mul3A_126 : vector<400x256xf32>
    %slice3A_128 = vector.extract_strided_slice %mul3A_124 {offsets = [0, 0], sizes = [400, 128], strides = [1, 1]} : vector<400x256xf32> to vector<400x128xf32>
    %swap3A_129 = arith.constant 0 : index
    %swap3A_130 = arith.constant 0 : index
    %swap3A_131 = vector.load %arg15[%swap3A_129, %swap3A_130] : memref<400x128xf32, #tpu.memory_space<vmem>>, vector<400x128xf32>
    tpu.vector_store %arg15[%swap3A_129, %swap3A_130], %slice3A_128 {strides = array<i32>} : memref<400x128xf32, #tpu.memory_space<vmem>>, vector<400x128xf32>,
    %slice3A_132 = vector.extract_strided_slice %mul3A_124 {offsets = [0, 128], sizes = [400, 128], strides = [1, 1]} : vector<400x256xf32> to vector<400x128xf32>
    %swap3A_133 = arith.constant 0 : index
    %swap3A_134 = arith.constant 0 : index
    %swap3A_135 = vector.load %arg16[%swap3A_133, %swap3A_134] : memref<400x128xf32, #tpu.memory_space<vmem>>, vector<400x128xf32>
    tpu.vector_store %arg16[%swap3A_133, %swap3A_134], %slice3A_132 {strides = array<i32>} : memref<400x128xf32, #tpu.memory_space<vmem>>, vector<400x128xf32>,
    %slice3A_136 = vector.extract_strided_slice %mul3A_127 {offsets = [0, 0], sizes = [400, 128], strides = [1, 1]} : vector<400x256xf32> to vector<400x128xf32>
    %swap3A_137 = arith.constant 0 : index
    %swap3A_138 = arith.constant 0 : index
    %swap3A_139 = vector.load %arg17[%swap3A_137, %swap3A_138] : memref<400x128xf32, #tpu.memory_space<vmem>>, vector<400x128xf32>
    tpu.vector_store %arg17[%swap3A_137, %swap3A_138], %slice3A_136 {strides = array<i32>} : memref<400x128xf32, #tpu.memory_space<vmem>>, vector<400x128xf32>,
    %slice3A_140 = vector.extract_strided_slice %mul3A_127 {offsets = [0, 128], sizes = [400, 128], strides = [1, 1]} : vector<400x256xf32> to vector<400x128xf32>
    %swap3A_141 = arith.constant 0 : index
    %swap3A_142 = arith.constant 0 : index
    %swap3A_143 = vector.load %arg18[%swap3A_141, %swap3A_142] : memref<400x128xf32, #tpu.memory_space<vmem>>, vector<400x128xf32>
    tpu.vector_store %arg18[%swap3A_141, %swap3A_142], %slice3A_140 {strides = array<i32>} : memref<400x128xf32, #tpu.memory_space<vmem>>, vector<400x128xf32>,
    %broadcast_in_dim3A_144 = arith.constant 0.000000e+00 : f32
    %broadcast_in_dim3A_145 = vector.broadcast %broadcast_in_dim3A_144 : f32 to vector<400x126xf32>
    %concatenate3A_146 = tpu.concatenate %exp3A, %exp3A_121, %broadcast_in_dim3A_145 in 1 : vector<400x1xf32>, vector<400x1xf32>, vector<400x126xf32> -> vector<400x128xf32>
    %swap3A_147 = arith.constant 0 : index
    %swap3A_148 = arith.constant 0 : index
    %swap3A_149 = vector.load %arg19[%swap3A_147, %swap3A_148] : memref<400x128xf32, #tpu.memory_space<vmem>>, vector<400x128xf32>
    tpu.vector_store %arg19[%swap3A_147, %swap3A_148], %concatenate3A_146 {strides = array<i32>} : memref<400x128xf32, #tpu.memory_space<vmem>>, vector<400x128xf32>,
    return
  }
  func.func @transform_0(%arg0: i32) -> (i32, i32) {
    %c0_i32 = arith.constant 0 : i32
    %c0_i32_0 = arith.constant 0 : i32
    return %arg0, %c0_i32 : i32, i32
  }
  func.func @transform_1(%arg0: i32) -> (i32, i32, i32) {
    %c0_i32 = arith.constant 0 : i32
    %c0_i32_0 = arith.constant 0 : i32
    %c0_i32_1 = arith.constant 0 : i32
    return %c0_i32, %arg0, %c0_i32_0 : i32, i32, i32
  }
  func.func @transform_2(%arg0: i32) -> (i32, i32, i32) {
    %c0_i32 = arith.constant 0 : i32
    %c0_i32_0 = arith.constant 0 : i32
    %c0_i32_1 = arith.constant 0 : i32
    return %c0_i32, %arg0, %c0_i32_0 : i32, i32, i32
  }
  func.func @transform_3(%arg0: i32) -> (i32, i32, i32) {
    %c0_i32 = arith.constant 0 : i32
    %c0_i32_0 = arith.constant 0 : i32
    %c0_i32_1 = arith.constant 0 : i32
    return %c0_i32, %arg0, %c0_i32_0 : i32, i32, i32
  }
  func.func @transform_4(%arg0: i32) -> (i32, i32, i32) {
    %c0_i32 = arith.constant 0 : i32
    %c0_i32_0 = arith.constant 0 : i32
    %c0_i32_1 = arith.constant 0 : i32
    return %c0_i32, %arg0, %c0_i32_0 : i32, i32, i32
  }
  func.func @transform_5(%arg0: i32) -> (i32, i32, i32) {
    %c0_i32 = arith.constant 0 : i32
    %c0_i32_0 = arith.constant 0 : i32
    %c0_i32_1 = arith.constant 0 : i32
    return %c0_i32, %arg0, %c0_i32_0 : i32, i32, i32
  }
  func.func @transform_6(%arg0: i32) -> (i32, i32) {
    %c0_i32 = arith.constant 0 : i32
    %c0_i32_0 = arith.constant 0 : i32
    %c0_i32_1 = arith.constant 0 : i32
    return %c0_i32, %c0_i32_0 : i32, i32
  }
  func.func @transform_7(%arg0: i32) -> (i32, i32) {
    %c0_i32 = arith.constant 0 : i32
    %c0_i32_0 = arith.constant 0 : i32
    %c0_i32_1 = arith.constant 0 : i32
    return %c0_i32, %c0_i32_0 : i32, i32
  }
  func.func @transform_8(%arg0: i32) -> (i32, i32) {
    %c0_i32 = arith.constant 0 : i32
    %c0_i32_0 = arith.constant 0 : i32
    %c0_i32_1 = arith.constant 0 : i32
    return %c0_i32, %c0_i32_0 : i32, i32
  }
  func.func @transform_9(%arg0: i32) -> (i32, i32) {
    %c0_i32 = arith.constant 0 : i32
    %c0_i32_0 = arith.constant 0 : i32
    %c0_i32_1 = arith.constant 0 : i32
    return %c0_i32, %c0_i32_0 : i32, i32
  }
  func.func @transform_10(%arg0: i32) -> (i32, i32) {
    %c0_i32 = arith.constant 0 : i32
    %c0_i32_0 = arith.constant 0 : i32
    %c0_i32_1 = arith.constant 0 : i32
    return %c0_i32, %c0_i32_0 : i32, i32
  }
  func.func @transform_11(%arg0: i32) -> (i32, i32) {
    %c0_i32 = arith.constant 0 : i32
    %c0_i32_0 = arith.constant 0 : i32
    %c0_i32_1 = arith.constant 0 : i32
    return %c0_i32, %c0_i32_0 : i32, i32
  }
  func.func @transform_12(%arg0: i32) -> (i32, i32) {
    %c0_i32 = arith.constant 0 : i32
    %c0_i32_0 = arith.constant 0 : i32
    %c0_i32_1 = arith.constant 0 : i32
    return %c0_i32, %c0_i32_0 : i32, i32
  }
  func.func @transform_13(%arg0: i32) -> (i32, i32) {
    %c0_i32 = arith.constant 0 : i32
    %c0_i32_0 = arith.constant 0 : i32
    return %arg0, %c0_i32 : i32, i32
  }
  func.func @transform_14(%arg0: i32) -> (i32, i32) {
    %c0_i32 = arith.constant 0 : i32
    %c0_i32_0 = arith.constant 0 : i32
    return %arg0, %c0_i32 : i32, i32
  }
  func.func @transform_15(%arg0: i32) -> (i32, i32) {
    %c0_i32 = arith.constant 0 : i32
    %c0_i32_0 = arith.constant 0 : i32
    return %arg0, %c0_i32 : i32, i32
  }
  func.func @transform_16(%arg0: i32) -> (i32, i32) {
    %c0_i32 = arith.constant 0 : i32
    %c0_i32_0 = arith.constant 0 : i32
    return %arg0, %c0_i32 : i32, i32
  }
  func.func @transform_17(%arg0: i32) -> (i32, i32) {
    %c0_i32 = arith.constant 0 : i32
    %c0_i32_0 = arith.constant 0 : i32
    return %arg0, %c0_i32 : i32, i32
  }
  func.func @transform_18(%arg0: i32) -> (i32, i32) {
    %c0_i32 = arith.constant 0 : i32
    %c0_i32_0 = arith.constant 0 : i32
    return %arg0, %c0_i32 : i32, i32
  }
}

module attributes {stable_mosaic.version = 14 : i64} {
  func.func @_post_head_body(%arg0: i32, %arg1: memref<400x256xf32, #tpu.memory_space<vmem>>, %arg2: memref<2x400x128xf32, #tpu.memory_space<vmem>>, %arg3: memref<2x400x128xf32, #tpu.memory_space<vmem>>, %arg4: memref<2x400x128xf32, #tpu.memory_space<vmem>>, %arg5: memref<2x400x128xf32, #tpu.memory_space<vmem>>, %arg6: memref<2x400x128xf32, #tpu.memory_space<vmem>>, %arg7: memref<1x256xf32, #tpu.memory_space<vmem>>, %arg8: memref<1x256xf32, #tpu.memory_space<vmem>>, %arg9: memref<256x128xf32, #tpu.memory_space<vmem>>, %arg10: memref<1x128xf32, #tpu.memory_space<vmem>>, %arg11: memref<400x128xf32, #tpu.memory_space<vmem>>) attributes {dimension_semantics = [#tpu.dimension_semantics<arbitrary>], iteration_bounds = array<i64: 25>, scalar_prefetch = 0 : i64, scratch_operands = 0 : i64, tpu.core_type = #tpu.core_type<tc>, window_params = [{transform_indices = @transform_0, window_bounds = array<i64: 400, 256>}, {transform_indices = @transform_1, window_bounds = array<i64: 2, 400, 128>}, {transform_indices = @transform_2, window_bounds = array<i64: 2, 400, 128>}, {transform_indices = @transform_3, window_bounds = array<i64: 2, 400, 128>}, {transform_indices = @transform_4, window_bounds = array<i64: 2, 400, 128>}, {transform_indices = @transform_5, window_bounds = array<i64: 2, 400, 128>}, {pipeline_mode = #tpu.pipeline_mode<synchronous>, transform_indices = @transform_6, window_bounds = array<i64: 1, 256>}, {pipeline_mode = #tpu.pipeline_mode<synchronous>, transform_indices = @transform_7, window_bounds = array<i64: 1, 256>}, {pipeline_mode = #tpu.pipeline_mode<synchronous>, transform_indices = @transform_8, window_bounds = array<i64: 256, 128>}, {pipeline_mode = #tpu.pipeline_mode<synchronous>, transform_indices = @transform_9, window_bounds = array<i64: 1, 128>}, {transform_indices = @transform_10, window_bounds = array<i64: 400, 128>}]} {
    %get3A = arith.constant 0 : index
    %get3A_0 = arith.constant 0 : index
    %get3A_1 = arith.constant 0 : index
    %get3A_2 = vector.load %arg6[%get3A, %get3A_0, %get3A_1] : memref<2x400x128xf32, #tpu.memory_space<vmem>>, vector<2x400x128xf32>
    %slice3A = vector.extract_strided_slice %get3A_2 {offsets = [0, 0, 0], sizes = [1, 400, 128], strides = [1, 1, 1]} : vector<2x400x128xf32> to vector<1x400x128xf32>
    %squeeze3A = vector.shape_cast %slice3A : vector<1x400x128xf32> to vector<400x128xf32>
    %slice3A_3 = vector.extract_strided_slice %get3A_2 {offsets = [1, 0, 0], sizes = [1, 400, 128], strides = [1, 1, 1]} : vector<2x400x128xf32> to vector<1x400x128xf32>
    %squeeze3A_4 = vector.shape_cast %slice3A_3 : vector<1x400x128xf32> to vector<400x128xf32>
    %add3A = arith.addf %squeeze3A, %squeeze3A_4 : vector<400x128xf32>
    %get3A_5 = arith.constant 0 : index
    %get3A_6 = arith.constant 0 : index
    %get3A_7 = arith.constant 0 : index
    %get3A_8 = vector.load %arg2[%get3A_5, %get3A_6, %get3A_7] : memref<2x400x128xf32, #tpu.memory_space<vmem>>, vector<2x400x128xf32>
    %slice3A_9 = vector.extract_strided_slice %get3A_8 {offsets = [0, 0, 0], sizes = [1, 400, 128], strides = [1, 1, 1]} : vector<2x400x128xf32> to vector<1x400x128xf32>
    %squeeze3A_10 = vector.shape_cast %slice3A_9 : vector<1x400x128xf32> to vector<400x128xf32>
    %slice3A_11 = vector.extract_strided_slice %get3A_8 {offsets = [1, 0, 0], sizes = [1, 400, 128], strides = [1, 1, 1]} : vector<2x400x128xf32> to vector<1x400x128xf32>
    %squeeze3A_12 = vector.shape_cast %slice3A_11 : vector<1x400x128xf32> to vector<400x128xf32>
    %add3A_13 = arith.addf %squeeze3A_10, %squeeze3A_12 : vector<400x128xf32>
    %get3A_14 = arith.constant 0 : index
    %get3A_15 = arith.constant 0 : index
    %get3A_16 = arith.constant 0 : index
    %get3A_17 = vector.load %arg3[%get3A_14, %get3A_15, %get3A_16] : memref<2x400x128xf32, #tpu.memory_space<vmem>>, vector<2x400x128xf32>
    %slice3A_18 = vector.extract_strided_slice %get3A_17 {offsets = [0, 0, 0], sizes = [1, 400, 128], strides = [1, 1, 1]} : vector<2x400x128xf32> to vector<1x400x128xf32>
    %squeeze3A_19 = vector.shape_cast %slice3A_18 : vector<1x400x128xf32> to vector<400x128xf32>
    %slice3A_20 = vector.extract_strided_slice %get3A_17 {offsets = [1, 0, 0], sizes = [1, 400, 128], strides = [1, 1, 1]} : vector<2x400x128xf32> to vector<1x400x128xf32>
    %squeeze3A_21 = vector.shape_cast %slice3A_20 : vector<1x400x128xf32> to vector<400x128xf32>
    %add3A_22 = arith.addf %squeeze3A_19, %squeeze3A_21 : vector<400x128xf32>
    %get3A_23 = arith.constant 0 : index
    %get3A_24 = arith.constant 0 : index
    %get3A_25 = arith.constant 0 : index
    %get3A_26 = vector.load %arg4[%get3A_23, %get3A_24, %get3A_25] : memref<2x400x128xf32, #tpu.memory_space<vmem>>, vector<2x400x128xf32>
    %slice3A_27 = vector.extract_strided_slice %get3A_26 {offsets = [0, 0, 0], sizes = [1, 400, 128], strides = [1, 1, 1]} : vector<2x400x128xf32> to vector<1x400x128xf32>
    %squeeze3A_28 = vector.shape_cast %slice3A_27 : vector<1x400x128xf32> to vector<400x128xf32>
    %slice3A_29 = vector.extract_strided_slice %get3A_26 {offsets = [1, 0, 0], sizes = [1, 400, 128], strides = [1, 1, 1]} : vector<2x400x128xf32> to vector<1x400x128xf32>
    %squeeze3A_30 = vector.shape_cast %slice3A_29 : vector<1x400x128xf32> to vector<400x128xf32>
    %add3A_31 = arith.addf %squeeze3A_28, %squeeze3A_30 : vector<400x128xf32>
    %get3A_32 = arith.constant 0 : index
    %get3A_33 = arith.constant 0 : index
    %get3A_34 = arith.constant 0 : index
    %get3A_35 = vector.load %arg5[%get3A_32, %get3A_33, %get3A_34] : memref<2x400x128xf32, #tpu.memory_space<vmem>>, vector<2x400x128xf32>
    %slice3A_36 = vector.extract_strided_slice %get3A_35 {offsets = [0, 0, 0], sizes = [1, 400, 128], strides = [1, 1, 1]} : vector<2x400x128xf32> to vector<1x400x128xf32>
    %squeeze3A_37 = vector.shape_cast %slice3A_36 : vector<1x400x128xf32> to vector<400x128xf32>
    %slice3A_38 = vector.extract_strided_slice %get3A_35 {offsets = [1, 0, 0], sizes = [1, 400, 128], strides = [1, 1, 1]} : vector<2x400x128xf32> to vector<1x400x128xf32>
    %squeeze3A_39 = vector.shape_cast %slice3A_38 : vector<1x400x128xf32> to vector<400x128xf32>
    %add3A_40 = arith.addf %squeeze3A_37, %squeeze3A_39 : vector<400x128xf32>
    %sub3A = arith.subf %add3A_13, %add3A : vector<400x128xf32>
    %sub3A_41 = arith.subf %add3A_22, %add3A_13 : vector<400x128xf32>
    %sub3A_42 = arith.subf %add3A_31, %add3A_22 : vector<400x128xf32>
    %sub3A_43 = arith.subf %add3A_40, %add3A_31 : vector<400x128xf32>
    %slice3A_44 = vector.extract_strided_slice %add3A {offsets = [0, 0], sizes = [400, 1], strides = [1, 1]} : vector<400x128xf32> to vector<400x1xf32>
    %add3A_45 = arith.constant 1.000000e-16 : f32
    %add3A_46 = vector.broadcast %add3A_45 : f32 to vector<400x1xf32>
    %add3A_47 = arith.addf %slice3A_44, %add3A_46 : vector<400x1xf32>
    %slice3A_48 = vector.extract_strided_slice %add3A {offsets = [0, 1], sizes = [400, 1], strides = [1, 1]} : vector<400x128xf32> to vector<400x1xf32>
    %add3A_49 = arith.constant 1.000000e-16 : f32
    %add3A_50 = vector.broadcast %add3A_49 : f32 to vector<400x1xf32>
    %add3A_51 = arith.addf %slice3A_48, %add3A_50 : vector<400x1xf32>
    %div3A = vector.broadcast %add3A_47 : vector<400x1xf32> to vector<400x128xf32>
    %div3A_52 = arith.divf %sub3A, %div3A : vector<400x128xf32>
    %div3A_53 = vector.broadcast %add3A_51 : vector<400x1xf32> to vector<400x128xf32>
    %div3A_54 = arith.divf %sub3A_42, %div3A_53 : vector<400x128xf32>
    %add3A_55 = arith.addf %div3A_52, %div3A_54 : vector<400x128xf32>
    %div3A_56 = vector.broadcast %add3A_47 : vector<400x1xf32> to vector<400x128xf32>
    %div3A_57 = arith.divf %sub3A_41, %div3A_56 : vector<400x128xf32>
    %div3A_58 = vector.broadcast %add3A_51 : vector<400x1xf32> to vector<400x128xf32>
    %div3A_59 = arith.divf %sub3A_43, %div3A_58 : vector<400x128xf32>
    %add3A_60 = arith.addf %div3A_57, %div3A_59 : vector<400x128xf32>
    %get3A_61 = arith.constant 0 : index
    %get3A_62 = arith.constant 0 : index
    %get3A_63 = vector.load %arg1[%get3A_61, %get3A_62] : memref<400x256xf32, #tpu.memory_space<vmem>>, vector<400x256xf32>
    %concatenate3A = tpu.concatenate %add3A_55, %add3A_60 in 1 : vector<400x128xf32>, vector<400x128xf32> -> vector<400x256xf32>
    %add3A_64 = arith.addf %get3A_63, %concatenate3A : vector<400x256xf32>
    %get3A_65 = arith.constant 0 : index
    %get3A_66 = arith.constant 0 : index
    %get3A_67 = vector.load %arg7[%get3A_65, %get3A_66] : memref<1x256xf32, #tpu.memory_space<vmem>>, vector<1x256xf32>
    %mul3A = vector.broadcast %get3A_67 : vector<1x256xf32> to vector<400x256xf32>
    %mul3A_68 = arith.mulf %add3A_64, %mul3A : vector<400x256xf32>
    %get3A_69 = arith.constant 0 : index
    %get3A_70 = arith.constant 0 : index
    %get3A_71 = vector.load %arg8[%get3A_69, %get3A_70] : memref<1x256xf32, #tpu.memory_space<vmem>>, vector<1x256xf32>
    %add3A_72 = vector.broadcast %get3A_71 : vector<1x256xf32> to vector<400x256xf32>
    %add3A_73 = arith.addf %mul3A_68, %add3A_72 : vector<400x256xf32>
    %max3A = arith.constant 0.000000e+00 : f32
    %max3A_74 = vector.broadcast %max3A : f32 to vector<400x256xf32>
    %max3A_75 = arith.maximumf %add3A_73, %max3A_74 : vector<400x256xf32>
    %get3A_76 = arith.constant 0 : index
    %get3A_77 = arith.constant 0 : index
    %get3A_78 = vector.load %arg9[%get3A_76, %get3A_77] : memref<256x128xf32, #tpu.memory_space<vmem>>, vector<256x128xf32>
    %dot_general3A = arith.constant dense<0.000000e+00> : vector<400x128xf32>
    %dot_general3A_79 = tpu.matmul %max3A_75, %get3A_78, %dot_general3A {dimension_numbers = #tpu.dot_dimension_numbers<[1], [0], [0], [1], [0, 0, 1, 1], [], []>, transpose_lhs_hint = false} : vector<400x256xf32>, vector<256x128xf32>, vector<400x128xf32> -> vector<400x128xf32>
    %get3A_80 = arith.constant 0 : index
    %get3A_81 = arith.constant 0 : index
    %get3A_82 = vector.load %arg10[%get3A_80, %get3A_81] : memref<1x128xf32, #tpu.memory_space<vmem>>, vector<1x128xf32>
    %add3A_83 = vector.broadcast %get3A_82 : vector<1x128xf32> to vector<400x128xf32>
    %add3A_84 = arith.addf %dot_general3A_79, %add3A_83 : vector<400x128xf32>
    %swap3A = arith.constant 0 : index
    %swap3A_85 = arith.constant 0 : index
    %swap3A_86 = vector.load %arg11[%swap3A, %swap3A_85] : memref<400x128xf32, #tpu.memory_space<vmem>>, vector<400x128xf32>
    tpu.vector_store %arg11[%swap3A, %swap3A_85], %add3A_84 {strides = array<i32>} : memref<400x128xf32, #tpu.memory_space<vmem>>, vector<400x128xf32>,
    return
  }
  func.func @transform_0(%arg0: i32) -> (i32, i32) {
    %c0_i32 = arith.constant 0 : i32
    %c0_i32_0 = arith.constant 0 : i32
    return %arg0, %c0_i32 : i32, i32
  }
  func.func @transform_1(%arg0: i32) -> (i32, i32, i32) {
    %c0_i32 = arith.constant 0 : i32
    %c0_i32_0 = arith.constant 0 : i32
    %c0_i32_1 = arith.constant 0 : i32
    return %c0_i32, %arg0, %c0_i32_0 : i32, i32, i32
  }
  func.func @transform_2(%arg0: i32) -> (i32, i32, i32) {
    %c0_i32 = arith.constant 0 : i32
    %c0_i32_0 = arith.constant 0 : i32
    %c0_i32_1 = arith.constant 0 : i32
    return %c0_i32, %arg0, %c0_i32_0 : i32, i32, i32
  }
  func.func @transform_3(%arg0: i32) -> (i32, i32, i32) {
    %c0_i32 = arith.constant 0 : i32
    %c0_i32_0 = arith.constant 0 : i32
    %c0_i32_1 = arith.constant 0 : i32
    return %c0_i32, %arg0, %c0_i32_0 : i32, i32, i32
  }
  func.func @transform_4(%arg0: i32) -> (i32, i32, i32) {
    %c0_i32 = arith.constant 0 : i32
    %c0_i32_0 = arith.constant 0 : i32
    %c0_i32_1 = arith.constant 0 : i32
    return %c0_i32, %arg0, %c0_i32_0 : i32, i32, i32
  }
  func.func @transform_5(%arg0: i32) -> (i32, i32, i32) {
    %c0_i32 = arith.constant 0 : i32
    %c0_i32_0 = arith.constant 0 : i32
    %c0_i32_1 = arith.constant 0 : i32
    return %c0_i32, %arg0, %c0_i32_0 : i32, i32, i32
  }
  func.func @transform_6(%arg0: i32) -> (i32, i32) {
    %c0_i32 = arith.constant 0 : i32
    %c0_i32_0 = arith.constant 0 : i32
    %c0_i32_1 = arith.constant 0 : i32
    return %c0_i32, %c0_i32_0 : i32, i32
  }
  func.func @transform_7(%arg0: i32) -> (i32, i32) {
    %c0_i32 = arith.constant 0 : i32
    %c0_i32_0 = arith.constant 0 : i32
    %c0_i32_1 = arith.constant 0 : i32
    return %c0_i32, %c0_i32_0 : i32, i32
  }
  func.func @transform_8(%arg0: i32) -> (i32, i32) {
    %c0_i32 = arith.constant 0 : i32
    %c0_i32_0 = arith.constant 0 : i32
    %c0_i32_1 = arith.constant 0 : i32
    return %c0_i32, %c0_i32_0 : i32, i32
  }
  func.func @transform_9(%arg0: i32) -> (i32, i32) {
    %c0_i32 = arith.constant 0 : i32
    %c0_i32_0 = arith.constant 0 : i32
    %c0_i32_1 = arith.constant 0 : i32
    return %c0_i32, %c0_i32_0 : i32, i32
  }
  func.func @transform_10(%arg0: i32) -> (i32, i32) {
    %c0_i32 = arith.constant 0 : i32
    %c0_i32_0 = arith.constant 0 : i32
    return %arg0, %c0_i32 : i32, i32
  }
}

</mosaic_0001>

<sc_bundles>
// kernel: kernel.10.cloned.1.call-start
scs
__scs_entry_jumppad:
0x0: {  	(pc) =	sbr.rel $0x88, $3  }
0x1: {  	(tag) =	ssettag $0x0;
	lr =	simm.s32 $0x1  }
0x2: {  	[smem:$0x3F8D] =	sst lr;
	_ =	strace $0xD0000000  }
0x3: {  	_ = 	snop  }
0x4: {  	_ = 	snop  }
0x5: {  	_ = 	snop  }
0x6: {  	_ = 	snop  }
0x7: {  	_ = 	snop  }
__scs_overlays_trampoline_lowered:
0x8: {  	[smem:$0x3F9C] =	sst s0  }
0x9: {  	[smem:$0x3F9D] =	sst s1  }
0xa: {  	[smem:$0x3F9E] =	sst s2  }
0xb: {  	[smem:$0x3F9F] =	sst s3  }
0xc: {  	[smem:$0x3FA0] =	sst s4  }
0xd: {  	[smem:$0x3FA1] =	sst s5  }
0xe: {  	[smem:$0x3FA2] =	sst s6  }
0xf: {  	[smem:$0x3FA3] =	sst s7  }
0x10: {  	[smem:$0x3FA4] =	sst s8  }
0x11: {  	[smem:$0x3FA5] =	sst s9;
	s0 =	simm.s32 @!p0 $0x0  }
0x12: {  	s1 =	sld [smem:$0x3F8B];
	s0 =	simm.s32 @p0 $0x1  }
0x13: {  	[smem:$0x3FA6] =	sst s0;
	s0 =	simm.s32 @!p1 $0x0  }
0x14: {  	s2 =	sld [smem:$0x3F8A];
	s0 =	simm.s32 @p1 $0x1  }
0x15: {  	[smem:$0x3FA7] =	sst s0;
	s0 =	simm.s32 @!p2 $0x0  }
0x16: {  	s3 =	sld [smem:$0x3FDB];
	s0 =	simm.s32 @p2 $0x1  }
0x17: {  	s4 =	simm.s32 $0x1BF5;
	[smem:$0x3FA9] =	sst s0  }
0x18: {  	s0 =	sld [smem:$0x3F8C];
	_ =	swait.ge [sflag:s4], $0x0  }
0x19: {  	s7 =	sld [smem:$0x3F8D]  }
0x1a: {  	s8 =	sadd.s32 $0xFFFFE003, lr  }
0x1b: {  	s9 =	sadd.s32 $0xFFFFFEF7, lr;
	s5 =	simm.s32 $0xFFFFFFFF;
	p2 =	slt.u32 s8, $0xFFFFF086  }
0x1c: {  	p1 =	slt.u32 s9, $0xF7A;
	s5 =	simm.s32 @!p2 $0x0  }
0x1d: {  	s5 =	simm.s32 @p1 $0x1;
	p0 =	seq.s32 s7, s2  }
0x1e: {  	s7 =	smul.u32 @!p0 $0xF7A, s2;
	p2 =	seq.s32 @!p0 s5, $0x0  }
0x1f: {  	s9 =	smul.u32 $0xF7A, s1;
	s8 =	simm.s32 @!p0 $0x1BF5;
	p2 =	por !p2, p0  }
0x20: {  	[sflag:s8] =	ssyncset.s32 @!p0 $0xFFFFF086;
	s6 =	sadd.s32 @!p0 s3, s7;
	s7 =	simm.s32 @!p0 $0x108  }
0x21: {  	s3 =	sadd.s32 s3, s9;
	s6 =	sadd.s32 @!p0 $0x88, s6;
	s7 =	simm.s32 @p2 $0x1082  }
0x22: {  	[simem:s7], [sflag:s8] =	dma.local @!p0 [hbm:s6], $0xF7A  }
0x23: {  	s9 =	sor.u32 $0xD0000000, s2;
	s6 =	simm.s32 $0x108;
	_ =	swait.ge @!p0 [sflag:s8], $0x0  }
0x24: {  	s3 =	sadd.s32 $0x88, s3;
	s6 =	simm.s32 @!p1 $0x1082;
	[sflag:s4] =	ssyncset.s32 $0xFFFFF086  }
0x25: {  	[simem:s6], [sflag:s4] =	dma.local [hbm:s3], $0xF7A  }
0x26: {  	[smem:$0x3F8D] =	sst s1;
	(tag) =	ssettag s2;
	_ =	strace s9  }
0x27: {  	s1 =	sld [smem:$0x3F9D]  }
0x28: {  	s2 =	sld [smem:$0x3F9E]  }
0x29: {  	s4 =	sld [smem:$0x3FA0]  }
0x2a: {  	p0 =	seq.s32 s5, $0x0;
	s5 =	sld [smem:$0x3FA1]  }
0x2b: {  	s6 =	sld [smem:$0x3FA2]  }
0x2c: {  	s7 =	sld [smem:$0x3FA3]  }
0x2d: {  	s3 =	simm.s32 $0x108;
	s8 =	sld [smem:$0x3FA4]  }
0x2e: {  	s3 =	simm.s32 @!p0 $0x1082;
	s9 =	sld [smem:$0x3FA5]  }
0x2f: {  	lr =	sadd.s32 s0, s3;
	s0 =	sld [smem:$0x3F9C]  }
0x30: {  	s3 =	sld [smem:$0x3F9F]  }
0x31: {  	[smem:$0x3FA8] =	sst s10  }
0x32: {  	s10 =	sld [smem:$0x3FA6];
	_ =	sdelay $0x3  }
0x33: {  	p0 =	seq.s32 s10, $0x1;
	s10 =	sld [smem:$0x3FA8];
	_ =	sdelay $0x3  }
0x34: {  	[smem:$0x3FA8] =	sst s10  }
0x35: {  	s10 =	sld [smem:$0x3FA7];
	_ =	sdelay $0x3  }
0x36: {  	p1 =	seq.s32 s10, $0x1;
	s10 =	sld [smem:$0x3FA8];
	_ =	sdelay $0x3  }
0x37: {  	[smem:$0x3FA8] =	sst s10  }
0x38: {  	s10 =	sld [smem:$0x3FA9]  }
0x39: {  	_ = 	snop;
	(pc) =	sbr.ind lr, $3  }
0x3a: {  	_ = 	snop  }
0x3b: {  	_ = 	snop  }
0x3c: {  	p2 =	seq.s32 s10, $0x1;
	s10 =	sld [smem:$0x3FA8]  }
0x3d: {  	_ =	shalt  }
0x3e: {  	_ =	shalt  }
0x3f: {  	_ =	shalt  }
0x40: {  	_ =	shalt  }
0x41: {  	_ =	shalt  }
0x42: {  	_ =	shalt  }
0x43: {  	_ =	shalt  }
0x44: {  	_ =	shalt  }
0x45: {  	_ =	shalt  }
0x46: {  	_ =	shalt  }
0x47: {  	_ =	shalt  }
0x48: {  	_ =	shalt  }
0x49: {  	_ =	shalt  }
0x4a: {  	_ =	shalt  }
0x4b: {  	_ =	shalt  }
0x4c: {  	_ =	shalt  }
0x4d: {  	_ =	shalt  }
0x4e: {  	_ =	shalt  }
0x4f: {  	_ =	shalt  }
0x50: {  	_ =	shalt  }
0x51: {  	_ =	shalt  }
0x52: {  	_ =	shalt  }
0x53: {  	_ =	shalt  }
0x54: {  	_ =	shalt  }
0x55: {  	_ =	shalt  }
0x56: {  	_ =	shalt  }
0x57: {  	_ =	shalt  }
0x58: {  	_ =	shalt  }
0x59: {  	_ =	shalt  }
0x5a: {  	_ =	shalt  }
0x5b: {  	_ =	shalt  }
0x5c: {  	_ =	shalt  }
0x5d: {  	_ =	shalt  }
0x5e: {  	_ =	shalt  }
0x5f: {  	_ =	shalt  }
0x60: {  	_ =	shalt  }
0x61: {  	_ =	shalt  }
0x62: {  	_ =	shalt  }
0x63: {  	_ =	shalt  }
0x64: {  	_ =	shalt  }
0x65: {  	_ =	shalt  }
0x66: {  	_ =	shalt  }
0x67: {  	_ =	shalt  }
0x68: {  	_ =	shalt  }
0x69: {  	_ =	shalt  }
0x6a: {  	_ =	shalt  }
0x6b: {  	_ =	shalt  }
0x6c: {  	_ =	shalt  }
0x6d: {  	_ =	shalt  }
0x6e: {  	_ =	shalt  }
0x6f: {  	_ =	shalt  }
0x70: {  	_ =	shalt  }
0x71: {  	_ =	shalt  }
0x72: {  	_ =	shalt  }
0x73: {  	_ =	shalt  }
0x74: {  	_ =	shalt  }
0x75: {  	_ =	shalt  }
0x76: {  	_ =	shalt  }
0x77: {  	_ =	shalt  }
0x78: {  	_ =	shalt  }
0x79: {  	_ =	shalt  }
0x7a: {  	_ =	shalt  }
0x7b: {  	_ =	shalt  }
0x7c: {  	_ =	shalt  }
0x7d: {  	_ =	shalt  }
0x7e: {  	_ =	shalt  }
0x7f: {  	_ =	shalt  }
0x80: {  	_ =	shalt  }
0x81: {  	_ =	shalt  }
0x82: {  	_ =	shalt  }
0x83: {  	_ =	shalt  }
0x84: {  	_ =	shalt  }
0x85: {  	_ =	shalt  }
0x86: {  	_ =	shalt  }
0x87: {  	_ =	shalt  }
.Lfunc_end0:
.L_simem_size_0:
called_computation.1_lowered:
.L_overlay_start_0:
0x88: {  	s2 =	sld [smem:$0x3FD9]  }
0x89: {  	s3 =	sld [smem:$0x3FFE];
	_ =	sdelay $0x1  }
0x8a: {  	s1 =	srdreg.scid  }
0x8b: {  	s0 =	sand.u32 $0x1, s1  }
0x8c: {  	s16 =	sshll.u32 s0, $0xA;
	s2 =	sadd.s32 s3, s2  }
0x8d: {  	s2 =	sadd.s32 s2, s16  }
0x8e: {  	[smem:$0x3FB4] =	sst s2  }
0x8f: {  	_ = 	snop  }
0x90: {  	(tm) =	ssettm $0x1  }
0x91: {  	s17 =	sld [smem:$0x3FFB];
	_ =	sdelay $0x3  }
0x92: {  	_ =	strace s17  }
0x93: {  	s2 =	sld [smem:$0x3FFC];
	_ =	sdelay $0x3  }
0x94: {  	_ =	strace s2  }
0x95: {  	s2 =	sld [smem:$0x3FFD];
	_ =	sdelay $0x3  }
0x96: {  	_ =	strace s2  }
0x97: {  	_ =	strace $0x8FFFFFFF  }
0x98: {  	s18 =	sld [smem:$0x3FDB];
	_ =	sdelay $0x1  }
0x99: {  	s19 =	simm.s32 $_scs_section_size  }
0x9a: {  	s4 =	simm.s32 $_size__tile_overlayer_lowered;
	s5 =	simm.s32 $_tile_overlayer_lowered  }
0x9b: {  	s22 =	simm.s32 $0x1BFF;
	s21 =	sshll.u32 s5, $0x1;
	s2 =	sadd.s32 s19, s18  }
0x9c: {  	s6 =	simm.s32 $0x0;
	s20 =	sshll.u32 s4, $0x1;
	s4 =	sadd.s32 s21, s2  }
0x9d: {  	[timem:s6], [sflag:s22] =	dma.local [hbm:s4], s20  }
0x9e: {  	_ =	swait.ge [sflag:s22], s20  }
0x9f: {  	s3 =	ssub.s32 $0x0, s20;
	[sflag:s22] =	ssyncset.done $0x0  }
0xa0: {  	[sflag:s22] =	ssyncadd.s32 s3;
	_ =	sdelay $0x1  }
0xa1: {  	s23 =	simm.s32 $0x1B8B  }
0xa2: {  	_ =	swait.ge [sflag:s23], $0x1  }
0xa3: {  	[sflag:s23] =	ssyncset.done $0x0  }
0xa4: {  	s25 =	simm.s32 $0x1B8E;
	s24 =	sld [smem:$0x3FFE];
	[sflag:s23] =	ssyncadd.s32 $0xFFFFFFFF  }
0xa5: {  	s26 =	simm.s32 $execute0_lowered;
	[smem:$0x3FD2] =	sst s25  }
0xa6: {  	s4 =	sshll.u32 s26, $0x1;
	_ =	strace $0x80000049;
	[dreg:$0x1] =	wrdreg $0xFFFFFFFF  }
0xa7: {  	s28 =	simm.s32 $_size_execute0_lowered;
	s2 =	sadd.s32 s2, s4;
	[dreg:$0x0] =	wrdreg $0x0  }
0xa8: {  	s4 =	sshll.u32 s28, $0x1;
	[dreg:$0x2] =	wrdreg s2  }
0xa9: {  	[dreg:$0x3] =	wrdreg s4  }
0xaa: {  	[dreg:$0x4] =	wrdreg $0xC0  }
0xab: {  	_ =	task [dreg:s6], $0x5FFFF  }
0xac: {  	[dreg:$0x1] =	wrdreg $0xFFFFFFFF  }
0xad: {  	[dreg:$0x0] =	wrdreg $0x60  }
0xae: {  	[dreg:$0x2] =	wrdreg s24  }
0xaf: {  	[dreg:$0x3] =	wrdreg $0xBC000  }
0xb0: {  	[dreg:$0x4] =	wrdreg $0x9  }
0xb1: {  	_ =	task.clear_ibuf [dreg:s6], $0x5FFFF;
	_ =	strace $0x90000049  }
0xb2: {  	s29 =	simm.s32 $0x9;
	_ =	strace $0x8000004B  }
0xb3: {  	_ =	swait.ge [sflag:s29], $0x1  }
0xb4: {  	[sflag:s29] =	ssyncadd.s32 $0xFFFFFFFF  }
0xb5: {  	_ =	strace $0x9000004B  }
0xb6: {  	_ =	sfence  }
0xb7: {  	s30 =	sld [smem:$0x0];
	_ =	sdelay $0x2  }
0xb8: {  	s31 =	sshll.u32 s1, $0xD;
	s1 =	sshrl.u32 s1, $0x2  }
0xb9: {  	s3 =	sand.u32 $0x4000, s31;
	s1 =	sadd.s32 s1, s30  }
0xba: {  	s0 =	sor.u32 s3, s0;
	s1 =	sshll.u32 s1, $0x11  }
0xbb: {  	s0 =	sor.u32 s1, s0  }
0xbc: {  	s0 =	sadd.s32 $0x8F2B, s0  }
0xbd: {  	[sflag:s0] =	ssyncadd.remote.s32 $0x1  }
0xbe: {  	_ =	sfence.sel $0xFFFF  }
0xbf: {  	[dreg:$0x0] =	wrdreg $0xFFFFFFFF;
	(pc) =	sbr.abs _section_cstart, $3  }
0xc0: {  	[dreg:$0x1] =	wrdreg $0xFFFFFFFF  }
0xc1: {  	_ =	task.clear_ibuf [dreg:s6], $0x2FFFF;
	_ =	strace $0x9FFFFFFF  }
0xc2: {  	(tm) =	ssettm $0x7FFFFFFF  }
0xc3: {  	_ =	shalt  }
tec
execute0_lowered:
.L_overlay_start_1:
0x0: {  	(tag) =	ssettag $0x1  }
0x1: {  	s2 =	srdreg.scid  }
0x2: {  	s3 =	simm.s32 $0x0;
	s10 =	stileid.u32;
	s2 =	sand.u32 $0x1, s2  }
0x3: {  	[smem:$0x7FF] =	sst s3;
	s8 =	smul.u32 $0x14000, s10;
	s25 =	sshll.u32 s2, $0x4  }
0x4: {  	s7 =	smul.u32 $0x140000, s2;
	s2 =	ssub.s32 $0x2, s2;
	s3 =	sor.u32 s10, s25  }
0x5: {  	s0 =	rddreg [dreg:$0x0];
	s20 =	sshrl.u32 s2, $0x1;
	s3 =	smul.u32 $0x280, s3  }
0x6: {  	s1 =	rddreg [dreg:$0x1];
	s10 =	smul.u32 $0x50000, s10;
	s2 =	ssub.s32 s2, s20  }
0x7: {  	_ =	strace $0x8000004A;
	s25 =	smax.u32 s2, $0x1;
	s3 =	sadd.s32 s3, s0  }
0x8: {  	s26 =	sshrl.u32 s10, $0x2;
	[dreg:$0x12] =	wrdreg s25;
	s11 =	sadd.s32 $0x3C00, s3  }
0x9: {  	s10 =	sadd.s32 s26, s1;
	s3 =	sadd.s32 $0x8C00, s3;
	[dreg:$0x3] =	wrdreg s11  }
0xa: {  	s4 =	sadd.s32 $0x34E00, s0;
	s12 =	sadd.s32 $0x1400, s10;
	[dreg:$0x4] =	wrdreg s3  }
0xb: {  	s5 =	sadd.s32 $0xD1200, s0;
	s13 =	sadd.s32 $0x2800, s10;
	[dreg:$0x5] =	wrdreg s12  }
0xc: {  	s6 =	sadd.s32 $0xF8400, s0;
	s14 =	sadd.s32 $0x3C00, s10;
	[dreg:$0x6] =	wrdreg s13  }
0xd: {  	s9 =	sadd.s32 s8, s7;
	s15 =	sadd.s32 $0x5000, s10;
	[dreg:$0x7] =	wrdreg s14  }
0xe: {  	s7 =	sadd.s32 $0x11F600, s0;
	s16 =	sadd.s32 $0x6400, s10;
	[dreg:$0x8] =	wrdreg s15  }
0xf: {  	s8 =	sadd.s32 $0xDC00, s0;
	s17 =	sadd.s32 $0x7800, s10;
	[dreg:$0x9] =	wrdreg s16  }
0x10: {  	s9 =	sshrl.u32 s9, $0x3;
	s18 =	sadd.s32 $0x8C00, s10;
	[dreg:$0xa] =	wrdreg s17  }
0x11: {  	s0 =	sadd.s32 s9, s0;
	s19 =	sadd.s32 $0xA000, s10;
	[dreg:$0xb] =	wrdreg s18  }
0x12: {  	s9 =	simm.s32 $0xA800;
	s21 =	sadd.s32 $0x286800, s0;
	[dreg:$0xc] =	wrdreg s19  }
0x13: {  	s22 =	sadd.s32 $0x146800, s0;
	s23 =	sadd.s32 $0x196800, s0;
	[dreg:$0xd] =	wrdreg s21  }
0x14: {  	s24 =	sadd.s32 $0x1E6800, s0;
	s0 =	sadd.s32 $0x236800, s0;
	[dreg:$0xe] =	wrdreg s22  }
0x15: {  	s26 =	sadd.s32 $0xB400, s10;
	s28 =	sadd.s32 $0xC800, s10;
	[dreg:$0xf] =	wrdreg s23  }
0x16: {  	s29 =	sadd.s32 $0xDC00, s10;
	s30 =	sadd.s32 $0xF000, s10;
	[dreg:$0x10] =	wrdreg s24  }
0x17: {  	s31 =	sadd.s32 $0x10400, s10;
	s2 =	sadd.s32 $0x12C00, s10;
	[dreg:$0x11] =	wrdreg s0  }
0x18: {  	[dreg:$0x13] =	wrdreg s26;
	s0 =	sadd.s32 $0x11800, s10;
	s3 =	simm.s32 $0x3  }
0x19: {  	s11 =	simm.s32 $0x7D;
	s12 =	simm.s32 $0x2800;
	s13 =	simm.s32 $0x6800  }
0x1a: {  	s14 =	simm.s32 $0x1;
	s15 =	simm.s32 $0x2;
	s16 =	simm.s32 $0x1380  }
0x1b: {  	v0 =	vimm.f32 $0.0e+00;
	s17 =	simm.s32 $0x2700;
	s18 =	simm.s32 $0x2780;
	s19 =	simm.s32 $0x0  }
.LBB2_1:
0x1c: {  	s20 =	simm.s32 $0x0;
	s21 =	rddreg [dreg:$0x3]  }
0x1d: {  	[tilespmem:s20], [sflag:$0x3] =	stream.linear.gather [hbm4b:s21+s20], $0x1400, $0x38;
	[tilespmem:$0x1FC00] =	vst v63  }
0x1e: {  	_ =	swait.ge [sflag:s3], $0x1400  }
0x1f: {  	[sflag:s3] =	ssyncset.done $0x0  }
0x20: {  	s22 =	simm.s32 $0x1400;
	s26 =	rddreg [dreg:$0x4];
	[sflag:s3] =	ssyncadd.s32 $0xFFFFEC00  }
0x21: {  	[tilespmem:s22], [sflag:$0x3] =	stream.linear.gather [hbm4b:s26+s20], $0x1400, $0x38;
	[tilespmem:$0x1FC00] =	vst v63  }
0x22: {  	_ =	swait.ge [sflag:s3], $0x1400  }
0x23: {  	[sflag:s3] =	ssyncset.done $0x0  }
0x24: {  	s21 =	simm.s32 $0x200;
	s20 =	simm.s32 $0x0;
	[sflag:s3] =	ssyncadd.s32 $0xFFFFEC00  }
.LBB2_2:
0x25: {  	p0 =	sne.s32 s21, $0x4E00;
	[tilespmem:s20+$0xA870] =	vst v0  }
0x26: {  	[tilespmem:s20+$0xA800] =	vst v0  }
0x27: {  	[tilespmem:s20+$0xA810] =	vst v0  }
.Ltmp0:
0x28: {  	[tilespmem:s20+$0xA820] =	vst v0;
	(pc) =	sbr.rel @p0 .LBB2_2-.Ltmp0, $4  }
0x29: {  	[tilespmem:s20+$0xA830] =	vst v0  }
0x2a: {  	[tilespmem:s20+$0xA840] =	vst v0  }
0x2b: {  	[tilespmem:s20+$0xA850] =	vst v0  }
0x2c: {  	[tilespmem:s20+$0xA860] =	vst v0;
	s20 =	sshra.s32 s21, $0x2;
	s21 =	sadd.s32 $0x200, s21  }
0x2d: {  	[tilespmem:s20+$0xA870] =	vst v0  }
0x2e: {  	[tilespmem:s20+$0xA800] =	vst v0  }
0x2f: {  	[tilespmem:s20+$0xA810] =	vst v0  }
0x30: {  	[tilespmem:s20+$0xA820] =	vst v0  }
0x31: {  	[tilespmem:s20+$0xA830] =	vst v0  }
0x32: {  	[tilespmem:s20+$0xA840] =	vst v0  }
0x33: {  	[tilespmem:s20+$0xA850] =	vst v0  }
0x34: {  	[tilespmem:s20+$0xA860] =	vst v0  }
0x35: {  	[spmem:s10] =	stream.linear.scatter [tilespmem:s9], [sflag:$0x3], $0x1400, $0x38;
	[tilespmem:$0x1FC00] =	vst v63  }
0x36: {  	_ =	swait.ge [sflag:s3], $0x1400  }
0x37: {  	[sflag:s3] =	ssyncset.done $0x0  }
0x38: {  	s25 =	rddreg [dreg:$0x5];
	[sflag:s3] =	ssyncadd.s32 $0xFFFFEC00  }
0x39: {  	[spmem:s25] =	stream.linear.scatter [tilespmem:s9], [sflag:$0x3], $0x1400, $0x38;
	[tilespmem:$0x1FC00] =	vst v63  }
0x3a: {  	_ =	swait.ge [sflag:s3], $0x1400  }
0x3b: {  	[sflag:s3] =	ssyncset.done $0x0  }
0x3c: {  	s26 =	rddreg [dreg:$0x6];
	[sflag:s3] =	ssyncadd.s32 $0xFFFFEC00  }
0x3d: {  	[spmem:s26] =	stream.linear.scatter [tilespmem:s9], [sflag:$0x3], $0x1400, $0x38;
	[tilespmem:$0x1FC00] =	vst v63  }
0x3e: {  	_ =	swait.ge [sflag:s3], $0x1400  }
0x3f: {  	[sflag:s3] =	ssyncset.done $0x0  }
0x40: {  	s21 =	rddreg [dreg:$0x7];
	[sflag:s3] =	ssyncadd.s32 $0xFFFFEC00  }
0x41: {  	[spmem:s21] =	stream.linear.scatter [tilespmem:s9], [sflag:$0x3], $0x1400, $0x38;
	[tilespmem:$0x1FC00] =	vst v63  }
0x42: {  	_ =	swait.ge [sflag:s3], $0x1400  }
0x43: {  	[sflag:s3] =	ssyncset.done $0x0  }
0x44: {  	s22 =	rddreg [dreg:$0x8];
	[sflag:s3] =	ssyncadd.s32 $0xFFFFEC00  }
0x45: {  	[spmem:s22] =	stream.linear.scatter [tilespmem:s9], [sflag:$0x3], $0x1400, $0x38;
	[tilespmem:$0x1FC00] =	vst v63  }
0x46: {  	_ =	swait.ge [sflag:s3], $0x1400  }
0x47: {  	[sflag:s3] =	ssyncset.done $0x0  }
0x48: {  	s23 =	rddreg [dreg:$0x9];
	[sflag:s3] =	ssyncadd.s32 $0xFFFFEC00  }
0x49: {  	[spmem:s23] =	stream.linear.scatter [tilespmem:s9], [sflag:$0x3], $0x1400, $0x38;
	[tilespmem:$0x1FC00] =	vst v63  }
0x4a: {  	_ =	swait.ge [sflag:s3], $0x1400  }
0x4b: {  	[sflag:s3] =	ssyncset.done $0x0  }
0x4c: {  	s24 =	rddreg [dreg:$0xa];
	[sflag:s3] =	ssyncadd.s32 $0xFFFFEC00  }
0x4d: {  	[spmem:s24] =	stream.linear.scatter [tilespmem:s9], [sflag:$0x3], $0x1400, $0x38;
	[tilespmem:$0x1FC00] =	vst v63  }
0x4e: {  	_ =	swait.ge [sflag:s3], $0x1400  }
0x4f: {  	[sflag:s3] =	ssyncset.done $0x0  }
0x50: {  	s25 =	rddreg [dreg:$0xb];
	[sflag:s3] =	ssyncadd.s32 $0xFFFFEC00  }
0x51: {  	[spmem:s25] =	stream.linear.scatter [tilespmem:s9], [sflag:$0x3], $0x1400, $0x38;
	[tilespmem:$0x1FC00] =	vst v63  }
0x52: {  	_ =	swait.ge [sflag:s3], $0x1400  }
0x53: {  	[sflag:s3] =	ssyncset.done $0x0  }
0x54: {  	s26 =	rddreg [dreg:$0xc];
	[sflag:s3] =	ssyncadd.s32 $0xFFFFEC00  }
0x55: {  	[spmem:s26] =	stream.linear.scatter [tilespmem:s9], [sflag:$0x3], $0x1400, $0x38;
	[tilespmem:$0x1FC00] =	vst v63  }
0x56: {  	_ =	swait.ge [sflag:s3], $0x1400  }
0x57: {  	[sflag:s3] =	ssyncset.done $0x0  }
0x58: {  	s21 =	rddreg [dreg:$0x13];
	[sflag:s3] =	ssyncadd.s32 $0xFFFFEC00  }
0x59: {  	[spmem:s21] =	stream.linear.scatter [tilespmem:s9], [sflag:$0x3], $0x1400, $0x38;
	[tilespmem:$0x1FC00] =	vst v63  }
0x5a: {  	_ =	swait.ge [sflag:s3], $0x1400  }
0x5b: {  	[sflag:s3] =	ssyncset.done $0x0  }
0x5c: {  	[sflag:s3] =	ssyncadd.s32 $0xFFFFEC00  }
0x5d: {  	[spmem:s28] =	stream.linear.scatter [tilespmem:s9], [sflag:$0x3], $0x1400, $0x38;
	[tilespmem:$0x1FC00] =	vst v63  }
0x5e: {  	_ =	swait.ge [sflag:s3], $0x1400  }
0x5f: {  	[sflag:s3] =	ssyncset.done $0x0  }
0x60: {  	[sflag:s3] =	ssyncadd.s32 $0xFFFFEC00  }
0x61: {  	[spmem:s29] =	stream.linear.scatter [tilespmem:s9], [sflag:$0x3], $0x1400, $0x38;
	[tilespmem:$0x1FC00] =	vst v63  }
0x62: {  	_ =	swait.ge [sflag:s3], $0x1400  }
0x63: {  	[sflag:s3] =	ssyncset.done $0x0  }
0x64: {  	[sflag:s3] =	ssyncadd.s32 $0xFFFFEC00  }
0x65: {  	[spmem:s30] =	stream.linear.scatter [tilespmem:s9], [sflag:$0x3], $0x1400, $0x38;
	[tilespmem:$0x1FC00] =	vst v63  }
0x66: {  	_ =	swait.ge [sflag:s3], $0x1400  }
0x67: {  	[sflag:s3] =	ssyncset.done $0x0  }
0x68: {  	[sflag:s3] =	ssyncadd.s32 $0xFFFFEC00  }
0x69: {  	[spmem:s31] =	stream.linear.scatter [tilespmem:s9], [sflag:$0x3], $0x1400, $0x38;
	[tilespmem:$0x1FC00] =	vst v63  }
0x6a: {  	_ =	swait.ge [sflag:s3], $0x1400  }
0x6b: {  	[sflag:s3] =	ssyncset.done $0x0  }
0x6c: {  	[sflag:s3] =	ssyncadd.s32 $0xFFFFEC00  }
0x6d: {  	[spmem:s0] =	stream.linear.scatter [tilespmem:s9], [sflag:$0x3], $0x1400, $0x38;
	[tilespmem:$0x1FC00] =	vst v63  }
0x6e: {  	_ =	swait.ge [sflag:s3], $0x1400  }
0x6f: {  	[sflag:s3] =	ssyncset.done $0x0  }
0x70: {  	[sflag:s3] =	ssyncadd.s32 $0xFFFFEC00  }
0x71: {  	[spmem:s2] =	stream.linear.scatter [tilespmem:s9], [sflag:$0x3], $0x1400, $0x38;
	[tilespmem:$0x1FC00] =	vst v63  }
0x72: {  	_ =	swait.ge [sflag:s3], $0x1400  }
0x73: {  	[sflag:s3] =	ssyncset.done $0x0  }
0x74: {  	[sflag:s3] =	ssyncadd.s32 $0xFFFFEC00  }
0x75: {  	s22 =	simm.s32 $0x0;
	[bflag:$0x0] =	sbarrier.arrive $0xFFFF  }
0x76: {  	[tilespmem:s12], [sflag:$0x1] =	stream.indirect.gather [hbm4b:s8+s11], $0x80, s22, s11, $0xb8;
	[tilespmem:$0x1FC00] =	vst v63  }
0x77: {  	s23 =	simm.s32 $0x80  }
0x78: {  	[tilespmem:s13], [sflag:$0x2] =	stream.indirect.gather [hbm4b:s8+s11], $0x80, s23, s11, $0xb8;
	[tilespmem:$0x1FC00] =	vst v63  }
0x79: {  	_ =	swait.ge [sflag:s14], $0x3E80  }
0x7a: {  	[sflag:s14] =	ssyncset.done $0x0  }
0x7b: {  	s24 =	simm.s32 $0x1400;
	[sflag:s14] =	ssyncadd.s32 $0xFFFFC180  }
0x7c: {  	[spmem:s1] =	stream.indirect.scatter.add.f32 [tilespmem:s12], [sflag:$0x3], $0x80, s24, s11, $0xb8;
	[tilespmem:$0x1FC00] =	vst v63  }
0x7d: {  	_ =	swait.ge [sflag:s3], $0x3E80  }
0x7e: {  	[sflag:s3] =	ssyncset.done $0x0  }
0x7f: {  	s25 =	simm.s32 $0x100;
	[sflag:s3] =	ssyncadd.s32 $0xFFFFC180  }
0x80: {  	[tilespmem:s12], [sflag:$0x1] =	stream.indirect.gather [hbm4b:s8+s11], $0x80, s25, s11, $0xb8;
	[tilespmem:$0x1FC00] =	vst v63  }
0x81: {  	_ =	swait.ge [sflag:s15], $0x3E80  }
0x82: {  	[sflag:s15] =	ssyncset.done $0x0  }
0x83: {  	s26 =	simm.s32 $0x1480;
	[sflag:s15] =	ssyncadd.s32 $0xFFFFC180  }
0x84: {  	[spmem:s1] =	stream.indirect.scatter.add.f32 [tilespmem:s13], [sflag:$0x3], $0x80, s26, s11, $0xb8;
	[tilespmem:$0x1FC00] =	vst v63  }
0x85: {  	_ =	swait.ge [sflag:s3], $0x3E80  }
0x86: {  	s20 =	simm.s32 $0x100;
	s21 =	simm.s32 $0x800;
	[sflag:s3] =	ssyncset.done $0x0  }
.LBB2_4:
0x87: {  	s22 =	sadd.s32 $0x80, s20  }
0x88: {  	[sflag:s3] =	ssyncadd.s32 $0xFFFFC180;
	s23 =	smov.u32 s21;
	s24 =	sadd.s32 $0x400, s21  }
0x89: {  	[tilespmem:s13], [sflag:$0x2] =	stream.indirect.gather [hbm4b:s8+s11], $0x80, s22, s11, $0xb8;
	[tilespmem:$0x1FC00] =	vst v63  }
0x8a: {  	p0 =	sne.s32 s21, $0x4800;
	_ =	swait.ge [sflag:s14], $0x3E80  }
0x8b: {  	[sflag:s14] =	ssyncset.done $0x0  }
0x8c: {  	s21 =	sadd.s32 $0x1400, s20;
	[sflag:s14] =	ssyncadd.s32 $0xFFFFC180  }
0x8d: {  	[spmem:s1] =	stream.indirect.scatter.add.f32 [tilespmem:s12], [sflag:$0x3], $0x80, s21, s11, $0xb8;
	[tilespmem:$0x1FC00] =	vst v63  }
0x8e: {  	_ =	swait.ge [sflag:s3], $0x3E80  }
0x8f: {  	[sflag:s3] =	ssyncset.done $0x0  }
0x90: {  	s21 =	sadd.s32 $0x100, s20;
	[sflag:s3] =	ssyncadd.s32 $0xFFFFC180  }
0x91: {  	[tilespmem:s12], [sflag:$0x1] =	stream.indirect.gather [hbm4b:s8+s11], $0x80, s21, s11, $0xb8;
	[tilespmem:$0x1FC00] =	vst v63  }
0x92: {  	_ =	swait.ge [sflag:s15], $0x3E80  }
.Ltmp1:
0x93: {  	[sflag:s15] =	ssyncset.done $0x0;
	(pc) =	sbr.rel @p0 .LBB2_4-.Ltmp1, $4  }
0x94: {  	s20 =	sadd.s32 $0x1480, s20;
	[sflag:s15] =	ssyncadd.s32 $0xFFFFC180  }
0x95: {  	[spmem:s1] =	stream.indirect.scatter.add.f32 [tilespmem:s13], [sflag:$0x3], $0x80, s20, s11, $0xb8;
	[tilespmem:$0x1FC00] =	vst v63  }
0x96: {  	_ =	swait.ge [sflag:s3], $0x3E80  }
0x97: {  	s21 =	smov.u32 s24;
	s20 =	sshra.s32 s23, $0x2;
	[sflag:s3] =	ssyncset.done $0x0  }
0x98: {  	s21 =	sadd.s32 $0x80, s20;
	[sflag:s3] =	ssyncadd.s32 $0xFFFFC180  }
0x99: {  	[tilespmem:s13], [sflag:$0x2] =	stream.indirect.gather [hbm4b:s8+s11], $0x80, s21, s11, $0xb8;
	[tilespmem:$0x1FC00] =	vst v63  }
0x9a: {  	_ =	swait.ge [sflag:s14], $0x3E80  }
0x9b: {  	[sflag:s14] =	ssyncset.done $0x0  }
0x9c: {  	s24 =	sadd.s32 $0x1400, s20;
	[sflag:s14] =	ssyncadd.s32 $0xFFFFC180  }
0x9d: {  	[spmem:s1] =	stream.indirect.scatter.add.f32 [tilespmem:s12], [sflag:$0x3], $0x80, s24, s11, $0xb8;
	[tilespmem:$0x1FC00] =	vst v63  }
0x9e: {  	_ =	swait.ge [sflag:s3], $0x3E80  }
0x9f: {  	[sflag:s3] =	ssyncset.done $0x0  }
0xa0: {  	s25 =	sadd.s32 $0x100, s20;
	[sflag:s3] =	ssyncadd.s32 $0xFFFFC180  }
0xa1: {  	[tilespmem:s12], [sflag:$0x1] =	stream.indirect.gather [hbm4b:s8+s11], $0x80, s25, s11, $0xb8;
	[tilespmem:$0x1FC00] =	vst v63  }
0xa2: {  	_ =	swait.ge [sflag:s15], $0x3E80  }
0xa3: {  	[sflag:s15] =	ssyncset.done $0x0  }
0xa4: {  	s26 =	sadd.s32 $0x1480, s20;
	[sflag:s15] =	ssyncadd.s32 $0xFFFFC180  }
0xa5: {  	[spmem:s1] =	stream.indirect.scatter.add.f32 [tilespmem:s13], [sflag:$0x3], $0x80, s26, s11, $0xb8;
	[tilespmem:$0x1FC00] =	vst v63  }
0xa6: {  	_ =	swait.ge [sflag:s3], $0x3E80  }
0xa7: {  	[sflag:s3] =	ssyncset.done $0x0  }
0xa8: {  	[sflag:s3] =	ssyncadd.s32 $0xFFFFC180  }
0xa9: {  	[tilespmem:s13], [sflag:$0x2] =	stream.indirect.gather [hbm4b:s8+s11], $0x80, s16, s11, $0xb8;
	[tilespmem:$0x1FC00] =	vst v63  }
0xaa: {  	_ =	swait.ge [sflag:s14], $0x3E80  }
0xab: {  	[sflag:s14] =	ssyncset.done $0x0  }
0xac: {  	[sflag:s14] =	ssyncadd.s32 $0xFFFFC180  }
0xad: {  	[spmem:s1] =	stream.indirect.scatter.add.f32 [tilespmem:s12], [sflag:$0x3], $0x80, s17, s11, $0xb8;
	[tilespmem:$0x1FC00] =	vst v63  }
0xae: {  	_ =	swait.ge [sflag:s3], $0x3E80  }
0xaf: {  	[sflag:s3] =	ssyncset.done $0x0  }
0xb0: {  	[sflag:s3] =	ssyncadd.s32 $0xFFFFC180  }
0xb1: {  	_ =	swait.ge [sflag:s15], $0x3E80  }
0xb2: {  	[sflag:s15] =	ssyncset.done $0x0  }
0xb3: {  	[sflag:s15] =	ssyncadd.s32 $0xFFFFC180  }
0xb4: {  	[spmem:s1] =	stream.indirect.scatter.add.f32 [tilespmem:s13], [sflag:$0x3], $0x80, s18, s11, $0xb8;
	[tilespmem:$0x1FC00] =	vst v63  }
0xb5: {  	_ =	swait.ge [sflag:s3], $0x3E80  }
0xb6: {  	[sflag:s3] =	ssyncset.done $0x0  }
0xb7: {  	s22 =	stileid.u32;
	[sflag:s3] =	ssyncadd.s32 $0xFFFFC180  }
0xb8: {  	s21 =	simm.s32 $0x0;
	s20 =	sshll.u32 s22, $0x6;
	[bflag:$0x0] =	sbarrier.arrive $0xFFFF  }
0xb9: {  	[tilespmem:s12], [sflag:$0x1] =	stream.indirect.gather [hbm4b:s4+s11], $0x80, s21, s11, $0xb8;
	[tilespmem:$0x1FC00] =	vst v63  }
0xba: {  	s20 =	sor.u32 $0x1C03, s20;
	s21 =	sshrl.u32 s10, $0x3;
	s22 =	rddreg [dreg:$0xd]  }
0xbb: {  	[hbm:s22], [sflag:s20] =	dma.local [spmem:s21], $0x2800  }
0xbc: {  	_ =	swait.ge [sflag:s3], $0x2800  }
0xbd: {  	[sflag:s3] =	ssyncset.done $0x0  }
0xbe: {  	[sflag:s3] =	ssyncadd.s32 $0xFFFFD800  }
0xbf: {  	s23 =	simm.s32 $0x80;
	[bflag:$0x0] =	sbarrier.arrive $0xFFFF  }
0xc0: {  	[tilespmem:s13], [sflag:$0x2] =	stream.indirect.gather [hbm4b:s4+s11], $0x80, s23, s11, $0xb8;
	[tilespmem:$0x1FC00] =	vst v63  }
0xc1: {  	_ =	swait.ge [sflag:s14], $0x3E80  }
0xc2: {  	[sflag:s14] =	ssyncset.done $0x0  }
0xc3: {  	s24 =	simm.s32 $0x1400;
	[sflag:s14] =	ssyncadd.s32 $0xFFFFC180  }
0xc4: {  	[spmem:s1] =	stream.indirect.scatter.add.f32 [tilespmem:s12], [sflag:$0x3], $0x80, s24, s11, $0xb8;
	[tilespmem:$0x1FC00] =	vst v63  }
0xc5: {  	_ =	swait.ge [sflag:s3], $0x3E80  }
0xc6: {  	[sflag:s3] =	ssyncset.done $0x0  }
0xc7: {  	s25 =	simm.s32 $0x100;
	[sflag:s3] =	ssyncadd.s32 $0xFFFFC180  }
0xc8: {  	[tilespmem:s12], [sflag:$0x1] =	stream.indirect.gather [hbm4b:s4+s11], $0x80, s25, s11, $0xb8;
	[tilespmem:$0x1FC00] =	vst v63  }
0xc9: {  	_ =	swait.ge [sflag:s15], $0x3E80  }
0xca: {  	[sflag:s15] =	ssyncset.done $0x0  }
0xcb: {  	s26 =	simm.s32 $0x1480;
	[sflag:s15] =	ssyncadd.s32 $0xFFFFC180  }
0xcc: {  	[spmem:s1] =	stream.indirect.scatter.add.f32 [tilespmem:s13], [sflag:$0x3], $0x80, s26, s11, $0xb8;
	[tilespmem:$0x1FC00] =	vst v63  }
0xcd: {  	_ =	swait.ge [sflag:s3], $0x3E80  }
0xce: {  	s22 =	simm.s32 $0x100;
	s23 =	simm.s32 $0x800;
	[sflag:s3] =	ssyncset.done $0x0  }
.LBB2_6:
0xcf: {  	s24 =	sadd.s32 $0x80, s22  }
0xd0: {  	[sflag:s3] =	ssyncadd.s32 $0xFFFFC180;
	s25 =	smov.u32 s23;
	s26 =	sadd.s32 $0x400, s23  }
0xd1: {  	[tilespmem:s13], [sflag:$0x2] =	stream.indirect.gather [hbm4b:s4+s11], $0x80, s24, s11, $0xb8;
	[tilespmem:$0x1FC00] =	vst v63  }
0xd2: {  	p0 =	sne.s32 s23, $0x4800;
	_ =	swait.ge [sflag:s14], $0x3E80  }
0xd3: {  	[sflag:s14] =	ssyncset.done $0x0  }
0xd4: {  	s23 =	sadd.s32 $0x1400, s22;
	[sflag:s14] =	ssyncadd.s32 $0xFFFFC180  }
0xd5: {  	[spmem:s1] =	stream.indirect.scatter.add.f32 [tilespmem:s12], [sflag:$0x3], $0x80, s23, s11, $0xb8;
	[tilespmem:$0x1FC00] =	vst v63  }
0xd6: {  	_ =	swait.ge [sflag:s3], $0x3E80  }
0xd7: {  	[sflag:s3] =	ssyncset.done $0x0  }
0xd8: {  	s23 =	sadd.s32 $0x100, s22;
	[sflag:s3] =	ssyncadd.s32 $0xFFFFC180  }
0xd9: {  	[tilespmem:s12], [sflag:$0x1] =	stream.indirect.gather [hbm4b:s4+s11], $0x80, s23, s11, $0xb8;
	[tilespmem:$0x1FC00] =	vst v63  }
0xda: {  	_ =	swait.ge [sflag:s15], $0x3E80  }
.Ltmp2:
0xdb: {  	[sflag:s15] =	ssyncset.done $0x0;
	(pc) =	sbr.rel @p0 .LBB2_6-.Ltmp2, $4  }
0xdc: {  	s22 =	sadd.s32 $0x1480, s22;
	[sflag:s15] =	ssyncadd.s32 $0xFFFFC180  }
0xdd: {  	[spmem:s1] =	stream.indirect.scatter.add.f32 [tilespmem:s13], [sflag:$0x3], $0x80, s22, s11, $0xb8;
	[tilespmem:$0x1FC00] =	vst v63  }
0xde: {  	_ =	swait.ge [sflag:s3], $0x3E80  }
0xdf: {  	s23 =	smov.u32 s26;
	s22 =	sshra.s32 s25, $0x2;
	[sflag:s3] =	ssyncset.done $0x0  }
0xe0: {  	s23 =	sadd.s32 $0x80, s22;
	[sflag:s3] =	ssyncadd.s32 $0xFFFFC180  }
0xe1: {  	[tilespmem:s13], [sflag:$0x2] =	stream.indirect.gather [hbm4b:s4+s11], $0x80, s23, s11, $0xb8;
	[tilespmem:$0x1FC00] =	vst v63  }
0xe2: {  	_ =	swait.ge [sflag:s14], $0x3E80  }
0xe3: {  	[sflag:s14] =	ssyncset.done $0x0  }
0xe4: {  	s25 =	sadd.s32 $0x1400, s22;
	[sflag:s14] =	ssyncadd.s32 $0xFFFFC180  }
0xe5: {  	[spmem:s1] =	stream.indirect.scatter.add.f32 [tilespmem:s12], [sflag:$0x3], $0x80, s25, s11, $0xb8;
	[tilespmem:$0x1FC00] =	vst v63  }
0xe6: {  	_ =	swait.ge [sflag:s3], $0x3E80  }
0xe7: {  	[sflag:s3] =	ssyncset.done $0x0  }
0xe8: {  	s26 =	sadd.s32 $0x100, s22;
	[sflag:s3] =	ssyncadd.s32 $0xFFFFC180  }
0xe9: {  	[tilespmem:s12], [sflag:$0x1] =	stream.indirect.gather [hbm4b:s4+s11], $0x80, s26, s11, $0xb8;
	[tilespmem:$0x1FC00] =	vst v63  }
0xea: {  	_ =	swait.ge [sflag:s15], $0x3E80  }
0xeb: {  	[sflag:s15] =	ssyncset.done $0x0  }
0xec: {  	s24 =	sadd.s32 $0x1480, s22;
	[sflag:s15] =	ssyncadd.s32 $0xFFFFC180  }
0xed: {  	[spmem:s1] =	stream.indirect.scatter.add.f32 [tilespmem:s13], [sflag:$0x3], $0x80, s24, s11, $0xb8;
	[tilespmem:$0x1FC00] =	vst v63  }
0xee: {  	_ =	swait.ge [sflag:s3], $0x3E80  }
0xef: {  	[sflag:s3] =	ssyncset.done $0x0  }
0xf0: {  	[sflag:s3] =	ssyncadd.s32 $0xFFFFC180  }
0xf1: {  	[tilespmem:s13], [sflag:$0x2] =	stream.indirect.gather [hbm4b:s4+s11], $0x80, s16, s11, $0xb8;
	[tilespmem:$0x1FC00] =	vst v63  }
0xf2: {  	_ =	swait.ge [sflag:s14], $0x3E80  }
0xf3: {  	[sflag:s14] =	ssyncset.done $0x0  }
0xf4: {  	[sflag:s14] =	ssyncadd.s32 $0xFFFFC180  }
0xf5: {  	[spmem:s1] =	stream.indirect.scatter.add.f32 [tilespmem:s12], [sflag:$0x3], $0x80, s17, s11, $0xb8;
	[tilespmem:$0x1FC00] =	vst v63  }
0xf6: {  	_ =	swait.ge [sflag:s3], $0x3E80  }
0xf7: {  	[sflag:s3] =	ssyncset.done $0x0  }
0xf8: {  	[sflag:s3] =	ssyncadd.s32 $0xFFFFC180  }
0xf9: {  	_ =	swait.ge [sflag:s15], $0x3E80  }
0xfa: {  	[sflag:s15] =	ssyncset.done $0x0  }
0xfb: {  	[sflag:s15] =	ssyncadd.s32 $0xFFFFC180  }
0xfc: {  	[spmem:s1] =	stream.indirect.scatter.add.f32 [tilespmem:s13], [sflag:$0x3], $0x80, s18, s11, $0xb8;
	[tilespmem:$0x1FC00] =	vst v63  }
0xfd: {  	_ =	swait.ge [sflag:s3], $0x3E80  }
0xfe: {  	[sflag:s3] =	ssyncset.done $0x0  }
0xff: {  	[sflag:s3] =	ssyncadd.s32 $0xFFFFC180  }
0x100: {  	s25 =	simm.s32 $0x0;
	[bflag:$0x0] =	sbarrier.arrive $0xFFFF  }
0x101: {  	[tilespmem:s12], [sflag:$0x1] =	stream.indirect.gather [hbm4b:s5+s11], $0x80, s25, s11, $0xb8;
	[tilespmem:$0x1FC00] =	vst v63  }
0x102: {  	s26 =	rddreg [dreg:$0xe]  }
0x103: {  	[hbm:s26], [sflag:s20] =	dma.local [spmem:s21], $0x2800  }
0x104: {  	_ =	swait.ge [sflag:s3], $0x2800  }
0x105: {  	[sflag:s3] =	ssyncset.done $0x0  }
0x106: {  	[sflag:s3] =	ssyncadd.s32 $0xFFFFD800  }
0x107: {  	s23 =	simm.s32 $0x80;
	[bflag:$0x0] =	sbarrier.arrive $0xFFFF  }
0x108: {  	[tilespmem:s13], [sflag:$0x2] =	stream.indirect.gather [hbm4b:s5+s11], $0x80, s23, s11, $0xb8;
	[tilespmem:$0x1FC00] =	vst v63  }
0x109: {  	_ =	swait.ge [sflag:s14], $0x3E80  }
0x10a: {  	[sflag:s14] =	ssyncset.done $0x0  }
0x10b: {  	s24 =	simm.s32 $0x1400;
	[sflag:s14] =	ssyncadd.s32 $0xFFFFC180  }
0x10c: {  	[spmem:s1] =	stream.indirect.scatter.add.f32 [tilespmem:s12], [sflag:$0x3], $0x80, s24, s11, $0xb8;
	[tilespmem:$0x1FC00] =	vst v63  }
0x10d: {  	_ =	swait.ge [sflag:s3], $0x3E80  }
0x10e: {  	[sflag:s3] =	ssyncset.done $0x0  }
0x10f: {  	s25 =	simm.s32 $0x100;
	[sflag:s3] =	ssyncadd.s32 $0xFFFFC180  }
0x110: {  	[tilespmem:s12], [sflag:$0x1] =	stream.indirect.gather [hbm4b:s5+s11], $0x80, s25, s11, $0xb8;
	[tilespmem:$0x1FC00] =	vst v63  }
0x111: {  	_ =	swait.ge [sflag:s15], $0x3E80  }
0x112: {  	[sflag:s15] =	ssyncset.done $0x0  }
0x113: {  	s26 =	simm.s32 $0x1480;
	[sflag:s15] =	ssyncadd.s32 $0xFFFFC180  }
0x114: {  	[spmem:s1] =	stream.indirect.scatter.add.f32 [tilespmem:s13], [sflag:$0x3], $0x80, s26, s11, $0xb8;
	[tilespmem:$0x1FC00] =	vst v63  }
0x115: {  	_ =	swait.ge [sflag:s3], $0x3E80  }
0x116: {  	s22 =	simm.s32 $0x100;
	s23 =	simm.s32 $0x800;
	[sflag:s3] =	ssyncset.done $0x0  }
.LBB2_8:
0x117: {  	s24 =	sadd.s32 $0x80, s22  }
0x118: {  	[sflag:s3] =	ssyncadd.s32 $0xFFFFC180;
	s25 =	smov.u32 s23;
	s26 =	sadd.s32 $0x400, s23  }
0x119: {  	[tilespmem:s13], [sflag:$0x2] =	stream.indirect.gather [hbm4b:s5+s11], $0x80, s24, s11, $0xb8;
	[tilespmem:$0x1FC00] =	vst v63  }
0x11a: {  	p0 =	sne.s32 s23, $0x4800;
	_ =	swait.ge [sflag:s14], $0x3E80  }
0x11b: {  	[sflag:s14] =	ssyncset.done $0x0  }
0x11c: {  	s23 =	sadd.s32 $0x1400, s22;
	[sflag:s14] =	ssyncadd.s32 $0xFFFFC180  }
0x11d: {  	[spmem:s1] =	stream.indirect.scatter.add.f32 [tilespmem:s12], [sflag:$0x3], $0x80, s23, s11, $0xb8;
	[tilespmem:$0x1FC00] =	vst v63  }
0x11e: {  	_ =	swait.ge [sflag:s3], $0x3E80  }
0x11f: {  	[sflag:s3] =	ssyncset.done $0x0  }
0x120: {  	s23 =	sadd.s32 $0x100, s22;
	[sflag:s3] =	ssyncadd.s32 $0xFFFFC180  }
0x121: {  	[tilespmem:s12], [sflag:$0x1] =	stream.indirect.gather [hbm4b:s5+s11], $0x80, s23, s11, $0xb8;
	[tilespmem:$0x1FC00] =	vst v63  }
0x122: {  	_ =	swait.ge [sflag:s15], $0x3E80  }
.Ltmp3:
0x123: {  	[sflag:s15] =	ssyncset.done $0x0;
	(pc) =	sbr.rel @p0 .LBB2_8-.Ltmp3, $4  }
0x124: {  	s22 =	sadd.s32 $0x1480, s22;
	[sflag:s15] =	ssyncadd.s32 $0xFFFFC180  }
0x125: {  	[spmem:s1] =	stream.indirect.scatter.add.f32 [tilespmem:s13], [sflag:$0x3], $0x80, s22, s11, $0xb8;
	[tilespmem:$0x1FC00] =	vst v63  }
0x126: {  	_ =	swait.ge [sflag:s3], $0x3E80  }
0x127: {  	s23 =	smov.u32 s26;
	s22 =	sshra.s32 s25, $0x2;
	[sflag:s3] =	ssyncset.done $0x0  }
0x128: {  	s23 =	sadd.s32 $0x80, s22;
	[sflag:s3] =	ssyncadd.s32 $0xFFFFC180  }
0x129: {  	[tilespmem:s13], [sflag:$0x2] =	stream.indirect.gather [hbm4b:s5+s11], $0x80, s23, s11, $0xb8;
	[tilespmem:$0x1FC00] =	vst v63  }
0x12a: {  	_ =	swait.ge [sflag:s14], $0x3E80  }
0x12b: {  	[sflag:s14] =	ssyncset.done $0x0  }
0x12c: {  	s25 =	sadd.s32 $0x1400, s22;
	[sflag:s14] =	ssyncadd.s32 $0xFFFFC180  }
0x12d: {  	[spmem:s1] =	stream.indirect.scatter.add.f32 [tilespmem:s12], [sflag:$0x3], $0x80, s25, s11, $0xb8;
	[tilespmem:$0x1FC00] =	vst v63  }
0x12e: {  	_ =	swait.ge [sflag:s3], $0x3E80  }
0x12f: {  	[sflag:s3] =	ssyncset.done $0x0  }
0x130: {  	s26 =	sadd.s32 $0x100, s22;
	[sflag:s3] =	ssyncadd.s32 $0xFFFFC180  }
0x131: {  	[tilespmem:s12], [sflag:$0x1] =	stream.indirect.gather [hbm4b:s5+s11], $0x80, s26, s11, $0xb8;
	[tilespmem:$0x1FC00] =	vst v63  }
0x132: {  	_ =	swait.ge [sflag:s15], $0x3E80  }
0x133: {  	[sflag:s15] =	ssyncset.done $0x0  }
0x134: {  	s24 =	sadd.s32 $0x1480, s22;
	[sflag:s15] =	ssyncadd.s32 $0xFFFFC180  }
0x135: {  	[spmem:s1] =	stream.indirect.scatter.add.f32 [tilespmem:s13], [sflag:$0x3], $0x80, s24, s11, $0xb8;
	[tilespmem:$0x1FC00] =	vst v63  }
0x136: {  	_ =	swait.ge [sflag:s3], $0x3E80  }
0x137: {  	[sflag:s3] =	ssyncset.done $0x0  }
0x138: {  	[sflag:s3] =	ssyncadd.s32 $0xFFFFC180  }
0x139: {  	[tilespmem:s13], [sflag:$0x2] =	stream.indirect.gather [hbm4b:s5+s11], $0x80, s16, s11, $0xb8;
	[tilespmem:$0x1FC00] =	vst v63  }
0x13a: {  	_ =	swait.ge [sflag:s14], $0x3E80  }
0x13b: {  	[sflag:s14] =	ssyncset.done $0x0  }
0x13c: {  	[sflag:s14] =	ssyncadd.s32 $0xFFFFC180  }
0x13d: {  	[spmem:s1] =	stream.indirect.scatter.add.f32 [tilespmem:s12], [sflag:$0x3], $0x80, s17, s11, $0xb8;
	[tilespmem:$0x1FC00] =	vst v63  }
0x13e: {  	_ =	swait.ge [sflag:s3], $0x3E80  }
0x13f: {  	[sflag:s3] =	ssyncset.done $0x0  }
0x140: {  	[sflag:s3] =	ssyncadd.s32 $0xFFFFC180  }
0x141: {  	_ =	swait.ge [sflag:s15], $0x3E80  }
0x142: {  	[sflag:s15] =	ssyncset.done $0x0  }
0x143: {  	[sflag:s15] =	ssyncadd.s32 $0xFFFFC180  }
0x144: {  	[spmem:s1] =	stream.indirect.scatter.add.f32 [tilespmem:s13], [sflag:$0x3], $0x80, s18, s11, $0xb8;
	[tilespmem:$0x1FC00] =	vst v63  }
0x145: {  	_ =	swait.ge [sflag:s3], $0x3E80  }
0x146: {  	[sflag:s3] =	ssyncset.done $0x0  }
0x147: {  	[sflag:s3] =	ssyncadd.s32 $0xFFFFC180  }
0x148: {  	s25 =	simm.s32 $0x0;
	[bflag:$0x0] =	sbarrier.arrive $0xFFFF  }
0x149: {  	[tilespmem:s12], [sflag:$0x1] =	stream.indirect.gather [hbm4b:s6+s11], $0x80, s25, s11, $0xb8;
	[tilespmem:$0x1FC00] =	vst v63  }
0x14a: {  	s26 =	rddreg [dreg:$0xf]  }
0x14b: {  	[hbm:s26], [sflag:s20] =	dma.local [spmem:s21], $0x2800  }
0x14c: {  	_ =	swait.ge [sflag:s3], $0x2800  }
0x14d: {  	[sflag:s3] =	ssyncset.done $0x0  }
0x14e: {  	[sflag:s3] =	ssyncadd.s32 $0xFFFFD800  }
0x14f: {  	s23 =	simm.s32 $0x80;
	[bflag:$0x0] =	sbarrier.arrive $0xFFFF  }
0x150: {  	[tilespmem:s13], [sflag:$0x2] =	stream.indirect.gather [hbm4b:s6+s11], $0x80, s23, s11, $0xb8;
	[tilespmem:$0x1FC00] =	vst v63  }
0x151: {  	_ =	swait.ge [sflag:s14], $0x3E80  }
0x152: {  	[sflag:s14] =	ssyncset.done $0x0  }
0x153: {  	s24 =	simm.s32 $0x1400;
	[sflag:s14] =	ssyncadd.s32 $0xFFFFC180  }
0x154: {  	[spmem:s1] =	stream.indirect.scatter.add.f32 [tilespmem:s12], [sflag:$0x3], $0x80, s24, s11, $0xb8;
	[tilespmem:$0x1FC00] =	vst v63  }
0x155: {  	_ =	swait.ge [sflag:s3], $0x3E80  }
0x156: {  	[sflag:s3] =	ssyncset.done $0x0  }
0x157: {  	s25 =	simm.s32 $0x100;
	[sflag:s3] =	ssyncadd.s32 $0xFFFFC180  }
0x158: {  	[tilespmem:s12], [sflag:$0x1] =	stream.indirect.gather [hbm4b:s6+s11], $0x80, s25, s11, $0xb8;
	[tilespmem:$0x1FC00] =	vst v63  }
0x159: {  	_ =	swait.ge [sflag:s15], $0x3E80  }
0x15a: {  	[sflag:s15] =	ssyncset.done $0x0  }
0x15b: {  	s26 =	simm.s32 $0x1480;
	[sflag:s15] =	ssyncadd.s32 $0xFFFFC180  }
0x15c: {  	[spmem:s1] =	stream.indirect.scatter.add.f32 [tilespmem:s13], [sflag:$0x3], $0x80, s26, s11, $0xb8;
	[tilespmem:$0x1FC00] =	vst v63  }
0x15d: {  	_ =	swait.ge [sflag:s3], $0x3E80  }
0x15e: {  	s22 =	simm.s32 $0x100;
	s23 =	simm.s32 $0x800;
	[sflag:s3] =	ssyncset.done $0x0  }
.LBB2_10:
0x15f: {  	s24 =	sadd.s32 $0x80, s22  }
0x160: {  	[sflag:s3] =	ssyncadd.s32 $0xFFFFC180;
	s25 =	smov.u32 s23;
	s26 =	sadd.s32 $0x400, s23  }
0x161: {  	[tilespmem:s13], [sflag:$0x2] =	stream.indirect.gather [hbm4b:s6+s11], $0x80, s24, s11, $0xb8;
	[tilespmem:$0x1FC00] =	vst v63  }
0x162: {  	p0 =	sne.s32 s23, $0x4800;
	_ =	swait.ge [sflag:s14], $0x3E80  }
0x163: {  	[sflag:s14] =	ssyncset.done $0x0  }
0x164: {  	s23 =	sadd.s32 $0x1400, s22;
	[sflag:s14] =	ssyncadd.s32 $0xFFFFC180  }
0x165: {  	[spmem:s1] =	stream.indirect.scatter.add.f32 [tilespmem:s12], [sflag:$0x3], $0x80, s23, s11, $0xb8;
	[tilespmem:$0x1FC00] =	vst v63  }
0x166: {  	_ =	swait.ge [sflag:s3], $0x3E80  }
0x167: {  	[sflag:s3] =	ssyncset.done $0x0  }
0x168: {  	s23 =	sadd.s32 $0x100, s22;
	[sflag:s3] =	ssyncadd.s32 $0xFFFFC180  }
0x169: {  	[tilespmem:s12], [sflag:$0x1] =	stream.indirect.gather [hbm4b:s6+s11], $0x80, s23, s11, $0xb8;
	[tilespmem:$0x1FC00] =	vst v63  }
0x16a: {  	_ =	swait.ge [sflag:s15], $0x3E80  }
.Ltmp4:
0x16b: {  	[sflag:s15] =	ssyncset.done $0x0;
	(pc) =	sbr.rel @p0 .LBB2_10-.Ltmp4, $4  }
0x16c: {  	s22 =	sadd.s32 $0x1480, s22;
	[sflag:s15] =	ssyncadd.s32 $0xFFFFC180  }
0x16d: {  	[spmem:s1] =	stream.indirect.scatter.add.f32 [tilespmem:s13], [sflag:$0x3], $0x80, s22, s11, $0xb8;
	[tilespmem:$0x1FC00] =	vst v63  }
0x16e: {  	_ =	swait.ge [sflag:s3], $0x3E80  }
0x16f: {  	s23 =	smov.u32 s26;
	s22 =	sshra.s32 s25, $0x2;
	[sflag:s3] =	ssyncset.done $0x0  }
0x170: {  	s23 =	sadd.s32 $0x80, s22;
	[sflag:s3] =	ssyncadd.s32 $0xFFFFC180  }
0x171: {  	[tilespmem:s13], [sflag:$0x2] =	stream.indirect.gather [hbm4b:s6+s11], $0x80, s23, s11, $0xb8;
	[tilespmem:$0x1FC00] =	vst v63  }
0x172: {  	_ =	swait.ge [sflag:s14], $0x3E80  }
0x173: {  	[sflag:s14] =	ssyncset.done $0x0  }
0x174: {  	s25 =	sadd.s32 $0x1400, s22;
	[sflag:s14] =	ssyncadd.s32 $0xFFFFC180  }
0x175: {  	[spmem:s1] =	stream.indirect.scatter.add.f32 [tilespmem:s12], [sflag:$0x3], $0x80, s25, s11, $0xb8;
	[tilespmem:$0x1FC00] =	vst v63  }
0x176: {  	_ =	swait.ge [sflag:s3], $0x3E80  }
0x177: {  	[sflag:s3] =	ssyncset.done $0x0  }
0x178: {  	s26 =	sadd.s32 $0x100, s22;
	[sflag:s3] =	ssyncadd.s32 $0xFFFFC180  }
0x179: {  	[tilespmem:s12], [sflag:$0x1] =	stream.indirect.gather [hbm4b:s6+s11], $0x80, s26, s11, $0xb8;
	[tilespmem:$0x1FC00] =	vst v63  }
0x17a: {  	_ =	swait.ge [sflag:s15], $0x3E80  }
0x17b: {  	[sflag:s15] =	ssyncset.done $0x0  }
0x17c: {  	s24 =	sadd.s32 $0x1480, s22;
	[sflag:s15] =	ssyncadd.s32 $0xFFFFC180  }
0x17d: {  	[spmem:s1] =	stream.indirect.scatter.add.f32 [tilespmem:s13], [sflag:$0x3], $0x80, s24, s11, $0xb8;
	[tilespmem:$0x1FC00] =	vst v63  }
0x17e: {  	_ =	swait.ge [sflag:s3], $0x3E80  }
0x17f: {  	[sflag:s3] =	ssyncset.done $0x0  }
0x180: {  	[sflag:s3] =	ssyncadd.s32 $0xFFFFC180  }
0x181: {  	[tilespmem:s13], [sflag:$0x2] =	stream.indirect.gather [hbm4b:s6+s11], $0x80, s16, s11, $0xb8;
	[tilespmem:$0x1FC00] =	vst v63  }
0x182: {  	_ =	swait.ge [sflag:s14], $0x3E80  }
0x183: {  	[sflag:s14] =	ssyncset.done $0x0  }
0x184: {  	[sflag:s14] =	ssyncadd.s32 $0xFFFFC180  }
0x185: {  	[spmem:s1] =	stream.indirect.scatter.add.f32 [tilespmem:s12], [sflag:$0x3], $0x80, s17, s11, $0xb8;
	[tilespmem:$0x1FC00] =	vst v63  }
0x186: {  	_ =	swait.ge [sflag:s3], $0x3E80  }
0x187: {  	[sflag:s3] =	ssyncset.done $0x0  }
0x188: {  	[sflag:s3] =	ssyncadd.s32 $0xFFFFC180  }
0x189: {  	_ =	swait.ge [sflag:s15], $0x3E80  }
0x18a: {  	[sflag:s15] =	ssyncset.done $0x0  }
0x18b: {  	[sflag:s15] =	ssyncadd.s32 $0xFFFFC180  }
0x18c: {  	[spmem:s1] =	stream.indirect.scatter.add.f32 [tilespmem:s13], [sflag:$0x3], $0x80, s18, s11, $0xb8;
	[tilespmem:$0x1FC00] =	vst v63  }
0x18d: {  	_ =	swait.ge [sflag:s3], $0x3E80  }
0x18e: {  	[sflag:s3] =	ssyncset.done $0x0  }
0x18f: {  	[sflag:s3] =	ssyncadd.s32 $0xFFFFC180  }
0x190: {  	s25 =	simm.s32 $0x0;
	[bflag:$0x0] =	sbarrier.arrive $0xFFFF  }
0x191: {  	[tilespmem:s12], [sflag:$0x1] =	stream.indirect.gather [hbm4b:s7+s11], $0x80, s25, s11, $0xb8;
	[tilespmem:$0x1FC00] =	vst v63  }
0x192: {  	s26 =	rddreg [dreg:$0x10]  }
0x193: {  	[hbm:s26], [sflag:s20] =	dma.local [spmem:s21], $0x2800  }
0x194: {  	_ =	swait.ge [sflag:s3], $0x2800  }
0x195: {  	[sflag:s3] =	ssyncset.done $0x0  }
0x196: {  	[sflag:s3] =	ssyncadd.s32 $0xFFFFD800  }
0x197: {  	s23 =	simm.s32 $0x80;
	[bflag:$0x0] =	sbarrier.arrive $0xFFFF  }
0x198: {  	[tilespmem:s13], [sflag:$0x2] =	stream.indirect.gather [hbm4b:s7+s11], $0x80, s23, s11, $0xb8;
	[tilespmem:$0x1FC00] =	vst v63  }
0x199: {  	_ =	swait.ge [sflag:s14], $0x3E80  }
0x19a: {  	[sflag:s14] =	ssyncset.done $0x0  }
0x19b: {  	s24 =	simm.s32 $0x1400;
	[sflag:s14] =	ssyncadd.s32 $0xFFFFC180  }
0x19c: {  	[spmem:s1] =	stream.indirect.scatter.add.f32 [tilespmem:s12], [sflag:$0x3], $0x80, s24, s11, $0xb8;
	[tilespmem:$0x1FC00] =	vst v63  }
0x19d: {  	_ =	swait.ge [sflag:s3], $0x3E80  }
0x19e: {  	[sflag:s3] =	ssyncset.done $0x0  }
0x19f: {  	s25 =	simm.s32 $0x100;
	[sflag:s3] =	ssyncadd.s32 $0xFFFFC180  }
0x1a0: {  	[tilespmem:s12], [sflag:$0x1] =	stream.indirect.gather [hbm4b:s7+s11], $0x80, s25, s11, $0xb8;
	[tilespmem:$0x1FC00] =	vst v63  }
0x1a1: {  	_ =	swait.ge [sflag:s15], $0x3E80  }
0x1a2: {  	[sflag:s15] =	ssyncset.done $0x0  }
0x1a3: {  	s26 =	simm.s32 $0x1480;
	[sflag:s15] =	ssyncadd.s32 $0xFFFFC180  }
0x1a4: {  	[spmem:s1] =	stream.indirect.scatter.add.f32 [tilespmem:s13], [sflag:$0x3], $0x80, s26, s11, $0xb8;
	[tilespmem:$0x1FC00] =	vst v63  }
0x1a5: {  	_ =	swait.ge [sflag:s3], $0x3E80  }
0x1a6: {  	s22 =	simm.s32 $0x100;
	s23 =	simm.s32 $0x800;
	[sflag:s3] =	ssyncset.done $0x0  }
.LBB2_12:
0x1a7: {  	s24 =	sadd.s32 $0x80, s22  }
0x1a8: {  	[sflag:s3] =	ssyncadd.s32 $0xFFFFC180;
	s25 =	smov.u32 s23;
	s26 =	sadd.s32 $0x400, s23  }
0x1a9: {  	[tilespmem:s13], [sflag:$0x2] =	stream.indirect.gather [hbm4b:s7+s11], $0x80, s24, s11, $0xb8;
	[tilespmem:$0x1FC00] =	vst v63  }
0x1aa: {  	p0 =	sne.s32 s23, $0x4800;
	_ =	swait.ge [sflag:s14], $0x3E80  }
0x1ab: {  	[sflag:s14] =	ssyncset.done $0x0  }
0x1ac: {  	s23 =	sadd.s32 $0x1400, s22;
	[sflag:s14] =	ssyncadd.s32 $0xFFFFC180  }
0x1ad: {  	[spmem:s1] =	stream.indirect.scatter.add.f32 [tilespmem:s12], [sflag:$0x3], $0x80, s23, s11, $0xb8;
	[tilespmem:$0x1FC00] =	vst v63  }
0x1ae: {  	_ =	swait.ge [sflag:s3], $0x3E80  }
0x1af: {  	[sflag:s3] =	ssyncset.done $0x0  }
0x1b0: {  	s23 =	sadd.s32 $0x100, s22;
	[sflag:s3] =	ssyncadd.s32 $0xFFFFC180  }
0x1b1: {  	[tilespmem:s12], [sflag:$0x1] =	stream.indirect.gather [hbm4b:s7+s11], $0x80, s23, s11, $0xb8;
	[tilespmem:$0x1FC00] =	vst v63  }
0x1b2: {  	_ =	swait.ge [sflag:s15], $0x3E80  }
.Ltmp5:
0x1b3: {  	[sflag:s15] =	ssyncset.done $0x0;
	(pc) =	sbr.rel @p0 .LBB2_12-.Ltmp5, $4  }
0x1b4: {  	s22 =	sadd.s32 $0x1480, s22;
	[sflag:s15] =	ssyncadd.s32 $0xFFFFC180  }
0x1b5: {  	[spmem:s1] =	stream.indirect.scatter.add.f32 [tilespmem:s13], [sflag:$0x3], $0x80, s22, s11, $0xb8;
	[tilespmem:$0x1FC00] =	vst v63  }
0x1b6: {  	_ =	swait.ge [sflag:s3], $0x3E80  }
0x1b7: {  	s23 =	smov.u32 s26;
	s22 =	sshra.s32 s25, $0x2;
	[sflag:s3] =	ssyncset.done $0x0  }
0x1b8: {  	s23 =	sadd.s32 $0x80, s22;
	[sflag:s3] =	ssyncadd.s32 $0xFFFFC180  }
0x1b9: {  	[tilespmem:s13], [sflag:$0x2] =	stream.indirect.gather [hbm4b:s7+s11], $0x80, s23, s11, $0xb8;
	[tilespmem:$0x1FC00] =	vst v63  }
0x1ba: {  	_ =	swait.ge [sflag:s14], $0x3E80  }
0x1bb: {  	[sflag:s14] =	ssyncset.done $0x0  }
0x1bc: {  	s25 =	sadd.s32 $0x1400, s22;
	[sflag:s14] =	ssyncadd.s32 $0xFFFFC180  }
0x1bd: {  	[spmem:s1] =	stream.indirect.scatter.add.f32 [tilespmem:s12], [sflag:$0x3], $0x80, s25, s11, $0xb8;
	[tilespmem:$0x1FC00] =	vst v63  }
0x1be: {  	_ =	swait.ge [sflag:s3], $0x3E80  }
0x1bf: {  	[sflag:s3] =	ssyncset.done $0x0  }
0x1c0: {  	s26 =	sadd.s32 $0x100, s22;
	[sflag:s3] =	ssyncadd.s32 $0xFFFFC180  }
0x1c1: {  	[tilespmem:s12], [sflag:$0x1] =	stream.indirect.gather [hbm4b:s7+s11], $0x80, s26, s11, $0xb8;
	[tilespmem:$0x1FC00] =	vst v63  }
0x1c2: {  	_ =	swait.ge [sflag:s15], $0x3E80  }
0x1c3: {  	[sflag:s15] =	ssyncset.done $0x0  }
0x1c4: {  	s24 =	sadd.s32 $0x1480, s22;
	[sflag:s15] =	ssyncadd.s32 $0xFFFFC180  }
0x1c5: {  	[spmem:s1] =	stream.indirect.scatter.add.f32 [tilespmem:s13], [sflag:$0x3], $0x80, s24, s11, $0xb8;
	[tilespmem:$0x1FC00] =	vst v63  }
0x1c6: {  	_ =	swait.ge [sflag:s3], $0x3E80  }
0x1c7: {  	[sflag:s3] =	ssyncset.done $0x0  }
0x1c8: {  	[sflag:s3] =	ssyncadd.s32 $0xFFFFC180  }
0x1c9: {  	[tilespmem:s13], [sflag:$0x2] =	stream.indirect.gather [hbm4b:s7+s11], $0x80, s16, s11, $0xb8;
	[tilespmem:$0x1FC00] =	vst v63  }
0x1ca: {  	_ =	swait.ge [sflag:s14], $0x3E80  }
0x1cb: {  	[sflag:s14] =	ssyncset.done $0x0  }
0x1cc: {  	[sflag:s14] =	ssyncadd.s32 $0xFFFFC180  }
0x1cd: {  	[spmem:s1] =	stream.indirect.scatter.add.f32 [tilespmem:s12], [sflag:$0x3], $0x80, s17, s11, $0xb8;
	[tilespmem:$0x1FC00] =	vst v63  }
0x1ce: {  	_ =	swait.ge [sflag:s3], $0x3E80  }
0x1cf: {  	[sflag:s3] =	ssyncset.done $0x0  }
0x1d0: {  	[sflag:s3] =	ssyncadd.s32 $0xFFFFC180  }
0x1d1: {  	_ =	swait.ge [sflag:s15], $0x3E80  }
0x1d2: {  	[sflag:s15] =	ssyncset.done $0x0  }
0x1d3: {  	[sflag:s15] =	ssyncadd.s32 $0xFFFFC180  }
0x1d4: {  	[spmem:s1] =	stream.indirect.scatter.add.f32 [tilespmem:s13], [sflag:$0x3], $0x80, s18, s11, $0xb8;
	[tilespmem:$0x1FC00] =	vst v63  }
0x1d5: {  	_ =	swait.ge [sflag:s3], $0x3E80  }
0x1d6: {  	[sflag:s3] =	ssyncset.done $0x0  }
0x1d7: {  	[sflag:s3] =	ssyncadd.s32 $0xFFFFC180  }
0x1d8: {  	[bflag:$0x0] =	sbarrier.arrive $0xFFFF  }
0x1d9: {  	s25 =	rddreg [dreg:$0x11]  }
0x1da: {  	[hbm:s25], [sflag:s20] =	dma.local [spmem:s21], $0x2800  }
0x1db: {  	_ =	swait.ge [sflag:s3], $0x2800  }
0x1dc: {  	s19 =	sadd.s32 $0x1, s19;
	s26 =	rddreg [dreg:$0x12]  }
0x1dd: {  	p0 =	sne.s32 s19, s26  }
.Ltmp6:
0x1de: {  	_ = 	snop;
	(pc) =	sbr.rel @p0 .LBB2_1-.Ltmp6, $3  }
0x1df: {  	[sflag:s3] =	ssyncset.done $0x0  }
0x1e0: {  	[sflag:s3] =	ssyncadd.s32 $0xFFFFD800  }
0x1e1: {  	[bflag:$0x0] =	sbarrier.arrive $0xFFFF;
	_ =	sdelay $0x1  }
0x1e2: {  	_ =	sfence.sel $0x180000  }
0x1e3: {  	[bflag:$0x0] =	sbarrier.arrive $0xFFFF  }
0x1e4: {  	_ =	strace $0x9000004A  }
0x1e5: {  	s0 =	stileid.u32;
	[bflag:$0x2] =	sbarrier.arrive $0xFFFF  }
0x1e6: {  	p0 =	sne.s32 s0, $0x0;
	s0 =	rddreg [dreg:$0x2]  }
0x1e7: {  	s0 =	sadd.s32 @!p0 $0x100000, s0  }
0x1e8: {  	[sflag:s0] =	ssyncadd.tile.s32 @!p0 $0x1;
	_ =	shalt  }
.Lfunc_end2:
_tile_overlayer_lowered:
.L_overlay_start_2:
0x1e9: {  	(tag) =	ssettag $0x2  }
0x1ea: {  	s0 =	rddreg [dreg:$0x0];
	s2 =	stileid.u32  }
0x1eb: {  	s1 =	rddreg [dreg:$0x1];
	p0 =	sne.s32 s2, $0x0  }
0x1ec: {  	s3 =	rddreg [dreg:$0x2];
	[bflag:$0x3] =	sbarrier.arrive $0xFFFF;
	s2 =	simm.s32 @!p0 $0x1C03  }
0x1ed: {  	[timem:s3], [sflag:s2] =	dma.local @!p0 [hbm:s0], s1  }
0x1ee: {  	s0 =	simm.s32 @!p0 $0x3  }
0x1ef: {  	_ =	swait.ge @!p0 [sflag:s0], s1  }
0x1f0: {  	s1 =	ssub.s32 @!p0 $0x0, s1;
	[sflag:s0] =	ssyncset.done @!p0 $0x0  }
0x1f1: {  	[sflag:s0] =	ssyncadd.s32 @!p0 s1  }
0x1f2: {  	[bflag:$0x3] =	sbarrier.arrive $0xFFFF  }
0x1f3: {  	_ =	shalt  }

// kernel: kernel.7.cloned.1.call-start
scs
__scs_entry_jumppad:
0x0: {  	(pc) =	sbr.rel $0x88, $3  }
0x1: {  	(tag) =	ssettag $0x0;
	lr =	simm.s32 $0x1  }
0x2: {  	[smem:$0x3F8D] =	sst lr;
	_ =	strace $0xD0000000  }
0x3: {  	_ = 	snop  }
0x4: {  	_ = 	snop  }
0x5: {  	_ = 	snop  }
0x6: {  	_ = 	snop  }
0x7: {  	_ = 	snop  }
__scs_overlays_trampoline_lowered:
0x8: {  	[smem:$0x3F9C] =	sst s0  }
0x9: {  	[smem:$0x3F9D] =	sst s1  }
0xa: {  	[smem:$0x3F9E] =	sst s2  }
0xb: {  	[smem:$0x3F9F] =	sst s3  }
0xc: {  	[smem:$0x3FA0] =	sst s4  }
0xd: {  	[smem:$0x3FA1] =	sst s5  }
0xe: {  	[smem:$0x3FA2] =	sst s6  }
0xf: {  	[smem:$0x3FA3] =	sst s7  }
0x10: {  	[smem:$0x3FA4] =	sst s8  }
0x11: {  	[smem:$0x3FA5] =	sst s9;
	s0 =	simm.s32 @!p0 $0x0  }
0x12: {  	s1 =	sld [smem:$0x3F8B];
	s0 =	simm.s32 @p0 $0x1  }
0x13: {  	[smem:$0x3FA6] =	sst s0;
	s0 =	simm.s32 @!p1 $0x0  }
0x14: {  	s2 =	sld [smem:$0x3F8A];
	s0 =	simm.s32 @p1 $0x1  }
0x15: {  	[smem:$0x3FA7] =	sst s0;
	s0 =	simm.s32 @!p2 $0x0  }
0x16: {  	s3 =	sld [smem:$0x3FDB];
	s0 =	simm.s32 @p2 $0x1  }
0x17: {  	s4 =	simm.s32 $0x1BF5;
	[smem:$0x3FA9] =	sst s0  }
0x18: {  	s0 =	sld [smem:$0x3F8C];
	_ =	swait.ge [sflag:s4], $0x0  }
0x19: {  	s7 =	sld [smem:$0x3F8D]  }
0x1a: {  	s8 =	sadd.s32 $0xFFFFE003, lr  }
0x1b: {  	s9 =	sadd.s32 $0xFFFFFEF7, lr;
	s5 =	simm.s32 $0xFFFFFFFF;
	p2 =	slt.u32 s8, $0xFFFFF086  }
0x1c: {  	p1 =	slt.u32 s9, $0xF7A;
	s5 =	simm.s32 @!p2 $0x0  }
0x1d: {  	s5 =	simm.s32 @p1 $0x1;
	p0 =	seq.s32 s7, s2  }
0x1e: {  	s7 =	smul.u32 @!p0 $0xF7A, s2;
	p2 =	seq.s32 @!p0 s5, $0x0  }
0x1f: {  	s9 =	smul.u32 $0xF7A, s1;
	s8 =	simm.s32 @!p0 $0x1BF5;
	p2 =	por !p2, p0  }
0x20: {  	[sflag:s8] =	ssyncset.s32 @!p0 $0xFFFFF086;
	s6 =	sadd.s32 @!p0 s3, s7;
	s7 =	simm.s32 @!p0 $0x108  }
0x21: {  	s3 =	sadd.s32 s3, s9;
	s6 =	sadd.s32 @!p0 $0x88, s6;
	s7 =	simm.s32 @p2 $0x1082  }
0x22: {  	[simem:s7], [sflag:s8] =	dma.local @!p0 [hbm:s6], $0xF7A  }
0x23: {  	s9 =	sor.u32 $0xD0000000, s2;
	s6 =	simm.s32 $0x108;
	_ =	swait.ge @!p0 [sflag:s8], $0x0  }
0x24: {  	s3 =	sadd.s32 $0x88, s3;
	s6 =	simm.s32 @!p1 $0x1082;
	[sflag:s4] =	ssyncset.s32 $0xFFFFF086  }
0x25: {  	[simem:s6], [sflag:s4] =	dma.local [hbm:s3], $0xF7A  }
0x26: {  	[smem:$0x3F8D] =	sst s1;
	(tag) =	ssettag s2;
	_ =	strace s9  }
0x27: {  	s1 =	sld [smem:$0x3F9D]  }
0x28: {  	s2 =	sld [smem:$0x3F9E]  }
0x29: {  	s4 =	sld [smem:$0x3FA0]  }
0x2a: {  	p0 =	seq.s32 s5, $0x0;
	s5 =	sld [smem:$0x3FA1]  }
0x2b: {  	s6 =	sld [smem:$0x3FA2]  }
0x2c: {  	s7 =	sld [smem:$0x3FA3]  }
0x2d: {  	s3 =	simm.s32 $0x108;
	s8 =	sld [smem:$0x3FA4]  }
0x2e: {  	s3 =	simm.s32 @!p0 $0x1082;
	s9 =	sld [smem:$0x3FA5]  }
0x2f: {  	lr =	sadd.s32 s0, s3;
	s0 =	sld [smem:$0x3F9C]  }
0x30: {  	s3 =	sld [smem:$0x3F9F]  }
0x31: {  	[smem:$0x3FA8] =	sst s10  }
0x32: {  	s10 =	sld [smem:$0x3FA6];
	_ =	sdelay $0x3  }
0x33: {  	p0 =	seq.s32 s10, $0x1;
	s10 =	sld [smem:$0x3FA8];
	_ =	sdelay $0x3  }
0x34: {  	[smem:$0x3FA8] =	sst s10  }
0x35: {  	s10 =	sld [smem:$0x3FA7];
	_ =	sdelay $0x3  }
0x36: {  	p1 =	seq.s32 s10, $0x1;
	s10 =	sld [smem:$0x3FA8];
	_ =	sdelay $0x3  }
0x37: {  	[smem:$0x3FA8] =	sst s10  }
0x38: {  	s10 =	sld [smem:$0x3FA9]  }
0x39: {  	_ = 	snop;
	(pc) =	sbr.ind lr, $3  }
0x3a: {  	_ = 	snop  }
0x3b: {  	_ = 	snop  }
0x3c: {  	p2 =	seq.s32 s10, $0x1;
	s10 =	sld [smem:$0x3FA8]  }
0x3d: {  	_ =	shalt  }
0x3e: {  	_ =	shalt  }
0x3f: {  	_ =	shalt  }
0x40: {  	_ =	shalt  }
0x41: {  	_ =	shalt  }
0x42: {  	_ =	shalt  }
0x43: {  	_ =	shalt  }
0x44: {  	_ =	shalt  }
0x45: {  	_ =	shalt  }
0x46: {  	_ =	shalt  }
0x47: {  	_ =	shalt  }
0x48: {  	_ =	shalt  }
0x49: {  	_ =	shalt  }
0x4a: {  	_ =	shalt  }
0x4b: {  	_ =	shalt  }
0x4c: {  	_ =	shalt  }
0x4d: {  	_ =	shalt  }
0x4e: {  	_ =	shalt  }
0x4f: {  	_ =	shalt  }
0x50: {  	_ =	shalt  }
0x51: {  	_ =	shalt  }
0x52: {  	_ =	shalt  }
0x53: {  	_ =	shalt  }
0x54: {  	_ =	shalt  }
0x55: {  	_ =	shalt  }
0x56: {  	_ =	shalt  }
0x57: {  	_ =	shalt  }
0x58: {  	_ =	shalt  }
0x59: {  	_ =	shalt  }
0x5a: {  	_ =	shalt  }
0x5b: {  	_ =	shalt  }
0x5c: {  	_ =	shalt  }
0x5d: {  	_ =	shalt  }
0x5e: {  	_ =	shalt  }
0x5f: {  	_ =	shalt  }
0x60: {  	_ =	shalt  }
0x61: {  	_ =	shalt  }
0x62: {  	_ =	shalt  }
0x63: {  	_ =	shalt  }
0x64: {  	_ =	shalt  }
0x65: {  	_ =	shalt  }
0x66: {  	_ =	shalt  }
0x67: {  	_ =	shalt  }
0x68: {  	_ =	shalt  }
0x69: {  	_ =	shalt  }
0x6a: {  	_ =	shalt  }
0x6b: {  	_ =	shalt  }
0x6c: {  	_ =	shalt  }
0x6d: {  	_ =	shalt  }
0x6e: {  	_ =	shalt  }
0x6f: {  	_ =	shalt  }
0x70: {  	_ =	shalt  }
0x71: {  	_ =	shalt  }
0x72: {  	_ =	shalt  }
0x73: {  	_ =	shalt  }
0x74: {  	_ =	shalt  }
0x75: {  	_ =	shalt  }
0x76: {  	_ =	shalt  }
0x77: {  	_ =	shalt  }
0x78: {  	_ =	shalt  }
0x79: {  	_ =	shalt  }
0x7a: {  	_ =	shalt  }
0x7b: {  	_ =	shalt  }
0x7c: {  	_ =	shalt  }
0x7d: {  	_ =	shalt  }
0x7e: {  	_ =	shalt  }
0x7f: {  	_ =	shalt  }
0x80: {  	_ =	shalt  }
0x81: {  	_ =	shalt  }
0x82: {  	_ =	shalt  }
0x83: {  	_ =	shalt  }
0x84: {  	_ =	shalt  }
0x85: {  	_ =	shalt  }
0x86: {  	_ =	shalt  }
0x87: {  	_ =	shalt  }
.Lfunc_end0:
.L_simem_size_0:
called_computation_lowered:
.L_overlay_start_0:
0x88: {  	s2 =	sld [smem:$0x3FD9]  }
0x89: {  	s3 =	sld [smem:$0x3FFE];
	_ =	sdelay $0x1  }
0x8a: {  	s1 =	srdreg.scid  }
0x8b: {  	s0 =	sand.u32 $0x1, s1  }
0x8c: {  	s16 =	sshll.u32 s0, $0xA;
	s2 =	sadd.s32 s3, s2  }
0x8d: {  	s2 =	sadd.s32 s2, s16  }
0x8e: {  	[smem:$0x3FB4] =	sst s2  }
0x8f: {  	_ = 	snop  }
0x90: {  	(tm) =	ssettm $0x1  }
0x91: {  	s17 =	sld [smem:$0x3FFB];
	_ =	sdelay $0x3  }
0x92: {  	_ =	strace s17  }
0x93: {  	s2 =	sld [smem:$0x3FFC];
	_ =	sdelay $0x3  }
0x94: {  	_ =	strace s2  }
0x95: {  	s2 =	sld [smem:$0x3FFD];
	_ =	sdelay $0x3  }
0x96: {  	_ =	strace s2  }
0x97: {  	_ =	strace $0x8FFFFFFF  }
0x98: {  	s18 =	sld [smem:$0x3FDB];
	_ =	sdelay $0x1  }
0x99: {  	s19 =	simm.s32 $_scs_section_size  }
0x9a: {  	s4 =	simm.s32 $_size__tile_overlayer_lowered;
	s5 =	simm.s32 $_tile_overlayer_lowered  }
0x9b: {  	s22 =	simm.s32 $0x1BFF;
	s21 =	sshll.u32 s5, $0x1;
	s2 =	sadd.s32 s19, s18  }
0x9c: {  	s6 =	simm.s32 $0x0;
	s20 =	sshll.u32 s4, $0x1;
	s4 =	sadd.s32 s21, s2  }
0x9d: {  	[timem:s6], [sflag:s22] =	dma.local [hbm:s4], s20  }
0x9e: {  	_ =	swait.ge [sflag:s22], s20  }
0x9f: {  	s3 =	ssub.s32 $0x0, s20;
	[sflag:s22] =	ssyncset.done $0x0  }
0xa0: {  	[sflag:s22] =	ssyncadd.s32 s3;
	_ =	sdelay $0x1  }
0xa1: {  	s23 =	simm.s32 $0x1B8B  }
0xa2: {  	_ =	swait.ge [sflag:s23], $0x1  }
0xa3: {  	[sflag:s23] =	ssyncset.done $0x0  }
0xa4: {  	s25 =	simm.s32 $0x1B8E;
	s24 =	sld [smem:$0x3FFE];
	[sflag:s23] =	ssyncadd.s32 $0xFFFFFFFF  }
0xa5: {  	s26 =	simm.s32 $execute0_lowered;
	[smem:$0x3FD2] =	sst s25  }
0xa6: {  	s4 =	sshll.u32 s26, $0x1;
	_ =	strace $0x80000046;
	[dreg:$0x1] =	wrdreg $0xFFFFFFFF  }
0xa7: {  	s28 =	simm.s32 $_size_execute0_lowered;
	s2 =	sadd.s32 s2, s4;
	[dreg:$0x0] =	wrdreg $0x0  }
0xa8: {  	s4 =	sshll.u32 s28, $0x1;
	[dreg:$0x2] =	wrdreg s2  }
0xa9: {  	[dreg:$0x3] =	wrdreg s4  }
0xaa: {  	[dreg:$0x4] =	wrdreg $0xC0  }
0xab: {  	_ =	task [dreg:s6], $0x5FFFF  }
0xac: {  	[dreg:$0x1] =	wrdreg $0xFFFFFFFF  }
0xad: {  	[dreg:$0x0] =	wrdreg $0x60  }
0xae: {  	[dreg:$0x2] =	wrdreg s24  }
0xaf: {  	[dreg:$0x3] =	wrdreg $0xBC000  }
0xb0: {  	[dreg:$0x4] =	wrdreg $0x9  }
0xb1: {  	_ =	task.clear_ibuf [dreg:s6], $0x5FFFF;
	_ =	strace $0x90000046  }
0xb2: {  	s29 =	simm.s32 $0x9;
	_ =	strace $0x80000048  }
0xb3: {  	_ =	swait.ge [sflag:s29], $0x1  }
0xb4: {  	[sflag:s29] =	ssyncadd.s32 $0xFFFFFFFF  }
0xb5: {  	_ =	strace $0x90000048  }
0xb6: {  	_ =	sfence  }
0xb7: {  	s30 =	sld [smem:$0x0];
	_ =	sdelay $0x2  }
0xb8: {  	s31 =	sshll.u32 s1, $0xD;
	s1 =	sshrl.u32 s1, $0x2  }
0xb9: {  	s3 =	sand.u32 $0x4000, s31;
	s1 =	sadd.s32 s1, s30  }
0xba: {  	s0 =	sor.u32 s3, s0;
	s1 =	sshll.u32 s1, $0x11  }
0xbb: {  	s0 =	sor.u32 s1, s0  }
0xbc: {  	s0 =	sadd.s32 $0x8F2B, s0  }
0xbd: {  	[sflag:s0] =	ssyncadd.remote.s32 $0x1  }
0xbe: {  	_ =	sfence.sel $0xFFFF  }
0xbf: {  	[dreg:$0x0] =	wrdreg $0xFFFFFFFF;
	(pc) =	sbr.abs _section_cstart, $3  }
0xc0: {  	[dreg:$0x1] =	wrdreg $0xFFFFFFFF  }
0xc1: {  	_ =	task.clear_ibuf [dreg:s6], $0x2FFFF;
	_ =	strace $0x9FFFFFFF  }
0xc2: {  	(tm) =	ssettm $0x7FFFFFFF  }
0xc3: {  	_ =	shalt  }
tec
execute0_lowered:
.L_overlay_start_1:
0x0: {  	(tag) =	ssettag $0x1  }
0x1: {  	s2 =	srdreg.scid  }
0x2: {  	s3 =	simm.s32 $0x0;
	s10 =	stileid.u32;
	s2 =	sand.u32 $0x1, s2  }
0x3: {  	[smem:$0x7FF] =	sst s3;
	s8 =	smul.u32 $0x14000, s10;
	s25 =	sshll.u32 s2, $0x4  }
0x4: {  	s7 =	smul.u32 $0x140000, s2;
	s2 =	ssub.s32 $0x2, s2;
	s3 =	sor.u32 s10, s25  }
0x5: {  	s0 =	rddreg [dreg:$0x0];
	s20 =	sshrl.u32 s2, $0x1;
	s3 =	smul.u32 $0x280, s3  }
0x6: {  	s1 =	rddreg [dreg:$0x1];
	s10 =	smul.u32 $0x50000, s10;
	s2 =	ssub.s32 s2, s20  }
0x7: {  	_ =	strace $0x80000047;
	s25 =	smax.u32 s2, $0x1;
	s3 =	sadd.s32 s3, s0  }
0x8: {  	s26 =	sshrl.u32 s10, $0x2;
	[dreg:$0x12] =	wrdreg s25;
	s11 =	sadd.s32 $0x3C00, s3  }
0x9: {  	s10 =	sadd.s32 s26, s1;
	s3 =	sadd.s32 $0x8C00, s3;
	[dreg:$0x3] =	wrdreg s11  }
0xa: {  	s4 =	sadd.s32 $0x83000, s0;
	s12 =	sadd.s32 $0x1400, s10;
	[dreg:$0x4] =	wrdreg s3  }
0xb: {  	s5 =	sadd.s32 $0xAA200, s0;
	s13 =	sadd.s32 $0x2800, s10;
	[dreg:$0x5] =	wrdreg s12  }
0xc: {  	s6 =	sadd.s32 $0xD1400, s0;
	s14 =	sadd.s32 $0x3C00, s10;
	[dreg:$0x6] =	wrdreg s13  }
0xd: {  	s9 =	sadd.s32 s8, s7;
	s15 =	sadd.s32 $0x5000, s10;
	[dreg:$0x7] =	wrdreg s14  }
0xe: {  	s7 =	sadd.s32 $0xF8600, s0;
	s16 =	sadd.s32 $0x6400, s10;
	[dreg:$0x8] =	wrdreg s15  }
0xf: {  	s8 =	sadd.s32 $0xDC00, s0;
	s17 =	sadd.s32 $0x7800, s10;
	[dreg:$0x9] =	wrdreg s16  }
0x10: {  	s9 =	sshrl.u32 s9, $0x3;
	s18 =	sadd.s32 $0x8C00, s10;
	[dreg:$0xa] =	wrdreg s17  }
0x11: {  	s0 =	sadd.s32 s9, s0;
	s19 =	sadd.s32 $0xA000, s10;
	[dreg:$0xb] =	wrdreg s18  }
0x12: {  	s9 =	simm.s32 $0xA800;
	s21 =	sadd.s32 $0x25F800, s0;
	[dreg:$0xc] =	wrdreg s19  }
0x13: {  	s22 =	sadd.s32 $0x11F800, s0;
	s23 =	sadd.s32 $0x16F800, s0;
	[dreg:$0xd] =	wrdreg s21  }
0x14: {  	s24 =	sadd.s32 $0x1BF800, s0;
	s0 =	sadd.s32 $0x20F800, s0;
	[dreg:$0xe] =	wrdreg s22  }
0x15: {  	s26 =	sadd.s32 $0xB400, s10;
	s28 =	sadd.s32 $0xC800, s10;
	[dreg:$0xf] =	wrdreg s23  }
0x16: {  	s29 =	sadd.s32 $0xDC00, s10;
	s30 =	sadd.s32 $0xF000, s10;
	[dreg:$0x10] =	wrdreg s24  }
0x17: {  	s31 =	sadd.s32 $0x10400, s10;
	s2 =	sadd.s32 $0x12C00, s10;
	[dreg:$0x11] =	wrdreg s0  }
0x18: {  	[dreg:$0x13] =	wrdreg s26;
	s0 =	sadd.s32 $0x11800, s10;
	s3 =	simm.s32 $0x3  }
0x19: {  	s11 =	simm.s32 $0x7D;
	s12 =	simm.s32 $0x2800;
	s13 =	simm.s32 $0x6800  }
0x1a: {  	s14 =	simm.s32 $0x1;
	s15 =	simm.s32 $0x2;
	s16 =	simm.s32 $0x1380  }
0x1b: {  	v0 =	vimm.f32 $0.0e+00;
	s17 =	simm.s32 $0x2700;
	s18 =	simm.s32 $0x2780;
	s19 =	simm.s32 $0x0  }
.LBB2_1:
0x1c: {  	s20 =	simm.s32 $0x0;
	s21 =	rddreg [dreg:$0x3]  }
0x1d: {  	[tilespmem:s20], [sflag:$0x3] =	stream.linear.gather [hbm4b:s21+s20], $0x1400, $0x38;
	[tilespmem:$0x1FC00] =	vst v63  }
0x1e: {  	_ =	swait.ge [sflag:s3], $0x1400  }
0x1f: {  	[sflag:s3] =	ssyncset.done $0x0  }
0x20: {  	s22 =	simm.s32 $0x1400;
	s26 =	rddreg [dreg:$0x4];
	[sflag:s3] =	ssyncadd.s32 $0xFFFFEC00  }
0x21: {  	[tilespmem:s22], [sflag:$0x3] =	stream.linear.gather [hbm4b:s26+s20], $0x1400, $0x38;
	[tilespmem:$0x1FC00] =	vst v63  }
0x22: {  	_ =	swait.ge [sflag:s3], $0x1400  }
0x23: {  	[sflag:s3] =	ssyncset.done $0x0  }
0x24: {  	s21 =	simm.s32 $0x200;
	s20 =	simm.s32 $0x0;
	[sflag:s3] =	ssyncadd.s32 $0xFFFFEC00  }
.LBB2_2:
0x25: {  	p0 =	sne.s32 s21, $0x4E00;
	[tilespmem:s20+$0xA870] =	vst v0  }
0x26: {  	[tilespmem:s20+$0xA800] =	vst v0  }
0x27: {  	[tilespmem:s20+$0xA810] =	vst v0  }
.Ltmp0:
0x28: {  	[tilespmem:s20+$0xA820] =	vst v0;
	(pc) =	sbr.rel @p0 .LBB2_2-.Ltmp0, $4  }
0x29: {  	[tilespmem:s20+$0xA830] =	vst v0  }
0x2a: {  	[tilespmem:s20+$0xA840] =	vst v0  }
0x2b: {  	[tilespmem:s20+$0xA850] =	vst v0  }
0x2c: {  	[tilespmem:s20+$0xA860] =	vst v0;
	s20 =	sshra.s32 s21, $0x2;
	s21 =	sadd.s32 $0x200, s21  }
0x2d: {  	[tilespmem:s20+$0xA870] =	vst v0  }
0x2e: {  	[tilespmem:s20+$0xA800] =	vst v0  }
0x2f: {  	[tilespmem:s20+$0xA810] =	vst v0  }
0x30: {  	[tilespmem:s20+$0xA820] =	vst v0  }
0x31: {  	[tilespmem:s20+$0xA830] =	vst v0  }
0x32: {  	[tilespmem:s20+$0xA840] =	vst v0  }
0x33: {  	[tilespmem:s20+$0xA850] =	vst v0  }
0x34: {  	[tilespmem:s20+$0xA860] =	vst v0  }
0x35: {  	[spmem:s10] =	stream.linear.scatter [tilespmem:s9], [sflag:$0x3], $0x1400, $0x38;
	[tilespmem:$0x1FC00] =	vst v63  }
0x36: {  	_ =	swait.ge [sflag:s3], $0x1400  }
0x37: {  	[sflag:s3] =	ssyncset.done $0x0  }
0x38: {  	s25 =	rddreg [dreg:$0x5];
	[sflag:s3] =	ssyncadd.s32 $0xFFFFEC00  }
0x39: {  	[spmem:s25] =	stream.linear.scatter [tilespmem:s9], [sflag:$0x3], $0x1400, $0x38;
	[tilespmem:$0x1FC00] =	vst v63  }
0x3a: {  	_ =	swait.ge [sflag:s3], $0x1400  }
0x3b: {  	[sflag:s3] =	ssyncset.done $0x0  }
0x3c: {  	s26 =	rddreg [dreg:$0x6];
	[sflag:s3] =	ssyncadd.s32 $0xFFFFEC00  }
0x3d: {  	[spmem:s26] =	stream.linear.scatter [tilespmem:s9], [sflag:$0x3], $0x1400, $0x38;
	[tilespmem:$0x1FC00] =	vst v63  }
0x3e: {  	_ =	swait.ge [sflag:s3], $0x1400  }
0x3f: {  	[sflag:s3] =	ssyncset.done $0x0  }
0x40: {  	s21 =	rddreg [dreg:$0x7];
	[sflag:s3] =	ssyncadd.s32 $0xFFFFEC00  }
0x41: {  	[spmem:s21] =	stream.linear.scatter [tilespmem:s9], [sflag:$0x3], $0x1400, $0x38;
	[tilespmem:$0x1FC00] =	vst v63  }
0x42: {  	_ =	swait.ge [sflag:s3], $0x1400  }
0x43: {  	[sflag:s3] =	ssyncset.done $0x0  }
0x44: {  	s22 =	rddreg [dreg:$0x8];
	[sflag:s3] =	ssyncadd.s32 $0xFFFFEC00  }
0x45: {  	[spmem:s22] =	stream.linear.scatter [tilespmem:s9], [sflag:$0x3], $0x1400, $0x38;
	[tilespmem:$0x1FC00] =	vst v63  }
0x46: {  	_ =	swait.ge [sflag:s3], $0x1400  }
0x47: {  	[sflag:s3] =	ssyncset.done $0x0  }
0x48: {  	s23 =	rddreg [dreg:$0x9];
	[sflag:s3] =	ssyncadd.s32 $0xFFFFEC00  }
0x49: {  	[spmem:s23] =	stream.linear.scatter [tilespmem:s9], [sflag:$0x3], $0x1400, $0x38;
	[tilespmem:$0x1FC00] =	vst v63  }
0x4a: {  	_ =	swait.ge [sflag:s3], $0x1400  }
0x4b: {  	[sflag:s3] =	ssyncset.done $0x0  }
0x4c: {  	s24 =	rddreg [dreg:$0xa];
	[sflag:s3] =	ssyncadd.s32 $0xFFFFEC00  }
0x4d: {  	[spmem:s24] =	stream.linear.scatter [tilespmem:s9], [sflag:$0x3], $0x1400, $0x38;
	[tilespmem:$0x1FC00] =	vst v63  }
0x4e: {  	_ =	swait.ge [sflag:s3], $0x1400  }
0x4f: {  	[sflag:s3] =	ssyncset.done $0x0  }
0x50: {  	s25 =	rddreg [dreg:$0xb];
	[sflag:s3] =	ssyncadd.s32 $0xFFFFEC00  }
0x51: {  	[spmem:s25] =	stream.linear.scatter [tilespmem:s9], [sflag:$0x3], $0x1400, $0x38;
	[tilespmem:$0x1FC00] =	vst v63  }
0x52: {  	_ =	swait.ge [sflag:s3], $0x1400  }
0x53: {  	[sflag:s3] =	ssyncset.done $0x0  }
0x54: {  	s26 =	rddreg [dreg:$0xc];
	[sflag:s3] =	ssyncadd.s32 $0xFFFFEC00  }
0x55: {  	[spmem:s26] =	stream.linear.scatter [tilespmem:s9], [sflag:$0x3], $0x1400, $0x38;
	[tilespmem:$0x1FC00] =	vst v63  }
0x56: {  	_ =	swait.ge [sflag:s3], $0x1400  }
0x57: {  	[sflag:s3] =	ssyncset.done $0x0  }
0x58: {  	s21 =	rddreg [dreg:$0x13];
	[sflag:s3] =	ssyncadd.s32 $0xFFFFEC00  }
0x59: {  	[spmem:s21] =	stream.linear.scatter [tilespmem:s9], [sflag:$0x3], $0x1400, $0x38;
	[tilespmem:$0x1FC00] =	vst v63  }
0x5a: {  	_ =	swait.ge [sflag:s3], $0x1400  }
0x5b: {  	[sflag:s3] =	ssyncset.done $0x0  }
0x5c: {  	[sflag:s3] =	ssyncadd.s32 $0xFFFFEC00  }
0x5d: {  	[spmem:s28] =	stream.linear.scatter [tilespmem:s9], [sflag:$0x3], $0x1400, $0x38;
	[tilespmem:$0x1FC00] =	vst v63  }
0x5e: {  	_ =	swait.ge [sflag:s3], $0x1400  }
0x5f: {  	[sflag:s3] =	ssyncset.done $0x0  }
0x60: {  	[sflag:s3] =	ssyncadd.s32 $0xFFFFEC00  }
0x61: {  	[spmem:s29] =	stream.linear.scatter [tilespmem:s9], [sflag:$0x3], $0x1400, $0x38;
	[tilespmem:$0x1FC00] =	vst v63  }
0x62: {  	_ =	swait.ge [sflag:s3], $0x1400  }
0x63: {  	[sflag:s3] =	ssyncset.done $0x0  }
0x64: {  	[sflag:s3] =	ssyncadd.s32 $0xFFFFEC00  }
0x65: {  	[spmem:s30] =	stream.linear.scatter [tilespmem:s9], [sflag:$0x3], $0x1400, $0x38;
	[tilespmem:$0x1FC00] =	vst v63  }
0x66: {  	_ =	swait.ge [sflag:s3], $0x1400  }
0x67: {  	[sflag:s3] =	ssyncset.done $0x0  }
0x68: {  	[sflag:s3] =	ssyncadd.s32 $0xFFFFEC00  }
0x69: {  	[spmem:s31] =	stream.linear.scatter [tilespmem:s9], [sflag:$0x3], $0x1400, $0x38;
	[tilespmem:$0x1FC00] =	vst v63  }
0x6a: {  	_ =	swait.ge [sflag:s3], $0x1400  }
0x6b: {  	[sflag:s3] =	ssyncset.done $0x0  }
0x6c: {  	[sflag:s3] =	ssyncadd.s32 $0xFFFFEC00  }
0x6d: {  	[spmem:s0] =	stream.linear.scatter [tilespmem:s9], [sflag:$0x3], $0x1400, $0x38;
	[tilespmem:$0x1FC00] =	vst v63  }
0x6e: {  	_ =	swait.ge [sflag:s3], $0x1400  }
0x6f: {  	[sflag:s3] =	ssyncset.done $0x0  }
0x70: {  	[sflag:s3] =	ssyncadd.s32 $0xFFFFEC00  }
0x71: {  	[spmem:s2] =	stream.linear.scatter [tilespmem:s9], [sflag:$0x3], $0x1400, $0x38;
	[tilespmem:$0x1FC00] =	vst v63  }
0x72: {  	_ =	swait.ge [sflag:s3], $0x1400  }
0x73: {  	[sflag:s3] =	ssyncset.done $0x0  }
0x74: {  	[sflag:s3] =	ssyncadd.s32 $0xFFFFEC00  }
0x75: {  	s22 =	simm.s32 $0x0;
	[bflag:$0x0] =	sbarrier.arrive $0xFFFF  }
0x76: {  	[tilespmem:s12], [sflag:$0x1] =	stream.indirect.gather [hbm4b:s8+s11], $0x80, s22, s11, $0xb8;
	[tilespmem:$0x1FC00] =	vst v63  }
0x77: {  	s23 =	simm.s32 $0x80  }
0x78: {  	[tilespmem:s13], [sflag:$0x2] =	stream.indirect.gather [hbm4b:s8+s11], $0x80, s23, s11, $0xb8;
	[tilespmem:$0x1FC00] =	vst v63  }
0x79: {  	_ =	swait.ge [sflag:s14], $0x3E80  }
0x7a: {  	[sflag:s14] =	ssyncset.done $0x0  }
0x7b: {  	s24 =	simm.s32 $0x1400;
	[sflag:s14] =	ssyncadd.s32 $0xFFFFC180  }
0x7c: {  	[spmem:s1] =	stream.indirect.scatter.add.f32 [tilespmem:s12], [sflag:$0x3], $0x80, s24, s11, $0xb8;
	[tilespmem:$0x1FC00] =	vst v63  }
0x7d: {  	_ =	swait.ge [sflag:s3], $0x3E80  }
0x7e: {  	[sflag:s3] =	ssyncset.done $0x0  }
0x7f: {  	s25 =	simm.s32 $0x100;
	[sflag:s3] =	ssyncadd.s32 $0xFFFFC180  }
0x80: {  	[tilespmem:s12], [sflag:$0x1] =	stream.indirect.gather [hbm4b:s8+s11], $0x80, s25, s11, $0xb8;
	[tilespmem:$0x1FC00] =	vst v63  }
0x81: {  	_ =	swait.ge [sflag:s15], $0x3E80  }
0x82: {  	[sflag:s15] =	ssyncset.done $0x0  }
0x83: {  	s26 =	simm.s32 $0x1480;
	[sflag:s15] =	ssyncadd.s32 $0xFFFFC180  }
0x84: {  	[spmem:s1] =	stream.indirect.scatter.add.f32 [tilespmem:s13], [sflag:$0x3], $0x80, s26, s11, $0xb8;
	[tilespmem:$0x1FC00] =	vst v63  }
0x85: {  	_ =	swait.ge [sflag:s3], $0x3E80  }
0x86: {  	s20 =	simm.s32 $0x100;
	s21 =	simm.s32 $0x800;
	[sflag:s3] =	ssyncset.done $0x0  }
.LBB2_4:
0x87: {  	s22 =	sadd.s32 $0x80, s20  }
0x88: {  	[sflag:s3] =	ssyncadd.s32 $0xFFFFC180;
	s23 =	smov.u32 s21;
	s24 =	sadd.s32 $0x400, s21  }
0x89: {  	[tilespmem:s13], [sflag:$0x2] =	stream.indirect.gather [hbm4b:s8+s11], $0x80, s22, s11, $0xb8;
	[tilespmem:$0x1FC00] =	vst v63  }
0x8a: {  	p0 =	sne.s32 s21, $0x4800;
	_ =	swait.ge [sflag:s14], $0x3E80  }
0x8b: {  	[sflag:s14] =	ssyncset.done $0x0  }
0x8c: {  	s21 =	sadd.s32 $0x1400, s20;
	[sflag:s14] =	ssyncadd.s32 $0xFFFFC180  }
0x8d: {  	[spmem:s1] =	stream.indirect.scatter.add.f32 [tilespmem:s12], [sflag:$0x3], $0x80, s21, s11, $0xb8;
	[tilespmem:$0x1FC00] =	vst v63  }
0x8e: {  	_ =	swait.ge [sflag:s3], $0x3E80  }
0x8f: {  	[sflag:s3] =	ssyncset.done $0x0  }
0x90: {  	s21 =	sadd.s32 $0x100, s20;
	[sflag:s3] =	ssyncadd.s32 $0xFFFFC180  }
0x91: {  	[tilespmem:s12], [sflag:$0x1] =	stream.indirect.gather [hbm4b:s8+s11], $0x80, s21, s11, $0xb8;
	[tilespmem:$0x1FC00] =	vst v63  }
0x92: {  	_ =	swait.ge [sflag:s15], $0x3E80  }
.Ltmp1:
0x93: {  	[sflag:s15] =	ssyncset.done $0x0;
	(pc) =	sbr.rel @p0 .LBB2_4-.Ltmp1, $4  }
0x94: {  	s20 =	sadd.s32 $0x1480, s20;
	[sflag:s15] =	ssyncadd.s32 $0xFFFFC180  }
0x95: {  	[spmem:s1] =	stream.indirect.scatter.add.f32 [tilespmem:s13], [sflag:$0x3], $0x80, s20, s11, $0xb8;
	[tilespmem:$0x1FC00] =	vst v63  }
0x96: {  	_ =	swait.ge [sflag:s3], $0x3E80  }
0x97: {  	s21 =	smov.u32 s24;
	s20 =	sshra.s32 s23, $0x2;
	[sflag:s3] =	ssyncset.done $0x0  }
0x98: {  	s21 =	sadd.s32 $0x80, s20;
	[sflag:s3] =	ssyncadd.s32 $0xFFFFC180  }
0x99: {  	[tilespmem:s13], [sflag:$0x2] =	stream.indirect.gather [hbm4b:s8+s11], $0x80, s21, s11, $0xb8;
	[tilespmem:$0x1FC00] =	vst v63  }
0x9a: {  	_ =	swait.ge [sflag:s14], $0x3E80  }
0x9b: {  	[sflag:s14] =	ssyncset.done $0x0  }
0x9c: {  	s24 =	sadd.s32 $0x1400, s20;
	[sflag:s14] =	ssyncadd.s32 $0xFFFFC180  }
0x9d: {  	[spmem:s1] =	stream.indirect.scatter.add.f32 [tilespmem:s12], [sflag:$0x3], $0x80, s24, s11, $0xb8;
	[tilespmem:$0x1FC00] =	vst v63  }
0x9e: {  	_ =	swait.ge [sflag:s3], $0x3E80  }
0x9f: {  	[sflag:s3] =	ssyncset.done $0x0  }
0xa0: {  	s25 =	sadd.s32 $0x100, s20;
	[sflag:s3] =	ssyncadd.s32 $0xFFFFC180  }
0xa1: {  	[tilespmem:s12], [sflag:$0x1] =	stream.indirect.gather [hbm4b:s8+s11], $0x80, s25, s11, $0xb8;
	[tilespmem:$0x1FC00] =	vst v63  }
0xa2: {  	_ =	swait.ge [sflag:s15], $0x3E80  }
0xa3: {  	[sflag:s15] =	ssyncset.done $0x0  }
0xa4: {  	s26 =	sadd.s32 $0x1480, s20;
	[sflag:s15] =	ssyncadd.s32 $0xFFFFC180  }
0xa5: {  	[spmem:s1] =	stream.indirect.scatter.add.f32 [tilespmem:s13], [sflag:$0x3], $0x80, s26, s11, $0xb8;
	[tilespmem:$0x1FC00] =	vst v63  }
0xa6: {  	_ =	swait.ge [sflag:s3], $0x3E80  }
0xa7: {  	[sflag:s3] =	ssyncset.done $0x0  }
0xa8: {  	[sflag:s3] =	ssyncadd.s32 $0xFFFFC180  }
0xa9: {  	[tilespmem:s13], [sflag:$0x2] =	stream.indirect.gather [hbm4b:s8+s11], $0x80, s16, s11, $0xb8;
	[tilespmem:$0x1FC00] =	vst v63  }
0xaa: {  	_ =	swait.ge [sflag:s14], $0x3E80  }
0xab: {  	[sflag:s14] =	ssyncset.done $0x0  }
0xac: {  	[sflag:s14] =	ssyncadd.s32 $0xFFFFC180  }
0xad: {  	[spmem:s1] =	stream.indirect.scatter.add.f32 [tilespmem:s12], [sflag:$0x3], $0x80, s17, s11, $0xb8;
	[tilespmem:$0x1FC00] =	vst v63  }
0xae: {  	_ =	swait.ge [sflag:s3], $0x3E80  }
0xaf: {  	[sflag:s3] =	ssyncset.done $0x0  }
0xb0: {  	[sflag:s3] =	ssyncadd.s32 $0xFFFFC180  }
0xb1: {  	_ =	swait.ge [sflag:s15], $0x3E80  }
0xb2: {  	[sflag:s15] =	ssyncset.done $0x0  }
0xb3: {  	[sflag:s15] =	ssyncadd.s32 $0xFFFFC180  }
0xb4: {  	[spmem:s1] =	stream.indirect.scatter.add.f32 [tilespmem:s13], [sflag:$0x3], $0x80, s18, s11, $0xb8;
	[tilespmem:$0x1FC00] =	vst v63  }
0xb5: {  	_ =	swait.ge [sflag:s3], $0x3E80  }
0xb6: {  	[sflag:s3] =	ssyncset.done $0x0  }
0xb7: {  	s22 =	stileid.u32;
	[sflag:s3] =	ssyncadd.s32 $0xFFFFC180  }
0xb8: {  	s21 =	simm.s32 $0x0;
	s20 =	sshll.u32 s22, $0x6;
	[bflag:$0x0] =	sbarrier.arrive $0xFFFF  }
0xb9: {  	[tilespmem:s12], [sflag:$0x1] =	stream.indirect.gather [hbm4b:s4+s11], $0x80, s21, s11, $0xb8;
	[tilespmem:$0x1FC00] =	vst v63  }
0xba: {  	s20 =	sor.u32 $0x1C03, s20;
	s21 =	sshrl.u32 s10, $0x3;
	s22 =	rddreg [dreg:$0xd]  }
0xbb: {  	[hbm:s22], [sflag:s20] =	dma.local [spmem:s21], $0x2800  }
0xbc: {  	_ =	swait.ge [sflag:s3], $0x2800  }
0xbd: {  	[sflag:s3] =	ssyncset.done $0x0  }
0xbe: {  	[sflag:s3] =	ssyncadd.s32 $0xFFFFD800  }
0xbf: {  	s23 =	simm.s32 $0x80;
	[bflag:$0x0] =	sbarrier.arrive $0xFFFF  }
0xc0: {  	[tilespmem:s13], [sflag:$0x2] =	stream.indirect.gather [hbm4b:s4+s11], $0x80, s23, s11, $0xb8;
	[tilespmem:$0x1FC00] =	vst v63  }
0xc1: {  	_ =	swait.ge [sflag:s14], $0x3E80  }
0xc2: {  	[sflag:s14] =	ssyncset.done $0x0  }
0xc3: {  	s24 =	simm.s32 $0x1400;
	[sflag:s14] =	ssyncadd.s32 $0xFFFFC180  }
0xc4: {  	[spmem:s1] =	stream.indirect.scatter.add.f32 [tilespmem:s12], [sflag:$0x3], $0x80, s24, s11, $0xb8;
	[tilespmem:$0x1FC00] =	vst v63  }
0xc5: {  	_ =	swait.ge [sflag:s3], $0x3E80  }
0xc6: {  	[sflag:s3] =	ssyncset.done $0x0  }
0xc7: {  	s25 =	simm.s32 $0x100;
	[sflag:s3] =	ssyncadd.s32 $0xFFFFC180  }
0xc8: {  	[tilespmem:s12], [sflag:$0x1] =	stream.indirect.gather [hbm4b:s4+s11], $0x80, s25, s11, $0xb8;
	[tilespmem:$0x1FC00] =	vst v63  }
0xc9: {  	_ =	swait.ge [sflag:s15], $0x3E80  }
0xca: {  	[sflag:s15] =	ssyncset.done $0x0  }
0xcb: {  	s26 =	simm.s32 $0x1480;
	[sflag:s15] =	ssyncadd.s32 $0xFFFFC180  }
0xcc: {  	[spmem:s1] =	stream.indirect.scatter.add.f32 [tilespmem:s13], [sflag:$0x3], $0x80, s26, s11, $0xb8;
	[tilespmem:$0x1FC00] =	vst v63  }
0xcd: {  	_ =	swait.ge [sflag:s3], $0x3E80  }
0xce: {  	s22 =	simm.s32 $0x100;
	s23 =	simm.s32 $0x800;
	[sflag:s3] =	ssyncset.done $0x0  }
.LBB2_6:
0xcf: {  	s24 =	sadd.s32 $0x80, s22  }
0xd0: {  	[sflag:s3] =	ssyncadd.s32 $0xFFFFC180;
	s25 =	smov.u32 s23;
	s26 =	sadd.s32 $0x400, s23  }
0xd1: {  	[tilespmem:s13], [sflag:$0x2] =	stream.indirect.gather [hbm4b:s4+s11], $0x80, s24, s11, $0xb8;
	[tilespmem:$0x1FC00] =	vst v63  }
0xd2: {  	p0 =	sne.s32 s23, $0x4800;
	_ =	swait.ge [sflag:s14], $0x3E80  }
0xd3: {  	[sflag:s14] =	ssyncset.done $0x0  }
0xd4: {  	s23 =	sadd.s32 $0x1400, s22;
	[sflag:s14] =	ssyncadd.s32 $0xFFFFC180  }
0xd5: {  	[spmem:s1] =	stream.indirect.scatter.add.f32 [tilespmem:s12], [sflag:$0x3], $0x80, s23, s11, $0xb8;
	[tilespmem:$0x1FC00] =	vst v63  }
0xd6: {  	_ =	swait.ge [sflag:s3], $0x3E80  }
0xd7: {  	[sflag:s3] =	ssyncset.done $0x0  }
0xd8: {  	s23 =	sadd.s32 $0x100, s22;
	[sflag:s3] =	ssyncadd.s32 $0xFFFFC180  }
0xd9: {  	[tilespmem:s12], [sflag:$0x1] =	stream.indirect.gather [hbm4b:s4+s11], $0x80, s23, s11, $0xb8;
	[tilespmem:$0x1FC00] =	vst v63  }
0xda: {  	_ =	swait.ge [sflag:s15], $0x3E80  }
.Ltmp2:
0xdb: {  	[sflag:s15] =	ssyncset.done $0x0;
	(pc) =	sbr.rel @p0 .LBB2_6-.Ltmp2, $4  }
0xdc: {  	s22 =	sadd.s32 $0x1480, s22;
	[sflag:s15] =	ssyncadd.s32 $0xFFFFC180  }
0xdd: {  	[spmem:s1] =	stream.indirect.scatter.add.f32 [tilespmem:s13], [sflag:$0x3], $0x80, s22, s11, $0xb8;
	[tilespmem:$0x1FC00] =	vst v63  }
0xde: {  	_ =	swait.ge [sflag:s3], $0x3E80  }
0xdf: {  	s23 =	smov.u32 s26;
	s22 =	sshra.s32 s25, $0x2;
	[sflag:s3] =	ssyncset.done $0x0  }
0xe0: {  	s23 =	sadd.s32 $0x80, s22;
	[sflag:s3] =	ssyncadd.s32 $0xFFFFC180  }
0xe1: {  	[tilespmem:s13], [sflag:$0x2] =	stream.indirect.gather [hbm4b:s4+s11], $0x80, s23, s11, $0xb8;
	[tilespmem:$0x1FC00] =	vst v63  }
0xe2: {  	_ =	swait.ge [sflag:s14], $0x3E80  }
0xe3: {  	[sflag:s14] =	ssyncset.done $0x0  }
0xe4: {  	s25 =	sadd.s32 $0x1400, s22;
	[sflag:s14] =	ssyncadd.s32 $0xFFFFC180  }
0xe5: {  	[spmem:s1] =	stream.indirect.scatter.add.f32 [tilespmem:s12], [sflag:$0x3], $0x80, s25, s11, $0xb8;
	[tilespmem:$0x1FC00] =	vst v63  }
0xe6: {  	_ =	swait.ge [sflag:s3], $0x3E80  }
0xe7: {  	[sflag:s3] =	ssyncset.done $0x0  }
0xe8: {  	s26 =	sadd.s32 $0x100, s22;
	[sflag:s3] =	ssyncadd.s32 $0xFFFFC180  }
0xe9: {  	[tilespmem:s12], [sflag:$0x1] =	stream.indirect.gather [hbm4b:s4+s11], $0x80, s26, s11, $0xb8;
	[tilespmem:$0x1FC00] =	vst v63  }
0xea: {  	_ =	swait.ge [sflag:s15], $0x3E80  }
0xeb: {  	[sflag:s15] =	ssyncset.done $0x0  }
0xec: {  	s24 =	sadd.s32 $0x1480, s22;
	[sflag:s15] =	ssyncadd.s32 $0xFFFFC180  }
0xed: {  	[spmem:s1] =	stream.indirect.scatter.add.f32 [tilespmem:s13], [sflag:$0x3], $0x80, s24, s11, $0xb8;
	[tilespmem:$0x1FC00] =	vst v63  }
0xee: {  	_ =	swait.ge [sflag:s3], $0x3E80  }
0xef: {  	[sflag:s3] =	ssyncset.done $0x0  }
0xf0: {  	[sflag:s3] =	ssyncadd.s32 $0xFFFFC180  }
0xf1: {  	[tilespmem:s13], [sflag:$0x2] =	stream.indirect.gather [hbm4b:s4+s11], $0x80, s16, s11, $0xb8;
	[tilespmem:$0x1FC00] =	vst v63  }
0xf2: {  	_ =	swait.ge [sflag:s14], $0x3E80  }
0xf3: {  	[sflag:s14] =	ssyncset.done $0x0  }
0xf4: {  	[sflag:s14] =	ssyncadd.s32 $0xFFFFC180  }
0xf5: {  	[spmem:s1] =	stream.indirect.scatter.add.f32 [tilespmem:s12], [sflag:$0x3], $0x80, s17, s11, $0xb8;
	[tilespmem:$0x1FC00] =	vst v63  }
0xf6: {  	_ =	swait.ge [sflag:s3], $0x3E80  }
0xf7: {  	[sflag:s3] =	ssyncset.done $0x0  }
0xf8: {  	[sflag:s3] =	ssyncadd.s32 $0xFFFFC180  }
0xf9: {  	_ =	swait.ge [sflag:s15], $0x3E80  }
0xfa: {  	[sflag:s15] =	ssyncset.done $0x0  }
0xfb: {  	[sflag:s15] =	ssyncadd.s32 $0xFFFFC180  }
0xfc: {  	[spmem:s1] =	stream.indirect.scatter.add.f32 [tilespmem:s13], [sflag:$0x3], $0x80, s18, s11, $0xb8;
	[tilespmem:$0x1FC00] =	vst v63  }
0xfd: {  	_ =	swait.ge [sflag:s3], $0x3E80  }
0xfe: {  	[sflag:s3] =	ssyncset.done $0x0  }
0xff: {  	[sflag:s3] =	ssyncadd.s32 $0xFFFFC180  }
0x100: {  	s25 =	simm.s32 $0x0;
	[bflag:$0x0] =	sbarrier.arrive $0xFFFF  }
0x101: {  	[tilespmem:s12], [sflag:$0x1] =	stream.indirect.gather [hbm4b:s5+s11], $0x80, s25, s11, $0xb8;
	[tilespmem:$0x1FC00] =	vst v63  }
0x102: {  	s26 =	rddreg [dreg:$0xe]  }
0x103: {  	[hbm:s26], [sflag:s20] =	dma.local [spmem:s21], $0x2800  }
0x104: {  	_ =	swait.ge [sflag:s3], $0x2800  }
0x105: {  	[sflag:s3] =	ssyncset.done $0x0  }
0x106: {  	[sflag:s3] =	ssyncadd.s32 $0xFFFFD800  }
0x107: {  	s23 =	simm.s32 $0x80;
	[bflag:$0x0] =	sbarrier.arrive $0xFFFF  }
0x108: {  	[tilespmem:s13], [sflag:$0x2] =	stream.indirect.gather [hbm4b:s5+s11], $0x80, s23, s11, $0xb8;
	[tilespmem:$0x1FC00] =	vst v63  }
0x109: {  	_ =	swait.ge [sflag:s14], $0x3E80  }
0x10a: {  	[sflag:s14] =	ssyncset.done $0x0  }
0x10b: {  	s24 =	simm.s32 $0x1400;
	[sflag:s14] =	ssyncadd.s32 $0xFFFFC180  }
0x10c: {  	[spmem:s1] =	stream.indirect.scatter.add.f32 [tilespmem:s12], [sflag:$0x3], $0x80, s24, s11, $0xb8;
	[tilespmem:$0x1FC00] =	vst v63  }
0x10d: {  	_ =	swait.ge [sflag:s3], $0x3E80  }
0x10e: {  	[sflag:s3] =	ssyncset.done $0x0  }
0x10f: {  	s25 =	simm.s32 $0x100;
	[sflag:s3] =	ssyncadd.s32 $0xFFFFC180  }
0x110: {  	[tilespmem:s12], [sflag:$0x1] =	stream.indirect.gather [hbm4b:s5+s11], $0x80, s25, s11, $0xb8;
	[tilespmem:$0x1FC00] =	vst v63  }
0x111: {  	_ =	swait.ge [sflag:s15], $0x3E80  }
0x112: {  	[sflag:s15] =	ssyncset.done $0x0  }
0x113: {  	s26 =	simm.s32 $0x1480;
	[sflag:s15] =	ssyncadd.s32 $0xFFFFC180  }
0x114: {  	[spmem:s1] =	stream.indirect.scatter.add.f32 [tilespmem:s13], [sflag:$0x3], $0x80, s26, s11, $0xb8;
	[tilespmem:$0x1FC00] =	vst v63  }
0x115: {  	_ =	swait.ge [sflag:s3], $0x3E80  }
0x116: {  	s22 =	simm.s32 $0x100;
	s23 =	simm.s32 $0x800;
	[sflag:s3] =	ssyncset.done $0x0  }
.LBB2_8:
0x117: {  	s24 =	sadd.s32 $0x80, s22  }
0x118: {  	[sflag:s3] =	ssyncadd.s32 $0xFFFFC180;
	s25 =	smov.u32 s23;
	s26 =	sadd.s32 $0x400, s23  }
0x119: {  	[tilespmem:s13], [sflag:$0x2] =	stream.indirect.gather [hbm4b:s5+s11], $0x80, s24, s11, $0xb8;
	[tilespmem:$0x1FC00] =	vst v63  }
0x11a: {  	p0 =	sne.s32 s23, $0x4800;
	_ =	swait.ge [sflag:s14], $0x3E80  }
0x11b: {  	[sflag:s14] =	ssyncset.done $0x0  }
0x11c: {  	s23 =	sadd.s32 $0x1400, s22;
	[sflag:s14] =	ssyncadd.s32 $0xFFFFC180  }
0x11d: {  	[spmem:s1] =	stream.indirect.scatter.add.f32 [tilespmem:s12], [sflag:$0x3], $0x80, s23, s11, $0xb8;
	[tilespmem:$0x1FC00] =	vst v63  }
0x11e: {  	_ =	swait.ge [sflag:s3], $0x3E80  }
0x11f: {  	[sflag:s3] =	ssyncset.done $0x0  }
0x120: {  	s23 =	sadd.s32 $0x100, s22;
	[sflag:s3] =	ssyncadd.s32 $0xFFFFC180  }
0x121: {  	[tilespmem:s12], [sflag:$0x1] =	stream.indirect.gather [hbm4b:s5+s11], $0x80, s23, s11, $0xb8;
	[tilespmem:$0x1FC00] =	vst v63  }
0x122: {  	_ =	swait.ge [sflag:s15], $0x3E80  }
.Ltmp3:
0x123: {  	[sflag:s15] =	ssyncset.done $0x0;
	(pc) =	sbr.rel @p0 .LBB2_8-.Ltmp3, $4  }
0x124: {  	s22 =	sadd.s32 $0x1480, s22;
	[sflag:s15] =	ssyncadd.s32 $0xFFFFC180  }
0x125: {  	[spmem:s1] =	stream.indirect.scatter.add.f32 [tilespmem:s13], [sflag:$0x3], $0x80, s22, s11, $0xb8;
	[tilespmem:$0x1FC00] =	vst v63  }
0x126: {  	_ =	swait.ge [sflag:s3], $0x3E80  }
0x127: {  	s23 =	smov.u32 s26;
	s22 =	sshra.s32 s25, $0x2;
	[sflag:s3] =	ssyncset.done $0x0  }
0x128: {  	s23 =	sadd.s32 $0x80, s22;
	[sflag:s3] =	ssyncadd.s32 $0xFFFFC180  }
0x129: {  	[tilespmem:s13], [sflag:$0x2] =	stream.indirect.gather [hbm4b:s5+s11], $0x80, s23, s11, $0xb8;
	[tilespmem:$0x1FC00] =	vst v63  }
0x12a: {  	_ =	swait.ge [sflag:s14], $0x3E80  }
0x12b: {  	[sflag:s14] =	ssyncset.done $0x0  }
0x12c: {  	s25 =	sadd.s32 $0x1400, s22;
	[sflag:s14] =	ssyncadd.s32 $0xFFFFC180  }
0x12d: {  	[spmem:s1] =	stream.indirect.scatter.add.f32 [tilespmem:s12], [sflag:$0x3], $0x80, s25, s11, $0xb8;
	[tilespmem:$0x1FC00] =	vst v63  }
0x12e: {  	_ =	swait.ge [sflag:s3], $0x3E80  }
0x12f: {  	[sflag:s3] =	ssyncset.done $0x0  }
0x130: {  	s26 =	sadd.s32 $0x100, s22;
	[sflag:s3] =	ssyncadd.s32 $0xFFFFC180  }
0x131: {  	[tilespmem:s12], [sflag:$0x1] =	stream.indirect.gather [hbm4b:s5+s11], $0x80, s26, s11, $0xb8;
	[tilespmem:$0x1FC00] =	vst v63  }
0x132: {  	_ =	swait.ge [sflag:s15], $0x3E80  }
0x133: {  	[sflag:s15] =	ssyncset.done $0x0  }
0x134: {  	s24 =	sadd.s32 $0x1480, s22;
	[sflag:s15] =	ssyncadd.s32 $0xFFFFC180  }
0x135: {  	[spmem:s1] =	stream.indirect.scatter.add.f32 [tilespmem:s13], [sflag:$0x3], $0x80, s24, s11, $0xb8;
	[tilespmem:$0x1FC00] =	vst v63  }
0x136: {  	_ =	swait.ge [sflag:s3], $0x3E80  }
0x137: {  	[sflag:s3] =	ssyncset.done $0x0  }
0x138: {  	[sflag:s3] =	ssyncadd.s32 $0xFFFFC180  }
0x139: {  	[tilespmem:s13], [sflag:$0x2] =	stream.indirect.gather [hbm4b:s5+s11], $0x80, s16, s11, $0xb8;
	[tilespmem:$0x1FC00] =	vst v63  }
0x13a: {  	_ =	swait.ge [sflag:s14], $0x3E80  }
0x13b: {  	[sflag:s14] =	ssyncset.done $0x0  }
0x13c: {  	[sflag:s14] =	ssyncadd.s32 $0xFFFFC180  }
0x13d: {  	[spmem:s1] =	stream.indirect.scatter.add.f32 [tilespmem:s12], [sflag:$0x3], $0x80, s17, s11, $0xb8;
	[tilespmem:$0x1FC00] =	vst v63  }
0x13e: {  	_ =	swait.ge [sflag:s3], $0x3E80  }
0x13f: {  	[sflag:s3] =	ssyncset.done $0x0  }
0x140: {  	[sflag:s3] =	ssyncadd.s32 $0xFFFFC180  }
0x141: {  	_ =	swait.ge [sflag:s15], $0x3E80  }
0x142: {  	[sflag:s15] =	ssyncset.done $0x0  }
0x143: {  	[sflag:s15] =	ssyncadd.s32 $0xFFFFC180  }
0x144: {  	[spmem:s1] =	stream.indirect.scatter.add.f32 [tilespmem:s13], [sflag:$0x3], $0x80, s18, s11, $0xb8;
	[tilespmem:$0x1FC00] =	vst v63  }
0x145: {  	_ =	swait.ge [sflag:s3], $0x3E80  }
0x146: {  	[sflag:s3] =	ssyncset.done $0x0  }
0x147: {  	[sflag:s3] =	ssyncadd.s32 $0xFFFFC180  }
0x148: {  	s25 =	simm.s32 $0x0;
	[bflag:$0x0] =	sbarrier.arrive $0xFFFF  }
0x149: {  	[tilespmem:s12], [sflag:$0x1] =	stream.indirect.gather [hbm4b:s6+s11], $0x80, s25, s11, $0xb8;
	[tilespmem:$0x1FC00] =	vst v63  }
0x14a: {  	s26 =	rddreg [dreg:$0xf]  }
0x14b: {  	[hbm:s26], [sflag:s20] =	dma.local [spmem:s21], $0x2800  }
0x14c: {  	_ =	swait.ge [sflag:s3], $0x2800  }
0x14d: {  	[sflag:s3] =	ssyncset.done $0x0  }
0x14e: {  	[sflag:s3] =	ssyncadd.s32 $0xFFFFD800  }
0x14f: {  	s23 =	simm.s32 $0x80;
	[bflag:$0x0] =	sbarrier.arrive $0xFFFF  }
0x150: {  	[tilespmem:s13], [sflag:$0x2] =	stream.indirect.gather [hbm4b:s6+s11], $0x80, s23, s11, $0xb8;
	[tilespmem:$0x1FC00] =	vst v63  }
0x151: {  	_ =	swait.ge [sflag:s14], $0x3E80  }
0x152: {  	[sflag:s14] =	ssyncset.done $0x0  }
0x153: {  	s24 =	simm.s32 $0x1400;
	[sflag:s14] =	ssyncadd.s32 $0xFFFFC180  }
0x154: {  	[spmem:s1] =	stream.indirect.scatter.add.f32 [tilespmem:s12], [sflag:$0x3], $0x80, s24, s11, $0xb8;
	[tilespmem:$0x1FC00] =	vst v63  }
0x155: {  	_ =	swait.ge [sflag:s3], $0x3E80  }
0x156: {  	[sflag:s3] =	ssyncset.done $0x0  }
0x157: {  	s25 =	simm.s32 $0x100;
	[sflag:s3] =	ssyncadd.s32 $0xFFFFC180  }
0x158: {  	[tilespmem:s12], [sflag:$0x1] =	stream.indirect.gather [hbm4b:s6+s11], $0x80, s25, s11, $0xb8;
	[tilespmem:$0x1FC00] =	vst v63  }
0x159: {  	_ =	swait.ge [sflag:s15], $0x3E80  }
0x15a: {  	[sflag:s15] =	ssyncset.done $0x0  }
0x15b: {  	s26 =	simm.s32 $0x1480;
	[sflag:s15] =	ssyncadd.s32 $0xFFFFC180  }
0x15c: {  	[spmem:s1] =	stream.indirect.scatter.add.f32 [tilespmem:s13], [sflag:$0x3], $0x80, s26, s11, $0xb8;
	[tilespmem:$0x1FC00] =	vst v63  }
0x15d: {  	_ =	swait.ge [sflag:s3], $0x3E80  }
0x15e: {  	s22 =	simm.s32 $0x100;
	s23 =	simm.s32 $0x800;
	[sflag:s3] =	ssyncset.done $0x0  }
.LBB2_10:
0x15f: {  	s24 =	sadd.s32 $0x80, s22  }
0x160: {  	[sflag:s3] =	ssyncadd.s32 $0xFFFFC180;
	s25 =	smov.u32 s23;
	s26 =	sadd.s32 $0x400, s23  }
0x161: {  	[tilespmem:s13], [sflag:$0x2] =	stream.indirect.gather [hbm4b:s6+s11], $0x80, s24, s11, $0xb8;
	[tilespmem:$0x1FC00] =	vst v63  }
0x162: {  	p0 =	sne.s32 s23, $0x4800;
	_ =	swait.ge [sflag:s14], $0x3E80  }
0x163: {  	[sflag:s14] =	ssyncset.done $0x0  }
0x164: {  	s23 =	sadd.s32 $0x1400, s22;
	[sflag:s14] =	ssyncadd.s32 $0xFFFFC180  }
0x165: {  	[spmem:s1] =	stream.indirect.scatter.add.f32 [tilespmem:s12], [sflag:$0x3], $0x80, s23, s11, $0xb8;
	[tilespmem:$0x1FC00] =	vst v63  }
0x166: {  	_ =	swait.ge [sflag:s3], $0x3E80  }
0x167: {  	[sflag:s3] =	ssyncset.done $0x0  }
0x168: {  	s23 =	sadd.s32 $0x100, s22;
	[sflag:s3] =	ssyncadd.s32 $0xFFFFC180  }
0x169: {  	[tilespmem:s12], [sflag:$0x1] =	stream.indirect.gather [hbm4b:s6+s11], $0x80, s23, s11, $0xb8;
	[tilespmem:$0x1FC00] =	vst v63  }
0x16a: {  	_ =	swait.ge [sflag:s15], $0x3E80  }
.Ltmp4:
0x16b: {  	[sflag:s15] =	ssyncset.done $0x0;
	(pc) =	sbr.rel @p0 .LBB2_10-.Ltmp4, $4  }
0x16c: {  	s22 =	sadd.s32 $0x1480, s22;
	[sflag:s15] =	ssyncadd.s32 $0xFFFFC180  }
0x16d: {  	[spmem:s1] =	stream.indirect.scatter.add.f32 [tilespmem:s13], [sflag:$0x3], $0x80, s22, s11, $0xb8;
	[tilespmem:$0x1FC00] =	vst v63  }
0x16e: {  	_ =	swait.ge [sflag:s3], $0x3E80  }
0x16f: {  	s23 =	smov.u32 s26;
	s22 =	sshra.s32 s25, $0x2;
	[sflag:s3] =	ssyncset.done $0x0  }
0x170: {  	s23 =	sadd.s32 $0x80, s22;
	[sflag:s3] =	ssyncadd.s32 $0xFFFFC180  }
0x171: {  	[tilespmem:s13], [sflag:$0x2] =	stream.indirect.gather [hbm4b:s6+s11], $0x80, s23, s11, $0xb8;
	[tilespmem:$0x1FC00] =	vst v63  }
0x172: {  	_ =	swait.ge [sflag:s14], $0x3E80  }
0x173: {  	[sflag:s14] =	ssyncset.done $0x0  }
0x174: {  	s25 =	sadd.s32 $0x1400, s22;
	[sflag:s14] =	ssyncadd.s32 $0xFFFFC180  }
0x175: {  	[spmem:s1] =	stream.indirect.scatter.add.f32 [tilespmem:s12], [sflag:$0x3], $0x80, s25, s11, $0xb8;
	[tilespmem:$0x1FC00] =	vst v63  }
0x176: {  	_ =	swait.ge [sflag:s3], $0x3E80  }
0x177: {  	[sflag:s3] =	ssyncset.done $0x0  }
0x178: {  	s26 =	sadd.s32 $0x100, s22;
	[sflag:s3] =	ssyncadd.s32 $0xFFFFC180  }
0x179: {  	[tilespmem:s12], [sflag:$0x1] =	stream.indirect.gather [hbm4b:s6+s11], $0x80, s26, s11, $0xb8;
	[tilespmem:$0x1FC00] =	vst v63  }
0x17a: {  	_ =	swait.ge [sflag:s15], $0x3E80  }
0x17b: {  	[sflag:s15] =	ssyncset.done $0x0  }
0x17c: {  	s24 =	sadd.s32 $0x1480, s22;
	[sflag:s15] =	ssyncadd.s32 $0xFFFFC180  }
0x17d: {  	[spmem:s1] =	stream.indirect.scatter.add.f32 [tilespmem:s13], [sflag:$0x3], $0x80, s24, s11, $0xb8;
	[tilespmem:$0x1FC00] =	vst v63  }
0x17e: {  	_ =	swait.ge [sflag:s3], $0x3E80  }
0x17f: {  	[sflag:s3] =	ssyncset.done $0x0  }
0x180: {  	[sflag:s3] =	ssyncadd.s32 $0xFFFFC180  }
0x181: {  	[tilespmem:s13], [sflag:$0x2] =	stream.indirect.gather [hbm4b:s6+s11], $0x80, s16, s11, $0xb8;
	[tilespmem:$0x1FC00] =	vst v63  }
0x182: {  	_ =	swait.ge [sflag:s14], $0x3E80  }
0x183: {  	[sflag:s14] =	ssyncset.done $0x0  }
0x184: {  	[sflag:s14] =	ssyncadd.s32 $0xFFFFC180  }
0x185: {  	[spmem:s1] =	stream.indirect.scatter.add.f32 [tilespmem:s12], [sflag:$0x3], $0x80, s17, s11, $0xb8;
	[tilespmem:$0x1FC00] =	vst v63  }
0x186: {  	_ =	swait.ge [sflag:s3], $0x3E80  }
0x187: {  	[sflag:s3] =	ssyncset.done $0x0  }
0x188: {  	[sflag:s3] =	ssyncadd.s32 $0xFFFFC180  }
0x189: {  	_ =	swait.ge [sflag:s15], $0x3E80  }
0x18a: {  	[sflag:s15] =	ssyncset.done $0x0  }
0x18b: {  	[sflag:s15] =	ssyncadd.s32 $0xFFFFC180  }
0x18c: {  	[spmem:s1] =	stream.indirect.scatter.add.f32 [tilespmem:s13], [sflag:$0x3], $0x80, s18, s11, $0xb8;
	[tilespmem:$0x1FC00] =	vst v63  }
0x18d: {  	_ =	swait.ge [sflag:s3], $0x3E80  }
0x18e: {  	[sflag:s3] =	ssyncset.done $0x0  }
0x18f: {  	[sflag:s3] =	ssyncadd.s32 $0xFFFFC180  }
0x190: {  	s25 =	simm.s32 $0x0;
	[bflag:$0x0] =	sbarrier.arrive $0xFFFF  }
0x191: {  	[tilespmem:s12], [sflag:$0x1] =	stream.indirect.gather [hbm4b:s7+s11], $0x80, s25, s11, $0xb8;
	[tilespmem:$0x1FC00] =	vst v63  }
0x192: {  	s26 =	rddreg [dreg:$0x10]  }
0x193: {  	[hbm:s26], [sflag:s20] =	dma.local [spmem:s21], $0x2800  }
0x194: {  	_ =	swait.ge [sflag:s3], $0x2800  }
0x195: {  	[sflag:s3] =	ssyncset.done $0x0  }
0x196: {  	[sflag:s3] =	ssyncadd.s32 $0xFFFFD800  }
0x197: {  	s23 =	simm.s32 $0x80;
	[bflag:$0x0] =	sbarrier.arrive $0xFFFF  }
0x198: {  	[tilespmem:s13], [sflag:$0x2] =	stream.indirect.gather [hbm4b:s7+s11], $0x80, s23, s11, $0xb8;
	[tilespmem:$0x1FC00] =	vst v63  }
0x199: {  	_ =	swait.ge [sflag:s14], $0x3E80  }
0x19a: {  	[sflag:s14] =	ssyncset.done $0x0  }
0x19b: {  	s24 =	simm.s32 $0x1400;
	[sflag:s14] =	ssyncadd.s32 $0xFFFFC180  }
0x19c: {  	[spmem:s1] =	stream.indirect.scatter.add.f32 [tilespmem:s12], [sflag:$0x3], $0x80, s24, s11, $0xb8;
	[tilespmem:$0x1FC00] =	vst v63  }
0x19d: {  	_ =	swait.ge [sflag:s3], $0x3E80  }
0x19e: {  	[sflag:s3] =	ssyncset.done $0x0  }
0x19f: {  	s25 =	simm.s32 $0x100;
	[sflag:s3] =	ssyncadd.s32 $0xFFFFC180  }
0x1a0: {  	[tilespmem:s12], [sflag:$0x1] =	stream.indirect.gather [hbm4b:s7+s11], $0x80, s25, s11, $0xb8;
	[tilespmem:$0x1FC00] =	vst v63  }
0x1a1: {  	_ =	swait.ge [sflag:s15], $0x3E80  }
0x1a2: {  	[sflag:s15] =	ssyncset.done $0x0  }
0x1a3: {  	s26 =	simm.s32 $0x1480;
	[sflag:s15] =	ssyncadd.s32 $0xFFFFC180  }
0x1a4: {  	[spmem:s1] =	stream.indirect.scatter.add.f32 [tilespmem:s13], [sflag:$0x3], $0x80, s26, s11, $0xb8;
	[tilespmem:$0x1FC00] =	vst v63  }
0x1a5: {  	_ =	swait.ge [sflag:s3], $0x3E80  }
0x1a6: {  	s22 =	simm.s32 $0x100;
	s23 =	simm.s32 $0x800;
	[sflag:s3] =	ssyncset.done $0x0  }
.LBB2_12:
0x1a7: {  	s24 =	sadd.s32 $0x80, s22  }
0x1a8: {  	[sflag:s3] =	ssyncadd.s32 $0xFFFFC180;
	s25 =	smov.u32 s23;
	s26 =	sadd.s32 $0x400, s23  }
0x1a9: {  	[tilespmem:s13], [sflag:$0x2] =	stream.indirect.gather [hbm4b:s7+s11], $0x80, s24, s11, $0xb8;
	[tilespmem:$0x1FC00] =	vst v63  }
0x1aa: {  	p0 =	sne.s32 s23, $0x4800;
	_ =	swait.ge [sflag:s14], $0x3E80  }
0x1ab: {  	[sflag:s14] =	ssyncset.done $0x0  }
0x1ac: {  	s23 =	sadd.s32 $0x1400, s22;
	[sflag:s14] =	ssyncadd.s32 $0xFFFFC180  }
0x1ad: {  	[spmem:s1] =	stream.indirect.scatter.add.f32 [tilespmem:s12], [sflag:$0x3], $0x80, s23, s11, $0xb8;
	[tilespmem:$0x1FC00] =	vst v63  }
0x1ae: {  	_ =	swait.ge [sflag:s3], $0x3E80  }
0x1af: {  	[sflag:s3] =	ssyncset.done $0x0  }
0x1b0: {  	s23 =	sadd.s32 $0x100, s22;
	[sflag:s3] =	ssyncadd.s32 $0xFFFFC180  }
0x1b1: {  	[tilespmem:s12], [sflag:$0x1] =	stream.indirect.gather [hbm4b:s7+s11], $0x80, s23, s11, $0xb8;
	[tilespmem:$0x1FC00] =	vst v63  }
0x1b2: {  	_ =	swait.ge [sflag:s15], $0x3E80  }
.Ltmp5:
0x1b3: {  	[sflag:s15] =	ssyncset.done $0x0;
	(pc) =	sbr.rel @p0 .LBB2_12-.Ltmp5, $4  }
0x1b4: {  	s22 =	sadd.s32 $0x1480, s22;
	[sflag:s15] =	ssyncadd.s32 $0xFFFFC180  }
0x1b5: {  	[spmem:s1] =	stream.indirect.scatter.add.f32 [tilespmem:s13], [sflag:$0x3], $0x80, s22, s11, $0xb8;
	[tilespmem:$0x1FC00] =	vst v63  }
0x1b6: {  	_ =	swait.ge [sflag:s3], $0x3E80  }
0x1b7: {  	s23 =	smov.u32 s26;
	s22 =	sshra.s32 s25, $0x2;
	[sflag:s3] =	ssyncset.done $0x0  }
0x1b8: {  	s23 =	sadd.s32 $0x80, s22;
	[sflag:s3] =	ssyncadd.s32 $0xFFFFC180  }
0x1b9: {  	[tilespmem:s13], [sflag:$0x2] =	stream.indirect.gather [hbm4b:s7+s11], $0x80, s23, s11, $0xb8;
	[tilespmem:$0x1FC00] =	vst v63  }
0x1ba: {  	_ =	swait.ge [sflag:s14], $0x3E80  }
0x1bb: {  	[sflag:s14] =	ssyncset.done $0x0  }
0x1bc: {  	s25 =	sadd.s32 $0x1400, s22;
	[sflag:s14] =	ssyncadd.s32 $0xFFFFC180  }
0x1bd: {  	[spmem:s1] =	stream.indirect.scatter.add.f32 [tilespmem:s12], [sflag:$0x3], $0x80, s25, s11, $0xb8;
	[tilespmem:$0x1FC00] =	vst v63  }
0x1be: {  	_ =	swait.ge [sflag:s3], $0x3E80  }
0x1bf: {  	[sflag:s3] =	ssyncset.done $0x0  }
0x1c0: {  	s26 =	sadd.s32 $0x100, s22;
	[sflag:s3] =	ssyncadd.s32 $0xFFFFC180  }
0x1c1: {  	[tilespmem:s12], [sflag:$0x1] =	stream.indirect.gather [hbm4b:s7+s11], $0x80, s26, s11, $0xb8;
	[tilespmem:$0x1FC00] =	vst v63  }
0x1c2: {  	_ =	swait.ge [sflag:s15], $0x3E80  }
0x1c3: {  	[sflag:s15] =	ssyncset.done $0x0  }
0x1c4: {  	s24 =	sadd.s32 $0x1480, s22;
	[sflag:s15] =	ssyncadd.s32 $0xFFFFC180  }
0x1c5: {  	[spmem:s1] =	stream.indirect.scatter.add.f32 [tilespmem:s13], [sflag:$0x3], $0x80, s24, s11, $0xb8;
	[tilespmem:$0x1FC00] =	vst v63  }
0x1c6: {  	_ =	swait.ge [sflag:s3], $0x3E80  }
0x1c7: {  	[sflag:s3] =	ssyncset.done $0x0  }
0x1c8: {  	[sflag:s3] =	ssyncadd.s32 $0xFFFFC180  }
0x1c9: {  	[tilespmem:s13], [sflag:$0x2] =	stream.indirect.gather [hbm4b:s7+s11], $0x80, s16, s11, $0xb8;
	[tilespmem:$0x1FC00] =	vst v63  }
0x1ca: {  	_ =	swait.ge [sflag:s14], $0x3E80  }
0x1cb: {  	[sflag:s14] =	ssyncset.done $0x0  }
0x1cc: {  	[sflag:s14] =	ssyncadd.s32 $0xFFFFC180  }
0x1cd: {  	[spmem:s1] =	stream.indirect.scatter.add.f32 [tilespmem:s12], [sflag:$0x3], $0x80, s17, s11, $0xb8;
	[tilespmem:$0x1FC00] =	vst v63  }
0x1ce: {  	_ =	swait.ge [sflag:s3], $0x3E80  }
0x1cf: {  	[sflag:s3] =	ssyncset.done $0x0  }
0x1d0: {  	[sflag:s3] =	ssyncadd.s32 $0xFFFFC180  }
0x1d1: {  	_ =	swait.ge [sflag:s15], $0x3E80  }
0x1d2: {  	[sflag:s15] =	ssyncset.done $0x0  }
0x1d3: {  	[sflag:s15] =	ssyncadd.s32 $0xFFFFC180  }
0x1d4: {  	[spmem:s1] =	stream.indirect.scatter.add.f32 [tilespmem:s13], [sflag:$0x3], $0x80, s18, s11, $0xb8;
	[tilespmem:$0x1FC00] =	vst v63  }
0x1d5: {  	_ =	swait.ge [sflag:s3], $0x3E80  }
0x1d6: {  	[sflag:s3] =	ssyncset.done $0x0  }
0x1d7: {  	[sflag:s3] =	ssyncadd.s32 $0xFFFFC180  }
0x1d8: {  	[bflag:$0x0] =	sbarrier.arrive $0xFFFF  }
0x1d9: {  	s25 =	rddreg [dreg:$0x11]  }
0x1da: {  	[hbm:s25], [sflag:s20] =	dma.local [spmem:s21], $0x2800  }
0x1db: {  	_ =	swait.ge [sflag:s3], $0x2800  }
0x1dc: {  	s19 =	sadd.s32 $0x1, s19;
	s26 =	rddreg [dreg:$0x12]  }
0x1dd: {  	p0 =	sne.s32 s19, s26  }
.Ltmp6:
0x1de: {  	_ = 	snop;
	(pc) =	sbr.rel @p0 .LBB2_1-.Ltmp6, $3  }
0x1df: {  	[sflag:s3] =	ssyncset.done $0x0  }
0x1e0: {  	[sflag:s3] =	ssyncadd.s32 $0xFFFFD800  }
0x1e1: {  	[bflag:$0x0] =	sbarrier.arrive $0xFFFF;
	_ =	sdelay $0x1  }
0x1e2: {  	_ =	sfence.sel $0x180000  }
0x1e3: {  	[bflag:$0x0] =	sbarrier.arrive $0xFFFF  }
0x1e4: {  	_ =	strace $0x90000047  }
0x1e5: {  	s0 =	stileid.u32;
	[bflag:$0x2] =	sbarrier.arrive $0xFFFF  }
0x1e6: {  	p0 =	sne.s32 s0, $0x0;
	s0 =	rddreg [dreg:$0x2]  }
0x1e7: {  	s0 =	sadd.s32 @!p0 $0x100000, s0  }
0x1e8: {  	[sflag:s0] =	ssyncadd.tile.s32 @!p0 $0x1;
	_ =	shalt  }
.Lfunc_end2:
_tile_overlayer_lowered:
.L_overlay_start_2:
0x1e9: {  	(tag) =	ssettag $0x2  }
0x1ea: {  	s0 =	rddreg [dreg:$0x0];
	s2 =	stileid.u32  }
0x1eb: {  	s1 =	rddreg [dreg:$0x1];
	p0 =	sne.s32 s2, $0x0  }
0x1ec: {  	s3 =	rddreg [dreg:$0x2];
	[bflag:$0x3] =	sbarrier.arrive $0xFFFF;
	s2 =	simm.s32 @!p0 $0x1C03  }
0x1ed: {  	[timem:s3], [sflag:s2] =	dma.local @!p0 [hbm:s0], s1  }
0x1ee: {  	s0 =	simm.s32 @!p0 $0x3  }
0x1ef: {  	_ =	swait.ge @!p0 [sflag:s0], s1  }
0x1f0: {  	s1 =	ssub.s32 @!p0 $0x0, s1;
	[sflag:s0] =	ssyncset.done @!p0 $0x0  }
0x1f1: {  	[sflag:s0] =	ssyncadd.s32 @!p0 s1  }
0x1f2: {  	[bflag:$0x3] =	sbarrier.arrive $0xFFFF  }
0x1f3: {  	_ =	shalt  }

</sc_bundles>
